<compile_context>
chip_gen: v7x
topology: tpu7x:2x2x1
jax: 0.10.2.dev20260603
libtpu: 0.0.44.dev20260713+nightly
codegen_flags: <defaults>
</compile_context>

<pallas_src>
import functools

import jax
import jax.numpy as jnp
from jax import lax
from jax.experimental import pallas as pl
from jax.experimental.pallas import tpu as pltpu
from jax.experimental.pallas import tpu_sc as plsc

_N = 10000
_NP = 10240
_E = 320000
_D = 128
_G = 64
_OUT = 12

_NC = 2
_NS = 16
_NW = _NC * _NS
_CK = 128
_NCHUNK = _E // _CK
_CPW = 80
_CPW_LAST = _NCHUNK - _CPW * (_NW - 1)
_RPS = _NP // _NS
_DW = 16

_B = 2000
_GRID = _N // _B

_HIGH = jax.lax.Precision.HIGHEST


def _mesh():
    return plsc.VectorSubcoreMesh(core_axis_name="c", subcore_axis_name="s")



def _my_nchunks(w):
    return jnp.where(w < _NW - 1, _CPW, _CPW_LAST)


@functools.partial(
    pl.kernel,
    mesh=_mesh(),
    out_type=[jax.ShapeDtypeStruct((_NP, _DW), jnp.float32)] * 2,
    scratch_types=[
        pltpu.VMEM((_CPW, _CK), jnp.int32),
        pltpu.VMEM((_CK, _DW), jnp.float32),
        pltpu.VMEM_SHARED((_NP, _DW), jnp.float32),
    ],
)
def _deg_pass(edge3_hbm, out0_hbm, out1_hbm, didx_all, fill, acc):
    c = lax.axis_index("c")
    s = lax.axis_index("s")
    w = s * _NC + c

    def _fill(val):
        v = jnp.full((16,), val, jnp.float32)

        def body(i, carry):
            fill[i, pl.ds(0, 16)] = v
            return carry

        lax.fori_loop(0, _CK, body, 0)

    _fill(0.0)
    base_row = s * _RPS
    for j in range(_RPS // _CK):
        pltpu.sync_copy(fill, acc.at[pl.ds(base_row + j * _CK, _CK)])
    @pl.when(w < _NW - 1)
    def _():
        pltpu.sync_copy(edge3_hbm.at[1, pl.ds(w * _CPW, _CPW)], didx_all)

    @pl.when(w == _NW - 1)
    def _():
        pltpu.sync_copy(edge3_hbm.at[1, pl.ds((_NW - 1) * _CPW, _CPW_LAST)],
                        didx_all.at[pl.ds(0, _CPW_LAST)])

    nchunks = _my_nchunks(w)
    plsc.subcore_barrier()

    _fill(1.0)

    def body(j, carry):
        @pl.when(j < nchunks)
        def _():
            pltpu.sync_copy(fill, acc.at[didx_all.at[j]], add=True)

        return carry

    lax.fori_loop(0, _CPW, body, 0)
    plsc.subcore_barrier()

    @pl.when(c == 0)
    def _():
        pltpu.sync_copy(acc.at[pl.ds(base_row, _RPS)],
                        out0_hbm.at[pl.ds(base_row, _RPS)])

    @pl.when(c == 1)
    def _():
        pltpu.sync_copy(acc.at[pl.ds(base_row, _RPS)],
                        out1_hbm.at[pl.ds(base_row, _RPS)])


@functools.partial(
    pl.kernel,
    mesh=_mesh(),
    out_type=[jax.ShapeDtypeStruct((_NP, _D), jnp.float32)] * 2,
    scratch_types=[
        pltpu.VMEM((4, _CK), jnp.int32),
        pltpu.VMEM((4, _CK), jnp.int32),
        pltpu.VMEM((_CK, _D), jnp.float32),
        pltpu.VMEM((_CK, _D), jnp.float32),
        pltpu.VMEM_SHARED((_NP, _D), jnp.float32),
        pltpu.SemaphoreType.DMA,
        pltpu.SemaphoreType.DMA,
        pltpu.SemaphoreType.DMA,
        pltpu.SemaphoreType.DMA,
        pltpu.SemaphoreType.DMA,
        pltpu.SemaphoreType.DMA,
        pltpu.SemaphoreType.DMA,
        pltpu.SemaphoreType.DMA,
        pltpu.SemaphoreType.DMA,
        pltpu.SemaphoreType.DMA,
        pltpu.SemaphoreType.DMA,
        pltpu.SemaphoreType.DMA,
    ],
)
def _edge_pass(g_hbm, edge3_hbm, out0_hbm, out1_hbm, didx, sidx,
               rows0, rows1, acc, gsem0, gsem1, ssem0, ssem1, isem0, isem1,
               isem2, isem3, dsem0, dsem1, dsem2, dsem3):
    c = lax.axis_index("c")
    s = lax.axis_index("s")
    w = s * _NC + c
    rows = (rows0, rows1)
    gsem = (gsem0, gsem1)
    ssem = (ssem0, ssem1)
    isem = (isem0, isem1, isem2, isem3)
    dsem = (dsem0, dsem1, dsem2, dsem3)
    start_chunk = w * _CPW
    nchunks = _my_nchunks(w)

    zero = jnp.zeros((16,), jnp.float32)

    def zbody(i, carry):
        for j in range(_D // 16):
            rows0[i, pl.ds(j * 16, 16)] = zero
        return carry

    lax.fori_loop(0, _CK, zbody, 0)

    base_row = s * _RPS
    for j in range(_RPS // _CK):
        pltpu.sync_copy(rows0, acc.at[pl.ds(base_row + j * _CK, _CK)])
    plsc.subcore_barrier()

    def _idx_load(j, slot):
        return pltpu.make_async_copy(
            edge3_hbm.at[0, pl.ds(start_chunk + j, 1)],
            sidx.at[pl.ds(slot, 1)], isem[slot])

    def _didx_load(j, slot):
        return pltpu.make_async_copy(
            edge3_hbm.at[1, pl.ds(start_chunk + j, 1)],
            didx.at[pl.ds(slot, 1)], dsem[slot])

    def _gather(j, b, slot):
        return pltpu.make_async_copy(g_hbm.at[sidx.at[slot]], rows[b],
                                     gsem[b])

    def _scatter(b, slot):
        return pltpu.make_async_copy(rows[b], acc.at[didx.at[slot]], ssem[b])

    for k in range(4):
        @pl.when(jnp.int32(k) < nchunks)
        def _(k=k):
            _idx_load(k, k).start()
            _didx_load(k, k).start()

    for k in range(2):
        @pl.when(jnp.int32(k) < nchunks)
        def _(k=k):
            _idx_load(k, k).wait()
            _gather(k, k, k).start()

    def body(i, carry):
        for k in range(4):
            j = i * 4 + k
            b = k % 2

            @pl.when(j < nchunks)
            def _(j=j, b=b, k=k):
                _gather(j, b, k).wait()
                _didx_load(j, k).wait()
                _scatter(b, k).start(add=True)
                _scatter(b, k).wait()

                @pl.when(j + 4 < nchunks)
                def _():
                    _idx_load(j + 4, k).start()
                    _didx_load(j + 4, k).start()

                @pl.when(j + 2 < nchunks)
                def _():
                    slot2 = (k + 2) % 4
                    _idx_load(j + 2, slot2).wait()
                    _gather(j + 2, b, slot2).start()

        return carry

    lax.fori_loop(0, _CPW // 4, body, 0)
    plsc.subcore_barrier()

    @pl.when(c == 0)
    def _():
        pltpu.sync_copy(acc.at[pl.ds(base_row, _RPS)],
                        out0_hbm.at[pl.ds(base_row, _RPS)])

    @pl.when(c == 1)
    def _():
        pltpu.sync_copy(acc.at[pl.ds(base_row, _RPS)],
                        out1_hbm.at[pl.ds(base_row, _RPS)])



def _layer_norm_block(t, g, b):
    mu = jnp.mean(t, axis=-1, keepdims=True)
    var = jnp.mean((t - mu) ** 2, axis=-1, keepdims=True)
    return (t - mu) / jnp.sqrt(var + 1e-5) * g + b


def _dinv_block(dega, degb):
    deg = dega[:, :1] + degb[:, :1] + 1.0
    return 1.0 / jnp.sqrt(deg)


def _emb_body(x_ref, we_ref, be_ref, ge_ref, bee_ref, wc_ref, h_ref,
              hw_ref):
    t = jnp.dot(x_ref[...], we_ref[...], precision=_HIGH,
                preferred_element_type=jnp.float32) + be_ref[...]
    h = jnp.maximum(_layer_norm_block(t, ge_ref[...], bee_ref[...]), 0.0)
    h_ref[...] = h
    hw_ref[...] = jnp.dot(h, wc_ref[...], precision=_HIGH,
                          preferred_element_type=jnp.float32)


def _scale_body(hw_ref, dega_ref, degb_ref, g_ref):
    dinv = _dinv_block(dega_ref[...], degb_ref[...])
    g_ref[...] = dinv * hw_ref[...]


def _post_body(sa_ref, sb_ref, g_ref, hp_ref, dega_ref, degb_ref, b_ref,
               gn_ref, bn_ref, wc_ref, h_ref, gout_ref):
    dinv = _dinv_block(dega_ref[...], degb_ref[...])
    conv = dinv * (sa_ref[...] + sb_ref[...] + g_ref[...]) + b_ref[...]
    h = jnp.maximum(_layer_norm_block(conv, gn_ref[...], bn_ref[...]), 0.0)
    h = h + hp_ref[...]
    h_ref[...] = h
    gout_ref[...] = dinv * jnp.dot(h, wc_ref[...], precision=_HIGH,
                                   preferred_element_type=jnp.float32)


def _final_body(sa_ref, sb_ref, g_ref, hp_ref, dega_ref, degb_ref, b_ref,
                gn_ref, bn_ref, batch_ref, wr1_ref, br1_ref, wr2_ref, br2_ref,
                out_ref, sums_ref, cnt_ref):
    i = pl.program_id(0)
    dinv = _dinv_block(dega_ref[...], degb_ref[...])
    conv = dinv * (sa_ref[...] + sb_ref[...] + g_ref[...]) + b_ref[...]
    h = jnp.maximum(_layer_norm_block(conv, gn_ref[...], bn_ref[...]), 0.0)
    h = h + hp_ref[...]

    row = batch_ref[0]
    seg = lax.broadcasted_iota(jnp.int32, (_G, _B), 0)
    onehot = (row == seg).astype(jnp.float32)
    psum = jnp.dot(onehot, h, precision=_HIGH,
                   preferred_element_type=jnp.float32)
    pcnt = jnp.dot(onehot, jnp.ones((_B, 8), jnp.float32), precision=_HIGH,
                   preferred_element_type=jnp.float32)

    @pl.when(i == 0)
    def _():
        sums_ref[...] = psum
        cnt_ref[...] = pcnt

    @pl.when(i > 0)
    def _():
        sums_ref[...] += psum
        cnt_ref[...] += pcnt

    @pl.when(i == _GRID - 1)
    def _():
        pooled = sums_ref[...] / jnp.maximum(cnt_ref[:, :1], 1.0)
        r = jnp.maximum(jnp.dot(pooled, wr1_ref[...], precision=_HIGH,
                                preferred_element_type=jnp.float32)
                        + br1_ref[...], 0.0)
        out_ref[...] = jnp.dot(r, wr2_ref[...], precision=_HIGH,
                               preferred_element_type=jnp.float32) + br2_ref[...]


def _row_spec():
    return pl.BlockSpec((_B, _D), lambda i: (i, 0))


def _deg_spec():
    return pl.BlockSpec((_B, _DW), lambda i: (i, 0))


def _full_spec(shape):
    return pl.BlockSpec(shape, lambda i: (0,) * len(shape))


def _emb_call(x, W_emb, b_emb, g_emb, be_emb, Wc0):
    return pl.pallas_call(
        _emb_body,
        grid=(_GRID,),
        in_specs=[
            _row_spec(),
            _full_spec((_D, _D)),
            _full_spec((1, _D)),
            _full_spec((1, _D)),
            _full_spec((1, _D)),
            _full_spec((_D, _D)),
        ],
        out_specs=[_row_spec(), _row_spec()],
        out_shape=[jax.ShapeDtypeStruct((_N, _D), jnp.float32)] * 2,
    )(x, W_emb, b_emb.reshape(1, _D), g_emb.reshape(1, _D),
      be_emb.reshape(1, _D), Wc0)


def _scale_call(hw, dega, degb):
    return pl.pallas_call(
        _scale_body,
        grid=(_GRID,),
        in_specs=[_row_spec(), _deg_spec(), _deg_spec()],
        out_specs=_row_spec(),
        out_shape=jax.ShapeDtypeStruct((_N, _D), jnp.float32),
    )(hw, dega, degb)


def _post_call(Sa, Sb, g, h, dega, degb, b, gn, bn, Wc_next):
    return pl.pallas_call(
        _post_body,
        grid=(_GRID,),
        in_specs=[
            _row_spec(),
            _row_spec(),
            _row_spec(),
            _row_spec(),
            _deg_spec(),
            _deg_spec(),
            _full_spec((1, _D)),
            _full_spec((1, _D)),
            _full_spec((1, _D)),
            _full_spec((_D, _D)),
        ],
        out_specs=[_row_spec(), _row_spec()],
        out_shape=[jax.ShapeDtypeStruct((_N, _D), jnp.float32)] * 2,
    )(Sa, Sb, g, h, dega, degb, b.reshape(1, _D), gn.reshape(1, _D),
      bn.reshape(1, _D), Wc_next)


def _final_call(Sa, Sb, g, h, dega, degb, b, gn, bn, batch3, W_r1, b_r1,
                W_r2, b_r2):
    return pl.pallas_call(
        _final_body,
        grid=(_GRID,),
        in_specs=[
            _row_spec(),
            _row_spec(),
            _row_spec(),
            _row_spec(),
            _deg_spec(),
            _deg_spec(),
            _full_spec((1, _D)),
            _full_spec((1, _D)),
            _full_spec((1, _D)),
            pl.BlockSpec((1, 1, _B), lambda i: (i, 0, 0)),
            _full_spec((_D, _G)),
            _full_spec((1, _G)),
            _full_spec((_G, _OUT)),
            _full_spec((1, _OUT)),
        ],
        out_specs=pl.BlockSpec((_G, _OUT), lambda i: (0, 0)),
        out_shape=jax.ShapeDtypeStruct((_G, _OUT), jnp.float32),
        scratch_shapes=[
            pltpu.VMEM((_G, _D), jnp.float32),
            pltpu.VMEM((_G, 8), jnp.float32),
        ],
    )(Sa, Sb, g, h, dega, degb, b.reshape(1, _D), gn.reshape(1, _D),
      bn.reshape(1, _D), batch3, W_r1, b_r1.reshape(1, _G),
      W_r2, b_r2.reshape(1, _OUT))


def kernel(x, edge_index, batch, W_emb, b_emb, g_emb, be_emb, Wc0, bc0, gn0,
           bn0, Wc1, bc1, gn1, bn1, Wc2, bc2, gn2, bn2, W_r1, b_r1, W_r2,
           b_r2):
    edge3 = edge_index.reshape(2, _NCHUNK, _CK)
    dega, degb = _deg_pass(edge3)

    h0, hw0 = _emb_call(x, W_emb, b_emb, g_emb, be_emb, Wc0)
    g0 = _scale_call(hw0, dega, degb)
    S0a, S0b = _edge_pass(g0, edge3)
    h1, g1 = _post_call(S0a, S0b, g0, h0, dega, degb, bc0, gn0, bn0, Wc1)
    S1a, S1b = _edge_pass(g1, edge3)
    h2, g2 = _post_call(S1a, S1b, g1, h1, dega, degb, bc1, gn1, bn1, Wc2)
    S2a, S2b = _edge_pass(g2, edge3)

    batch3 = batch.reshape(_GRID, 1, _B)
    return _final_call(S2a, S2b, g2, h2, dega, degb, bc2, gn2, bn2, batch3,
                       W_r1, b_r1, W_r2, b_r2)

# --- scband reference (transcript-rebuilt; emitter-appended) ---
"""Pipeline reference for scband-gnnmodel-79568564126007 (READ-ONLY COPY).

The authoritative reference and input builder live on the scoring server;
editing this copy changes nothing except your own understanding.
"""

import jax, jax.numpy as jnp
import numpy as np

N = 10000
E = 320000
D = 128
H = 128
G = 64
OUT = 12

def _layer_norm(x, g, b):
    mu = jnp.mean(x, axis=-1, keepdims=True)
    var = jnp.mean((x - mu) ** 2, axis=-1, keepdims=True)
    return (x - mu) / jnp.sqrt(var + 1e-5) * g + b

def _gcn_conv(h, src, dst, W, b):
    # PyG GCNConv: lin -> symmetric-normalized aggregation with self-loops -> + bias
    h = h @ W
    deg = jax.ops.segment_sum(jnp.ones_like(dst, dtype=h.dtype), dst, num_segments=N)
    dinv = jnp.where(deg > 0, 1.0 / jnp.sqrt(deg), 0.0)
    norm = dinv[src] * dinv[dst]
    msg = h[src] * norm[:, None]
    return jax.ops.segment_sum(msg, dst, num_segments=N) + b

def setup_inputs(seed: int = 0):
    key = jax.random.key(seed)
    ks = jax.random.split(key, 24)
    inp = {}
    inp["x"] = jax.random.normal(ks[0], (N, D), dtype=jnp.float32)
    inp["edge_index"] = jax.random.randint(ks[1], (2, E), 0, N, dtype=jnp.int32)
    inp["batch"] = jnp.sort(jax.random.randint(ks[2], (N,), 0, G, dtype=jnp.int32))
    s = 0.05
    inp["W_emb"] = jax.random.normal(ks[3], (D, H), dtype=jnp.float32) * s
    inp["b_emb"] = jnp.zeros((H,), dtype=jnp.float32)
    inp["g_emb"] = jnp.ones((H,), dtype=jnp.float32)
    inp["be_emb"] = jnp.zeros((H,), dtype=jnp.float32)
    for i in range(3):
        inp["Wc%d" % i] = jax.random.normal(ks[4 + i], (H, H), dtype=jnp.float32) * s
        inp["bc%d" % i] = jnp.zeros((H,), dtype=jnp.float32)
        inp["gn%d" % i] = jnp.ones((H,), dtype=jnp.float32)
        inp["bn%d" % i] = jnp.zeros((H,), dtype=jnp.float32)
    inp["W_r1"] = jax.random.normal(ks[8], (H, H // 2), dtype=jnp.float32) * s
    inp["b_r1"] = jnp.zeros((H // 2,), dtype=jnp.float32)
    inp["W_r2"] = jax.random.normal(ks[9], (H // 2, OUT), dtype=jnp.float32) * s
    inp["b_r2"] = jnp.zeros((OUT,), dtype=jnp.float32)
    return inp

def reference(x, edge_index, batch, W_emb, b_emb, g_emb, be_emb, Wc0, bc0, gn0, bn0, Wc1, bc1, gn1, bn1, Wc2, bc2, gn2, bn2, W_r1, b_r1, W_r2, b_r2):
    # node embedding: Linear -> LayerNorm -> ReLU (dropout_rate=0.0)
    h = jax.nn.relu(_layer_norm(x @ W_emb + b_emb, g_emb, be_emb))
    loop = jnp.arange(N, dtype=edge_index.dtype)
    src = jnp.concatenate([edge_index[0], loop])
    dst = jnp.concatenate([edge_index[1], loop])
    layers = [(Wc0, bc0, gn0, bn0), (Wc1, bc1, gn1, bn1), (Wc2, bc2, gn2, bn2)]
    for W, b, g, bb in layers:
        h_prev = h
        h = _gcn_conv(h, src, dst, W, b)
        h = jax.nn.relu(_layer_norm(h, g, bb))
        h = h + h_prev  # residual (shapes match)
    # global mean pool over batch segments
    sums = jax.ops.segment_sum(h, batch, num_segments=G)
    counts = jax.ops.segment_sum(jnp.ones((N,), dtype=h.dtype), batch, num_segments=G)
    pooled = sums / jnp.maximum(counts, 1.0)[:, None]
    # readout MLP
    return jax.nn.relu(pooled @ W_r1 + b_r1) @ W_r2 + b_r2

if __name__ == "__main__":
    import jax
    _d = setup_inputs()
    print(jax.jit(kernel)(*tuple(_d.values())))

</pallas_src>

<mosaic_0001>
#map = affine_map<(d0, d1) -> (0, 0)>
#map1 = affine_map<(d0, d1) -> (0, 0, 0)>
module attributes {stable_mosaic.version = 14 : i64} {
  func.func @_edge_pass(%arg0: i32, %arg1: i32, %arg2: memref<10000x128xf32, #tpu.memory_space<hbm>>, %arg3: memref<2x2500x128xi32, #tpu.memory_space<hbm>>, %arg4: memref<10240x128xf32, #tpu.memory_space<hbm>>, %arg5: memref<10240x128xf32, #tpu.memory_space<hbm>>, %arg6: memref<4x128xi32, #tpu.memory_space<vmem>>, %arg7: memref<4x128xi32, #tpu.memory_space<vmem>>, %arg8: memref<128x128xf32, #tpu.memory_space<vmem>>, %arg9: memref<128x128xf32, #tpu.memory_space<vmem>>, %arg10: memref<10240x128xf32, #tpu.memory_space<vmem_shared>>, %arg11: memref<!tpu.dma_semaphore, #tpu.memory_space<semaphore_mem>>, %arg12: memref<!tpu.dma_semaphore, #tpu.memory_space<semaphore_mem>>, %arg13: memref<!tpu.dma_semaphore, #tpu.memory_space<semaphore_mem>>, %arg14: memref<!tpu.dma_semaphore, #tpu.memory_space<semaphore_mem>>, %arg15: memref<!tpu.dma_semaphore, #tpu.memory_space<semaphore_mem>>, %arg16: memref<!tpu.dma_semaphore, #tpu.memory_space<semaphore_mem>>, %arg17: memref<!tpu.dma_semaphore, #tpu.memory_space<semaphore_mem>>, %arg18: memref<!tpu.dma_semaphore, #tpu.memory_space<semaphore_mem>>, %arg19: memref<!tpu.dma_semaphore, #tpu.memory_space<semaphore_mem>>, %arg20: memref<!tpu.dma_semaphore, #tpu.memory_space<semaphore_mem>>, %arg21: memref<!tpu.dma_semaphore, #tpu.memory_space<semaphore_mem>>, %arg22: memref<!tpu.dma_semaphore, #tpu.memory_space<semaphore_mem>>) attributes {dimension_semantics = [#tpu.dimension_semantics<core_parallel>, #tpu.dimension_semantics<subcore_parallel>], iteration_bounds = array<i64: 2, 16>, scalar_prefetch = 0 : i64, scratch_operands = 17 : i64, tpu.core_type = #tpu.core_type<sc_vector_subcore>, window_params = [{transform_indices = #map}, {transform_indices = #map1}, {transform_indices = #map}, {transform_indices = #map}]} {
    %mul3A = arith.constant 2 : i32
    %mul3A_0 = arith.muli %arg1, %mul3A : i32
    %add3A = arith.addi %mul3A_0, %arg0 : i32
    %mul3A_1 = arith.constant 80 : i32
    %mul3A_2 = arith.muli %add3A, %mul3A_1 : i32
    %lt3A = arith.constant 31 : i32
    %lt3A_3 = arith.cmpi slt, %add3A, %lt3A : i32
    %jit3A = arith.constant 80 : i32
    %jit3A_4 = arith.constant 20 : i32
    %select_n3A = arith.select %lt3A_3, %jit3A, %jit3A_4 : i32
    %broadcast_in_dim3A = arith.constant 0.000000e+00 : f32
    %broadcast_in_dim3A_5 = vector.broadcast %broadcast_in_dim3A : f32 to vector<16xf32>
    %scan3A = arith.constant 0 : i32
    %scan3A_6 = arith.constant 0 : i32
    %scan3A_7 = arith.constant 128 : i32
    %scan3A_8 = arith.addi %scan3A_6, %scan3A_7 : i32
    %scan3A_9 = arith.constant 1 : i32
    scf.for %scan3A_67 = %scan3A_6 to %scan3A_8 step %scan3A_9  : i32 {
      %swap3A = arith.index_cast %scan3A_67 : i32 to index
      %swap3A_68 = arith.constant 0 : index
      %swap3A_69 = tpu.vector_load %arg8[%swap3A, %swap3A_68] {strides = array<i32>} : memref<128x128xf32, #tpu.memory_space<vmem>>, vector<1x16xf32>,
      %swap3A_70 = vector.shape_cast %swap3A_69 : vector<1x16xf32> to vector<16xf32>
      %swap3A_71 = vector.shape_cast %broadcast_in_dim3A_5 : vector<16xf32> to vector<1x16xf32>
      tpu.vector_store %arg8[%swap3A, %swap3A_68], %swap3A_71 {strides = array<i32>} : memref<128x128xf32, #tpu.memory_space<vmem>>, vector<1x16xf32>,
      %swap3A_72 = arith.index_cast %scan3A_67 : i32 to index
      %swap3A_73 = arith.constant 16 : index
      %swap3A_74 = tpu.vector_load %arg8[%swap3A_72, %swap3A_73] {strides = array<i32>} : memref<128x128xf32, #tpu.memory_space<vmem>>, vector<1x16xf32>,
      %swap3A_75 = vector.shape_cast %swap3A_74 : vector<1x16xf32> to vector<16xf32>
      %swap3A_76 = vector.shape_cast %broadcast_in_dim3A_5 : vector<16xf32> to vector<1x16xf32>
      tpu.vector_store %arg8[%swap3A_72, %swap3A_73], %swap3A_76 {strides = array<i32>} : memref<128x128xf32, #tpu.memory_space<vmem>>, vector<1x16xf32>,
      %swap3A_77 = arith.index_cast %scan3A_67 : i32 to index
      %swap3A_78 = arith.constant 32 : index
      %swap3A_79 = tpu.vector_load %arg8[%swap3A_77, %swap3A_78] {strides = array<i32>} : memref<128x128xf32, #tpu.memory_space<vmem>>, vector<1x16xf32>,
      %swap3A_80 = vector.shape_cast %swap3A_79 : vector<1x16xf32> to vector<16xf32>
      %swap3A_81 = vector.shape_cast %broadcast_in_dim3A_5 : vector<16xf32> to vector<1x16xf32>
      tpu.vector_store %arg8[%swap3A_77, %swap3A_78], %swap3A_81 {strides = array<i32>} : memref<128x128xf32, #tpu.memory_space<vmem>>, vector<1x16xf32>,
      %swap3A_82 = arith.index_cast %scan3A_67 : i32 to index
      %swap3A_83 = arith.constant 48 : index
      %swap3A_84 = tpu.vector_load %arg8[%swap3A_82, %swap3A_83] {strides = array<i32>} : memref<128x128xf32, #tpu.memory_space<vmem>>, vector<1x16xf32>,
      %swap3A_85 = vector.shape_cast %swap3A_84 : vector<1x16xf32> to vector<16xf32>
      %swap3A_86 = vector.shape_cast %broadcast_in_dim3A_5 : vector<16xf32> to vector<1x16xf32>
      tpu.vector_store %arg8[%swap3A_82, %swap3A_83], %swap3A_86 {strides = array<i32>} : memref<128x128xf32, #tpu.memory_space<vmem>>, vector<1x16xf32>,
      %swap3A_87 = arith.index_cast %scan3A_67 : i32 to index
      %swap3A_88 = arith.constant 64 : index
      %swap3A_89 = tpu.vector_load %arg8[%swap3A_87, %swap3A_88] {strides = array<i32>} : memref<128x128xf32, #tpu.memory_space<vmem>>, vector<1x16xf32>,
      %swap3A_90 = vector.shape_cast %swap3A_89 : vector<1x16xf32> to vector<16xf32>
      %swap3A_91 = vector.shape_cast %broadcast_in_dim3A_5 : vector<16xf32> to vector<1x16xf32>
      tpu.vector_store %arg8[%swap3A_87, %swap3A_88], %swap3A_91 {strides = array<i32>} : memref<128x128xf32, #tpu.memory_space<vmem>>, vector<1x16xf32>,
      %swap3A_92 = arith.index_cast %scan3A_67 : i32 to index
      %swap3A_93 = arith.constant 80 : index
      %swap3A_94 = tpu.vector_load %arg8[%swap3A_92, %swap3A_93] {strides = array<i32>} : memref<128x128xf32, #tpu.memory_space<vmem>>, vector<1x16xf32>,
      %swap3A_95 = vector.shape_cast %swap3A_94 : vector<1x16xf32> to vector<16xf32>
      %swap3A_96 = vector.shape_cast %broadcast_in_dim3A_5 : vector<16xf32> to vector<1x16xf32>
      tpu.vector_store %arg8[%swap3A_92, %swap3A_93], %swap3A_96 {strides = array<i32>} : memref<128x128xf32, #tpu.memory_space<vmem>>, vector<1x16xf32>,
      %swap3A_97 = arith.index_cast %scan3A_67 : i32 to index
      %swap3A_98 = arith.constant 96 : index
      %swap3A_99 = tpu.vector_load %arg8[%swap3A_97, %swap3A_98] {strides = array<i32>} : memref<128x128xf32, #tpu.memory_space<vmem>>, vector<1x16xf32>,
      %swap3A_100 = vector.shape_cast %swap3A_99 : vector<1x16xf32> to vector<16xf32>
      %swap3A_101 = vector.shape_cast %broadcast_in_dim3A_5 : vector<16xf32> to vector<1x16xf32>
      tpu.vector_store %arg8[%swap3A_97, %swap3A_98], %swap3A_101 {strides = array<i32>} : memref<128x128xf32, #tpu.memory_space<vmem>>, vector<1x16xf32>,
      %swap3A_102 = arith.index_cast %scan3A_67 : i32 to index
      %swap3A_103 = arith.constant 112 : index
      %swap3A_104 = tpu.vector_load %arg8[%swap3A_102, %swap3A_103] {strides = array<i32>} : memref<128x128xf32, #tpu.memory_space<vmem>>, vector<1x16xf32>,
      %swap3A_105 = vector.shape_cast %swap3A_104 : vector<1x16xf32> to vector<16xf32>
      %swap3A_106 = vector.shape_cast %broadcast_in_dim3A_5 : vector<16xf32> to vector<1x16xf32>
      tpu.vector_store %arg8[%swap3A_102, %swap3A_103], %swap3A_106 {strides = array<i32>} : memref<128x128xf32, #tpu.memory_space<vmem>>, vector<1x16xf32>,
    }
    %scan3A_10 = arith.constant 128 : i32
    %mul3A_11 = arith.constant 640 : i32
    %mul3A_12 = arith.muli %arg1, %mul3A_11 : i32
    %add3A_13 = arith.constant 0 : i32
    %add3A_14 = arith.addi %mul3A_12, %add3A_13 : i32
    "tpu.region"() ({
      %run_scoped3A = tpu.sem_alloc : memref<!tpu.dma_semaphore, #tpu.memory_space<semaphore_mem>>
      %dma_start3A = arith.constant 0 : i32
      %dma_start3A_67 = tpu.memref_slice %arg10[%add3A_14, %dma_start3A] : memref<10240x128xf32, #tpu.memory_space<vmem_shared>> -> memref<128x128xf32, #tpu.memory_space<vmem_shared>>
      %dma_start3A_68 = arith.constant 0 : i32
      %dma_start3A_69 = tpu.memref_slice %arg10[%add3A_14, %dma_start3A_68] : memref<10240x128xf32, #tpu.memory_space<vmem_shared>> -> memref<128x128xf32, #tpu.memory_space<vmem_shared>>
      tpu.enqueue_dma source(%arg8 : memref<128x128xf32, #tpu.memory_space<vmem>>) target(%dma_start3A_69 : memref<128x128xf32, #tpu.memory_space<vmem_shared>>) target_semaphore(%run_scoped3A : memref<!tpu.dma_semaphore, #tpu.memory_space<semaphore_mem>>)
      %dma_wait3A = arith.constant 0 : i32
      %dma_wait3A_70 = tpu.memref_slice %arg10[%add3A_14, %dma_wait3A] : memref<10240x128xf32, #tpu.memory_space<vmem_shared>> -> memref<128x128xf32, #tpu.memory_space<vmem_shared>>
      %dma_wait3A_71 = arith.constant 0 : i32
      %dma_wait3A_72 = tpu.memref_slice %arg10[%add3A_14, %dma_wait3A_71] : memref<10240x128xf32, #tpu.memory_space<vmem_shared>> -> memref<128x128xf32, #tpu.memory_space<vmem_shared>>
      tpu.wait_dma2 semaphore(%run_scoped3A : memref<!tpu.dma_semaphore, #tpu.memory_space<semaphore_mem>>) src(%arg8 : memref<128x128xf32, #tpu.memory_space<vmem>>) dst(%dma_wait3A_72 : memref<128x128xf32, #tpu.memory_space<vmem_shared>>)
      tpu.yield
    }) : () -> ()
    %add3A_15 = arith.constant 128 : i32
    %add3A_16 = arith.addi %mul3A_12, %add3A_15 : i32
    "tpu.region"() ({
      %run_scoped3A = tpu.sem_alloc : memref<!tpu.dma_semaphore, #tpu.memory_space<semaphore_mem>>
      %dma_start3A = arith.constant 0 : i32
      %dma_start3A_67 = tpu.memref_slice %arg10[%add3A_16, %dma_start3A] : memref<10240x128xf32, #tpu.memory_space<vmem_shared>> -> memref<128x128xf32, #tpu.memory_space<vmem_shared>>
      %dma_start3A_68 = arith.constant 0 : i32
      %dma_start3A_69 = tpu.memref_slice %arg10[%add3A_16, %dma_start3A_68] : memref<10240x128xf32, #tpu.memory_space<vmem_shared>> -> memref<128x128xf32, #tpu.memory_space<vmem_shared>>
      tpu.enqueue_dma source(%arg8 : memref<128x128xf32, #tpu.memory_space<vmem>>) target(%dma_start3A_69 : memref<128x128xf32, #tpu.memory_space<vmem_shared>>) target_semaphore(%run_scoped3A : memref<!tpu.dma_semaphore, #tpu.memory_space<semaphore_mem>>)
      %dma_wait3A = arith.constant 0 : i32
      %dma_wait3A_70 = tpu.memref_slice %arg10[%add3A_16, %dma_wait3A] : memref<10240x128xf32, #tpu.memory_space<vmem_shared>> -> memref<128x128xf32, #tpu.memory_space<vmem_shared>>
      %dma_wait3A_71 = arith.constant 0 : i32
      %dma_wait3A_72 = tpu.memref_slice %arg10[%add3A_16, %dma_wait3A_71] : memref<10240x128xf32, #tpu.memory_space<vmem_shared>> -> memref<128x128xf32, #tpu.memory_space<vmem_shared>>
      tpu.wait_dma2 semaphore(%run_scoped3A : memref<!tpu.dma_semaphore, #tpu.memory_space<semaphore_mem>>) src(%arg8 : memref<128x128xf32, #tpu.memory_space<vmem>>) dst(%dma_wait3A_72 : memref<128x128xf32, #tpu.memory_space<vmem_shared>>)
      tpu.yield
    }) : () -> ()
    %add3A_17 = arith.constant 256 : i32
    %add3A_18 = arith.addi %mul3A_12, %add3A_17 : i32
    "tpu.region"() ({
      %run_scoped3A = tpu.sem_alloc : memref<!tpu.dma_semaphore, #tpu.memory_space<semaphore_mem>>
      %dma_start3A = arith.constant 0 : i32
      %dma_start3A_67 = tpu.memref_slice %arg10[%add3A_18, %dma_start3A] : memref<10240x128xf32, #tpu.memory_space<vmem_shared>> -> memref<128x128xf32, #tpu.memory_space<vmem_shared>>
      %dma_start3A_68 = arith.constant 0 : i32
      %dma_start3A_69 = tpu.memref_slice %arg10[%add3A_18, %dma_start3A_68] : memref<10240x128xf32, #tpu.memory_space<vmem_shared>> -> memref<128x128xf32, #tpu.memory_space<vmem_shared>>
      tpu.enqueue_dma source(%arg8 : memref<128x128xf32, #tpu.memory_space<vmem>>) target(%dma_start3A_69 : memref<128x128xf32, #tpu.memory_space<vmem_shared>>) target_semaphore(%run_scoped3A : memref<!tpu.dma_semaphore, #tpu.memory_space<semaphore_mem>>)
      %dma_wait3A = arith.constant 0 : i32
      %dma_wait3A_70 = tpu.memref_slice %arg10[%add3A_18, %dma_wait3A] : memref<10240x128xf32, #tpu.memory_space<vmem_shared>> -> memref<128x128xf32, #tpu.memory_space<vmem_shared>>
      %dma_wait3A_71 = arith.constant 0 : i32
      %dma_wait3A_72 = tpu.memref_slice %arg10[%add3A_18, %dma_wait3A_71] : memref<10240x128xf32, #tpu.memory_space<vmem_shared>> -> memref<128x128xf32, #tpu.memory_space<vmem_shared>>
      tpu.wait_dma2 semaphore(%run_scoped3A : memref<!tpu.dma_semaphore, #tpu.memory_space<semaphore_mem>>) src(%arg8 : memref<128x128xf32, #tpu.memory_space<vmem>>) dst(%dma_wait3A_72 : memref<128x128xf32, #tpu.memory_space<vmem_shared>>)
      tpu.yield
    }) : () -> ()
    %add3A_19 = arith.constant 384 : i32
    %add3A_20 = arith.addi %mul3A_12, %add3A_19 : i32
    "tpu.region"() ({
      %run_scoped3A = tpu.sem_alloc : memref<!tpu.dma_semaphore, #tpu.memory_space<semaphore_mem>>
      %dma_start3A = arith.constant 0 : i32
      %dma_start3A_67 = tpu.memref_slice %arg10[%add3A_20, %dma_start3A] : memref<10240x128xf32, #tpu.memory_space<vmem_shared>> -> memref<128x128xf32, #tpu.memory_space<vmem_shared>>
      %dma_start3A_68 = arith.constant 0 : i32
      %dma_start3A_69 = tpu.memref_slice %arg10[%add3A_20, %dma_start3A_68] : memref<10240x128xf32, #tpu.memory_space<vmem_shared>> -> memref<128x128xf32, #tpu.memory_space<vmem_shared>>
      tpu.enqueue_dma source(%arg8 : memref<128x128xf32, #tpu.memory_space<vmem>>) target(%dma_start3A_69 : memref<128x128xf32, #tpu.memory_space<vmem_shared>>) target_semaphore(%run_scoped3A : memref<!tpu.dma_semaphore, #tpu.memory_space<semaphore_mem>>)
      %dma_wait3A = arith.constant 0 : i32
      %dma_wait3A_70 = tpu.memref_slice %arg10[%add3A_20, %dma_wait3A] : memref<10240x128xf32, #tpu.memory_space<vmem_shared>> -> memref<128x128xf32, #tpu.memory_space<vmem_shared>>
      %dma_wait3A_71 = arith.constant 0 : i32
      %dma_wait3A_72 = tpu.memref_slice %arg10[%add3A_20, %dma_wait3A_71] : memref<10240x128xf32, #tpu.memory_space<vmem_shared>> -> memref<128x128xf32, #tpu.memory_space<vmem_shared>>
      tpu.wait_dma2 semaphore(%run_scoped3A : memref<!tpu.dma_semaphore, #tpu.memory_space<semaphore_mem>>) src(%arg8 : memref<128x128xf32, #tpu.memory_space<vmem>>) dst(%dma_wait3A_72 : memref<128x128xf32, #tpu.memory_space<vmem_shared>>)
      tpu.yield
    }) : () -> ()
    %add3A_21 = arith.constant 512 : i32
    %add3A_22 = arith.addi %mul3A_12, %add3A_21 : i32
    "tpu.region"() ({
      %run_scoped3A = tpu.sem_alloc : memref<!tpu.dma_semaphore, #tpu.memory_space<semaphore_mem>>
      %dma_start3A = arith.constant 0 : i32
      %dma_start3A_67 = tpu.memref_slice %arg10[%add3A_22, %dma_start3A] : memref<10240x128xf32, #tpu.memory_space<vmem_shared>> -> memref<128x128xf32, #tpu.memory_space<vmem_shared>>
      %dma_start3A_68 = arith.constant 0 : i32
      %dma_start3A_69 = tpu.memref_slice %arg10[%add3A_22, %dma_start3A_68] : memref<10240x128xf32, #tpu.memory_space<vmem_shared>> -> memref<128x128xf32, #tpu.memory_space<vmem_shared>>
      tpu.enqueue_dma source(%arg8 : memref<128x128xf32, #tpu.memory_space<vmem>>) target(%dma_start3A_69 : memref<128x128xf32, #tpu.memory_space<vmem_shared>>) target_semaphore(%run_scoped3A : memref<!tpu.dma_semaphore, #tpu.memory_space<semaphore_mem>>)
      %dma_wait3A = arith.constant 0 : i32
      %dma_wait3A_70 = tpu.memref_slice %arg10[%add3A_22, %dma_wait3A] : memref<10240x128xf32, #tpu.memory_space<vmem_shared>> -> memref<128x128xf32, #tpu.memory_space<vmem_shared>>
      %dma_wait3A_71 = arith.constant 0 : i32
      %dma_wait3A_72 = tpu.memref_slice %arg10[%add3A_22, %dma_wait3A_71] : memref<10240x128xf32, #tpu.memory_space<vmem_shared>> -> memref<128x128xf32, #tpu.memory_space<vmem_shared>>
      tpu.wait_dma2 semaphore(%run_scoped3A : memref<!tpu.dma_semaphore, #tpu.memory_space<semaphore_mem>>) src(%arg8 : memref<128x128xf32, #tpu.memory_space<vmem>>) dst(%dma_wait3A_72 : memref<128x128xf32, #tpu.memory_space<vmem_shared>>)
      tpu.yield
    }) : () -> ()
    %barrier3A = arith.constant 0 : index
    tpu.barrier barrier_id(%barrier3A)
    %lt3A_23 = arith.constant 0 : i32
    %lt3A_24 = arith.cmpi slt, %lt3A_23, %select_n3A : i32
    %convert_element_type3A = arith.extui %lt3A_24 : i1 to i32
    %cond3A = arith.constant 0 : i32
    %cond3A_25 = arith.cmpi ne, %convert_element_type3A, %cond3A : i32
    scf.if %cond3A_25 {
      %add3A_67 = arith.constant 0 : i32
      %add3A_68 = arith.addi %mul3A_2, %add3A_67 : i32
      %dma_start3A = arith.constant 0 : i32
      %dma_start3A_69 = arith.constant 0 : i32
      %dma_start3A_70 = arith.constant 0 : i32
      %dma_start3A_71 = tpu.memref_slice %arg7[%dma_start3A_69, %dma_start3A_70] : memref<4x128xi32, #tpu.memory_space<vmem>> -> memref<1x128xi32, #tpu.memory_space<vmem>>
      %dma_start3A_72 = arith.constant 0 : i32
      %dma_start3A_73 = tpu.memref_slice %arg3[%dma_start3A, %add3A_68, %dma_start3A_72] : memref<2x2500x128xi32, #tpu.memory_space<hbm>> -> memref<1x1x128xi32, #tpu.memory_space<hbm>>
      %dma_start3A_74 = tpu.memref_squeeze %dma_start3A_73 : memref<1x1x128xi32, #tpu.memory_space<hbm>> -> memref<1x128xi32, #tpu.memory_space<hbm>>
      %dma_start3A_75 = arith.constant 0 : i32
      %dma_start3A_76 = arith.constant 0 : i32
      %dma_start3A_77 = tpu.memref_slice %arg7[%dma_start3A_75, %dma_start3A_76] : memref<4x128xi32, #tpu.memory_space<vmem>> -> memref<1x128xi32, #tpu.memory_space<vmem>>
      %dma_start3A_78 = arith.constant 0 : i32
      %dma_start3A_79 = tpu.memref_slice %arg3[%dma_start3A, %add3A_68, %dma_start3A_78] : memref<2x2500x128xi32, #tpu.memory_space<hbm>> -> memref<1x1x128xi32, #tpu.memory_space<hbm>>
      %dma_start3A_80 = tpu.memref_squeeze %dma_start3A_79 : memref<1x1x128xi32, #tpu.memory_space<hbm>> -> memref<1x128xi32, #tpu.memory_space<hbm>>
      tpu.enqueue_dma source(%dma_start3A_80 : memref<1x128xi32, #tpu.memory_space<hbm>>) target(%dma_start3A_77 : memref<1x128xi32, #tpu.memory_space<vmem>>) target_semaphore(%arg15 : memref<!tpu.dma_semaphore, #tpu.memory_space<semaphore_mem>>)
      %add3A_81 = arith.constant 0 : i32
      %add3A_82 = arith.addi %mul3A_2, %add3A_81 : i32
      %dma_start3A_83 = arith.constant 1 : i32
      %dma_start3A_84 = arith.constant 0 : i32
      %dma_start3A_85 = arith.constant 0 : i32
      %dma_start3A_86 = tpu.memref_slice %arg6[%dma_start3A_84, %dma_start3A_85] : memref<4x128xi32, #tpu.memory_space<vmem>> -> memref<1x128xi32, #tpu.memory_space<vmem>>
      %dma_start3A_87 = arith.constant 0 : i32
      %dma_start3A_88 = tpu.memref_slice %arg3[%dma_start3A_83, %add3A_82, %dma_start3A_87] : memref<2x2500x128xi32, #tpu.memory_space<hbm>> -> memref<1x1x128xi32, #tpu.memory_space<hbm>>
      %dma_start3A_89 = tpu.memref_squeeze %dma_start3A_88 : memref<1x1x128xi32, #tpu.memory_space<hbm>> -> memref<1x128xi32, #tpu.memory_space<hbm>>
      %dma_start3A_90 = arith.constant 0 : i32
      %dma_start3A_91 = arith.constant 0 : i32
      %dma_start3A_92 = tpu.memref_slice %arg6[%dma_start3A_90, %dma_start3A_91] : memref<4x128xi32, #tpu.memory_space<vmem>> -> memref<1x128xi32, #tpu.memory_space<vmem>>
      %dma_start3A_93 = arith.constant 0 : i32
      %dma_start3A_94 = tpu.memref_slice %arg3[%dma_start3A_83, %add3A_82, %dma_start3A_93] : memref<2x2500x128xi32, #tpu.memory_space<hbm>> -> memref<1x1x128xi32, #tpu.memory_space<hbm>>
      %dma_start3A_95 = tpu.memref_squeeze %dma_start3A_94 : memref<1x1x128xi32, #tpu.memory_space<hbm>> -> memref<1x128xi32, #tpu.memory_space<hbm>>
      tpu.enqueue_dma source(%dma_start3A_95 : memref<1x128xi32, #tpu.memory_space<hbm>>) target(%dma_start3A_92 : memref<1x128xi32, #tpu.memory_space<vmem>>) target_semaphore(%arg19 : memref<!tpu.dma_semaphore, #tpu.memory_space<semaphore_mem>>)
    } else {
    }
    %lt3A_26 = arith.constant 1 : i32
    %lt3A_27 = arith.cmpi slt, %lt3A_26, %select_n3A : i32
    %convert_element_type3A_28 = arith.extui %lt3A_27 : i1 to i32
    %cond3A_29 = arith.constant 0 : i32
    %cond3A_30 = arith.cmpi ne, %convert_element_type3A_28, %cond3A_29 : i32
    scf.if %cond3A_30 {
      %add3A_67 = arith.constant 1 : i32
      %add3A_68 = arith.addi %mul3A_2, %add3A_67 : i32
      %dma_start3A = arith.constant 0 : i32
      %dma_start3A_69 = arith.constant 1 : i32
      %dma_start3A_70 = arith.constant 0 : i32
      %dma_start3A_71 = tpu.memref_slice %arg7[%dma_start3A_69, %dma_start3A_70] : memref<4x128xi32, #tpu.memory_space<vmem>> -> memref<1x128xi32, #tpu.memory_space<vmem>>
      %dma_start3A_72 = arith.constant 0 : i32
      %dma_start3A_73 = tpu.memref_slice %arg3[%dma_start3A, %add3A_68, %dma_start3A_72] : memref<2x2500x128xi32, #tpu.memory_space<hbm>> -> memref<1x1x128xi32, #tpu.memory_space<hbm>>
      %dma_start3A_74 = tpu.memref_squeeze %dma_start3A_73 : memref<1x1x128xi32, #tpu.memory_space<hbm>> -> memref<1x128xi32, #tpu.memory_space<hbm>>
      %dma_start3A_75 = arith.constant 1 : i32
      %dma_start3A_76 = arith.constant 0 : i32
      %dma_start3A_77 = tpu.memref_slice %arg7[%dma_start3A_75, %dma_start3A_76] : memref<4x128xi32, #tpu.memory_space<vmem>> -> memref<1x128xi32, #tpu.memory_space<vmem>>
      %dma_start3A_78 = arith.constant 0 : i32
      %dma_start3A_79 = tpu.memref_slice %arg3[%dma_start3A, %add3A_68, %dma_start3A_78] : memref<2x2500x128xi32, #tpu.memory_space<hbm>> -> memref<1x1x128xi32, #tpu.memory_space<hbm>>
      %dma_start3A_80 = tpu.memref_squeeze %dma_start3A_79 : memref<1x1x128xi32, #tpu.memory_space<hbm>> -> memref<1x128xi32, #tpu.memory_space<hbm>>
      tpu.enqueue_dma source(%dma_start3A_80 : memref<1x128xi32, #tpu.memory_space<hbm>>) target(%dma_start3A_77 : memref<1x128xi32, #tpu.memory_space<vmem>>) target_semaphore(%arg16 : memref<!tpu.dma_semaphore, #tpu.memory_space<semaphore_mem>>)
      %add3A_81 = arith.constant 1 : i32
      %add3A_82 = arith.addi %mul3A_2, %add3A_81 : i32
      %dma_start3A_83 = arith.constant 1 : i32
      %dma_start3A_84 = arith.constant 1 : i32
      %dma_start3A_85 = arith.constant 0 : i32
      %dma_start3A_86 = tpu.memref_slice %arg6[%dma_start3A_84, %dma_start3A_85] : memref<4x128xi32, #tpu.memory_space<vmem>> -> memref<1x128xi32, #tpu.memory_space<vmem>>
      %dma_start3A_87 = arith.constant 0 : i32
      %dma_start3A_88 = tpu.memref_slice %arg3[%dma_start3A_83, %add3A_82, %dma_start3A_87] : memref<2x2500x128xi32, #tpu.memory_space<hbm>> -> memref<1x1x128xi32, #tpu.memory_space<hbm>>
      %dma_start3A_89 = tpu.memref_squeeze %dma_start3A_88 : memref<1x1x128xi32, #tpu.memory_space<hbm>> -> memref<1x128xi32, #tpu.memory_space<hbm>>
      %dma_start3A_90 = arith.constant 1 : i32
      %dma_start3A_91 = arith.constant 0 : i32
      %dma_start3A_92 = tpu.memref_slice %arg6[%dma_start3A_90, %dma_start3A_91] : memref<4x128xi32, #tpu.memory_space<vmem>> -> memref<1x128xi32, #tpu.memory_space<vmem>>
      %dma_start3A_93 = arith.constant 0 : i32
      %dma_start3A_94 = tpu.memref_slice %arg3[%dma_start3A_83, %add3A_82, %dma_start3A_93] : memref<2x2500x128xi32, #tpu.memory_space<hbm>> -> memref<1x1x128xi32, #tpu.memory_space<hbm>>
      %dma_start3A_95 = tpu.memref_squeeze %dma_start3A_94 : memref<1x1x128xi32, #tpu.memory_space<hbm>> -> memref<1x128xi32, #tpu.memory_space<hbm>>
      tpu.enqueue_dma source(%dma_start3A_95 : memref<1x128xi32, #tpu.memory_space<hbm>>) target(%dma_start3A_92 : memref<1x128xi32, #tpu.memory_space<vmem>>) target_semaphore(%arg20 : memref<!tpu.dma_semaphore, #tpu.memory_space<semaphore_mem>>)
    } else {
    }
    %lt3A_31 = arith.constant 2 : i32
    %lt3A_32 = arith.cmpi slt, %lt3A_31, %select_n3A : i32
    %convert_element_type3A_33 = arith.extui %lt3A_32 : i1 to i32
    %cond3A_34 = arith.constant 0 : i32
    %cond3A_35 = arith.cmpi ne, %convert_element_type3A_33, %cond3A_34 : i32
    scf.if %cond3A_35 {
      %add3A_67 = arith.constant 2 : i32
      %add3A_68 = arith.addi %mul3A_2, %add3A_67 : i32
      %dma_start3A = arith.constant 0 : i32
      %dma_start3A_69 = arith.constant 2 : i32
      %dma_start3A_70 = arith.constant 0 : i32
      %dma_start3A_71 = tpu.memref_slice %arg7[%dma_start3A_69, %dma_start3A_70] : memref<4x128xi32, #tpu.memory_space<vmem>> -> memref<1x128xi32, #tpu.memory_space<vmem>>
      %dma_start3A_72 = arith.constant 0 : i32
      %dma_start3A_73 = tpu.memref_slice %arg3[%dma_start3A, %add3A_68, %dma_start3A_72] : memref<2x2500x128xi32, #tpu.memory_space<hbm>> -> memref<1x1x128xi32, #tpu.memory_space<hbm>>
      %dma_start3A_74 = tpu.memref_squeeze %dma_start3A_73 : memref<1x1x128xi32, #tpu.memory_space<hbm>> -> memref<1x128xi32, #tpu.memory_space<hbm>>
      %dma_start3A_75 = arith.constant 2 : i32
      %dma_start3A_76 = arith.constant 0 : i32
      %dma_start3A_77 = tpu.memref_slice %arg7[%dma_start3A_75, %dma_start3A_76] : memref<4x128xi32, #tpu.memory_space<vmem>> -> memref<1x128xi32, #tpu.memory_space<vmem>>
      %dma_start3A_78 = arith.constant 0 : i32
      %dma_start3A_79 = tpu.memref_slice %arg3[%dma_start3A, %add3A_68, %dma_start3A_78] : memref<2x2500x128xi32, #tpu.memory_space<hbm>> -> memref<1x1x128xi32, #tpu.memory_space<hbm>>
      %dma_start3A_80 = tpu.memref_squeeze %dma_start3A_79 : memref<1x1x128xi32, #tpu.memory_space<hbm>> -> memref<1x128xi32, #tpu.memory_space<hbm>>
      tpu.enqueue_dma source(%dma_start3A_80 : memref<1x128xi32, #tpu.memory_space<hbm>>) target(%dma_start3A_77 : memref<1x128xi32, #tpu.memory_space<vmem>>) target_semaphore(%arg17 : memref<!tpu.dma_semaphore, #tpu.memory_space<semaphore_mem>>)
      %add3A_81 = arith.constant 2 : i32
      %add3A_82 = arith.addi %mul3A_2, %add3A_81 : i32
      %dma_start3A_83 = arith.constant 1 : i32
      %dma_start3A_84 = arith.constant 2 : i32
      %dma_start3A_85 = arith.constant 0 : i32
      %dma_start3A_86 = tpu.memref_slice %arg6[%dma_start3A_84, %dma_start3A_85] : memref<4x128xi32, #tpu.memory_space<vmem>> -> memref<1x128xi32, #tpu.memory_space<vmem>>
      %dma_start3A_87 = arith.constant 0 : i32
      %dma_start3A_88 = tpu.memref_slice %arg3[%dma_start3A_83, %add3A_82, %dma_start3A_87] : memref<2x2500x128xi32, #tpu.memory_space<hbm>> -> memref<1x1x128xi32, #tpu.memory_space<hbm>>
      %dma_start3A_89 = tpu.memref_squeeze %dma_start3A_88 : memref<1x1x128xi32, #tpu.memory_space<hbm>> -> memref<1x128xi32, #tpu.memory_space<hbm>>
      %dma_start3A_90 = arith.constant 2 : i32
      %dma_start3A_91 = arith.constant 0 : i32
      %dma_start3A_92 = tpu.memref_slice %arg6[%dma_start3A_90, %dma_start3A_91] : memref<4x128xi32, #tpu.memory_space<vmem>> -> memref<1x128xi32, #tpu.memory_space<vmem>>
      %dma_start3A_93 = arith.constant 0 : i32
      %dma_start3A_94 = tpu.memref_slice %arg3[%dma_start3A_83, %add3A_82, %dma_start3A_93] : memref<2x2500x128xi32, #tpu.memory_space<hbm>> -> memref<1x1x128xi32, #tpu.memory_space<hbm>>
      %dma_start3A_95 = tpu.memref_squeeze %dma_start3A_94 : memref<1x1x128xi32, #tpu.memory_space<hbm>> -> memref<1x128xi32, #tpu.memory_space<hbm>>
      tpu.enqueue_dma source(%dma_start3A_95 : memref<1x128xi32, #tpu.memory_space<hbm>>) target(%dma_start3A_92 : memref<1x128xi32, #tpu.memory_space<vmem>>) target_semaphore(%arg21 : memref<!tpu.dma_semaphore, #tpu.memory_space<semaphore_mem>>)
    } else {
    }
    %lt3A_36 = arith.constant 3 : i32
    %lt3A_37 = arith.cmpi slt, %lt3A_36, %select_n3A : i32
    %convert_element_type3A_38 = arith.extui %lt3A_37 : i1 to i32
    %cond3A_39 = arith.constant 0 : i32
    %cond3A_40 = arith.cmpi ne, %convert_element_type3A_38, %cond3A_39 : i32
    scf.if %cond3A_40 {
      %add3A_67 = arith.constant 3 : i32
      %add3A_68 = arith.addi %mul3A_2, %add3A_67 : i32
      %dma_start3A = arith.constant 0 : i32
      %dma_start3A_69 = arith.constant 3 : i32
      %dma_start3A_70 = arith.constant 0 : i32
      %dma_start3A_71 = tpu.memref_slice %arg7[%dma_start3A_69, %dma_start3A_70] : memref<4x128xi32, #tpu.memory_space<vmem>> -> memref<1x128xi32, #tpu.memory_space<vmem>>
      %dma_start3A_72 = arith.constant 0 : i32
      %dma_start3A_73 = tpu.memref_slice %arg3[%dma_start3A, %add3A_68, %dma_start3A_72] : memref<2x2500x128xi32, #tpu.memory_space<hbm>> -> memref<1x1x128xi32, #tpu.memory_space<hbm>>
      %dma_start3A_74 = tpu.memref_squeeze %dma_start3A_73 : memref<1x1x128xi32, #tpu.memory_space<hbm>> -> memref<1x128xi32, #tpu.memory_space<hbm>>
      %dma_start3A_75 = arith.constant 3 : i32
      %dma_start3A_76 = arith.constant 0 : i32
      %dma_start3A_77 = tpu.memref_slice %arg7[%dma_start3A_75, %dma_start3A_76] : memref<4x128xi32, #tpu.memory_space<vmem>> -> memref<1x128xi32, #tpu.memory_space<vmem>>
      %dma_start3A_78 = arith.constant 0 : i32
      %dma_start3A_79 = tpu.memref_slice %arg3[%dma_start3A, %add3A_68, %dma_start3A_78] : memref<2x2500x128xi32, #tpu.memory_space<hbm>> -> memref<1x1x128xi32, #tpu.memory_space<hbm>>
      %dma_start3A_80 = tpu.memref_squeeze %dma_start3A_79 : memref<1x1x128xi32, #tpu.memory_space<hbm>> -> memref<1x128xi32, #tpu.memory_space<hbm>>
      tpu.enqueue_dma source(%dma_start3A_80 : memref<1x128xi32, #tpu.memory_space<hbm>>) target(%dma_start3A_77 : memref<1x128xi32, #tpu.memory_space<vmem>>) target_semaphore(%arg18 : memref<!tpu.dma_semaphore, #tpu.memory_space<semaphore_mem>>)
      %add3A_81 = arith.constant 3 : i32
      %add3A_82 = arith.addi %mul3A_2, %add3A_81 : i32
      %dma_start3A_83 = arith.constant 1 : i32
      %dma_start3A_84 = arith.constant 3 : i32
      %dma_start3A_85 = arith.constant 0 : i32
      %dma_start3A_86 = tpu.memref_slice %arg6[%dma_start3A_84, %dma_start3A_85] : memref<4x128xi32, #tpu.memory_space<vmem>> -> memref<1x128xi32, #tpu.memory_space<vmem>>
      %dma_start3A_87 = arith.constant 0 : i32
      %dma_start3A_88 = tpu.memref_slice %arg3[%dma_start3A_83, %add3A_82, %dma_start3A_87] : memref<2x2500x128xi32, #tpu.memory_space<hbm>> -> memref<1x1x128xi32, #tpu.memory_space<hbm>>
      %dma_start3A_89 = tpu.memref_squeeze %dma_start3A_88 : memref<1x1x128xi32, #tpu.memory_space<hbm>> -> memref<1x128xi32, #tpu.memory_space<hbm>>
      %dma_start3A_90 = arith.constant 3 : i32
      %dma_start3A_91 = arith.constant 0 : i32
      %dma_start3A_92 = tpu.memref_slice %arg6[%dma_start3A_90, %dma_start3A_91] : memref<4x128xi32, #tpu.memory_space<vmem>> -> memref<1x128xi32, #tpu.memory_space<vmem>>
      %dma_start3A_93 = arith.constant 0 : i32
      %dma_start3A_94 = tpu.memref_slice %arg3[%dma_start3A_83, %add3A_82, %dma_start3A_93] : memref<2x2500x128xi32, #tpu.memory_space<hbm>> -> memref<1x1x128xi32, #tpu.memory_space<hbm>>
      %dma_start3A_95 = tpu.memref_squeeze %dma_start3A_94 : memref<1x1x128xi32, #tpu.memory_space<hbm>> -> memref<1x128xi32, #tpu.memory_space<hbm>>
      tpu.enqueue_dma source(%dma_start3A_95 : memref<1x128xi32, #tpu.memory_space<hbm>>) target(%dma_start3A_92 : memref<1x128xi32, #tpu.memory_space<vmem>>) target_semaphore(%arg22 : memref<!tpu.dma_semaphore, #tpu.memory_space<semaphore_mem>>)
    } else {
    }
    %lt3A_41 = arith.constant 0 : i32
    %lt3A_42 = arith.cmpi slt, %lt3A_41, %select_n3A : i32
    %convert_element_type3A_43 = arith.extui %lt3A_42 : i1 to i32
    %cond3A_44 = arith.constant 0 : i32
    %cond3A_45 = arith.cmpi ne, %convert_element_type3A_43, %cond3A_44 : i32
    scf.if %cond3A_45 {
      %add3A_67 = arith.constant 0 : i32
      %add3A_68 = arith.addi %mul3A_2, %add3A_67 : i32
      %dma_wait3A = arith.constant 0 : i32
      %dma_wait3A_69 = arith.constant 0 : i32
      %dma_wait3A_70 = arith.constant 0 : i32
      %dma_wait3A_71 = tpu.memref_slice %arg7[%dma_wait3A_69, %dma_wait3A_70] : memref<4x128xi32, #tpu.memory_space<vmem>> -> memref<1x128xi32, #tpu.memory_space<vmem>>
      %dma_wait3A_72 = arith.constant 0 : i32
      %dma_wait3A_73 = tpu.memref_slice %arg3[%dma_wait3A, %add3A_68, %dma_wait3A_72] : memref<2x2500x128xi32, #tpu.memory_space<hbm>> -> memref<1x1x128xi32, #tpu.memory_space<hbm>>
      %dma_wait3A_74 = tpu.memref_squeeze %dma_wait3A_73 : memref<1x1x128xi32, #tpu.memory_space<hbm>> -> memref<1x128xi32, #tpu.memory_space<hbm>>
      %dma_wait3A_75 = arith.constant 0 : i32
      %dma_wait3A_76 = arith.constant 0 : i32
      %dma_wait3A_77 = tpu.memref_slice %arg7[%dma_wait3A_75, %dma_wait3A_76] : memref<4x128xi32, #tpu.memory_space<vmem>> -> memref<1x128xi32, #tpu.memory_space<vmem>>
      %dma_wait3A_78 = arith.constant 0 : i32
      %dma_wait3A_79 = tpu.memref_slice %arg3[%dma_wait3A, %add3A_68, %dma_wait3A_78] : memref<2x2500x128xi32, #tpu.memory_space<hbm>> -> memref<1x1x128xi32, #tpu.memory_space<hbm>>
      %dma_wait3A_80 = tpu.memref_squeeze %dma_wait3A_79 : memref<1x1x128xi32, #tpu.memory_space<hbm>> -> memref<1x128xi32, #tpu.memory_space<hbm>>
      tpu.wait_dma2 semaphore(%arg15 : memref<!tpu.dma_semaphore, #tpu.memory_space<semaphore_mem>>) src(%dma_wait3A_80 : memref<1x128xi32, #tpu.memory_space<hbm>>) dst(%dma_wait3A_77 : memref<1x128xi32, #tpu.memory_space<vmem>>)
      %dma_start3A = arith.constant 0 : i32
      %dma_start3A_81 = arith.constant 0 : i32
      %dma_start3A_82 = tpu.memref_slice %arg7[%dma_start3A, %dma_start3A_81] : memref<4x128xi32, #tpu.memory_space<vmem>> -> memref<1x128xi32, #tpu.memory_space<vmem>>
      %dma_start3A_83 = tpu.memref_squeeze %dma_start3A_82 : memref<1x128xi32, #tpu.memory_space<vmem>> -> memref<128xi32, #tpu.memory_space<vmem>>
      %dma_start3A_84 = arith.constant 0 : i32
      %dma_start3A_85 = arith.constant 0 : i32
      %dma_start3A_86 = tpu.memref_slice %arg2[%dma_start3A_84, %dma_start3A_85] : memref<10000x128xf32, #tpu.memory_space<hbm>> -> memref<10000x128xf32, #tpu.memory_space<hbm>>
      tpu.enqueue_indirect_dma source(%dma_start3A_86 : memref<10000x128xf32, #tpu.memory_space<hbm>>) target(%arg8 : memref<128x128xf32, #tpu.memory_space<vmem>>) offsets(%dma_start3A_83 : memref<128xi32, #tpu.memory_space<vmem>>) semaphore(%arg11 : memref<!tpu.dma_semaphore, #tpu.memory_space<semaphore_mem>>)
    } else {
    }
    %lt3A_46 = arith.constant 1 : i32
    %lt3A_47 = arith.cmpi slt, %lt3A_46, %select_n3A : i32
    %convert_element_type3A_48 = arith.extui %lt3A_47 : i1 to i32
    %cond3A_49 = arith.constant 0 : i32
    %cond3A_50 = arith.cmpi ne, %convert_element_type3A_48, %cond3A_49 : i32
    scf.if %cond3A_50 {
      %add3A_67 = arith.constant 1 : i32
      %add3A_68 = arith.addi %mul3A_2, %add3A_67 : i32
      %dma_wait3A = arith.constant 0 : i32
      %dma_wait3A_69 = arith.constant 1 : i32
      %dma_wait3A_70 = arith.constant 0 : i32
      %dma_wait3A_71 = tpu.memref_slice %arg7[%dma_wait3A_69, %dma_wait3A_70] : memref<4x128xi32, #tpu.memory_space<vmem>> -> memref<1x128xi32, #tpu.memory_space<vmem>>
      %dma_wait3A_72 = arith.constant 0 : i32
      %dma_wait3A_73 = tpu.memref_slice %arg3[%dma_wait3A, %add3A_68, %dma_wait3A_72] : memref<2x2500x128xi32, #tpu.memory_space<hbm>> -> memref<1x1x128xi32, #tpu.memory_space<hbm>>
      %dma_wait3A_74 = tpu.memref_squeeze %dma_wait3A_73 : memref<1x1x128xi32, #tpu.memory_space<hbm>> -> memref<1x128xi32, #tpu.memory_space<hbm>>
      %dma_wait3A_75 = arith.constant 1 : i32
      %dma_wait3A_76 = arith.constant 0 : i32
      %dma_wait3A_77 = tpu.memref_slice %arg7[%dma_wait3A_75, %dma_wait3A_76] : memref<4x128xi32, #tpu.memory_space<vmem>> -> memref<1x128xi32, #tpu.memory_space<vmem>>
      %dma_wait3A_78 = arith.constant 0 : i32
      %dma_wait3A_79 = tpu.memref_slice %arg3[%dma_wait3A, %add3A_68, %dma_wait3A_78] : memref<2x2500x128xi32, #tpu.memory_space<hbm>> -> memref<1x1x128xi32, #tpu.memory_space<hbm>>
      %dma_wait3A_80 = tpu.memref_squeeze %dma_wait3A_79 : memref<1x1x128xi32, #tpu.memory_space<hbm>> -> memref<1x128xi32, #tpu.memory_space<hbm>>
      tpu.wait_dma2 semaphore(%arg16 : memref<!tpu.dma_semaphore, #tpu.memory_space<semaphore_mem>>) src(%dma_wait3A_80 : memref<1x128xi32, #tpu.memory_space<hbm>>) dst(%dma_wait3A_77 : memref<1x128xi32, #tpu.memory_space<vmem>>)
      %dma_start3A = arith.constant 1 : i32
      %dma_start3A_81 = arith.constant 0 : i32
      %dma_start3A_82 = tpu.memref_slice %arg7[%dma_start3A, %dma_start3A_81] : memref<4x128xi32, #tpu.memory_space<vmem>> -> memref<1x128xi32, #tpu.memory_space<vmem>>
      %dma_start3A_83 = tpu.memref_squeeze %dma_start3A_82 : memref<1x128xi32, #tpu.memory_space<vmem>> -> memref<128xi32, #tpu.memory_space<vmem>>
      %dma_start3A_84 = arith.constant 0 : i32
      %dma_start3A_85 = arith.constant 0 : i32
      %dma_start3A_86 = tpu.memref_slice %arg2[%dma_start3A_84, %dma_start3A_85] : memref<10000x128xf32, #tpu.memory_space<hbm>> -> memref<10000x128xf32, #tpu.memory_space<hbm>>
      tpu.enqueue_indirect_dma source(%dma_start3A_86 : memref<10000x128xf32, #tpu.memory_space<hbm>>) target(%arg9 : memref<128x128xf32, #tpu.memory_space<vmem>>) offsets(%dma_start3A_83 : memref<128xi32, #tpu.memory_space<vmem>>) semaphore(%arg12 : memref<!tpu.dma_semaphore, #tpu.memory_space<semaphore_mem>>)
    } else {
    }
    %scan3A_51 = arith.constant 0 : i32
    %scan3A_52 = arith.constant 0 : i32
    %scan3A_53 = arith.constant 20 : i32
    %scan3A_54 = arith.addi %scan3A_52, %scan3A_53 : i32
    %scan3A_55 = arith.constant 1 : i32
    scf.for %scan3A_67 = %scan3A_52 to %scan3A_54 step %scan3A_55  : i32 {
      %mul3A_68 = arith.constant 4 : i32
      %mul3A_69 = arith.muli %scan3A_67, %mul3A_68 : i32
      %add3A_70 = arith.constant 0 : i32
      %add3A_71 = arith.addi %mul3A_69, %add3A_70 : i32
      %lt3A_72 = arith.cmpi slt, %add3A_71, %select_n3A : i32
      %convert_element_type3A_73 = arith.extui %lt3A_72 : i1 to i32
      %cond3A_74 = arith.constant 0 : i32
      %cond3A_75 = arith.cmpi ne, %convert_element_type3A_73, %cond3A_74 : i32
      scf.if %cond3A_75 {
        %dma_wait3A = arith.constant 0 : i32
        %dma_wait3A_100 = arith.constant 0 : i32
        %dma_wait3A_101 = tpu.memref_slice %arg7[%dma_wait3A, %dma_wait3A_100] : memref<4x128xi32, #tpu.memory_space<vmem>> -> memref<1x128xi32, #tpu.memory_space<vmem>>
        %dma_wait3A_102 = tpu.memref_squeeze %dma_wait3A_101 : memref<1x128xi32, #tpu.memory_space<vmem>> -> memref<128xi32, #tpu.memory_space<vmem>>
        %dma_wait3A_103 = arith.constant 0 : i32
        %dma_wait3A_104 = arith.constant 0 : i32
        %dma_wait3A_105 = tpu.memref_slice %arg2[%dma_wait3A_103, %dma_wait3A_104] : memref<10000x128xf32, #tpu.memory_space<hbm>> -> memref<10000x128xf32, #tpu.memory_space<hbm>>
        tpu.wait_indirect_dma semaphore(%arg11 : memref<!tpu.dma_semaphore, #tpu.memory_space<semaphore_mem>>) src(%dma_wait3A_105 : memref<10000x128xf32, #tpu.memory_space<hbm>>) dst(%arg8 : memref<128x128xf32, #tpu.memory_space<vmem>>)
        %add3A_106 = arith.addi %mul3A_2, %add3A_71 : i32
        %dma_wait3A_107 = arith.constant 1 : i32
        %dma_wait3A_108 = arith.constant 0 : i32
        %dma_wait3A_109 = arith.constant 0 : i32
        %dma_wait3A_110 = tpu.memref_slice %arg6[%dma_wait3A_108, %dma_wait3A_109] : memref<4x128xi32, #tpu.memory_space<vmem>> -> memref<1x128xi32, #tpu.memory_space<vmem>>
        %dma_wait3A_111 = arith.constant 0 : i32
        %dma_wait3A_112 = tpu.memref_slice %arg3[%dma_wait3A_107, %add3A_106, %dma_wait3A_111] : memref<2x2500x128xi32, #tpu.memory_space<hbm>> -> memref<1x1x128xi32, #tpu.memory_space<hbm>>
        %dma_wait3A_113 = tpu.memref_squeeze %dma_wait3A_112 : memref<1x1x128xi32, #tpu.memory_space<hbm>> -> memref<1x128xi32, #tpu.memory_space<hbm>>
        %dma_wait3A_114 = arith.constant 0 : i32
        %dma_wait3A_115 = arith.constant 0 : i32
        %dma_wait3A_116 = tpu.memref_slice %arg6[%dma_wait3A_114, %dma_wait3A_115] : memref<4x128xi32, #tpu.memory_space<vmem>> -> memref<1x128xi32, #tpu.memory_space<vmem>>
        %dma_wait3A_117 = arith.constant 0 : i32
        %dma_wait3A_118 = tpu.memref_slice %arg3[%dma_wait3A_107, %add3A_106, %dma_wait3A_117] : memref<2x2500x128xi32, #tpu.memory_space<hbm>> -> memref<1x1x128xi32, #tpu.memory_space<hbm>>
        %dma_wait3A_119 = tpu.memref_squeeze %dma_wait3A_118 : memref<1x1x128xi32, #tpu.memory_space<hbm>> -> memref<1x128xi32, #tpu.memory_space<hbm>>
        tpu.wait_dma2 semaphore(%arg19 : memref<!tpu.dma_semaphore, #tpu.memory_space<semaphore_mem>>) src(%dma_wait3A_119 : memref<1x128xi32, #tpu.memory_space<hbm>>) dst(%dma_wait3A_116 : memref<1x128xi32, #tpu.memory_space<vmem>>)
        %dma_start3A = arith.constant 0 : i32
        %dma_start3A_120 = arith.constant 0 : i32
        %dma_start3A_121 = tpu.memref_slice %arg6[%dma_start3A, %dma_start3A_120] : memref<4x128xi32, #tpu.memory_space<vmem>> -> memref<1x128xi32, #tpu.memory_space<vmem>>
        %dma_start3A_122 = tpu.memref_squeeze %dma_start3A_121 : memref<1x128xi32, #tpu.memory_space<vmem>> -> memref<128xi32, #tpu.memory_space<vmem>>
        %dma_start3A_123 = arith.constant 0 : i32
        %dma_start3A_124 = arith.constant 0 : i32
        %dma_start3A_125 = tpu.memref_slice %arg10[%dma_start3A_123, %dma_start3A_124] : memref<10240x128xf32, #tpu.memory_space<vmem_shared>> -> memref<10240x128xf32, #tpu.memory_space<vmem_shared>>
        tpu.enqueue_indirect_dma source(%arg8 : memref<128x128xf32, #tpu.memory_space<vmem>>) target(%dma_start3A_125 : memref<10240x128xf32, #tpu.memory_space<vmem_shared>>) offsets(%dma_start3A_122 : memref<128xi32, #tpu.memory_space<vmem>>) semaphore(%arg13 : memref<!tpu.dma_semaphore, #tpu.memory_space<semaphore_mem>>) {add = true}
        %dma_wait3A_126 = arith.constant 0 : i32
        %dma_wait3A_127 = arith.constant 0 : i32
        %dma_wait3A_128 = tpu.memref_slice %arg6[%dma_wait3A_126, %dma_wait3A_127] : memref<4x128xi32, #tpu.memory_space<vmem>> -> memref<1x128xi32, #tpu.memory_space<vmem>>
        %dma_wait3A_129 = tpu.memref_squeeze %dma_wait3A_128 : memref<1x128xi32, #tpu.memory_space<vmem>> -> memref<128xi32, #tpu.memory_space<vmem>>
        %dma_wait3A_130 = arith.constant 0 : i32
        %dma_wait3A_131 = arith.constant 0 : i32
        %dma_wait3A_132 = tpu.memref_slice %arg10[%dma_wait3A_130, %dma_wait3A_131] : memref<10240x128xf32, #tpu.memory_space<vmem_shared>> -> memref<10240x128xf32, #tpu.memory_space<vmem_shared>>
        tpu.wait_indirect_dma semaphore(%arg13 : memref<!tpu.dma_semaphore, #tpu.memory_space<semaphore_mem>>) src(%arg8 : memref<128x128xf32, #tpu.memory_space<vmem>>) dst(%dma_wait3A_132 : memref<10240x128xf32, #tpu.memory_space<vmem_shared>>)
        %add3A_133 = arith.constant 4 : i32
        %add3A_134 = arith.addi %add3A_71, %add3A_133 : i32
        %lt3A_135 = arith.cmpi slt, %add3A_134, %select_n3A : i32
        %convert_element_type3A_136 = arith.extui %lt3A_135 : i1 to i32
        %cond3A_137 = arith.constant 0 : i32
        %cond3A_138 = arith.cmpi ne, %convert_element_type3A_136, %cond3A_137 : i32
        scf.if %cond3A_138 {
          %add3A_145 = arith.constant 4 : i32
          %add3A_146 = arith.addi %add3A_71, %add3A_145 : i32
          %add3A_147 = arith.addi %mul3A_2, %add3A_146 : i32
          %dma_start3A_148 = arith.constant 0 : i32
          %dma_start3A_149 = arith.constant 0 : i32
          %dma_start3A_150 = arith.constant 0 : i32
          %dma_start3A_151 = tpu.memref_slice %arg7[%dma_start3A_149, %dma_start3A_150] : memref<4x128xi32, #tpu.memory_space<vmem>> -> memref<1x128xi32, #tpu.memory_space<vmem>>
          %dma_start3A_152 = arith.constant 0 : i32
          %dma_start3A_153 = tpu.memref_slice %arg3[%dma_start3A_148, %add3A_147, %dma_start3A_152] : memref<2x2500x128xi32, #tpu.memory_space<hbm>> -> memref<1x1x128xi32, #tpu.memory_space<hbm>>
          %dma_start3A_154 = tpu.memref_squeeze %dma_start3A_153 : memref<1x1x128xi32, #tpu.memory_space<hbm>> -> memref<1x128xi32, #tpu.memory_space<hbm>>
          %dma_start3A_155 = arith.constant 0 : i32
          %dma_start3A_156 = arith.constant 0 : i32
          %dma_start3A_157 = tpu.memref_slice %arg7[%dma_start3A_155, %dma_start3A_156] : memref<4x128xi32, #tpu.memory_space<vmem>> -> memref<1x128xi32, #tpu.memory_space<vmem>>
          %dma_start3A_158 = arith.constant 0 : i32
          %dma_start3A_159 = tpu.memref_slice %arg3[%dma_start3A_148, %add3A_147, %dma_start3A_158] : memref<2x2500x128xi32, #tpu.memory_space<hbm>> -> memref<1x1x128xi32, #tpu.memory_space<hbm>>
          %dma_start3A_160 = tpu.memref_squeeze %dma_start3A_159 : memref<1x1x128xi32, #tpu.memory_space<hbm>> -> memref<1x128xi32, #tpu.memory_space<hbm>>
          tpu.enqueue_dma source(%dma_start3A_160 : memref<1x128xi32, #tpu.memory_space<hbm>>) target(%dma_start3A_157 : memref<1x128xi32, #tpu.memory_space<vmem>>) target_semaphore(%arg15 : memref<!tpu.dma_semaphore, #tpu.memory_space<semaphore_mem>>)
          %add3A_161 = arith.constant 4 : i32
          %add3A_162 = arith.addi %add3A_71, %add3A_161 : i32
          %add3A_163 = arith.addi %mul3A_2, %add3A_162 : i32
          %dma_start3A_164 = arith.constant 1 : i32
          %dma_start3A_165 = arith.constant 0 : i32
          %dma_start3A_166 = arith.constant 0 : i32
          %dma_start3A_167 = tpu.memref_slice %arg6[%dma_start3A_165, %dma_start3A_166] : memref<4x128xi32, #tpu.memory_space<vmem>> -> memref<1x128xi32, #tpu.memory_space<vmem>>
          %dma_start3A_168 = arith.constant 0 : i32
          %dma_start3A_169 = tpu.memref_slice %arg3[%dma_start3A_164, %add3A_163, %dma_start3A_168] : memref<2x2500x128xi32, #tpu.memory_space<hbm>> -> memref<1x1x128xi32, #tpu.memory_space<hbm>>
          %dma_start3A_170 = tpu.memref_squeeze %dma_start3A_169 : memref<1x1x128xi32, #tpu.memory_space<hbm>> -> memref<1x128xi32, #tpu.memory_space<hbm>>
          %dma_start3A_171 = arith.constant 0 : i32
          %dma_start3A_172 = arith.constant 0 : i32
          %dma_start3A_173 = tpu.memref_slice %arg6[%dma_start3A_171, %dma_start3A_172] : memref<4x128xi32, #tpu.memory_space<vmem>> -> memref<1x128xi32, #tpu.memory_space<vmem>>
          %dma_start3A_174 = arith.constant 0 : i32
          %dma_start3A_175 = tpu.memref_slice %arg3[%dma_start3A_164, %add3A_163, %dma_start3A_174] : memref<2x2500x128xi32, #tpu.memory_space<hbm>> -> memref<1x1x128xi32, #tpu.memory_space<hbm>>
          %dma_start3A_176 = tpu.memref_squeeze %dma_start3A_175 : memref<1x1x128xi32, #tpu.memory_space<hbm>> -> memref<1x128xi32, #tpu.memory_space<hbm>>
          tpu.enqueue_dma source(%dma_start3A_176 : memref<1x128xi32, #tpu.memory_space<hbm>>) target(%dma_start3A_173 : memref<1x128xi32, #tpu.memory_space<vmem>>) target_semaphore(%arg19 : memref<!tpu.dma_semaphore, #tpu.memory_space<semaphore_mem>>)
        } else {
        }
        %add3A_139 = arith.constant 2 : i32
        %add3A_140 = arith.addi %add3A_71, %add3A_139 : i32
        %lt3A_141 = arith.cmpi slt, %add3A_140, %select_n3A : i32
        %convert_element_type3A_142 = arith.extui %lt3A_141 : i1 to i32
        %cond3A_143 = arith.constant 0 : i32
        %cond3A_144 = arith.cmpi ne, %convert_element_type3A_142, %cond3A_143 : i32
        scf.if %cond3A_144 {
          %add3A_145 = arith.constant 2 : i32
          %add3A_146 = arith.addi %add3A_71, %add3A_145 : i32
          %add3A_147 = arith.addi %mul3A_2, %add3A_146 : i32
          %dma_wait3A_148 = arith.constant 0 : i32
          %dma_wait3A_149 = arith.constant 2 : i32
          %dma_wait3A_150 = arith.constant 0 : i32
          %dma_wait3A_151 = tpu.memref_slice %arg7[%dma_wait3A_149, %dma_wait3A_150] : memref<4x128xi32, #tpu.memory_space<vmem>> -> memref<1x128xi32, #tpu.memory_space<vmem>>
          %dma_wait3A_152 = arith.constant 0 : i32
          %dma_wait3A_153 = tpu.memref_slice %arg3[%dma_wait3A_148, %add3A_147, %dma_wait3A_152] : memref<2x2500x128xi32, #tpu.memory_space<hbm>> -> memref<1x1x128xi32, #tpu.memory_space<hbm>>
          %dma_wait3A_154 = tpu.memref_squeeze %dma_wait3A_153 : memref<1x1x128xi32, #tpu.memory_space<hbm>> -> memref<1x128xi32, #tpu.memory_space<hbm>>
          %dma_wait3A_155 = arith.constant 2 : i32
          %dma_wait3A_156 = arith.constant 0 : i32
          %dma_wait3A_157 = tpu.memref_slice %arg7[%dma_wait3A_155, %dma_wait3A_156] : memref<4x128xi32, #tpu.memory_space<vmem>> -> memref<1x128xi32, #tpu.memory_space<vmem>>
          %dma_wait3A_158 = arith.constant 0 : i32
          %dma_wait3A_159 = tpu.memref_slice %arg3[%dma_wait3A_148, %add3A_147, %dma_wait3A_158] : memref<2x2500x128xi32, #tpu.memory_space<hbm>> -> memref<1x1x128xi32, #tpu.memory_space<hbm>>
          %dma_wait3A_160 = tpu.memref_squeeze %dma_wait3A_159 : memref<1x1x128xi32, #tpu.memory_space<hbm>> -> memref<1x128xi32, #tpu.memory_space<hbm>>
          tpu.wait_dma2 semaphore(%arg17 : memref<!tpu.dma_semaphore, #tpu.memory_space<semaphore_mem>>) src(%dma_wait3A_160 : memref<1x128xi32, #tpu.memory_space<hbm>>) dst(%dma_wait3A_157 : memref<1x128xi32, #tpu.memory_space<vmem>>)
          %add3A_161 = arith.constant 2 : i32
          %add3A_162 = arith.addi %add3A_71, %add3A_161 : i32
          %dma_start3A_163 = arith.constant 2 : i32
          %dma_start3A_164 = arith.constant 0 : i32
          %dma_start3A_165 = tpu.memref_slice %arg7[%dma_start3A_163, %dma_start3A_164] : memref<4x128xi32, #tpu.memory_space<vmem>> -> memref<1x128xi32, #tpu.memory_space<vmem>>
          %dma_start3A_166 = tpu.memref_squeeze %dma_start3A_165 : memref<1x128xi32, #tpu.memory_space<vmem>> -> memref<128xi32, #tpu.memory_space<vmem>>
          %dma_start3A_167 = arith.constant 0 : i32
          %dma_start3A_168 = arith.constant 0 : i32
          %dma_start3A_169 = tpu.memref_slice %arg2[%dma_start3A_167, %dma_start3A_168] : memref<10000x128xf32, #tpu.memory_space<hbm>> -> memref<10000x128xf32, #tpu.memory_space<hbm>>
          tpu.enqueue_indirect_dma source(%dma_start3A_169 : memref<10000x128xf32, #tpu.memory_space<hbm>>) target(%arg8 : memref<128x128xf32, #tpu.memory_space<vmem>>) offsets(%dma_start3A_166 : memref<128xi32, #tpu.memory_space<vmem>>) semaphore(%arg11 : memref<!tpu.dma_semaphore, #tpu.memory_space<semaphore_mem>>)
        } else {
        }
      } else {
      }
      %mul3A_76 = arith.constant 4 : i32
      %mul3A_77 = arith.muli %scan3A_67, %mul3A_76 : i32
      %add3A_78 = arith.constant 1 : i32
      %add3A_79 = arith.addi %mul3A_77, %add3A_78 : i32
      %lt3A_80 = arith.cmpi slt, %add3A_79, %select_n3A : i32
      %convert_element_type3A_81 = arith.extui %lt3A_80 : i1 to i32
      %cond3A_82 = arith.constant 0 : i32
      %cond3A_83 = arith.cmpi ne, %convert_element_type3A_81, %cond3A_82 : i32
      scf.if %cond3A_83 {
        %dma_wait3A = arith.constant 1 : i32
        %dma_wait3A_100 = arith.constant 0 : i32
        %dma_wait3A_101 = tpu.memref_slice %arg7[%dma_wait3A, %dma_wait3A_100] : memref<4x128xi32, #tpu.memory_space<vmem>> -> memref<1x128xi32, #tpu.memory_space<vmem>>
        %dma_wait3A_102 = tpu.memref_squeeze %dma_wait3A_101 : memref<1x128xi32, #tpu.memory_space<vmem>> -> memref<128xi32, #tpu.memory_space<vmem>>
        %dma_wait3A_103 = arith.constant 0 : i32
        %dma_wait3A_104 = arith.constant 0 : i32
        %dma_wait3A_105 = tpu.memref_slice %arg2[%dma_wait3A_103, %dma_wait3A_104] : memref<10000x128xf32, #tpu.memory_space<hbm>> -> memref<10000x128xf32, #tpu.memory_space<hbm>>
        tpu.wait_indirect_dma semaphore(%arg12 : memref<!tpu.dma_semaphore, #tpu.memory_space<semaphore_mem>>) src(%dma_wait3A_105 : memref<10000x128xf32, #tpu.memory_space<hbm>>) dst(%arg9 : memref<128x128xf32, #tpu.memory_space<vmem>>)
        %add3A_106 = arith.addi %mul3A_2, %add3A_79 : i32
        %dma_wait3A_107 = arith.constant 1 : i32
        %dma_wait3A_108 = arith.constant 1 : i32
        %dma_wait3A_109 = arith.constant 0 : i32
        %dma_wait3A_110 = tpu.memref_slice %arg6[%dma_wait3A_108, %dma_wait3A_109] : memref<4x128xi32, #tpu.memory_space<vmem>> -> memref<1x128xi32, #tpu.memory_space<vmem>>
        %dma_wait3A_111 = arith.constant 0 : i32
        %dma_wait3A_112 = tpu.memref_slice %arg3[%dma_wait3A_107, %add3A_106, %dma_wait3A_111] : memref<2x2500x128xi32, #tpu.memory_space<hbm>> -> memref<1x1x128xi32, #tpu.memory_space<hbm>>
        %dma_wait3A_113 = tpu.memref_squeeze %dma_wait3A_112 : memref<1x1x128xi32, #tpu.memory_space<hbm>> -> memref<1x128xi32, #tpu.memory_space<hbm>>
        %dma_wait3A_114 = arith.constant 1 : i32
        %dma_wait3A_115 = arith.constant 0 : i32
        %dma_wait3A_116 = tpu.memref_slice %arg6[%dma_wait3A_114, %dma_wait3A_115] : memref<4x128xi32, #tpu.memory_space<vmem>> -> memref<1x128xi32, #tpu.memory_space<vmem>>
        %dma_wait3A_117 = arith.constant 0 : i32
        %dma_wait3A_118 = tpu.memref_slice %arg3[%dma_wait3A_107, %add3A_106, %dma_wait3A_117] : memref<2x2500x128xi32, #tpu.memory_space<hbm>> -> memref<1x1x128xi32, #tpu.memory_space<hbm>>
        %dma_wait3A_119 = tpu.memref_squeeze %dma_wait3A_118 : memref<1x1x128xi32, #tpu.memory_space<hbm>> -> memref<1x128xi32, #tpu.memory_space<hbm>>
        tpu.wait_dma2 semaphore(%arg20 : memref<!tpu.dma_semaphore, #tpu.memory_space<semaphore_mem>>) src(%dma_wait3A_119 : memref<1x128xi32, #tpu.memory_space<hbm>>) dst(%dma_wait3A_116 : memref<1x128xi32, #tpu.memory_space<vmem>>)
        %dma_start3A = arith.constant 1 : i32
        %dma_start3A_120 = arith.constant 0 : i32
        %dma_start3A_121 = tpu.memref_slice %arg6[%dma_start3A, %dma_start3A_120] : memref<4x128xi32, #tpu.memory_space<vmem>> -> memref<1x128xi32, #tpu.memory_space<vmem>>
        %dma_start3A_122 = tpu.memref_squeeze %dma_start3A_121 : memref<1x128xi32, #tpu.memory_space<vmem>> -> memref<128xi32, #tpu.memory_space<vmem>>
        %dma_start3A_123 = arith.constant 0 : i32
        %dma_start3A_124 = arith.constant 0 : i32
        %dma_start3A_125 = tpu.memref_slice %arg10[%dma_start3A_123, %dma_start3A_124] : memref<10240x128xf32, #tpu.memory_space<vmem_shared>> -> memref<10240x128xf32, #tpu.memory_space<vmem_shared>>
        tpu.enqueue_indirect_dma source(%arg9 : memref<128x128xf32, #tpu.memory_space<vmem>>) target(%dma_start3A_125 : memref<10240x128xf32, #tpu.memory_space<vmem_shared>>) offsets(%dma_start3A_122 : memref<128xi32, #tpu.memory_space<vmem>>) semaphore(%arg14 : memref<!tpu.dma_semaphore, #tpu.memory_space<semaphore_mem>>) {add = true}
        %dma_wait3A_126 = arith.constant 1 : i32
        %dma_wait3A_127 = arith.constant 0 : i32
        %dma_wait3A_128 = tpu.memref_slice %arg6[%dma_wait3A_126, %dma_wait3A_127] : memref<4x128xi32, #tpu.memory_space<vmem>> -> memref<1x128xi32, #tpu.memory_space<vmem>>
        %dma_wait3A_129 = tpu.memref_squeeze %dma_wait3A_128 : memref<1x128xi32, #tpu.memory_space<vmem>> -> memref<128xi32, #tpu.memory_space<vmem>>
        %dma_wait3A_130 = arith.constant 0 : i32
        %dma_wait3A_131 = arith.constant 0 : i32
        %dma_wait3A_132 = tpu.memref_slice %arg10[%dma_wait3A_130, %dma_wait3A_131] : memref<10240x128xf32, #tpu.memory_space<vmem_shared>> -> memref<10240x128xf32, #tpu.memory_space<vmem_shared>>
        tpu.wait_indirect_dma semaphore(%arg14 : memref<!tpu.dma_semaphore, #tpu.memory_space<semaphore_mem>>) src(%arg9 : memref<128x128xf32, #tpu.memory_space<vmem>>) dst(%dma_wait3A_132 : memref<10240x128xf32, #tpu.memory_space<vmem_shared>>)
        %add3A_133 = arith.constant 4 : i32
        %add3A_134 = arith.addi %add3A_79, %add3A_133 : i32
        %lt3A_135 = arith.cmpi slt, %add3A_134, %select_n3A : i32
        %convert_element_type3A_136 = arith.extui %lt3A_135 : i1 to i32
        %cond3A_137 = arith.constant 0 : i32
        %cond3A_138 = arith.cmpi ne, %convert_element_type3A_136, %cond3A_137 : i32
        scf.if %cond3A_138 {
          %add3A_145 = arith.constant 4 : i32
          %add3A_146 = arith.addi %add3A_79, %add3A_145 : i32
          %add3A_147 = arith.addi %mul3A_2, %add3A_146 : i32
          %dma_start3A_148 = arith.constant 0 : i32
          %dma_start3A_149 = arith.constant 1 : i32
          %dma_start3A_150 = arith.constant 0 : i32
          %dma_start3A_151 = tpu.memref_slice %arg7[%dma_start3A_149, %dma_start3A_150] : memref<4x128xi32, #tpu.memory_space<vmem>> -> memref<1x128xi32, #tpu.memory_space<vmem>>
          %dma_start3A_152 = arith.constant 0 : i32
          %dma_start3A_153 = tpu.memref_slice %arg3[%dma_start3A_148, %add3A_147, %dma_start3A_152] : memref<2x2500x128xi32, #tpu.memory_space<hbm>> -> memref<1x1x128xi32, #tpu.memory_space<hbm>>
          %dma_start3A_154 = tpu.memref_squeeze %dma_start3A_153 : memref<1x1x128xi32, #tpu.memory_space<hbm>> -> memref<1x128xi32, #tpu.memory_space<hbm>>
          %dma_start3A_155 = arith.constant 1 : i32
          %dma_start3A_156 = arith.constant 0 : i32
          %dma_start3A_157 = tpu.memref_slice %arg7[%dma_start3A_155, %dma_start3A_156] : memref<4x128xi32, #tpu.memory_space<vmem>> -> memref<1x128xi32, #tpu.memory_space<vmem>>
          %dma_start3A_158 = arith.constant 0 : i32
          %dma_start3A_159 = tpu.memref_slice %arg3[%dma_start3A_148, %add3A_147, %dma_start3A_158] : memref<2x2500x128xi32, #tpu.memory_space<hbm>> -> memref<1x1x128xi32, #tpu.memory_space<hbm>>
          %dma_start3A_160 = tpu.memref_squeeze %dma_start3A_159 : memref<1x1x128xi32, #tpu.memory_space<hbm>> -> memref<1x128xi32, #tpu.memory_space<hbm>>
          tpu.enqueue_dma source(%dma_start3A_160 : memref<1x128xi32, #tpu.memory_space<hbm>>) target(%dma_start3A_157 : memref<1x128xi32, #tpu.memory_space<vmem>>) target_semaphore(%arg16 : memref<!tpu.dma_semaphore, #tpu.memory_space<semaphore_mem>>)
          %add3A_161 = arith.constant 4 : i32
          %add3A_162 = arith.addi %add3A_79, %add3A_161 : i32
          %add3A_163 = arith.addi %mul3A_2, %add3A_162 : i32
          %dma_start3A_164 = arith.constant 1 : i32
          %dma_start3A_165 = arith.constant 1 : i32
          %dma_start3A_166 = arith.constant 0 : i32
          %dma_start3A_167 = tpu.memref_slice %arg6[%dma_start3A_165, %dma_start3A_166] : memref<4x128xi32, #tpu.memory_space<vmem>> -> memref<1x128xi32, #tpu.memory_space<vmem>>
          %dma_start3A_168 = arith.constant 0 : i32
          %dma_start3A_169 = tpu.memref_slice %arg3[%dma_start3A_164, %add3A_163, %dma_start3A_168] : memref<2x2500x128xi32, #tpu.memory_space<hbm>> -> memref<1x1x128xi32, #tpu.memory_space<hbm>>
          %dma_start3A_170 = tpu.memref_squeeze %dma_start3A_169 : memref<1x1x128xi32, #tpu.memory_space<hbm>> -> memref<1x128xi32, #tpu.memory_space<hbm>>
          %dma_start3A_171 = arith.constant 1 : i32
          %dma_start3A_172 = arith.constant 0 : i32
          %dma_start3A_173 = tpu.memref_slice %arg6[%dma_start3A_171, %dma_start3A_172] : memref<4x128xi32, #tpu.memory_space<vmem>> -> memref<1x128xi32, #tpu.memory_space<vmem>>
          %dma_start3A_174 = arith.constant 0 : i32
          %dma_start3A_175 = tpu.memref_slice %arg3[%dma_start3A_164, %add3A_163, %dma_start3A_174] : memref<2x2500x128xi32, #tpu.memory_space<hbm>> -> memref<1x1x128xi32, #tpu.memory_space<hbm>>
          %dma_start3A_176 = tpu.memref_squeeze %dma_start3A_175 : memref<1x1x128xi32, #tpu.memory_space<hbm>> -> memref<1x128xi32, #tpu.memory_space<hbm>>
          tpu.enqueue_dma source(%dma_start3A_176 : memref<1x128xi32, #tpu.memory_space<hbm>>) target(%dma_start3A_173 : memref<1x128xi32, #tpu.memory_space<vmem>>) target_semaphore(%arg20 : memref<!tpu.dma_semaphore, #tpu.memory_space<semaphore_mem>>)
        } else {
        }
        %add3A_139 = arith.constant 2 : i32
        %add3A_140 = arith.addi %add3A_79, %add3A_139 : i32
        %lt3A_141 = arith.cmpi slt, %add3A_140, %select_n3A : i32
        %convert_element_type3A_142 = arith.extui %lt3A_141 : i1 to i32
        %cond3A_143 = arith.constant 0 : i32
        %cond3A_144 = arith.cmpi ne, %convert_element_type3A_142, %cond3A_143 : i32
        scf.if %cond3A_144 {
          %add3A_145 = arith.constant 2 : i32
          %add3A_146 = arith.addi %add3A_79, %add3A_145 : i32
          %add3A_147 = arith.addi %mul3A_2, %add3A_146 : i32
          %dma_wait3A_148 = arith.constant 0 : i32
          %dma_wait3A_149 = arith.constant 3 : i32
          %dma_wait3A_150 = arith.constant 0 : i32
          %dma_wait3A_151 = tpu.memref_slice %arg7[%dma_wait3A_149, %dma_wait3A_150] : memref<4x128xi32, #tpu.memory_space<vmem>> -> memref<1x128xi32, #tpu.memory_space<vmem>>
          %dma_wait3A_152 = arith.constant 0 : i32
          %dma_wait3A_153 = tpu.memref_slice %arg3[%dma_wait3A_148, %add3A_147, %dma_wait3A_152] : memref<2x2500x128xi32, #tpu.memory_space<hbm>> -> memref<1x1x128xi32, #tpu.memory_space<hbm>>
          %dma_wait3A_154 = tpu.memref_squeeze %dma_wait3A_153 : memref<1x1x128xi32, #tpu.memory_space<hbm>> -> memref<1x128xi32, #tpu.memory_space<hbm>>
          %dma_wait3A_155 = arith.constant 3 : i32
          %dma_wait3A_156 = arith.constant 0 : i32
          %dma_wait3A_157 = tpu.memref_slice %arg7[%dma_wait3A_155, %dma_wait3A_156] : memref<4x128xi32, #tpu.memory_space<vmem>> -> memref<1x128xi32, #tpu.memory_space<vmem>>
          %dma_wait3A_158 = arith.constant 0 : i32
          %dma_wait3A_159 = tpu.memref_slice %arg3[%dma_wait3A_148, %add3A_147, %dma_wait3A_158] : memref<2x2500x128xi32, #tpu.memory_space<hbm>> -> memref<1x1x128xi32, #tpu.memory_space<hbm>>
          %dma_wait3A_160 = tpu.memref_squeeze %dma_wait3A_159 : memref<1x1x128xi32, #tpu.memory_space<hbm>> -> memref<1x128xi32, #tpu.memory_space<hbm>>
          tpu.wait_dma2 semaphore(%arg18 : memref<!tpu.dma_semaphore, #tpu.memory_space<semaphore_mem>>) src(%dma_wait3A_160 : memref<1x128xi32, #tpu.memory_space<hbm>>) dst(%dma_wait3A_157 : memref<1x128xi32, #tpu.memory_space<vmem>>)
          %add3A_161 = arith.constant 2 : i32
          %add3A_162 = arith.addi %add3A_79, %add3A_161 : i32
          %dma_start3A_163 = arith.constant 3 : i32
          %dma_start3A_164 = arith.constant 0 : i32
          %dma_start3A_165 = tpu.memref_slice %arg7[%dma_start3A_163, %dma_start3A_164] : memref<4x128xi32, #tpu.memory_space<vmem>> -> memref<1x128xi32, #tpu.memory_space<vmem>>
          %dma_start3A_166 = tpu.memref_squeeze %dma_start3A_165 : memref<1x128xi32, #tpu.memory_space<vmem>> -> memref<128xi32, #tpu.memory_space<vmem>>
          %dma_start3A_167 = arith.constant 0 : i32
          %dma_start3A_168 = arith.constant 0 : i32
          %dma_start3A_169 = tpu.memref_slice %arg2[%dma_start3A_167, %dma_start3A_168] : memref<10000x128xf32, #tpu.memory_space<hbm>> -> memref<10000x128xf32, #tpu.memory_space<hbm>>
          tpu.enqueue_indirect_dma source(%dma_start3A_169 : memref<10000x128xf32, #tpu.memory_space<hbm>>) target(%arg9 : memref<128x128xf32, #tpu.memory_space<vmem>>) offsets(%dma_start3A_166 : memref<128xi32, #tpu.memory_space<vmem>>) semaphore(%arg12 : memref<!tpu.dma_semaphore, #tpu.memory_space<semaphore_mem>>)
        } else {
        }
      } else {
      }
      %mul3A_84 = arith.constant 4 : i32
      %mul3A_85 = arith.muli %scan3A_67, %mul3A_84 : i32
      %add3A_86 = arith.constant 2 : i32
      %add3A_87 = arith.addi %mul3A_85, %add3A_86 : i32
      %lt3A_88 = arith.cmpi slt, %add3A_87, %select_n3A : i32
      %convert_element_type3A_89 = arith.extui %lt3A_88 : i1 to i32
      %cond3A_90 = arith.constant 0 : i32
      %cond3A_91 = arith.cmpi ne, %convert_element_type3A_89, %cond3A_90 : i32
      scf.if %cond3A_91 {
        %dma_wait3A = arith.constant 2 : i32
        %dma_wait3A_100 = arith.constant 0 : i32
        %dma_wait3A_101 = tpu.memref_slice %arg7[%dma_wait3A, %dma_wait3A_100] : memref<4x128xi32, #tpu.memory_space<vmem>> -> memref<1x128xi32, #tpu.memory_space<vmem>>
        %dma_wait3A_102 = tpu.memref_squeeze %dma_wait3A_101 : memref<1x128xi32, #tpu.memory_space<vmem>> -> memref<128xi32, #tpu.memory_space<vmem>>
        %dma_wait3A_103 = arith.constant 0 : i32
        %dma_wait3A_104 = arith.constant 0 : i32
        %dma_wait3A_105 = tpu.memref_slice %arg2[%dma_wait3A_103, %dma_wait3A_104] : memref<10000x128xf32, #tpu.memory_space<hbm>> -> memref<10000x128xf32, #tpu.memory_space<hbm>>
        tpu.wait_indirect_dma semaphore(%arg11 : memref<!tpu.dma_semaphore, #tpu.memory_space<semaphore_mem>>) src(%dma_wait3A_105 : memref<10000x128xf32, #tpu.memory_space<hbm>>) dst(%arg8 : memref<128x128xf32, #tpu.memory_space<vmem>>)
        %add3A_106 = arith.addi %mul3A_2, %add3A_87 : i32
        %dma_wait3A_107 = arith.constant 1 : i32
        %dma_wait3A_108 = arith.constant 2 : i32
        %dma_wait3A_109 = arith.constant 0 : i32
        %dma_wait3A_110 = tpu.memref_slice %arg6[%dma_wait3A_108, %dma_wait3A_109] : memref<4x128xi32, #tpu.memory_space<vmem>> -> memref<1x128xi32, #tpu.memory_space<vmem>>
        %dma_wait3A_111 = arith.constant 0 : i32
        %dma_wait3A_112 = tpu.memref_slice %arg3[%dma_wait3A_107, %add3A_106, %dma_wait3A_111] : memref<2x2500x128xi32, #tpu.memory_space<hbm>> -> memref<1x1x128xi32, #tpu.memory_space<hbm>>
        %dma_wait3A_113 = tpu.memref_squeeze %dma_wait3A_112 : memref<1x1x128xi32, #tpu.memory_space<hbm>> -> memref<1x128xi32, #tpu.memory_space<hbm>>
        %dma_wait3A_114 = arith.constant 2 : i32
        %dma_wait3A_115 = arith.constant 0 : i32
        %dma_wait3A_116 = tpu.memref_slice %arg6[%dma_wait3A_114, %dma_wait3A_115] : memref<4x128xi32, #tpu.memory_space<vmem>> -> memref<1x128xi32, #tpu.memory_space<vmem>>
        %dma_wait3A_117 = arith.constant 0 : i32
        %dma_wait3A_118 = tpu.memref_slice %arg3[%dma_wait3A_107, %add3A_106, %dma_wait3A_117] : memref<2x2500x128xi32, #tpu.memory_space<hbm>> -> memref<1x1x128xi32, #tpu.memory_space<hbm>>
        %dma_wait3A_119 = tpu.memref_squeeze %dma_wait3A_118 : memref<1x1x128xi32, #tpu.memory_space<hbm>> -> memref<1x128xi32, #tpu.memory_space<hbm>>
        tpu.wait_dma2 semaphore(%arg21 : memref<!tpu.dma_semaphore, #tpu.memory_space<semaphore_mem>>) src(%dma_wait3A_119 : memref<1x128xi32, #tpu.memory_space<hbm>>) dst(%dma_wait3A_116 : memref<1x128xi32, #tpu.memory_space<vmem>>)
        %dma_start3A = arith.constant 2 : i32
        %dma_start3A_120 = arith.constant 0 : i32
        %dma_start3A_121 = tpu.memref_slice %arg6[%dma_start3A, %dma_start3A_120] : memref<4x128xi32, #tpu.memory_space<vmem>> -> memref<1x128xi32, #tpu.memory_space<vmem>>
        %dma_start3A_122 = tpu.memref_squeeze %dma_start3A_121 : memref<1x128xi32, #tpu.memory_space<vmem>> -> memref<128xi32, #tpu.memory_space<vmem>>
        %dma_start3A_123 = arith.constant 0 : i32
        %dma_start3A_124 = arith.constant 0 : i32
        %dma_start3A_125 = tpu.memref_slice %arg10[%dma_start3A_123, %dma_start3A_124] : memref<10240x128xf32, #tpu.memory_space<vmem_shared>> -> memref<10240x128xf32, #tpu.memory_space<vmem_shared>>
        tpu.enqueue_indirect_dma source(%arg8 : memref<128x128xf32, #tpu.memory_space<vmem>>) target(%dma_start3A_125 : memref<10240x128xf32, #tpu.memory_space<vmem_shared>>) offsets(%dma_start3A_122 : memref<128xi32, #tpu.memory_space<vmem>>) semaphore(%arg13 : memref<!tpu.dma_semaphore, #tpu.memory_space<semaphore_mem>>) {add = true}
        %dma_wait3A_126 = arith.constant 2 : i32
        %dma_wait3A_127 = arith.constant 0 : i32
        %dma_wait3A_128 = tpu.memref_slice %arg6[%dma_wait3A_126, %dma_wait3A_127] : memref<4x128xi32, #tpu.memory_space<vmem>> -> memref<1x128xi32, #tpu.memory_space<vmem>>
        %dma_wait3A_129 = tpu.memref_squeeze %dma_wait3A_128 : memref<1x128xi32, #tpu.memory_space<vmem>> -> memref<128xi32, #tpu.memory_space<vmem>>
        %dma_wait3A_130 = arith.constant 0 : i32
        %dma_wait3A_131 = arith.constant 0 : i32
        %dma_wait3A_132 = tpu.memref_slice %arg10[%dma_wait3A_130, %dma_wait3A_131] : memref<10240x128xf32, #tpu.memory_space<vmem_shared>> -> memref<10240x128xf32, #tpu.memory_space<vmem_shared>>
        tpu.wait_indirect_dma semaphore(%arg13 : memref<!tpu.dma_semaphore, #tpu.memory_space<semaphore_mem>>) src(%arg8 : memref<128x128xf32, #tpu.memory_space<vmem>>) dst(%dma_wait3A_132 : memref<10240x128xf32, #tpu.memory_space<vmem_shared>>)
        %add3A_133 = arith.constant 4 : i32
        %add3A_134 = arith.addi %add3A_87, %add3A_133 : i32
        %lt3A_135 = arith.cmpi slt, %add3A_134, %select_n3A : i32
        %convert_element_type3A_136 = arith.extui %lt3A_135 : i1 to i32
        %cond3A_137 = arith.constant 0 : i32
        %cond3A_138 = arith.cmpi ne, %convert_element_type3A_136, %cond3A_137 : i32
        scf.if %cond3A_138 {
          %add3A_145 = arith.constant 4 : i32
          %add3A_146 = arith.addi %add3A_87, %add3A_145 : i32
          %add3A_147 = arith.addi %mul3A_2, %add3A_146 : i32
          %dma_start3A_148 = arith.constant 0 : i32
          %dma_start3A_149 = arith.constant 2 : i32
          %dma_start3A_150 = arith.constant 0 : i32
          %dma_start3A_151 = tpu.memref_slice %arg7[%dma_start3A_149, %dma_start3A_150] : memref<4x128xi32, #tpu.memory_space<vmem>> -> memref<1x128xi32, #tpu.memory_space<vmem>>
          %dma_start3A_152 = arith.constant 0 : i32
          %dma_start3A_153 = tpu.memref_slice %arg3[%dma_start3A_148, %add3A_147, %dma_start3A_152] : memref<2x2500x128xi32, #tpu.memory_space<hbm>> -> memref<1x1x128xi32, #tpu.memory_space<hbm>>
          %dma_start3A_154 = tpu.memref_squeeze %dma_start3A_153 : memref<1x1x128xi32, #tpu.memory_space<hbm>> -> memref<1x128xi32, #tpu.memory_space<hbm>>
          %dma_start3A_155 = arith.constant 2 : i32
          %dma_start3A_156 = arith.constant 0 : i32
          %dma_start3A_157 = tpu.memref_slice %arg7[%dma_start3A_155, %dma_start3A_156] : memref<4x128xi32, #tpu.memory_space<vmem>> -> memref<1x128xi32, #tpu.memory_space<vmem>>
          %dma_start3A_158 = arith.constant 0 : i32
          %dma_start3A_159 = tpu.memref_slice %arg3[%dma_start3A_148, %add3A_147, %dma_start3A_158] : memref<2x2500x128xi32, #tpu.memory_space<hbm>> -> memref<1x1x128xi32, #tpu.memory_space<hbm>>
          %dma_start3A_160 = tpu.memref_squeeze %dma_start3A_159 : memref<1x1x128xi32, #tpu.memory_space<hbm>> -> memref<1x128xi32, #tpu.memory_space<hbm>>
          tpu.enqueue_dma source(%dma_start3A_160 : memref<1x128xi32, #tpu.memory_space<hbm>>) target(%dma_start3A_157 : memref<1x128xi32, #tpu.memory_space<vmem>>) target_semaphore(%arg17 : memref<!tpu.dma_semaphore, #tpu.memory_space<semaphore_mem>>)
          %add3A_161 = arith.constant 4 : i32
          %add3A_162 = arith.addi %add3A_87, %add3A_161 : i32
          %add3A_163 = arith.addi %mul3A_2, %add3A_162 : i32
          %dma_start3A_164 = arith.constant 1 : i32
          %dma_start3A_165 = arith.constant 2 : i32
          %dma_start3A_166 = arith.constant 0 : i32
          %dma_start3A_167 = tpu.memref_slice %arg6[%dma_start3A_165, %dma_start3A_166] : memref<4x128xi32, #tpu.memory_space<vmem>> -> memref<1x128xi32, #tpu.memory_space<vmem>>
          %dma_start3A_168 = arith.constant 0 : i32
          %dma_start3A_169 = tpu.memref_slice %arg3[%dma_start3A_164, %add3A_163, %dma_start3A_168] : memref<2x2500x128xi32, #tpu.memory_space<hbm>> -> memref<1x1x128xi32, #tpu.memory_space<hbm>>
          %dma_start3A_170 = tpu.memref_squeeze %dma_start3A_169 : memref<1x1x128xi32, #tpu.memory_space<hbm>> -> memref<1x128xi32, #tpu.memory_space<hbm>>
          %dma_start3A_171 = arith.constant 2 : i32
          %dma_start3A_172 = arith.constant 0 : i32
          %dma_start3A_173 = tpu.memref_slice %arg6[%dma_start3A_171, %dma_start3A_172] : memref<4x128xi32, #tpu.memory_space<vmem>> -> memref<1x128xi32, #tpu.memory_space<vmem>>
          %dma_start3A_174 = arith.constant 0 : i32
          %dma_start3A_175 = tpu.memref_slice %arg3[%dma_start3A_164, %add3A_163, %dma_start3A_174] : memref<2x2500x128xi32, #tpu.memory_space<hbm>> -> memref<1x1x128xi32, #tpu.memory_space<hbm>>
          %dma_start3A_176 = tpu.memref_squeeze %dma_start3A_175 : memref<1x1x128xi32, #tpu.memory_space<hbm>> -> memref<1x128xi32, #tpu.memory_space<hbm>>
          tpu.enqueue_dma source(%dma_start3A_176 : memref<1x128xi32, #tpu.memory_space<hbm>>) target(%dma_start3A_173 : memref<1x128xi32, #tpu.memory_space<vmem>>) target_semaphore(%arg21 : memref<!tpu.dma_semaphore, #tpu.memory_space<semaphore_mem>>)
        } else {
        }
        %add3A_139 = arith.constant 2 : i32
        %add3A_140 = arith.addi %add3A_87, %add3A_139 : i32
        %lt3A_141 = arith.cmpi slt, %add3A_140, %select_n3A : i32
        %convert_element_type3A_142 = arith.extui %lt3A_141 : i1 to i32
        %cond3A_143 = arith.constant 0 : i32
        %cond3A_144 = arith.cmpi ne, %convert_element_type3A_142, %cond3A_143 : i32
        scf.if %cond3A_144 {
          %add3A_145 = arith.constant 2 : i32
          %add3A_146 = arith.addi %add3A_87, %add3A_145 : i32
          %add3A_147 = arith.addi %mul3A_2, %add3A_146 : i32
          %dma_wait3A_148 = arith.constant 0 : i32
          %dma_wait3A_149 = arith.constant 0 : i32
          %dma_wait3A_150 = arith.constant 0 : i32
          %dma_wait3A_151 = tpu.memref_slice %arg7[%dma_wait3A_149, %dma_wait3A_150] : memref<4x128xi32, #tpu.memory_space<vmem>> -> memref<1x128xi32, #tpu.memory_space<vmem>>
          %dma_wait3A_152 = arith.constant 0 : i32
          %dma_wait3A_153 = tpu.memref_slice %arg3[%dma_wait3A_148, %add3A_147, %dma_wait3A_152] : memref<2x2500x128xi32, #tpu.memory_space<hbm>> -> memref<1x1x128xi32, #tpu.memory_space<hbm>>
          %dma_wait3A_154 = tpu.memref_squeeze %dma_wait3A_153 : memref<1x1x128xi32, #tpu.memory_space<hbm>> -> memref<1x128xi32, #tpu.memory_space<hbm>>
          %dma_wait3A_155 = arith.constant 0 : i32
          %dma_wait3A_156 = arith.constant 0 : i32
          %dma_wait3A_157 = tpu.memref_slice %arg7[%dma_wait3A_155, %dma_wait3A_156] : memref<4x128xi32, #tpu.memory_space<vmem>> -> memref<1x128xi32, #tpu.memory_space<vmem>>
          %dma_wait3A_158 = arith.constant 0 : i32
          %dma_wait3A_159 = tpu.memref_slice %arg3[%dma_wait3A_148, %add3A_147, %dma_wait3A_158] : memref<2x2500x128xi32, #tpu.memory_space<hbm>> -> memref<1x1x128xi32, #tpu.memory_space<hbm>>
          %dma_wait3A_160 = tpu.memref_squeeze %dma_wait3A_159 : memref<1x1x128xi32, #tpu.memory_space<hbm>> -> memref<1x128xi32, #tpu.memory_space<hbm>>
          tpu.wait_dma2 semaphore(%arg15 : memref<!tpu.dma_semaphore, #tpu.memory_space<semaphore_mem>>) src(%dma_wait3A_160 : memref<1x128xi32, #tpu.memory_space<hbm>>) dst(%dma_wait3A_157 : memref<1x128xi32, #tpu.memory_space<vmem>>)
          %add3A_161 = arith.constant 2 : i32
          %add3A_162 = arith.addi %add3A_87, %add3A_161 : i32
          %dma_start3A_163 = arith.constant 0 : i32
          %dma_start3A_164 = arith.constant 0 : i32
          %dma_start3A_165 = tpu.memref_slice %arg7[%dma_start3A_163, %dma_start3A_164] : memref<4x128xi32, #tpu.memory_space<vmem>> -> memref<1x128xi32, #tpu.memory_space<vmem>>
          %dma_start3A_166 = tpu.memref_squeeze %dma_start3A_165 : memref<1x128xi32, #tpu.memory_space<vmem>> -> memref<128xi32, #tpu.memory_space<vmem>>
          %dma_start3A_167 = arith.constant 0 : i32
          %dma_start3A_168 = arith.constant 0 : i32
          %dma_start3A_169 = tpu.memref_slice %arg2[%dma_start3A_167, %dma_start3A_168] : memref<10000x128xf32, #tpu.memory_space<hbm>> -> memref<10000x128xf32, #tpu.memory_space<hbm>>
          tpu.enqueue_indirect_dma source(%dma_start3A_169 : memref<10000x128xf32, #tpu.memory_space<hbm>>) target(%arg8 : memref<128x128xf32, #tpu.memory_space<vmem>>) offsets(%dma_start3A_166 : memref<128xi32, #tpu.memory_space<vmem>>) semaphore(%arg11 : memref<!tpu.dma_semaphore, #tpu.memory_space<semaphore_mem>>)
        } else {
        }
      } else {
      }
      %mul3A_92 = arith.constant 4 : i32
      %mul3A_93 = arith.muli %scan3A_67, %mul3A_92 : i32
      %add3A_94 = arith.constant 3 : i32
      %add3A_95 = arith.addi %mul3A_93, %add3A_94 : i32
      %lt3A_96 = arith.cmpi slt, %add3A_95, %select_n3A : i32
      %convert_element_type3A_97 = arith.extui %lt3A_96 : i1 to i32
      %cond3A_98 = arith.constant 0 : i32
      %cond3A_99 = arith.cmpi ne, %convert_element_type3A_97, %cond3A_98 : i32
      scf.if %cond3A_99 {
        %dma_wait3A = arith.constant 3 : i32
        %dma_wait3A_100 = arith.constant 0 : i32
        %dma_wait3A_101 = tpu.memref_slice %arg7[%dma_wait3A, %dma_wait3A_100] : memref<4x128xi32, #tpu.memory_space<vmem>> -> memref<1x128xi32, #tpu.memory_space<vmem>>
        %dma_wait3A_102 = tpu.memref_squeeze %dma_wait3A_101 : memref<1x128xi32, #tpu.memory_space<vmem>> -> memref<128xi32, #tpu.memory_space<vmem>>
        %dma_wait3A_103 = arith.constant 0 : i32
        %dma_wait3A_104 = arith.constant 0 : i32
        %dma_wait3A_105 = tpu.memref_slice %arg2[%dma_wait3A_103, %dma_wait3A_104] : memref<10000x128xf32, #tpu.memory_space<hbm>> -> memref<10000x128xf32, #tpu.memory_space<hbm>>
        tpu.wait_indirect_dma semaphore(%arg12 : memref<!tpu.dma_semaphore, #tpu.memory_space<semaphore_mem>>) src(%dma_wait3A_105 : memref<10000x128xf32, #tpu.memory_space<hbm>>) dst(%arg9 : memref<128x128xf32, #tpu.memory_space<vmem>>)
        %add3A_106 = arith.addi %mul3A_2, %add3A_95 : i32
        %dma_wait3A_107 = arith.constant 1 : i32
        %dma_wait3A_108 = arith.constant 3 : i32
        %dma_wait3A_109 = arith.constant 0 : i32
        %dma_wait3A_110 = tpu.memref_slice %arg6[%dma_wait3A_108, %dma_wait3A_109] : memref<4x128xi32, #tpu.memory_space<vmem>> -> memref<1x128xi32, #tpu.memory_space<vmem>>
        %dma_wait3A_111 = arith.constant 0 : i32
        %dma_wait3A_112 = tpu.memref_slice %arg3[%dma_wait3A_107, %add3A_106, %dma_wait3A_111] : memref<2x2500x128xi32, #tpu.memory_space<hbm>> -> memref<1x1x128xi32, #tpu.memory_space<hbm>>
        %dma_wait3A_113 = tpu.memref_squeeze %dma_wait3A_112 : memref<1x1x128xi32, #tpu.memory_space<hbm>> -> memref<1x128xi32, #tpu.memory_space<hbm>>
        %dma_wait3A_114 = arith.constant 3 : i32
        %dma_wait3A_115 = arith.constant 0 : i32
        %dma_wait3A_116 = tpu.memref_slice %arg6[%dma_wait3A_114, %dma_wait3A_115] : memref<4x128xi32, #tpu.memory_space<vmem>> -> memref<1x128xi32, #tpu.memory_space<vmem>>
        %dma_wait3A_117 = arith.constant 0 : i32
        %dma_wait3A_118 = tpu.memref_slice %arg3[%dma_wait3A_107, %add3A_106, %dma_wait3A_117] : memref<2x2500x128xi32, #tpu.memory_space<hbm>> -> memref<1x1x128xi32, #tpu.memory_space<hbm>>
        %dma_wait3A_119 = tpu.memref_squeeze %dma_wait3A_118 : memref<1x1x128xi32, #tpu.memory_space<hbm>> -> memref<1x128xi32, #tpu.memory_space<hbm>>
        tpu.wait_dma2 semaphore(%arg22 : memref<!tpu.dma_semaphore, #tpu.memory_space<semaphore_mem>>) src(%dma_wait3A_119 : memref<1x128xi32, #tpu.memory_space<hbm>>) dst(%dma_wait3A_116 : memref<1x128xi32, #tpu.memory_space<vmem>>)
        %dma_start3A = arith.constant 3 : i32
        %dma_start3A_120 = arith.constant 0 : i32
        %dma_start3A_121 = tpu.memref_slice %arg6[%dma_start3A, %dma_start3A_120] : memref<4x128xi32, #tpu.memory_space<vmem>> -> memref<1x128xi32, #tpu.memory_space<vmem>>
        %dma_start3A_122 = tpu.memref_squeeze %dma_start3A_121 : memref<1x128xi32, #tpu.memory_space<vmem>> -> memref<128xi32, #tpu.memory_space<vmem>>
        %dma_start3A_123 = arith.constant 0 : i32
        %dma_start3A_124 = arith.constant 0 : i32
        %dma_start3A_125 = tpu.memref_slice %arg10[%dma_start3A_123, %dma_start3A_124] : memref<10240x128xf32, #tpu.memory_space<vmem_shared>> -> memref<10240x128xf32, #tpu.memory_space<vmem_shared>>
        tpu.enqueue_indirect_dma source(%arg9 : memref<128x128xf32, #tpu.memory_space<vmem>>) target(%dma_start3A_125 : memref<10240x128xf32, #tpu.memory_space<vmem_shared>>) offsets(%dma_start3A_122 : memref<128xi32, #tpu.memory_space<vmem>>) semaphore(%arg14 : memref<!tpu.dma_semaphore, #tpu.memory_space<semaphore_mem>>) {add = true}
        %dma_wait3A_126 = arith.constant 3 : i32
        %dma_wait3A_127 = arith.constant 0 : i32
        %dma_wait3A_128 = tpu.memref_slice %arg6[%dma_wait3A_126, %dma_wait3A_127] : memref<4x128xi32, #tpu.memory_space<vmem>> -> memref<1x128xi32, #tpu.memory_space<vmem>>
        %dma_wait3A_129 = tpu.memref_squeeze %dma_wait3A_128 : memref<1x128xi32, #tpu.memory_space<vmem>> -> memref<128xi32, #tpu.memory_space<vmem>>
        %dma_wait3A_130 = arith.constant 0 : i32
        %dma_wait3A_131 = arith.constant 0 : i32
        %dma_wait3A_132 = tpu.memref_slice %arg10[%dma_wait3A_130, %dma_wait3A_131] : memref<10240x128xf32, #tpu.memory_space<vmem_shared>> -> memref<10240x128xf32, #tpu.memory_space<vmem_shared>>
        tpu.wait_indirect_dma semaphore(%arg14 : memref<!tpu.dma_semaphore, #tpu.memory_space<semaphore_mem>>) src(%arg9 : memref<128x128xf32, #tpu.memory_space<vmem>>) dst(%dma_wait3A_132 : memref<10240x128xf32, #tpu.memory_space<vmem_shared>>)
        %add3A_133 = arith.constant 4 : i32
        %add3A_134 = arith.addi %add3A_95, %add3A_133 : i32
        %lt3A_135 = arith.cmpi slt, %add3A_134, %select_n3A : i32
        %convert_element_type3A_136 = arith.extui %lt3A_135 : i1 to i32
        %cond3A_137 = arith.constant 0 : i32
        %cond3A_138 = arith.cmpi ne, %convert_element_type3A_136, %cond3A_137 : i32
        scf.if %cond3A_138 {
          %add3A_145 = arith.constant 4 : i32
          %add3A_146 = arith.addi %add3A_95, %add3A_145 : i32
          %add3A_147 = arith.addi %mul3A_2, %add3A_146 : i32
          %dma_start3A_148 = arith.constant 0 : i32
          %dma_start3A_149 = arith.constant 3 : i32
          %dma_start3A_150 = arith.constant 0 : i32
          %dma_start3A_151 = tpu.memref_slice %arg7[%dma_start3A_149, %dma_start3A_150] : memref<4x128xi32, #tpu.memory_space<vmem>> -> memref<1x128xi32, #tpu.memory_space<vmem>>
          %dma_start3A_152 = arith.constant 0 : i32
          %dma_start3A_153 = tpu.memref_slice %arg3[%dma_start3A_148, %add3A_147, %dma_start3A_152] : memref<2x2500x128xi32, #tpu.memory_space<hbm>> -> memref<1x1x128xi32, #tpu.memory_space<hbm>>
          %dma_start3A_154 = tpu.memref_squeeze %dma_start3A_153 : memref<1x1x128xi32, #tpu.memory_space<hbm>> -> memref<1x128xi32, #tpu.memory_space<hbm>>
          %dma_start3A_155 = arith.constant 3 : i32
          %dma_start3A_156 = arith.constant 0 : i32
          %dma_start3A_157 = tpu.memref_slice %arg7[%dma_start3A_155, %dma_start3A_156] : memref<4x128xi32, #tpu.memory_space<vmem>> -> memref<1x128xi32, #tpu.memory_space<vmem>>
          %dma_start3A_158 = arith.constant 0 : i32
          %dma_start3A_159 = tpu.memref_slice %arg3[%dma_start3A_148, %add3A_147, %dma_start3A_158] : memref<2x2500x128xi32, #tpu.memory_space<hbm>> -> memref<1x1x128xi32, #tpu.memory_space<hbm>>
          %dma_start3A_160 = tpu.memref_squeeze %dma_start3A_159 : memref<1x1x128xi32, #tpu.memory_space<hbm>> -> memref<1x128xi32, #tpu.memory_space<hbm>>
          tpu.enqueue_dma source(%dma_start3A_160 : memref<1x128xi32, #tpu.memory_space<hbm>>) target(%dma_start3A_157 : memref<1x128xi32, #tpu.memory_space<vmem>>) target_semaphore(%arg18 : memref<!tpu.dma_semaphore, #tpu.memory_space<semaphore_mem>>)
          %add3A_161 = arith.constant 4 : i32
          %add3A_162 = arith.addi %add3A_95, %add3A_161 : i32
          %add3A_163 = arith.addi %mul3A_2, %add3A_162 : i32
          %dma_start3A_164 = arith.constant 1 : i32
          %dma_start3A_165 = arith.constant 3 : i32
          %dma_start3A_166 = arith.constant 0 : i32
          %dma_start3A_167 = tpu.memref_slice %arg6[%dma_start3A_165, %dma_start3A_166] : memref<4x128xi32, #tpu.memory_space<vmem>> -> memref<1x128xi32, #tpu.memory_space<vmem>>
          %dma_start3A_168 = arith.constant 0 : i32
          %dma_start3A_169 = tpu.memref_slice %arg3[%dma_start3A_164, %add3A_163, %dma_start3A_168] : memref<2x2500x128xi32, #tpu.memory_space<hbm>> -> memref<1x1x128xi32, #tpu.memory_space<hbm>>
          %dma_start3A_170 = tpu.memref_squeeze %dma_start3A_169 : memref<1x1x128xi32, #tpu.memory_space<hbm>> -> memref<1x128xi32, #tpu.memory_space<hbm>>
          %dma_start3A_171 = arith.constant 3 : i32
          %dma_start3A_172 = arith.constant 0 : i32
          %dma_start3A_173 = tpu.memref_slice %arg6[%dma_start3A_171, %dma_start3A_172] : memref<4x128xi32, #tpu.memory_space<vmem>> -> memref<1x128xi32, #tpu.memory_space<vmem>>
          %dma_start3A_174 = arith.constant 0 : i32
          %dma_start3A_175 = tpu.memref_slice %arg3[%dma_start3A_164, %add3A_163, %dma_start3A_174] : memref<2x2500x128xi32, #tpu.memory_space<hbm>> -> memref<1x1x128xi32, #tpu.memory_space<hbm>>
          %dma_start3A_176 = tpu.memref_squeeze %dma_start3A_175 : memref<1x1x128xi32, #tpu.memory_space<hbm>> -> memref<1x128xi32, #tpu.memory_space<hbm>>
          tpu.enqueue_dma source(%dma_start3A_176 : memref<1x128xi32, #tpu.memory_space<hbm>>) target(%dma_start3A_173 : memref<1x128xi32, #tpu.memory_space<vmem>>) target_semaphore(%arg22 : memref<!tpu.dma_semaphore, #tpu.memory_space<semaphore_mem>>)
        } else {
        }
        %add3A_139 = arith.constant 2 : i32
        %add3A_140 = arith.addi %add3A_95, %add3A_139 : i32
        %lt3A_141 = arith.cmpi slt, %add3A_140, %select_n3A : i32
        %convert_element_type3A_142 = arith.extui %lt3A_141 : i1 to i32
        %cond3A_143 = arith.constant 0 : i32
        %cond3A_144 = arith.cmpi ne, %convert_element_type3A_142, %cond3A_143 : i32
        scf.if %cond3A_144 {
          %add3A_145 = arith.constant 2 : i32
          %add3A_146 = arith.addi %add3A_95, %add3A_145 : i32
          %add3A_147 = arith.addi %mul3A_2, %add3A_146 : i32
          %dma_wait3A_148 = arith.constant 0 : i32
          %dma_wait3A_149 = arith.constant 1 : i32
          %dma_wait3A_150 = arith.constant 0 : i32
          %dma_wait3A_151 = tpu.memref_slice %arg7[%dma_wait3A_149, %dma_wait3A_150] : memref<4x128xi32, #tpu.memory_space<vmem>> -> memref<1x128xi32, #tpu.memory_space<vmem>>
          %dma_wait3A_152 = arith.constant 0 : i32
          %dma_wait3A_153 = tpu.memref_slice %arg3[%dma_wait3A_148, %add3A_147, %dma_wait3A_152] : memref<2x2500x128xi32, #tpu.memory_space<hbm>> -> memref<1x1x128xi32, #tpu.memory_space<hbm>>
          %dma_wait3A_154 = tpu.memref_squeeze %dma_wait3A_153 : memref<1x1x128xi32, #tpu.memory_space<hbm>> -> memref<1x128xi32, #tpu.memory_space<hbm>>
          %dma_wait3A_155 = arith.constant 1 : i32
          %dma_wait3A_156 = arith.constant 0 : i32
          %dma_wait3A_157 = tpu.memref_slice %arg7[%dma_wait3A_155, %dma_wait3A_156] : memref<4x128xi32, #tpu.memory_space<vmem>> -> memref<1x128xi32, #tpu.memory_space<vmem>>
          %dma_wait3A_158 = arith.constant 0 : i32
          %dma_wait3A_159 = tpu.memref_slice %arg3[%dma_wait3A_148, %add3A_147, %dma_wait3A_158] : memref<2x2500x128xi32, #tpu.memory_space<hbm>> -> memref<1x1x128xi32, #tpu.memory_space<hbm>>
          %dma_wait3A_160 = tpu.memref_squeeze %dma_wait3A_159 : memref<1x1x128xi32, #tpu.memory_space<hbm>> -> memref<1x128xi32, #tpu.memory_space<hbm>>
          tpu.wait_dma2 semaphore(%arg16 : memref<!tpu.dma_semaphore, #tpu.memory_space<semaphore_mem>>) src(%dma_wait3A_160 : memref<1x128xi32, #tpu.memory_space<hbm>>) dst(%dma_wait3A_157 : memref<1x128xi32, #tpu.memory_space<vmem>>)
          %add3A_161 = arith.constant 2 : i32
          %add3A_162 = arith.addi %add3A_95, %add3A_161 : i32
          %dma_start3A_163 = arith.constant 1 : i32
          %dma_start3A_164 = arith.constant 0 : i32
          %dma_start3A_165 = tpu.memref_slice %arg7[%dma_start3A_163, %dma_start3A_164] : memref<4x128xi32, #tpu.memory_space<vmem>> -> memref<1x128xi32, #tpu.memory_space<vmem>>
          %dma_start3A_166 = tpu.memref_squeeze %dma_start3A_165 : memref<1x128xi32, #tpu.memory_space<vmem>> -> memref<128xi32, #tpu.memory_space<vmem>>
          %dma_start3A_167 = arith.constant 0 : i32
          %dma_start3A_168 = arith.constant 0 : i32
          %dma_start3A_169 = tpu.memref_slice %arg2[%dma_start3A_167, %dma_start3A_168] : memref<10000x128xf32, #tpu.memory_space<hbm>> -> memref<10000x128xf32, #tpu.memory_space<hbm>>
          tpu.enqueue_indirect_dma source(%dma_start3A_169 : memref<10000x128xf32, #tpu.memory_space<hbm>>) target(%arg9 : memref<128x128xf32, #tpu.memory_space<vmem>>) offsets(%dma_start3A_166 : memref<128xi32, #tpu.memory_space<vmem>>) semaphore(%arg12 : memref<!tpu.dma_semaphore, #tpu.memory_space<semaphore_mem>>)
        } else {
        }
      } else {
      }
    }
    %scan3A_56 = arith.constant 20 : i32
    %barrier3A_57 = arith.constant 0 : index
    tpu.barrier barrier_id(%barrier3A_57)
    %eq3A = arith.constant 0 : i32
    %eq3A_58 = arith.cmpi eq, %arg0, %eq3A : i32
    %convert_element_type3A_59 = arith.extui %eq3A_58 : i1 to i32
    %cond3A_60 = arith.constant 0 : i32
    %cond3A_61 = arith.cmpi ne, %convert_element_type3A_59, %cond3A_60 : i32
    scf.if %cond3A_61 {
      "tpu.region"() ({
        %run_scoped3A = tpu.sem_alloc : memref<!tpu.dma_semaphore, #tpu.memory_space<semaphore_mem>>
        %dma_start3A = arith.constant 0 : i32
        %dma_start3A_67 = tpu.memref_slice %arg4[%mul3A_12, %dma_start3A] : memref<10240x128xf32, #tpu.memory_space<hbm>> -> memref<640x128xf32, #tpu.memory_space<hbm>>
        %dma_start3A_68 = arith.constant 0 : i32
        %dma_start3A_69 = tpu.memref_slice %arg10[%mul3A_12, %dma_start3A_68] : memref<10240x128xf32, #tpu.memory_space<vmem_shared>> -> memref<640x128xf32, #tpu.memory_space<vmem_shared>>
        tpu.enqueue_dma source(%dma_start3A_69 : memref<640x128xf32, #tpu.memory_space<vmem_shared>>) target(%dma_start3A_67 : memref<640x128xf32, #tpu.memory_space<hbm>>) target_semaphore(%run_scoped3A : memref<!tpu.dma_semaphore, #tpu.memory_space<semaphore_mem>>)
        %dma_wait3A = arith.constant 0 : i32
        %dma_wait3A_70 = tpu.memref_slice %arg4[%mul3A_12, %dma_wait3A] : memref<10240x128xf32, #tpu.memory_space<hbm>> -> memref<640x128xf32, #tpu.memory_space<hbm>>
        %dma_wait3A_71 = arith.constant 0 : i32
        %dma_wait3A_72 = tpu.memref_slice %arg10[%mul3A_12, %dma_wait3A_71] : memref<10240x128xf32, #tpu.memory_space<vmem_shared>> -> memref<640x128xf32, #tpu.memory_space<vmem_shared>>
        tpu.wait_dma2 semaphore(%run_scoped3A : memref<!tpu.dma_semaphore, #tpu.memory_space<semaphore_mem>>) src(%dma_wait3A_72 : memref<640x128xf32, #tpu.memory_space<vmem_shared>>) dst(%dma_wait3A_70 : memref<640x128xf32, #tpu.memory_space<hbm>>)
        tpu.yield
      }) : () -> ()
    } else {
    }
    %eq3A_62 = arith.constant 1 : i32
    %eq3A_63 = arith.cmpi eq, %arg0, %eq3A_62 : i32
    %convert_element_type3A_64 = arith.extui %eq3A_63 : i1 to i32
    %cond3A_65 = arith.constant 0 : i32
    %cond3A_66 = arith.cmpi ne, %convert_element_type3A_64, %cond3A_65 : i32
    scf.if %cond3A_66 {
      "tpu.region"() ({
        %run_scoped3A = tpu.sem_alloc : memref<!tpu.dma_semaphore, #tpu.memory_space<semaphore_mem>>
        %dma_start3A = arith.constant 0 : i32
        %dma_start3A_67 = tpu.memref_slice %arg5[%mul3A_12, %dma_start3A] : memref<10240x128xf32, #tpu.memory_space<hbm>> -> memref<640x128xf32, #tpu.memory_space<hbm>>
        %dma_start3A_68 = arith.constant 0 : i32
        %dma_start3A_69 = tpu.memref_slice %arg10[%mul3A_12, %dma_start3A_68] : memref<10240x128xf32, #tpu.memory_space<vmem_shared>> -> memref<640x128xf32, #tpu.memory_space<vmem_shared>>
        tpu.enqueue_dma source(%dma_start3A_69 : memref<640x128xf32, #tpu.memory_space<vmem_shared>>) target(%dma_start3A_67 : memref<640x128xf32, #tpu.memory_space<hbm>>) target_semaphore(%run_scoped3A : memref<!tpu.dma_semaphore, #tpu.memory_space<semaphore_mem>>)
        %dma_wait3A = arith.constant 0 : i32
        %dma_wait3A_70 = tpu.memref_slice %arg5[%mul3A_12, %dma_wait3A] : memref<10240x128xf32, #tpu.memory_space<hbm>> -> memref<640x128xf32, #tpu.memory_space<hbm>>
        %dma_wait3A_71 = arith.constant 0 : i32
        %dma_wait3A_72 = tpu.memref_slice %arg10[%mul3A_12, %dma_wait3A_71] : memref<10240x128xf32, #tpu.memory_space<vmem_shared>> -> memref<640x128xf32, #tpu.memory_space<vmem_shared>>
        tpu.wait_dma2 semaphore(%run_scoped3A : memref<!tpu.dma_semaphore, #tpu.memory_space<semaphore_mem>>) src(%dma_wait3A_72 : memref<640x128xf32, #tpu.memory_space<vmem_shared>>) dst(%dma_wait3A_70 : memref<640x128xf32, #tpu.memory_space<hbm>>)
        tpu.yield
      }) : () -> ()
    } else {
    }
    return
  }
}

#map = affine_map<(d0, d1) -> (0, 0)>
#map1 = affine_map<(d0, d1) -> (0, 0, 0)>
module attributes {stable_mosaic.version = 14 : i64} {
  func.func @_edge_pass(%arg0: i32, %arg1: i32, %arg2: memref<10000x128xf32, #tpu.memory_space<hbm>>, %arg3: memref<2x2500x128xi32, #tpu.memory_space<hbm>>, %arg4: memref<10240x128xf32, #tpu.memory_space<hbm>>, %arg5: memref<10240x128xf32, #tpu.memory_space<hbm>>, %arg6: memref<4x128xi32, #tpu.memory_space<vmem>>, %arg7: memref<4x128xi32, #tpu.memory_space<vmem>>, %arg8: memref<128x128xf32, #tpu.memory_space<vmem>>, %arg9: memref<128x128xf32, #tpu.memory_space<vmem>>, %arg10: memref<10240x128xf32, #tpu.memory_space<vmem_shared>>, %arg11: memref<!tpu.dma_semaphore, #tpu.memory_space<semaphore_mem>>, %arg12: memref<!tpu.dma_semaphore, #tpu.memory_space<semaphore_mem>>, %arg13: memref<!tpu.dma_semaphore, #tpu.memory_space<semaphore_mem>>, %arg14: memref<!tpu.dma_semaphore, #tpu.memory_space<semaphore_mem>>, %arg15: memref<!tpu.dma_semaphore, #tpu.memory_space<semaphore_mem>>, %arg16: memref<!tpu.dma_semaphore, #tpu.memory_space<semaphore_mem>>, %arg17: memref<!tpu.dma_semaphore, #tpu.memory_space<semaphore_mem>>, %arg18: memref<!tpu.dma_semaphore, #tpu.memory_space<semaphore_mem>>, %arg19: memref<!tpu.dma_semaphore, #tpu.memory_space<semaphore_mem>>, %arg20: memref<!tpu.dma_semaphore, #tpu.memory_space<semaphore_mem>>, %arg21: memref<!tpu.dma_semaphore, #tpu.memory_space<semaphore_mem>>, %arg22: memref<!tpu.dma_semaphore, #tpu.memory_space<semaphore_mem>>) attributes {dimension_semantics = [#tpu.dimension_semantics<core_parallel>, #tpu.dimension_semantics<subcore_parallel>], iteration_bounds = array<i64: 2, 16>, scalar_prefetch = 0 : i64, scratch_operands = 17 : i64, tpu.core_type = #tpu.core_type<sc_vector_subcore>, window_params = [{transform_indices = #map}, {transform_indices = #map1}, {transform_indices = #map}, {transform_indices = #map}]} {
    %mul3A = arith.constant 2 : i32
    %mul3A_0 = arith.muli %arg1, %mul3A : i32
    %add3A = arith.addi %mul3A_0, %arg0 : i32
    %mul3A_1 = arith.constant 80 : i32
    %mul3A_2 = arith.muli %add3A, %mul3A_1 : i32
    %lt3A = arith.constant 31 : i32
    %lt3A_3 = arith.cmpi slt, %add3A, %lt3A : i32
    %jit3A = arith.constant 80 : i32
    %jit3A_4 = arith.constant 20 : i32
    %select_n3A = arith.select %lt3A_3, %jit3A, %jit3A_4 : i32
    %broadcast_in_dim3A = arith.constant 0.000000e+00 : f32
    %broadcast_in_dim3A_5 = vector.broadcast %broadcast_in_dim3A : f32 to vector<16xf32>
    %scan3A = arith.constant 0 : i32
    %scan3A_6 = arith.constant 0 : i32
    %scan3A_7 = arith.constant 128 : i32
    %scan3A_8 = arith.addi %scan3A_6, %scan3A_7 : i32
    %scan3A_9 = arith.constant 1 : i32
    scf.for %scan3A_67 = %scan3A_6 to %scan3A_8 step %scan3A_9  : i32 {
      %swap3A = arith.index_cast %scan3A_67 : i32 to index
      %swap3A_68 = arith.constant 0 : index
      %swap3A_69 = tpu.vector_load %arg8[%swap3A, %swap3A_68] {strides = array<i32>} : memref<128x128xf32, #tpu.memory_space<vmem>>, vector<1x16xf32>,
      %swap3A_70 = vector.shape_cast %swap3A_69 : vector<1x16xf32> to vector<16xf32>
      %swap3A_71 = vector.shape_cast %broadcast_in_dim3A_5 : vector<16xf32> to vector<1x16xf32>
      tpu.vector_store %arg8[%swap3A, %swap3A_68], %swap3A_71 {strides = array<i32>} : memref<128x128xf32, #tpu.memory_space<vmem>>, vector<1x16xf32>,
      %swap3A_72 = arith.index_cast %scan3A_67 : i32 to index
      %swap3A_73 = arith.constant 16 : index
      %swap3A_74 = tpu.vector_load %arg8[%swap3A_72, %swap3A_73] {strides = array<i32>} : memref<128x128xf32, #tpu.memory_space<vmem>>, vector<1x16xf32>,
      %swap3A_75 = vector.shape_cast %swap3A_74 : vector<1x16xf32> to vector<16xf32>
      %swap3A_76 = vector.shape_cast %broadcast_in_dim3A_5 : vector<16xf32> to vector<1x16xf32>
      tpu.vector_store %arg8[%swap3A_72, %swap3A_73], %swap3A_76 {strides = array<i32>} : memref<128x128xf32, #tpu.memory_space<vmem>>, vector<1x16xf32>,
      %swap3A_77 = arith.index_cast %scan3A_67 : i32 to index
      %swap3A_78 = arith.constant 32 : index
      %swap3A_79 = tpu.vector_load %arg8[%swap3A_77, %swap3A_78] {strides = array<i32>} : memref<128x128xf32, #tpu.memory_space<vmem>>, vector<1x16xf32>,
      %swap3A_80 = vector.shape_cast %swap3A_79 : vector<1x16xf32> to vector<16xf32>
      %swap3A_81 = vector.shape_cast %broadcast_in_dim3A_5 : vector<16xf32> to vector<1x16xf32>
      tpu.vector_store %arg8[%swap3A_77, %swap3A_78], %swap3A_81 {strides = array<i32>} : memref<128x128xf32, #tpu.memory_space<vmem>>, vector<1x16xf32>,
      %swap3A_82 = arith.index_cast %scan3A_67 : i32 to index
      %swap3A_83 = arith.constant 48 : index
      %swap3A_84 = tpu.vector_load %arg8[%swap3A_82, %swap3A_83] {strides = array<i32>} : memref<128x128xf32, #tpu.memory_space<vmem>>, vector<1x16xf32>,
      %swap3A_85 = vector.shape_cast %swap3A_84 : vector<1x16xf32> to vector<16xf32>
      %swap3A_86 = vector.shape_cast %broadcast_in_dim3A_5 : vector<16xf32> to vector<1x16xf32>
      tpu.vector_store %arg8[%swap3A_82, %swap3A_83], %swap3A_86 {strides = array<i32>} : memref<128x128xf32, #tpu.memory_space<vmem>>, vector<1x16xf32>,
      %swap3A_87 = arith.index_cast %scan3A_67 : i32 to index
      %swap3A_88 = arith.constant 64 : index
      %swap3A_89 = tpu.vector_load %arg8[%swap3A_87, %swap3A_88] {strides = array<i32>} : memref<128x128xf32, #tpu.memory_space<vmem>>, vector<1x16xf32>,
      %swap3A_90 = vector.shape_cast %swap3A_89 : vector<1x16xf32> to vector<16xf32>
      %swap3A_91 = vector.shape_cast %broadcast_in_dim3A_5 : vector<16xf32> to vector<1x16xf32>
      tpu.vector_store %arg8[%swap3A_87, %swap3A_88], %swap3A_91 {strides = array<i32>} : memref<128x128xf32, #tpu.memory_space<vmem>>, vector<1x16xf32>,
      %swap3A_92 = arith.index_cast %scan3A_67 : i32 to index
      %swap3A_93 = arith.constant 80 : index
      %swap3A_94 = tpu.vector_load %arg8[%swap3A_92, %swap3A_93] {strides = array<i32>} : memref<128x128xf32, #tpu.memory_space<vmem>>, vector<1x16xf32>,
      %swap3A_95 = vector.shape_cast %swap3A_94 : vector<1x16xf32> to vector<16xf32>
      %swap3A_96 = vector.shape_cast %broadcast_in_dim3A_5 : vector<16xf32> to vector<1x16xf32>
      tpu.vector_store %arg8[%swap3A_92, %swap3A_93], %swap3A_96 {strides = array<i32>} : memref<128x128xf32, #tpu.memory_space<vmem>>, vector<1x16xf32>,
      %swap3A_97 = arith.index_cast %scan3A_67 : i32 to index
      %swap3A_98 = arith.constant 96 : index
      %swap3A_99 = tpu.vector_load %arg8[%swap3A_97, %swap3A_98] {strides = array<i32>} : memref<128x128xf32, #tpu.memory_space<vmem>>, vector<1x16xf32>,
      %swap3A_100 = vector.shape_cast %swap3A_99 : vector<1x16xf32> to vector<16xf32>
      %swap3A_101 = vector.shape_cast %broadcast_in_dim3A_5 : vector<16xf32> to vector<1x16xf32>
      tpu.vector_store %arg8[%swap3A_97, %swap3A_98], %swap3A_101 {strides = array<i32>} : memref<128x128xf32, #tpu.memory_space<vmem>>, vector<1x16xf32>,
      %swap3A_102 = arith.index_cast %scan3A_67 : i32 to index
      %swap3A_103 = arith.constant 112 : index
      %swap3A_104 = tpu.vector_load %arg8[%swap3A_102, %swap3A_103] {strides = array<i32>} : memref<128x128xf32, #tpu.memory_space<vmem>>, vector<1x16xf32>,
      %swap3A_105 = vector.shape_cast %swap3A_104 : vector<1x16xf32> to vector<16xf32>
      %swap3A_106 = vector.shape_cast %broadcast_in_dim3A_5 : vector<16xf32> to vector<1x16xf32>
      tpu.vector_store %arg8[%swap3A_102, %swap3A_103], %swap3A_106 {strides = array<i32>} : memref<128x128xf32, #tpu.memory_space<vmem>>, vector<1x16xf32>,
    }
    %scan3A_10 = arith.constant 128 : i32
    %mul3A_11 = arith.constant 640 : i32
    %mul3A_12 = arith.muli %arg1, %mul3A_11 : i32
    %add3A_13 = arith.constant 0 : i32
    %add3A_14 = arith.addi %mul3A_12, %add3A_13 : i32
    "tpu.region"() ({
      %run_scoped3A = tpu.sem_alloc : memref<!tpu.dma_semaphore, #tpu.memory_space<semaphore_mem>>
      %dma_start3A = arith.constant 0 : i32
      %dma_start3A_67 = tpu.memref_slice %arg10[%add3A_14, %dma_start3A] : memref<10240x128xf32, #tpu.memory_space<vmem_shared>> -> memref<128x128xf32, #tpu.memory_space<vmem_shared>>
      %dma_start3A_68 = arith.constant 0 : i32
      %dma_start3A_69 = tpu.memref_slice %arg10[%add3A_14, %dma_start3A_68] : memref<10240x128xf32, #tpu.memory_space<vmem_shared>> -> memref<128x128xf32, #tpu.memory_space<vmem_shared>>
      tpu.enqueue_dma source(%arg8 : memref<128x128xf32, #tpu.memory_space<vmem>>) target(%dma_start3A_69 : memref<128x128xf32, #tpu.memory_space<vmem_shared>>) target_semaphore(%run_scoped3A : memref<!tpu.dma_semaphore, #tpu.memory_space<semaphore_mem>>)
      %dma_wait3A = arith.constant 0 : i32
      %dma_wait3A_70 = tpu.memref_slice %arg10[%add3A_14, %dma_wait3A] : memref<10240x128xf32, #tpu.memory_space<vmem_shared>> -> memref<128x128xf32, #tpu.memory_space<vmem_shared>>
      %dma_wait3A_71 = arith.constant 0 : i32
      %dma_wait3A_72 = tpu.memref_slice %arg10[%add3A_14, %dma_wait3A_71] : memref<10240x128xf32, #tpu.memory_space<vmem_shared>> -> memref<128x128xf32, #tpu.memory_space<vmem_shared>>
      tpu.wait_dma2 semaphore(%run_scoped3A : memref<!tpu.dma_semaphore, #tpu.memory_space<semaphore_mem>>) src(%arg8 : memref<128x128xf32, #tpu.memory_space<vmem>>) dst(%dma_wait3A_72 : memref<128x128xf32, #tpu.memory_space<vmem_shared>>)
      tpu.yield
    }) : () -> ()
    %add3A_15 = arith.constant 128 : i32
    %add3A_16 = arith.addi %mul3A_12, %add3A_15 : i32
    "tpu.region"() ({
      %run_scoped3A = tpu.sem_alloc : memref<!tpu.dma_semaphore, #tpu.memory_space<semaphore_mem>>
      %dma_start3A = arith.constant 0 : i32
      %dma_start3A_67 = tpu.memref_slice %arg10[%add3A_16, %dma_start3A] : memref<10240x128xf32, #tpu.memory_space<vmem_shared>> -> memref<128x128xf32, #tpu.memory_space<vmem_shared>>
      %dma_start3A_68 = arith.constant 0 : i32
      %dma_start3A_69 = tpu.memref_slice %arg10[%add3A_16, %dma_start3A_68] : memref<10240x128xf32, #tpu.memory_space<vmem_shared>> -> memref<128x128xf32, #tpu.memory_space<vmem_shared>>
      tpu.enqueue_dma source(%arg8 : memref<128x128xf32, #tpu.memory_space<vmem>>) target(%dma_start3A_69 : memref<128x128xf32, #tpu.memory_space<vmem_shared>>) target_semaphore(%run_scoped3A : memref<!tpu.dma_semaphore, #tpu.memory_space<semaphore_mem>>)
      %dma_wait3A = arith.constant 0 : i32
      %dma_wait3A_70 = tpu.memref_slice %arg10[%add3A_16, %dma_wait3A] : memref<10240x128xf32, #tpu.memory_space<vmem_shared>> -> memref<128x128xf32, #tpu.memory_space<vmem_shared>>
      %dma_wait3A_71 = arith.constant 0 : i32
      %dma_wait3A_72 = tpu.memref_slice %arg10[%add3A_16, %dma_wait3A_71] : memref<10240x128xf32, #tpu.memory_space<vmem_shared>> -> memref<128x128xf32, #tpu.memory_space<vmem_shared>>
      tpu.wait_dma2 semaphore(%run_scoped3A : memref<!tpu.dma_semaphore, #tpu.memory_space<semaphore_mem>>) src(%arg8 : memref<128x128xf32, #tpu.memory_space<vmem>>) dst(%dma_wait3A_72 : memref<128x128xf32, #tpu.memory_space<vmem_shared>>)
      tpu.yield
    }) : () -> ()
    %add3A_17 = arith.constant 256 : i32
    %add3A_18 = arith.addi %mul3A_12, %add3A_17 : i32
    "tpu.region"() ({
      %run_scoped3A = tpu.sem_alloc : memref<!tpu.dma_semaphore, #tpu.memory_space<semaphore_mem>>
      %dma_start3A = arith.constant 0 : i32
      %dma_start3A_67 = tpu.memref_slice %arg10[%add3A_18, %dma_start3A] : memref<10240x128xf32, #tpu.memory_space<vmem_shared>> -> memref<128x128xf32, #tpu.memory_space<vmem_shared>>
      %dma_start3A_68 = arith.constant 0 : i32
      %dma_start3A_69 = tpu.memref_slice %arg10[%add3A_18, %dma_start3A_68] : memref<10240x128xf32, #tpu.memory_space<vmem_shared>> -> memref<128x128xf32, #tpu.memory_space<vmem_shared>>
      tpu.enqueue_dma source(%arg8 : memref<128x128xf32, #tpu.memory_space<vmem>>) target(%dma_start3A_69 : memref<128x128xf32, #tpu.memory_space<vmem_shared>>) target_semaphore(%run_scoped3A : memref<!tpu.dma_semaphore, #tpu.memory_space<semaphore_mem>>)
      %dma_wait3A = arith.constant 0 : i32
      %dma_wait3A_70 = tpu.memref_slice %arg10[%add3A_18, %dma_wait3A] : memref<10240x128xf32, #tpu.memory_space<vmem_shared>> -> memref<128x128xf32, #tpu.memory_space<vmem_shared>>
      %dma_wait3A_71 = arith.constant 0 : i32
      %dma_wait3A_72 = tpu.memref_slice %arg10[%add3A_18, %dma_wait3A_71] : memref<10240x128xf32, #tpu.memory_space<vmem_shared>> -> memref<128x128xf32, #tpu.memory_space<vmem_shared>>
      tpu.wait_dma2 semaphore(%run_scoped3A : memref<!tpu.dma_semaphore, #tpu.memory_space<semaphore_mem>>) src(%arg8 : memref<128x128xf32, #tpu.memory_space<vmem>>) dst(%dma_wait3A_72 : memref<128x128xf32, #tpu.memory_space<vmem_shared>>)
      tpu.yield
    }) : () -> ()
    %add3A_19 = arith.constant 384 : i32
    %add3A_20 = arith.addi %mul3A_12, %add3A_19 : i32
    "tpu.region"() ({
      %run_scoped3A = tpu.sem_alloc : memref<!tpu.dma_semaphore, #tpu.memory_space<semaphore_mem>>
      %dma_start3A = arith.constant 0 : i32
      %dma_start3A_67 = tpu.memref_slice %arg10[%add3A_20, %dma_start3A] : memref<10240x128xf32, #tpu.memory_space<vmem_shared>> -> memref<128x128xf32, #tpu.memory_space<vmem_shared>>
      %dma_start3A_68 = arith.constant 0 : i32
      %dma_start3A_69 = tpu.memref_slice %arg10[%add3A_20, %dma_start3A_68] : memref<10240x128xf32, #tpu.memory_space<vmem_shared>> -> memref<128x128xf32, #tpu.memory_space<vmem_shared>>
      tpu.enqueue_dma source(%arg8 : memref<128x128xf32, #tpu.memory_space<vmem>>) target(%dma_start3A_69 : memref<128x128xf32, #tpu.memory_space<vmem_shared>>) target_semaphore(%run_scoped3A : memref<!tpu.dma_semaphore, #tpu.memory_space<semaphore_mem>>)
      %dma_wait3A = arith.constant 0 : i32
      %dma_wait3A_70 = tpu.memref_slice %arg10[%add3A_20, %dma_wait3A] : memref<10240x128xf32, #tpu.memory_space<vmem_shared>> -> memref<128x128xf32, #tpu.memory_space<vmem_shared>>
      %dma_wait3A_71 = arith.constant 0 : i32
      %dma_wait3A_72 = tpu.memref_slice %arg10[%add3A_20, %dma_wait3A_71] : memref<10240x128xf32, #tpu.memory_space<vmem_shared>> -> memref<128x128xf32, #tpu.memory_space<vmem_shared>>
      tpu.wait_dma2 semaphore(%run_scoped3A : memref<!tpu.dma_semaphore, #tpu.memory_space<semaphore_mem>>) src(%arg8 : memref<128x128xf32, #tpu.memory_space<vmem>>) dst(%dma_wait3A_72 : memref<128x128xf32, #tpu.memory_space<vmem_shared>>)
      tpu.yield
    }) : () -> ()
    %add3A_21 = arith.constant 512 : i32
    %add3A_22 = arith.addi %mul3A_12, %add3A_21 : i32
    "tpu.region"() ({
      %run_scoped3A = tpu.sem_alloc : memref<!tpu.dma_semaphore, #tpu.memory_space<semaphore_mem>>
      %dma_start3A = arith.constant 0 : i32
      %dma_start3A_67 = tpu.memref_slice %arg10[%add3A_22, %dma_start3A] : memref<10240x128xf32, #tpu.memory_space<vmem_shared>> -> memref<128x128xf32, #tpu.memory_space<vmem_shared>>
      %dma_start3A_68 = arith.constant 0 : i32
      %dma_start3A_69 = tpu.memref_slice %arg10[%add3A_22, %dma_start3A_68] : memref<10240x128xf32, #tpu.memory_space<vmem_shared>> -> memref<128x128xf32, #tpu.memory_space<vmem_shared>>
      tpu.enqueue_dma source(%arg8 : memref<128x128xf32, #tpu.memory_space<vmem>>) target(%dma_start3A_69 : memref<128x128xf32, #tpu.memory_space<vmem_shared>>) target_semaphore(%run_scoped3A : memref<!tpu.dma_semaphore, #tpu.memory_space<semaphore_mem>>)
      %dma_wait3A = arith.constant 0 : i32
      %dma_wait3A_70 = tpu.memref_slice %arg10[%add3A_22, %dma_wait3A] : memref<10240x128xf32, #tpu.memory_space<vmem_shared>> -> memref<128x128xf32, #tpu.memory_space<vmem_shared>>
      %dma_wait3A_71 = arith.constant 0 : i32
      %dma_wait3A_72 = tpu.memref_slice %arg10[%add3A_22, %dma_wait3A_71] : memref<10240x128xf32, #tpu.memory_space<vmem_shared>> -> memref<128x128xf32, #tpu.memory_space<vmem_shared>>
      tpu.wait_dma2 semaphore(%run_scoped3A : memref<!tpu.dma_semaphore, #tpu.memory_space<semaphore_mem>>) src(%arg8 : memref<128x128xf32, #tpu.memory_space<vmem>>) dst(%dma_wait3A_72 : memref<128x128xf32, #tpu.memory_space<vmem_shared>>)
      tpu.yield
    }) : () -> ()
    %barrier3A = arith.constant 0 : index
    tpu.barrier barrier_id(%barrier3A)
    %lt3A_23 = arith.constant 0 : i32
    %lt3A_24 = arith.cmpi slt, %lt3A_23, %select_n3A : i32
    %convert_element_type3A = arith.extui %lt3A_24 : i1 to i32
    %cond3A = arith.constant 0 : i32
    %cond3A_25 = arith.cmpi ne, %convert_element_type3A, %cond3A : i32
    scf.if %cond3A_25 {
      %add3A_67 = arith.constant 0 : i32
      %add3A_68 = arith.addi %mul3A_2, %add3A_67 : i32
      %dma_start3A = arith.constant 0 : i32
      %dma_start3A_69 = arith.constant 0 : i32
      %dma_start3A_70 = arith.constant 0 : i32
      %dma_start3A_71 = tpu.memref_slice %arg7[%dma_start3A_69, %dma_start3A_70] : memref<4x128xi32, #tpu.memory_space<vmem>> -> memref<1x128xi32, #tpu.memory_space<vmem>>
      %dma_start3A_72 = arith.constant 0 : i32
      %dma_start3A_73 = tpu.memref_slice %arg3[%dma_start3A, %add3A_68, %dma_start3A_72] : memref<2x2500x128xi32, #tpu.memory_space<hbm>> -> memref<1x1x128xi32, #tpu.memory_space<hbm>>
      %dma_start3A_74 = tpu.memref_squeeze %dma_start3A_73 : memref<1x1x128xi32, #tpu.memory_space<hbm>> -> memref<1x128xi32, #tpu.memory_space<hbm>>
      %dma_start3A_75 = arith.constant 0 : i32
      %dma_start3A_76 = arith.constant 0 : i32
      %dma_start3A_77 = tpu.memref_slice %arg7[%dma_start3A_75, %dma_start3A_76] : memref<4x128xi32, #tpu.memory_space<vmem>> -> memref<1x128xi32, #tpu.memory_space<vmem>>
      %dma_start3A_78 = arith.constant 0 : i32
      %dma_start3A_79 = tpu.memref_slice %arg3[%dma_start3A, %add3A_68, %dma_start3A_78] : memref<2x2500x128xi32, #tpu.memory_space<hbm>> -> memref<1x1x128xi32, #tpu.memory_space<hbm>>
      %dma_start3A_80 = tpu.memref_squeeze %dma_start3A_79 : memref<1x1x128xi32, #tpu.memory_space<hbm>> -> memref<1x128xi32, #tpu.memory_space<hbm>>
      tpu.enqueue_dma source(%dma_start3A_80 : memref<1x128xi32, #tpu.memory_space<hbm>>) target(%dma_start3A_77 : memref<1x128xi32, #tpu.memory_space<vmem>>) target_semaphore(%arg15 : memref<!tpu.dma_semaphore, #tpu.memory_space<semaphore_mem>>)
      %add3A_81 = arith.constant 0 : i32
      %add3A_82 = arith.addi %mul3A_2, %add3A_81 : i32
      %dma_start3A_83 = arith.constant 1 : i32
      %dma_start3A_84 = arith.constant 0 : i32
      %dma_start3A_85 = arith.constant 0 : i32
      %dma_start3A_86 = tpu.memref_slice %arg6[%dma_start3A_84, %dma_start3A_85] : memref<4x128xi32, #tpu.memory_space<vmem>> -> memref<1x128xi32, #tpu.memory_space<vmem>>
      %dma_start3A_87 = arith.constant 0 : i32
      %dma_start3A_88 = tpu.memref_slice %arg3[%dma_start3A_83, %add3A_82, %dma_start3A_87] : memref<2x2500x128xi32, #tpu.memory_space<hbm>> -> memref<1x1x128xi32, #tpu.memory_space<hbm>>
      %dma_start3A_89 = tpu.memref_squeeze %dma_start3A_88 : memref<1x1x128xi32, #tpu.memory_space<hbm>> -> memref<1x128xi32, #tpu.memory_space<hbm>>
      %dma_start3A_90 = arith.constant 0 : i32
      %dma_start3A_91 = arith.constant 0 : i32
      %dma_start3A_92 = tpu.memref_slice %arg6[%dma_start3A_90, %dma_start3A_91] : memref<4x128xi32, #tpu.memory_space<vmem>> -> memref<1x128xi32, #tpu.memory_space<vmem>>
      %dma_start3A_93 = arith.constant 0 : i32
      %dma_start3A_94 = tpu.memref_slice %arg3[%dma_start3A_83, %add3A_82, %dma_start3A_93] : memref<2x2500x128xi32, #tpu.memory_space<hbm>> -> memref<1x1x128xi32, #tpu.memory_space<hbm>>
      %dma_start3A_95 = tpu.memref_squeeze %dma_start3A_94 : memref<1x1x128xi32, #tpu.memory_space<hbm>> -> memref<1x128xi32, #tpu.memory_space<hbm>>
      tpu.enqueue_dma source(%dma_start3A_95 : memref<1x128xi32, #tpu.memory_space<hbm>>) target(%dma_start3A_92 : memref<1x128xi32, #tpu.memory_space<vmem>>) target_semaphore(%arg19 : memref<!tpu.dma_semaphore, #tpu.memory_space<semaphore_mem>>)
    } else {
    }
    %lt3A_26 = arith.constant 1 : i32
    %lt3A_27 = arith.cmpi slt, %lt3A_26, %select_n3A : i32
    %convert_element_type3A_28 = arith.extui %lt3A_27 : i1 to i32
    %cond3A_29 = arith.constant 0 : i32
    %cond3A_30 = arith.cmpi ne, %convert_element_type3A_28, %cond3A_29 : i32
    scf.if %cond3A_30 {
      %add3A_67 = arith.constant 1 : i32
      %add3A_68 = arith.addi %mul3A_2, %add3A_67 : i32
      %dma_start3A = arith.constant 0 : i32
      %dma_start3A_69 = arith.constant 1 : i32
      %dma_start3A_70 = arith.constant 0 : i32
      %dma_start3A_71 = tpu.memref_slice %arg7[%dma_start3A_69, %dma_start3A_70] : memref<4x128xi32, #tpu.memory_space<vmem>> -> memref<1x128xi32, #tpu.memory_space<vmem>>
      %dma_start3A_72 = arith.constant 0 : i32
      %dma_start3A_73 = tpu.memref_slice %arg3[%dma_start3A, %add3A_68, %dma_start3A_72] : memref<2x2500x128xi32, #tpu.memory_space<hbm>> -> memref<1x1x128xi32, #tpu.memory_space<hbm>>
      %dma_start3A_74 = tpu.memref_squeeze %dma_start3A_73 : memref<1x1x128xi32, #tpu.memory_space<hbm>> -> memref<1x128xi32, #tpu.memory_space<hbm>>
      %dma_start3A_75 = arith.constant 1 : i32
      %dma_start3A_76 = arith.constant 0 : i32
      %dma_start3A_77 = tpu.memref_slice %arg7[%dma_start3A_75, %dma_start3A_76] : memref<4x128xi32, #tpu.memory_space<vmem>> -> memref<1x128xi32, #tpu.memory_space<vmem>>
      %dma_start3A_78 = arith.constant 0 : i32
      %dma_start3A_79 = tpu.memref_slice %arg3[%dma_start3A, %add3A_68, %dma_start3A_78] : memref<2x2500x128xi32, #tpu.memory_space<hbm>> -> memref<1x1x128xi32, #tpu.memory_space<hbm>>
      %dma_start3A_80 = tpu.memref_squeeze %dma_start3A_79 : memref<1x1x128xi32, #tpu.memory_space<hbm>> -> memref<1x128xi32, #tpu.memory_space<hbm>>
      tpu.enqueue_dma source(%dma_start3A_80 : memref<1x128xi32, #tpu.memory_space<hbm>>) target(%dma_start3A_77 : memref<1x128xi32, #tpu.memory_space<vmem>>) target_semaphore(%arg16 : memref<!tpu.dma_semaphore, #tpu.memory_space<semaphore_mem>>)
      %add3A_81 = arith.constant 1 : i32
      %add3A_82 = arith.addi %mul3A_2, %add3A_81 : i32
      %dma_start3A_83 = arith.constant 1 : i32
      %dma_start3A_84 = arith.constant 1 : i32
      %dma_start3A_85 = arith.constant 0 : i32
      %dma_start3A_86 = tpu.memref_slice %arg6[%dma_start3A_84, %dma_start3A_85] : memref<4x128xi32, #tpu.memory_space<vmem>> -> memref<1x128xi32, #tpu.memory_space<vmem>>
      %dma_start3A_87 = arith.constant 0 : i32
      %dma_start3A_88 = tpu.memref_slice %arg3[%dma_start3A_83, %add3A_82, %dma_start3A_87] : memref<2x2500x128xi32, #tpu.memory_space<hbm>> -> memref<1x1x128xi32, #tpu.memory_space<hbm>>
      %dma_start3A_89 = tpu.memref_squeeze %dma_start3A_88 : memref<1x1x128xi32, #tpu.memory_space<hbm>> -> memref<1x128xi32, #tpu.memory_space<hbm>>
      %dma_start3A_90 = arith.constant 1 : i32
      %dma_start3A_91 = arith.constant 0 : i32
      %dma_start3A_92 = tpu.memref_slice %arg6[%dma_start3A_90, %dma_start3A_91] : memref<4x128xi32, #tpu.memory_space<vmem>> -> memref<1x128xi32, #tpu.memory_space<vmem>>
      %dma_start3A_93 = arith.constant 0 : i32
      %dma_start3A_94 = tpu.memref_slice %arg3[%dma_start3A_83, %add3A_82, %dma_start3A_93] : memref<2x2500x128xi32, #tpu.memory_space<hbm>> -> memref<1x1x128xi32, #tpu.memory_space<hbm>>
      %dma_start3A_95 = tpu.memref_squeeze %dma_start3A_94 : memref<1x1x128xi32, #tpu.memory_space<hbm>> -> memref<1x128xi32, #tpu.memory_space<hbm>>
      tpu.enqueue_dma source(%dma_start3A_95 : memref<1x128xi32, #tpu.memory_space<hbm>>) target(%dma_start3A_92 : memref<1x128xi32, #tpu.memory_space<vmem>>) target_semaphore(%arg20 : memref<!tpu.dma_semaphore, #tpu.memory_space<semaphore_mem>>)
    } else {
    }
    %lt3A_31 = arith.constant 2 : i32
    %lt3A_32 = arith.cmpi slt, %lt3A_31, %select_n3A : i32
    %convert_element_type3A_33 = arith.extui %lt3A_32 : i1 to i32
    %cond3A_34 = arith.constant 0 : i32
    %cond3A_35 = arith.cmpi ne, %convert_element_type3A_33, %cond3A_34 : i32
    scf.if %cond3A_35 {
      %add3A_67 = arith.constant 2 : i32
      %add3A_68 = arith.addi %mul3A_2, %add3A_67 : i32
      %dma_start3A = arith.constant 0 : i32
      %dma_start3A_69 = arith.constant 2 : i32
      %dma_start3A_70 = arith.constant 0 : i32
      %dma_start3A_71 = tpu.memref_slice %arg7[%dma_start3A_69, %dma_start3A_70] : memref<4x128xi32, #tpu.memory_space<vmem>> -> memref<1x128xi32, #tpu.memory_space<vmem>>
      %dma_start3A_72 = arith.constant 0 : i32
      %dma_start3A_73 = tpu.memref_slice %arg3[%dma_start3A, %add3A_68, %dma_start3A_72] : memref<2x2500x128xi32, #tpu.memory_space<hbm>> -> memref<1x1x128xi32, #tpu.memory_space<hbm>>
      %dma_start3A_74 = tpu.memref_squeeze %dma_start3A_73 : memref<1x1x128xi32, #tpu.memory_space<hbm>> -> memref<1x128xi32, #tpu.memory_space<hbm>>
      %dma_start3A_75 = arith.constant 2 : i32
      %dma_start3A_76 = arith.constant 0 : i32
      %dma_start3A_77 = tpu.memref_slice %arg7[%dma_start3A_75, %dma_start3A_76] : memref<4x128xi32, #tpu.memory_space<vmem>> -> memref<1x128xi32, #tpu.memory_space<vmem>>
      %dma_start3A_78 = arith.constant 0 : i32
      %dma_start3A_79 = tpu.memref_slice %arg3[%dma_start3A, %add3A_68, %dma_start3A_78] : memref<2x2500x128xi32, #tpu.memory_space<hbm>> -> memref<1x1x128xi32, #tpu.memory_space<hbm>>
      %dma_start3A_80 = tpu.memref_squeeze %dma_start3A_79 : memref<1x1x128xi32, #tpu.memory_space<hbm>> -> memref<1x128xi32, #tpu.memory_space<hbm>>
      tpu.enqueue_dma source(%dma_start3A_80 : memref<1x128xi32, #tpu.memory_space<hbm>>) target(%dma_start3A_77 : memref<1x128xi32, #tpu.memory_space<vmem>>) target_semaphore(%arg17 : memref<!tpu.dma_semaphore, #tpu.memory_space<semaphore_mem>>)
      %add3A_81 = arith.constant 2 : i32
      %add3A_82 = arith.addi %mul3A_2, %add3A_81 : i32
      %dma_start3A_83 = arith.constant 1 : i32
      %dma_start3A_84 = arith.constant 2 : i32
      %dma_start3A_85 = arith.constant 0 : i32
      %dma_start3A_86 = tpu.memref_slice %arg6[%dma_start3A_84, %dma_start3A_85] : memref<4x128xi32, #tpu.memory_space<vmem>> -> memref<1x128xi32, #tpu.memory_space<vmem>>
      %dma_start3A_87 = arith.constant 0 : i32
      %dma_start3A_88 = tpu.memref_slice %arg3[%dma_start3A_83, %add3A_82, %dma_start3A_87] : memref<2x2500x128xi32, #tpu.memory_space<hbm>> -> memref<1x1x128xi32, #tpu.memory_space<hbm>>
      %dma_start3A_89 = tpu.memref_squeeze %dma_start3A_88 : memref<1x1x128xi32, #tpu.memory_space<hbm>> -> memref<1x128xi32, #tpu.memory_space<hbm>>
      %dma_start3A_90 = arith.constant 2 : i32
      %dma_start3A_91 = arith.constant 0 : i32
      %dma_start3A_92 = tpu.memref_slice %arg6[%dma_start3A_90, %dma_start3A_91] : memref<4x128xi32, #tpu.memory_space<vmem>> -> memref<1x128xi32, #tpu.memory_space<vmem>>
      %dma_start3A_93 = arith.constant 0 : i32
      %dma_start3A_94 = tpu.memref_slice %arg3[%dma_start3A_83, %add3A_82, %dma_start3A_93] : memref<2x2500x128xi32, #tpu.memory_space<hbm>> -> memref<1x1x128xi32, #tpu.memory_space<hbm>>
      %dma_start3A_95 = tpu.memref_squeeze %dma_start3A_94 : memref<1x1x128xi32, #tpu.memory_space<hbm>> -> memref<1x128xi32, #tpu.memory_space<hbm>>
      tpu.enqueue_dma source(%dma_start3A_95 : memref<1x128xi32, #tpu.memory_space<hbm>>) target(%dma_start3A_92 : memref<1x128xi32, #tpu.memory_space<vmem>>) target_semaphore(%arg21 : memref<!tpu.dma_semaphore, #tpu.memory_space<semaphore_mem>>)
    } else {
    }
    %lt3A_36 = arith.constant 3 : i32
    %lt3A_37 = arith.cmpi slt, %lt3A_36, %select_n3A : i32
    %convert_element_type3A_38 = arith.extui %lt3A_37 : i1 to i32
    %cond3A_39 = arith.constant 0 : i32
    %cond3A_40 = arith.cmpi ne, %convert_element_type3A_38, %cond3A_39 : i32
    scf.if %cond3A_40 {
      %add3A_67 = arith.constant 3 : i32
      %add3A_68 = arith.addi %mul3A_2, %add3A_67 : i32
      %dma_start3A = arith.constant 0 : i32
      %dma_start3A_69 = arith.constant 3 : i32
      %dma_start3A_70 = arith.constant 0 : i32
      %dma_start3A_71 = tpu.memref_slice %arg7[%dma_start3A_69, %dma_start3A_70] : memref<4x128xi32, #tpu.memory_space<vmem>> -> memref<1x128xi32, #tpu.memory_space<vmem>>
      %dma_start3A_72 = arith.constant 0 : i32
      %dma_start3A_73 = tpu.memref_slice %arg3[%dma_start3A, %add3A_68, %dma_start3A_72] : memref<2x2500x128xi32, #tpu.memory_space<hbm>> -> memref<1x1x128xi32, #tpu.memory_space<hbm>>
      %dma_start3A_74 = tpu.memref_squeeze %dma_start3A_73 : memref<1x1x128xi32, #tpu.memory_space<hbm>> -> memref<1x128xi32, #tpu.memory_space<hbm>>
      %dma_start3A_75 = arith.constant 3 : i32
      %dma_start3A_76 = arith.constant 0 : i32
      %dma_start3A_77 = tpu.memref_slice %arg7[%dma_start3A_75, %dma_start3A_76] : memref<4x128xi32, #tpu.memory_space<vmem>> -> memref<1x128xi32, #tpu.memory_space<vmem>>
      %dma_start3A_78 = arith.constant 0 : i32
      %dma_start3A_79 = tpu.memref_slice %arg3[%dma_start3A, %add3A_68, %dma_start3A_78] : memref<2x2500x128xi32, #tpu.memory_space<hbm>> -> memref<1x1x128xi32, #tpu.memory_space<hbm>>
      %dma_start3A_80 = tpu.memref_squeeze %dma_start3A_79 : memref<1x1x128xi32, #tpu.memory_space<hbm>> -> memref<1x128xi32, #tpu.memory_space<hbm>>
      tpu.enqueue_dma source(%dma_start3A_80 : memref<1x128xi32, #tpu.memory_space<hbm>>) target(%dma_start3A_77 : memref<1x128xi32, #tpu.memory_space<vmem>>) target_semaphore(%arg18 : memref<!tpu.dma_semaphore, #tpu.memory_space<semaphore_mem>>)
      %add3A_81 = arith.constant 3 : i32
      %add3A_82 = arith.addi %mul3A_2, %add3A_81 : i32
      %dma_start3A_83 = arith.constant 1 : i32
      %dma_start3A_84 = arith.constant 3 : i32
      %dma_start3A_85 = arith.constant 0 : i32
      %dma_start3A_86 = tpu.memref_slice %arg6[%dma_start3A_84, %dma_start3A_85] : memref<4x128xi32, #tpu.memory_space<vmem>> -> memref<1x128xi32, #tpu.memory_space<vmem>>
      %dma_start3A_87 = arith.constant 0 : i32
      %dma_start3A_88 = tpu.memref_slice %arg3[%dma_start3A_83, %add3A_82, %dma_start3A_87] : memref<2x2500x128xi32, #tpu.memory_space<hbm>> -> memref<1x1x128xi32, #tpu.memory_space<hbm>>
      %dma_start3A_89 = tpu.memref_squeeze %dma_start3A_88 : memref<1x1x128xi32, #tpu.memory_space<hbm>> -> memref<1x128xi32, #tpu.memory_space<hbm>>
      %dma_start3A_90 = arith.constant 3 : i32
      %dma_start3A_91 = arith.constant 0 : i32
      %dma_start3A_92 = tpu.memref_slice %arg6[%dma_start3A_90, %dma_start3A_91] : memref<4x128xi32, #tpu.memory_space<vmem>> -> memref<1x128xi32, #tpu.memory_space<vmem>>
      %dma_start3A_93 = arith.constant 0 : i32
      %dma_start3A_94 = tpu.memref_slice %arg3[%dma_start3A_83, %add3A_82, %dma_start3A_93] : memref<2x2500x128xi32, #tpu.memory_space<hbm>> -> memref<1x1x128xi32, #tpu.memory_space<hbm>>
      %dma_start3A_95 = tpu.memref_squeeze %dma_start3A_94 : memref<1x1x128xi32, #tpu.memory_space<hbm>> -> memref<1x128xi32, #tpu.memory_space<hbm>>
      tpu.enqueue_dma source(%dma_start3A_95 : memref<1x128xi32, #tpu.memory_space<hbm>>) target(%dma_start3A_92 : memref<1x128xi32, #tpu.memory_space<vmem>>) target_semaphore(%arg22 : memref<!tpu.dma_semaphore, #tpu.memory_space<semaphore_mem>>)
    } else {
    }
    %lt3A_41 = arith.constant 0 : i32
    %lt3A_42 = arith.cmpi slt, %lt3A_41, %select_n3A : i32
    %convert_element_type3A_43 = arith.extui %lt3A_42 : i1 to i32
    %cond3A_44 = arith.constant 0 : i32
    %cond3A_45 = arith.cmpi ne, %convert_element_type3A_43, %cond3A_44 : i32
    scf.if %cond3A_45 {
      %add3A_67 = arith.constant 0 : i32
      %add3A_68 = arith.addi %mul3A_2, %add3A_67 : i32
      %dma_wait3A = arith.constant 0 : i32
      %dma_wait3A_69 = arith.constant 0 : i32
      %dma_wait3A_70 = arith.constant 0 : i32
      %dma_wait3A_71 = tpu.memref_slice %arg7[%dma_wait3A_69, %dma_wait3A_70] : memref<4x128xi32, #tpu.memory_space<vmem>> -> memref<1x128xi32, #tpu.memory_space<vmem>>
      %dma_wait3A_72 = arith.constant 0 : i32
      %dma_wait3A_73 = tpu.memref_slice %arg3[%dma_wait3A, %add3A_68, %dma_wait3A_72] : memref<2x2500x128xi32, #tpu.memory_space<hbm>> -> memref<1x1x128xi32, #tpu.memory_space<hbm>>
      %dma_wait3A_74 = tpu.memref_squeeze %dma_wait3A_73 : memref<1x1x128xi32, #tpu.memory_space<hbm>> -> memref<1x128xi32, #tpu.memory_space<hbm>>
      %dma_wait3A_75 = arith.constant 0 : i32
      %dma_wait3A_76 = arith.constant 0 : i32
      %dma_wait3A_77 = tpu.memref_slice %arg7[%dma_wait3A_75, %dma_wait3A_76] : memref<4x128xi32, #tpu.memory_space<vmem>> -> memref<1x128xi32, #tpu.memory_space<vmem>>
      %dma_wait3A_78 = arith.constant 0 : i32
      %dma_wait3A_79 = tpu.memref_slice %arg3[%dma_wait3A, %add3A_68, %dma_wait3A_78] : memref<2x2500x128xi32, #tpu.memory_space<hbm>> -> memref<1x1x128xi32, #tpu.memory_space<hbm>>
      %dma_wait3A_80 = tpu.memref_squeeze %dma_wait3A_79 : memref<1x1x128xi32, #tpu.memory_space<hbm>> -> memref<1x128xi32, #tpu.memory_space<hbm>>
      tpu.wait_dma2 semaphore(%arg15 : memref<!tpu.dma_semaphore, #tpu.memory_space<semaphore_mem>>) src(%dma_wait3A_80 : memref<1x128xi32, #tpu.memory_space<hbm>>) dst(%dma_wait3A_77 : memref<1x128xi32, #tpu.memory_space<vmem>>)
      %dma_start3A = arith.constant 0 : i32
      %dma_start3A_81 = arith.constant 0 : i32
      %dma_start3A_82 = tpu.memref_slice %arg7[%dma_start3A, %dma_start3A_81] : memref<4x128xi32, #tpu.memory_space<vmem>> -> memref<1x128xi32, #tpu.memory_space<vmem>>
      %dma_start3A_83 = tpu.memref_squeeze %dma_start3A_82 : memref<1x128xi32, #tpu.memory_space<vmem>> -> memref<128xi32, #tpu.memory_space<vmem>>
      %dma_start3A_84 = arith.constant 0 : i32
      %dma_start3A_85 = arith.constant 0 : i32
      %dma_start3A_86 = tpu.memref_slice %arg2[%dma_start3A_84, %dma_start3A_85] : memref<10000x128xf32, #tpu.memory_space<hbm>> -> memref<10000x128xf32, #tpu.memory_space<hbm>>
      tpu.enqueue_indirect_dma source(%dma_start3A_86 : memref<10000x128xf32, #tpu.memory_space<hbm>>) target(%arg8 : memref<128x128xf32, #tpu.memory_space<vmem>>) offsets(%dma_start3A_83 : memref<128xi32, #tpu.memory_space<vmem>>) semaphore(%arg11 : memref<!tpu.dma_semaphore, #tpu.memory_space<semaphore_mem>>)
    } else {
    }
    %lt3A_46 = arith.constant 1 : i32
    %lt3A_47 = arith.cmpi slt, %lt3A_46, %select_n3A : i32
    %convert_element_type3A_48 = arith.extui %lt3A_47 : i1 to i32
    %cond3A_49 = arith.constant 0 : i32
    %cond3A_50 = arith.cmpi ne, %convert_element_type3A_48, %cond3A_49 : i32
    scf.if %cond3A_50 {
      %add3A_67 = arith.constant 1 : i32
      %add3A_68 = arith.addi %mul3A_2, %add3A_67 : i32
      %dma_wait3A = arith.constant 0 : i32
      %dma_wait3A_69 = arith.constant 1 : i32
      %dma_wait3A_70 = arith.constant 0 : i32
      %dma_wait3A_71 = tpu.memref_slice %arg7[%dma_wait3A_69, %dma_wait3A_70] : memref<4x128xi32, #tpu.memory_space<vmem>> -> memref<1x128xi32, #tpu.memory_space<vmem>>
      %dma_wait3A_72 = arith.constant 0 : i32
      %dma_wait3A_73 = tpu.memref_slice %arg3[%dma_wait3A, %add3A_68, %dma_wait3A_72] : memref<2x2500x128xi32, #tpu.memory_space<hbm>> -> memref<1x1x128xi32, #tpu.memory_space<hbm>>
      %dma_wait3A_74 = tpu.memref_squeeze %dma_wait3A_73 : memref<1x1x128xi32, #tpu.memory_space<hbm>> -> memref<1x128xi32, #tpu.memory_space<hbm>>
      %dma_wait3A_75 = arith.constant 1 : i32
      %dma_wait3A_76 = arith.constant 0 : i32
      %dma_wait3A_77 = tpu.memref_slice %arg7[%dma_wait3A_75, %dma_wait3A_76] : memref<4x128xi32, #tpu.memory_space<vmem>> -> memref<1x128xi32, #tpu.memory_space<vmem>>
      %dma_wait3A_78 = arith.constant 0 : i32
      %dma_wait3A_79 = tpu.memref_slice %arg3[%dma_wait3A, %add3A_68, %dma_wait3A_78] : memref<2x2500x128xi32, #tpu.memory_space<hbm>> -> memref<1x1x128xi32, #tpu.memory_space<hbm>>
      %dma_wait3A_80 = tpu.memref_squeeze %dma_wait3A_79 : memref<1x1x128xi32, #tpu.memory_space<hbm>> -> memref<1x128xi32, #tpu.memory_space<hbm>>
      tpu.wait_dma2 semaphore(%arg16 : memref<!tpu.dma_semaphore, #tpu.memory_space<semaphore_mem>>) src(%dma_wait3A_80 : memref<1x128xi32, #tpu.memory_space<hbm>>) dst(%dma_wait3A_77 : memref<1x128xi32, #tpu.memory_space<vmem>>)
      %dma_start3A = arith.constant 1 : i32
      %dma_start3A_81 = arith.constant 0 : i32
      %dma_start3A_82 = tpu.memref_slice %arg7[%dma_start3A, %dma_start3A_81] : memref<4x128xi32, #tpu.memory_space<vmem>> -> memref<1x128xi32, #tpu.memory_space<vmem>>
      %dma_start3A_83 = tpu.memref_squeeze %dma_start3A_82 : memref<1x128xi32, #tpu.memory_space<vmem>> -> memref<128xi32, #tpu.memory_space<vmem>>
      %dma_start3A_84 = arith.constant 0 : i32
      %dma_start3A_85 = arith.constant 0 : i32
      %dma_start3A_86 = tpu.memref_slice %arg2[%dma_start3A_84, %dma_start3A_85] : memref<10000x128xf32, #tpu.memory_space<hbm>> -> memref<10000x128xf32, #tpu.memory_space<hbm>>
      tpu.enqueue_indirect_dma source(%dma_start3A_86 : memref<10000x128xf32, #tpu.memory_space<hbm>>) target(%arg9 : memref<128x128xf32, #tpu.memory_space<vmem>>) offsets(%dma_start3A_83 : memref<128xi32, #tpu.memory_space<vmem>>) semaphore(%arg12 : memref<!tpu.dma_semaphore, #tpu.memory_space<semaphore_mem>>)
    } else {
    }
    %scan3A_51 = arith.constant 0 : i32
    %scan3A_52 = arith.constant 0 : i32
    %scan3A_53 = arith.constant 20 : i32
    %scan3A_54 = arith.addi %scan3A_52, %scan3A_53 : i32
    %scan3A_55 = arith.constant 1 : i32
    scf.for %scan3A_67 = %scan3A_52 to %scan3A_54 step %scan3A_55  : i32 {
      %mul3A_68 = arith.constant 4 : i32
      %mul3A_69 = arith.muli %scan3A_67, %mul3A_68 : i32
      %add3A_70 = arith.constant 0 : i32
      %add3A_71 = arith.addi %mul3A_69, %add3A_70 : i32
      %lt3A_72 = arith.cmpi slt, %add3A_71, %select_n3A : i32
      %convert_element_type3A_73 = arith.extui %lt3A_72 : i1 to i32
      %cond3A_74 = arith.constant 0 : i32
      %cond3A_75 = arith.cmpi ne, %convert_element_type3A_73, %cond3A_74 : i32
      scf.if %cond3A_75 {
        %dma_wait3A = arith.constant 0 : i32
        %dma_wait3A_100 = arith.constant 0 : i32
        %dma_wait3A_101 = tpu.memref_slice %arg7[%dma_wait3A, %dma_wait3A_100] : memref<4x128xi32, #tpu.memory_space<vmem>> -> memref<1x128xi32, #tpu.memory_space<vmem>>
        %dma_wait3A_102 = tpu.memref_squeeze %dma_wait3A_101 : memref<1x128xi32, #tpu.memory_space<vmem>> -> memref<128xi32, #tpu.memory_space<vmem>>
        %dma_wait3A_103 = arith.constant 0 : i32
        %dma_wait3A_104 = arith.constant 0 : i32
        %dma_wait3A_105 = tpu.memref_slice %arg2[%dma_wait3A_103, %dma_wait3A_104] : memref<10000x128xf32, #tpu.memory_space<hbm>> -> memref<10000x128xf32, #tpu.memory_space<hbm>>
        tpu.wait_indirect_dma semaphore(%arg11 : memref<!tpu.dma_semaphore, #tpu.memory_space<semaphore_mem>>) src(%dma_wait3A_105 : memref<10000x128xf32, #tpu.memory_space<hbm>>) dst(%arg8 : memref<128x128xf32, #tpu.memory_space<vmem>>)
        %add3A_106 = arith.addi %mul3A_2, %add3A_71 : i32
        %dma_wait3A_107 = arith.constant 1 : i32
        %dma_wait3A_108 = arith.constant 0 : i32
        %dma_wait3A_109 = arith.constant 0 : i32
        %dma_wait3A_110 = tpu.memref_slice %arg6[%dma_wait3A_108, %dma_wait3A_109] : memref<4x128xi32, #tpu.memory_space<vmem>> -> memref<1x128xi32, #tpu.memory_space<vmem>>
        %dma_wait3A_111 = arith.constant 0 : i32
        %dma_wait3A_112 = tpu.memref_slice %arg3[%dma_wait3A_107, %add3A_106, %dma_wait3A_111] : memref<2x2500x128xi32, #tpu.memory_space<hbm>> -> memref<1x1x128xi32, #tpu.memory_space<hbm>>
        %dma_wait3A_113 = tpu.memref_squeeze %dma_wait3A_112 : memref<1x1x128xi32, #tpu.memory_space<hbm>> -> memref<1x128xi32, #tpu.memory_space<hbm>>
        %dma_wait3A_114 = arith.constant 0 : i32
        %dma_wait3A_115 = arith.constant 0 : i32
        %dma_wait3A_116 = tpu.memref_slice %arg6[%dma_wait3A_114, %dma_wait3A_115] : memref<4x128xi32, #tpu.memory_space<vmem>> -> memref<1x128xi32, #tpu.memory_space<vmem>>
        %dma_wait3A_117 = arith.constant 0 : i32
        %dma_wait3A_118 = tpu.memref_slice %arg3[%dma_wait3A_107, %add3A_106, %dma_wait3A_117] : memref<2x2500x128xi32, #tpu.memory_space<hbm>> -> memref<1x1x128xi32, #tpu.memory_space<hbm>>
        %dma_wait3A_119 = tpu.memref_squeeze %dma_wait3A_118 : memref<1x1x128xi32, #tpu.memory_space<hbm>> -> memref<1x128xi32, #tpu.memory_space<hbm>>
        tpu.wait_dma2 semaphore(%arg19 : memref<!tpu.dma_semaphore, #tpu.memory_space<semaphore_mem>>) src(%dma_wait3A_119 : memref<1x128xi32, #tpu.memory_space<hbm>>) dst(%dma_wait3A_116 : memref<1x128xi32, #tpu.memory_space<vmem>>)
        %dma_start3A = arith.constant 0 : i32
        %dma_start3A_120 = arith.constant 0 : i32
        %dma_start3A_121 = tpu.memref_slice %arg6[%dma_start3A, %dma_start3A_120] : memref<4x128xi32, #tpu.memory_space<vmem>> -> memref<1x128xi32, #tpu.memory_space<vmem>>
        %dma_start3A_122 = tpu.memref_squeeze %dma_start3A_121 : memref<1x128xi32, #tpu.memory_space<vmem>> -> memref<128xi32, #tpu.memory_space<vmem>>
        %dma_start3A_123 = arith.constant 0 : i32
        %dma_start3A_124 = arith.constant 0 : i32
        %dma_start3A_125 = tpu.memref_slice %arg10[%dma_start3A_123, %dma_start3A_124] : memref<10240x128xf32, #tpu.memory_space<vmem_shared>> -> memref<10240x128xf32, #tpu.memory_space<vmem_shared>>
        tpu.enqueue_indirect_dma source(%arg8 : memref<128x128xf32, #tpu.memory_space<vmem>>) target(%dma_start3A_125 : memref<10240x128xf32, #tpu.memory_space<vmem_shared>>) offsets(%dma_start3A_122 : memref<128xi32, #tpu.memory_space<vmem>>) semaphore(%arg13 : memref<!tpu.dma_semaphore, #tpu.memory_space<semaphore_mem>>) {add = true}
        %dma_wait3A_126 = arith.constant 0 : i32
        %dma_wait3A_127 = arith.constant 0 : i32
        %dma_wait3A_128 = tpu.memref_slice %arg6[%dma_wait3A_126, %dma_wait3A_127] : memref<4x128xi32, #tpu.memory_space<vmem>> -> memref<1x128xi32, #tpu.memory_space<vmem>>
        %dma_wait3A_129 = tpu.memref_squeeze %dma_wait3A_128 : memref<1x128xi32, #tpu.memory_space<vmem>> -> memref<128xi32, #tpu.memory_space<vmem>>
        %dma_wait3A_130 = arith.constant 0 : i32
        %dma_wait3A_131 = arith.constant 0 : i32
        %dma_wait3A_132 = tpu.memref_slice %arg10[%dma_wait3A_130, %dma_wait3A_131] : memref<10240x128xf32, #tpu.memory_space<vmem_shared>> -> memref<10240x128xf32, #tpu.memory_space<vmem_shared>>
        tpu.wait_indirect_dma semaphore(%arg13 : memref<!tpu.dma_semaphore, #tpu.memory_space<semaphore_mem>>) src(%arg8 : memref<128x128xf32, #tpu.memory_space<vmem>>) dst(%dma_wait3A_132 : memref<10240x128xf32, #tpu.memory_space<vmem_shared>>)
        %add3A_133 = arith.constant 4 : i32
        %add3A_134 = arith.addi %add3A_71, %add3A_133 : i32
        %lt3A_135 = arith.cmpi slt, %add3A_134, %select_n3A : i32
        %convert_element_type3A_136 = arith.extui %lt3A_135 : i1 to i32
        %cond3A_137 = arith.constant 0 : i32
        %cond3A_138 = arith.cmpi ne, %convert_element_type3A_136, %cond3A_137 : i32
        scf.if %cond3A_138 {
          %add3A_145 = arith.constant 4 : i32
          %add3A_146 = arith.addi %add3A_71, %add3A_145 : i32
          %add3A_147 = arith.addi %mul3A_2, %add3A_146 : i32
          %dma_start3A_148 = arith.constant 0 : i32
          %dma_start3A_149 = arith.constant 0 : i32
          %dma_start3A_150 = arith.constant 0 : i32
          %dma_start3A_151 = tpu.memref_slice %arg7[%dma_start3A_149, %dma_start3A_150] : memref<4x128xi32, #tpu.memory_space<vmem>> -> memref<1x128xi32, #tpu.memory_space<vmem>>
          %dma_start3A_152 = arith.constant 0 : i32
          %dma_start3A_153 = tpu.memref_slice %arg3[%dma_start3A_148, %add3A_147, %dma_start3A_152] : memref<2x2500x128xi32, #tpu.memory_space<hbm>> -> memref<1x1x128xi32, #tpu.memory_space<hbm>>
          %dma_start3A_154 = tpu.memref_squeeze %dma_start3A_153 : memref<1x1x128xi32, #tpu.memory_space<hbm>> -> memref<1x128xi32, #tpu.memory_space<hbm>>
          %dma_start3A_155 = arith.constant 0 : i32
          %dma_start3A_156 = arith.constant 0 : i32
          %dma_start3A_157 = tpu.memref_slice %arg7[%dma_start3A_155, %dma_start3A_156] : memref<4x128xi32, #tpu.memory_space<vmem>> -> memref<1x128xi32, #tpu.memory_space<vmem>>
          %dma_start3A_158 = arith.constant 0 : i32
          %dma_start3A_159 = tpu.memref_slice %arg3[%dma_start3A_148, %add3A_147, %dma_start3A_158] : memref<2x2500x128xi32, #tpu.memory_space<hbm>> -> memref<1x1x128xi32, #tpu.memory_space<hbm>>
          %dma_start3A_160 = tpu.memref_squeeze %dma_start3A_159 : memref<1x1x128xi32, #tpu.memory_space<hbm>> -> memref<1x128xi32, #tpu.memory_space<hbm>>
          tpu.enqueue_dma source(%dma_start3A_160 : memref<1x128xi32, #tpu.memory_space<hbm>>) target(%dma_start3A_157 : memref<1x128xi32, #tpu.memory_space<vmem>>) target_semaphore(%arg15 : memref<!tpu.dma_semaphore, #tpu.memory_space<semaphore_mem>>)
          %add3A_161 = arith.constant 4 : i32
          %add3A_162 = arith.addi %add3A_71, %add3A_161 : i32
          %add3A_163 = arith.addi %mul3A_2, %add3A_162 : i32
          %dma_start3A_164 = arith.constant 1 : i32
          %dma_start3A_165 = arith.constant 0 : i32
          %dma_start3A_166 = arith.constant 0 : i32
          %dma_start3A_167 = tpu.memref_slice %arg6[%dma_start3A_165, %dma_start3A_166] : memref<4x128xi32, #tpu.memory_space<vmem>> -> memref<1x128xi32, #tpu.memory_space<vmem>>
          %dma_start3A_168 = arith.constant 0 : i32
          %dma_start3A_169 = tpu.memref_slice %arg3[%dma_start3A_164, %add3A_163, %dma_start3A_168] : memref<2x2500x128xi32, #tpu.memory_space<hbm>> -> memref<1x1x128xi32, #tpu.memory_space<hbm>>
          %dma_start3A_170 = tpu.memref_squeeze %dma_start3A_169 : memref<1x1x128xi32, #tpu.memory_space<hbm>> -> memref<1x128xi32, #tpu.memory_space<hbm>>
          %dma_start3A_171 = arith.constant 0 : i32
          %dma_start3A_172 = arith.constant 0 : i32
          %dma_start3A_173 = tpu.memref_slice %arg6[%dma_start3A_171, %dma_start3A_172] : memref<4x128xi32, #tpu.memory_space<vmem>> -> memref<1x128xi32, #tpu.memory_space<vmem>>
          %dma_start3A_174 = arith.constant 0 : i32
          %dma_start3A_175 = tpu.memref_slice %arg3[%dma_start3A_164, %add3A_163, %dma_start3A_174] : memref<2x2500x128xi32, #tpu.memory_space<hbm>> -> memref<1x1x128xi32, #tpu.memory_space<hbm>>
          %dma_start3A_176 = tpu.memref_squeeze %dma_start3A_175 : memref<1x1x128xi32, #tpu.memory_space<hbm>> -> memref<1x128xi32, #tpu.memory_space<hbm>>
          tpu.enqueue_dma source(%dma_start3A_176 : memref<1x128xi32, #tpu.memory_space<hbm>>) target(%dma_start3A_173 : memref<1x128xi32, #tpu.memory_space<vmem>>) target_semaphore(%arg19 : memref<!tpu.dma_semaphore, #tpu.memory_space<semaphore_mem>>)
        } else {
        }
        %add3A_139 = arith.constant 2 : i32
        %add3A_140 = arith.addi %add3A_71, %add3A_139 : i32
        %lt3A_141 = arith.cmpi slt, %add3A_140, %select_n3A : i32
        %convert_element_type3A_142 = arith.extui %lt3A_141 : i1 to i32
        %cond3A_143 = arith.constant 0 : i32
        %cond3A_144 = arith.cmpi ne, %convert_element_type3A_142, %cond3A_143 : i32
        scf.if %cond3A_144 {
          %add3A_145 = arith.constant 2 : i32
          %add3A_146 = arith.addi %add3A_71, %add3A_145 : i32
          %add3A_147 = arith.addi %mul3A_2, %add3A_146 : i32
          %dma_wait3A_148 = arith.constant 0 : i32
          %dma_wait3A_149 = arith.constant 2 : i32
          %dma_wait3A_150 = arith.constant 0 : i32
          %dma_wait3A_151 = tpu.memref_slice %arg7[%dma_wait3A_149, %dma_wait3A_150] : memref<4x128xi32, #tpu.memory_space<vmem>> -> memref<1x128xi32, #tpu.memory_space<vmem>>
          %dma_wait3A_152 = arith.constant 0 : i32
          %dma_wait3A_153 = tpu.memref_slice %arg3[%dma_wait3A_148, %add3A_147, %dma_wait3A_152] : memref<2x2500x128xi32, #tpu.memory_space<hbm>> -> memref<1x1x128xi32, #tpu.memory_space<hbm>>
          %dma_wait3A_154 = tpu.memref_squeeze %dma_wait3A_153 : memref<1x1x128xi32, #tpu.memory_space<hbm>> -> memref<1x128xi32, #tpu.memory_space<hbm>>
          %dma_wait3A_155 = arith.constant 2 : i32
          %dma_wait3A_156 = arith.constant 0 : i32
          %dma_wait3A_157 = tpu.memref_slice %arg7[%dma_wait3A_155, %dma_wait3A_156] : memref<4x128xi32, #tpu.memory_space<vmem>> -> memref<1x128xi32, #tpu.memory_space<vmem>>
          %dma_wait3A_158 = arith.constant 0 : i32
          %dma_wait3A_159 = tpu.memref_slice %arg3[%dma_wait3A_148, %add3A_147, %dma_wait3A_158] : memref<2x2500x128xi32, #tpu.memory_space<hbm>> -> memref<1x1x128xi32, #tpu.memory_space<hbm>>
          %dma_wait3A_160 = tpu.memref_squeeze %dma_wait3A_159 : memref<1x1x128xi32, #tpu.memory_space<hbm>> -> memref<1x128xi32, #tpu.memory_space<hbm>>
          tpu.wait_dma2 semaphore(%arg17 : memref<!tpu.dma_semaphore, #tpu.memory_space<semaphore_mem>>) src(%dma_wait3A_160 : memref<1x128xi32, #tpu.memory_space<hbm>>) dst(%dma_wait3A_157 : memref<1x128xi32, #tpu.memory_space<vmem>>)
          %add3A_161 = arith.constant 2 : i32
          %add3A_162 = arith.addi %add3A_71, %add3A_161 : i32
          %dma_start3A_163 = arith.constant 2 : i32
          %dma_start3A_164 = arith.constant 0 : i32
          %dma_start3A_165 = tpu.memref_slice %arg7[%dma_start3A_163, %dma_start3A_164] : memref<4x128xi32, #tpu.memory_space<vmem>> -> memref<1x128xi32, #tpu.memory_space<vmem>>
          %dma_start3A_166 = tpu.memref_squeeze %dma_start3A_165 : memref<1x128xi32, #tpu.memory_space<vmem>> -> memref<128xi32, #tpu.memory_space<vmem>>
          %dma_start3A_167 = arith.constant 0 : i32
          %dma_start3A_168 = arith.constant 0 : i32
          %dma_start3A_169 = tpu.memref_slice %arg2[%dma_start3A_167, %dma_start3A_168] : memref<10000x128xf32, #tpu.memory_space<hbm>> -> memref<10000x128xf32, #tpu.memory_space<hbm>>
          tpu.enqueue_indirect_dma source(%dma_start3A_169 : memref<10000x128xf32, #tpu.memory_space<hbm>>) target(%arg8 : memref<128x128xf32, #tpu.memory_space<vmem>>) offsets(%dma_start3A_166 : memref<128xi32, #tpu.memory_space<vmem>>) semaphore(%arg11 : memref<!tpu.dma_semaphore, #tpu.memory_space<semaphore_mem>>)
        } else {
        }
      } else {
      }
      %mul3A_76 = arith.constant 4 : i32
      %mul3A_77 = arith.muli %scan3A_67, %mul3A_76 : i32
      %add3A_78 = arith.constant 1 : i32
      %add3A_79 = arith.addi %mul3A_77, %add3A_78 : i32
      %lt3A_80 = arith.cmpi slt, %add3A_79, %select_n3A : i32
      %convert_element_type3A_81 = arith.extui %lt3A_80 : i1 to i32
      %cond3A_82 = arith.constant 0 : i32
      %cond3A_83 = arith.cmpi ne, %convert_element_type3A_81, %cond3A_82 : i32
      scf.if %cond3A_83 {
        %dma_wait3A = arith.constant 1 : i32
        %dma_wait3A_100 = arith.constant 0 : i32
        %dma_wait3A_101 = tpu.memref_slice %arg7[%dma_wait3A, %dma_wait3A_100] : memref<4x128xi32, #tpu.memory_space<vmem>> -> memref<1x128xi32, #tpu.memory_space<vmem>>
        %dma_wait3A_102 = tpu.memref_squeeze %dma_wait3A_101 : memref<1x128xi32, #tpu.memory_space<vmem>> -> memref<128xi32, #tpu.memory_space<vmem>>
        %dma_wait3A_103 = arith.constant 0 : i32
        %dma_wait3A_104 = arith.constant 0 : i32
        %dma_wait3A_105 = tpu.memref_slice %arg2[%dma_wait3A_103, %dma_wait3A_104] : memref<10000x128xf32, #tpu.memory_space<hbm>> -> memref<10000x128xf32, #tpu.memory_space<hbm>>
        tpu.wait_indirect_dma semaphore(%arg12 : memref<!tpu.dma_semaphore, #tpu.memory_space<semaphore_mem>>) src(%dma_wait3A_105 : memref<10000x128xf32, #tpu.memory_space<hbm>>) dst(%arg9 : memref<128x128xf32, #tpu.memory_space<vmem>>)
        %add3A_106 = arith.addi %mul3A_2, %add3A_79 : i32
        %dma_wait3A_107 = arith.constant 1 : i32
        %dma_wait3A_108 = arith.constant 1 : i32
        %dma_wait3A_109 = arith.constant 0 : i32
        %dma_wait3A_110 = tpu.memref_slice %arg6[%dma_wait3A_108, %dma_wait3A_109] : memref<4x128xi32, #tpu.memory_space<vmem>> -> memref<1x128xi32, #tpu.memory_space<vmem>>
        %dma_wait3A_111 = arith.constant 0 : i32
        %dma_wait3A_112 = tpu.memref_slice %arg3[%dma_wait3A_107, %add3A_106, %dma_wait3A_111] : memref<2x2500x128xi32, #tpu.memory_space<hbm>> -> memref<1x1x128xi32, #tpu.memory_space<hbm>>
        %dma_wait3A_113 = tpu.memref_squeeze %dma_wait3A_112 : memref<1x1x128xi32, #tpu.memory_space<hbm>> -> memref<1x128xi32, #tpu.memory_space<hbm>>
        %dma_wait3A_114 = arith.constant 1 : i32
        %dma_wait3A_115 = arith.constant 0 : i32
        %dma_wait3A_116 = tpu.memref_slice %arg6[%dma_wait3A_114, %dma_wait3A_115] : memref<4x128xi32, #tpu.memory_space<vmem>> -> memref<1x128xi32, #tpu.memory_space<vmem>>
        %dma_wait3A_117 = arith.constant 0 : i32
        %dma_wait3A_118 = tpu.memref_slice %arg3[%dma_wait3A_107, %add3A_106, %dma_wait3A_117] : memref<2x2500x128xi32, #tpu.memory_space<hbm>> -> memref<1x1x128xi32, #tpu.memory_space<hbm>>
        %dma_wait3A_119 = tpu.memref_squeeze %dma_wait3A_118 : memref<1x1x128xi32, #tpu.memory_space<hbm>> -> memref<1x128xi32, #tpu.memory_space<hbm>>
        tpu.wait_dma2 semaphore(%arg20 : memref<!tpu.dma_semaphore, #tpu.memory_space<semaphore_mem>>) src(%dma_wait3A_119 : memref<1x128xi32, #tpu.memory_space<hbm>>) dst(%dma_wait3A_116 : memref<1x128xi32, #tpu.memory_space<vmem>>)
        %dma_start3A = arith.constant 1 : i32
        %dma_start3A_120 = arith.constant 0 : i32
        %dma_start3A_121 = tpu.memref_slice %arg6[%dma_start3A, %dma_start3A_120] : memref<4x128xi32, #tpu.memory_space<vmem>> -> memref<1x128xi32, #tpu.memory_space<vmem>>
        %dma_start3A_122 = tpu.memref_squeeze %dma_start3A_121 : memref<1x128xi32, #tpu.memory_space<vmem>> -> memref<128xi32, #tpu.memory_space<vmem>>
        %dma_start3A_123 = arith.constant 0 : i32
        %dma_start3A_124 = arith.constant 0 : i32
        %dma_start3A_125 = tpu.memref_slice %arg10[%dma_start3A_123, %dma_start3A_124] : memref<10240x128xf32, #tpu.memory_space<vmem_shared>> -> memref<10240x128xf32, #tpu.memory_space<vmem_shared>>
        tpu.enqueue_indirect_dma source(%arg9 : memref<128x128xf32, #tpu.memory_space<vmem>>) target(%dma_start3A_125 : memref<10240x128xf32, #tpu.memory_space<vmem_shared>>) offsets(%dma_start3A_122 : memref<128xi32, #tpu.memory_space<vmem>>) semaphore(%arg14 : memref<!tpu.dma_semaphore, #tpu.memory_space<semaphore_mem>>) {add = true}
        %dma_wait3A_126 = arith.constant 1 : i32
        %dma_wait3A_127 = arith.constant 0 : i32
        %dma_wait3A_128 = tpu.memref_slice %arg6[%dma_wait3A_126, %dma_wait3A_127] : memref<4x128xi32, #tpu.memory_space<vmem>> -> memref<1x128xi32, #tpu.memory_space<vmem>>
        %dma_wait3A_129 = tpu.memref_squeeze %dma_wait3A_128 : memref<1x128xi32, #tpu.memory_space<vmem>> -> memref<128xi32, #tpu.memory_space<vmem>>
        %dma_wait3A_130 = arith.constant 0 : i32
        %dma_wait3A_131 = arith.constant 0 : i32
        %dma_wait3A_132 = tpu.memref_slice %arg10[%dma_wait3A_130, %dma_wait3A_131] : memref<10240x128xf32, #tpu.memory_space<vmem_shared>> -> memref<10240x128xf32, #tpu.memory_space<vmem_shared>>
        tpu.wait_indirect_dma semaphore(%arg14 : memref<!tpu.dma_semaphore, #tpu.memory_space<semaphore_mem>>) src(%arg9 : memref<128x128xf32, #tpu.memory_space<vmem>>) dst(%dma_wait3A_132 : memref<10240x128xf32, #tpu.memory_space<vmem_shared>>)
        %add3A_133 = arith.constant 4 : i32
        %add3A_134 = arith.addi %add3A_79, %add3A_133 : i32
        %lt3A_135 = arith.cmpi slt, %add3A_134, %select_n3A : i32
        %convert_element_type3A_136 = arith.extui %lt3A_135 : i1 to i32
        %cond3A_137 = arith.constant 0 : i32
        %cond3A_138 = arith.cmpi ne, %convert_element_type3A_136, %cond3A_137 : i32
        scf.if %cond3A_138 {
          %add3A_145 = arith.constant 4 : i32
          %add3A_146 = arith.addi %add3A_79, %add3A_145 : i32
          %add3A_147 = arith.addi %mul3A_2, %add3A_146 : i32
          %dma_start3A_148 = arith.constant 0 : i32
          %dma_start3A_149 = arith.constant 1 : i32
          %dma_start3A_150 = arith.constant 0 : i32
          %dma_start3A_151 = tpu.memref_slice %arg7[%dma_start3A_149, %dma_start3A_150] : memref<4x128xi32, #tpu.memory_space<vmem>> -> memref<1x128xi32, #tpu.memory_space<vmem>>
          %dma_start3A_152 = arith.constant 0 : i32
          %dma_start3A_153 = tpu.memref_slice %arg3[%dma_start3A_148, %add3A_147, %dma_start3A_152] : memref<2x2500x128xi32, #tpu.memory_space<hbm>> -> memref<1x1x128xi32, #tpu.memory_space<hbm>>
          %dma_start3A_154 = tpu.memref_squeeze %dma_start3A_153 : memref<1x1x128xi32, #tpu.memory_space<hbm>> -> memref<1x128xi32, #tpu.memory_space<hbm>>
          %dma_start3A_155 = arith.constant 1 : i32
          %dma_start3A_156 = arith.constant 0 : i32
          %dma_start3A_157 = tpu.memref_slice %arg7[%dma_start3A_155, %dma_start3A_156] : memref<4x128xi32, #tpu.memory_space<vmem>> -> memref<1x128xi32, #tpu.memory_space<vmem>>
          %dma_start3A_158 = arith.constant 0 : i32
          %dma_start3A_159 = tpu.memref_slice %arg3[%dma_start3A_148, %add3A_147, %dma_start3A_158] : memref<2x2500x128xi32, #tpu.memory_space<hbm>> -> memref<1x1x128xi32, #tpu.memory_space<hbm>>
          %dma_start3A_160 = tpu.memref_squeeze %dma_start3A_159 : memref<1x1x128xi32, #tpu.memory_space<hbm>> -> memref<1x128xi32, #tpu.memory_space<hbm>>
          tpu.enqueue_dma source(%dma_start3A_160 : memref<1x128xi32, #tpu.memory_space<hbm>>) target(%dma_start3A_157 : memref<1x128xi32, #tpu.memory_space<vmem>>) target_semaphore(%arg16 : memref<!tpu.dma_semaphore, #tpu.memory_space<semaphore_mem>>)
          %add3A_161 = arith.constant 4 : i32
          %add3A_162 = arith.addi %add3A_79, %add3A_161 : i32
          %add3A_163 = arith.addi %mul3A_2, %add3A_162 : i32
          %dma_start3A_164 = arith.constant 1 : i32
          %dma_start3A_165 = arith.constant 1 : i32
          %dma_start3A_166 = arith.constant 0 : i32
          %dma_start3A_167 = tpu.memref_slice %arg6[%dma_start3A_165, %dma_start3A_166] : memref<4x128xi32, #tpu.memory_space<vmem>> -> memref<1x128xi32, #tpu.memory_space<vmem>>
          %dma_start3A_168 = arith.constant 0 : i32
          %dma_start3A_169 = tpu.memref_slice %arg3[%dma_start3A_164, %add3A_163, %dma_start3A_168] : memref<2x2500x128xi32, #tpu.memory_space<hbm>> -> memref<1x1x128xi32, #tpu.memory_space<hbm>>
          %dma_start3A_170 = tpu.memref_squeeze %dma_start3A_169 : memref<1x1x128xi32, #tpu.memory_space<hbm>> -> memref<1x128xi32, #tpu.memory_space<hbm>>
          %dma_start3A_171 = arith.constant 1 : i32
          %dma_start3A_172 = arith.constant 0 : i32
          %dma_start3A_173 = tpu.memref_slice %arg6[%dma_start3A_171, %dma_start3A_172] : memref<4x128xi32, #tpu.memory_space<vmem>> -> memref<1x128xi32, #tpu.memory_space<vmem>>
          %dma_start3A_174 = arith.constant 0 : i32
          %dma_start3A_175 = tpu.memref_slice %arg3[%dma_start3A_164, %add3A_163, %dma_start3A_174] : memref<2x2500x128xi32, #tpu.memory_space<hbm>> -> memref<1x1x128xi32, #tpu.memory_space<hbm>>
          %dma_start3A_176 = tpu.memref_squeeze %dma_start3A_175 : memref<1x1x128xi32, #tpu.memory_space<hbm>> -> memref<1x128xi32, #tpu.memory_space<hbm>>
          tpu.enqueue_dma source(%dma_start3A_176 : memref<1x128xi32, #tpu.memory_space<hbm>>) target(%dma_start3A_173 : memref<1x128xi32, #tpu.memory_space<vmem>>) target_semaphore(%arg20 : memref<!tpu.dma_semaphore, #tpu.memory_space<semaphore_mem>>)
        } else {
        }
        %add3A_139 = arith.constant 2 : i32
        %add3A_140 = arith.addi %add3A_79, %add3A_139 : i32
        %lt3A_141 = arith.cmpi slt, %add3A_140, %select_n3A : i32
        %convert_element_type3A_142 = arith.extui %lt3A_141 : i1 to i32
        %cond3A_143 = arith.constant 0 : i32
        %cond3A_144 = arith.cmpi ne, %convert_element_type3A_142, %cond3A_143 : i32
        scf.if %cond3A_144 {
          %add3A_145 = arith.constant 2 : i32
          %add3A_146 = arith.addi %add3A_79, %add3A_145 : i32
          %add3A_147 = arith.addi %mul3A_2, %add3A_146 : i32
          %dma_wait3A_148 = arith.constant 0 : i32
          %dma_wait3A_149 = arith.constant 3 : i32
          %dma_wait3A_150 = arith.constant 0 : i32
          %dma_wait3A_151 = tpu.memref_slice %arg7[%dma_wait3A_149, %dma_wait3A_150] : memref<4x128xi32, #tpu.memory_space<vmem>> -> memref<1x128xi32, #tpu.memory_space<vmem>>
          %dma_wait3A_152 = arith.constant 0 : i32
          %dma_wait3A_153 = tpu.memref_slice %arg3[%dma_wait3A_148, %add3A_147, %dma_wait3A_152] : memref<2x2500x128xi32, #tpu.memory_space<hbm>> -> memref<1x1x128xi32, #tpu.memory_space<hbm>>
          %dma_wait3A_154 = tpu.memref_squeeze %dma_wait3A_153 : memref<1x1x128xi32, #tpu.memory_space<hbm>> -> memref<1x128xi32, #tpu.memory_space<hbm>>
          %dma_wait3A_155 = arith.constant 3 : i32
          %dma_wait3A_156 = arith.constant 0 : i32
          %dma_wait3A_157 = tpu.memref_slice %arg7[%dma_wait3A_155, %dma_wait3A_156] : memref<4x128xi32, #tpu.memory_space<vmem>> -> memref<1x128xi32, #tpu.memory_space<vmem>>
          %dma_wait3A_158 = arith.constant 0 : i32
          %dma_wait3A_159 = tpu.memref_slice %arg3[%dma_wait3A_148, %add3A_147, %dma_wait3A_158] : memref<2x2500x128xi32, #tpu.memory_space<hbm>> -> memref<1x1x128xi32, #tpu.memory_space<hbm>>
          %dma_wait3A_160 = tpu.memref_squeeze %dma_wait3A_159 : memref<1x1x128xi32, #tpu.memory_space<hbm>> -> memref<1x128xi32, #tpu.memory_space<hbm>>
          tpu.wait_dma2 semaphore(%arg18 : memref<!tpu.dma_semaphore, #tpu.memory_space<semaphore_mem>>) src(%dma_wait3A_160 : memref<1x128xi32, #tpu.memory_space<hbm>>) dst(%dma_wait3A_157 : memref<1x128xi32, #tpu.memory_space<vmem>>)
          %add3A_161 = arith.constant 2 : i32
          %add3A_162 = arith.addi %add3A_79, %add3A_161 : i32
          %dma_start3A_163 = arith.constant 3 : i32
          %dma_start3A_164 = arith.constant 0 : i32
          %dma_start3A_165 = tpu.memref_slice %arg7[%dma_start3A_163, %dma_start3A_164] : memref<4x128xi32, #tpu.memory_space<vmem>> -> memref<1x128xi32, #tpu.memory_space<vmem>>
          %dma_start3A_166 = tpu.memref_squeeze %dma_start3A_165 : memref<1x128xi32, #tpu.memory_space<vmem>> -> memref<128xi32, #tpu.memory_space<vmem>>
          %dma_start3A_167 = arith.constant 0 : i32
          %dma_start3A_168 = arith.constant 0 : i32
          %dma_start3A_169 = tpu.memref_slice %arg2[%dma_start3A_167, %dma_start3A_168] : memref<10000x128xf32, #tpu.memory_space<hbm>> -> memref<10000x128xf32, #tpu.memory_space<hbm>>
          tpu.enqueue_indirect_dma source(%dma_start3A_169 : memref<10000x128xf32, #tpu.memory_space<hbm>>) target(%arg9 : memref<128x128xf32, #tpu.memory_space<vmem>>) offsets(%dma_start3A_166 : memref<128xi32, #tpu.memory_space<vmem>>) semaphore(%arg12 : memref<!tpu.dma_semaphore, #tpu.memory_space<semaphore_mem>>)
        } else {
        }
      } else {
      }
      %mul3A_84 = arith.constant 4 : i32
      %mul3A_85 = arith.muli %scan3A_67, %mul3A_84 : i32
      %add3A_86 = arith.constant 2 : i32
      %add3A_87 = arith.addi %mul3A_85, %add3A_86 : i32
      %lt3A_88 = arith.cmpi slt, %add3A_87, %select_n3A : i32
      %convert_element_type3A_89 = arith.extui %lt3A_88 : i1 to i32
      %cond3A_90 = arith.constant 0 : i32
      %cond3A_91 = arith.cmpi ne, %convert_element_type3A_89, %cond3A_90 : i32
      scf.if %cond3A_91 {
        %dma_wait3A = arith.constant 2 : i32
        %dma_wait3A_100 = arith.constant 0 : i32
        %dma_wait3A_101 = tpu.memref_slice %arg7[%dma_wait3A, %dma_wait3A_100] : memref<4x128xi32, #tpu.memory_space<vmem>> -> memref<1x128xi32, #tpu.memory_space<vmem>>
        %dma_wait3A_102 = tpu.memref_squeeze %dma_wait3A_101 : memref<1x128xi32, #tpu.memory_space<vmem>> -> memref<128xi32, #tpu.memory_space<vmem>>
        %dma_wait3A_103 = arith.constant 0 : i32
        %dma_wait3A_104 = arith.constant 0 : i32
        %dma_wait3A_105 = tpu.memref_slice %arg2[%dma_wait3A_103, %dma_wait3A_104] : memref<10000x128xf32, #tpu.memory_space<hbm>> -> memref<10000x128xf32, #tpu.memory_space<hbm>>
        tpu.wait_indirect_dma semaphore(%arg11 : memref<!tpu.dma_semaphore, #tpu.memory_space<semaphore_mem>>) src(%dma_wait3A_105 : memref<10000x128xf32, #tpu.memory_space<hbm>>) dst(%arg8 : memref<128x128xf32, #tpu.memory_space<vmem>>)
        %add3A_106 = arith.addi %mul3A_2, %add3A_87 : i32
        %dma_wait3A_107 = arith.constant 1 : i32
        %dma_wait3A_108 = arith.constant 2 : i32
        %dma_wait3A_109 = arith.constant 0 : i32
        %dma_wait3A_110 = tpu.memref_slice %arg6[%dma_wait3A_108, %dma_wait3A_109] : memref<4x128xi32, #tpu.memory_space<vmem>> -> memref<1x128xi32, #tpu.memory_space<vmem>>
        %dma_wait3A_111 = arith.constant 0 : i32
        %dma_wait3A_112 = tpu.memref_slice %arg3[%dma_wait3A_107, %add3A_106, %dma_wait3A_111] : memref<2x2500x128xi32, #tpu.memory_space<hbm>> -> memref<1x1x128xi32, #tpu.memory_space<hbm>>
        %dma_wait3A_113 = tpu.memref_squeeze %dma_wait3A_112 : memref<1x1x128xi32, #tpu.memory_space<hbm>> -> memref<1x128xi32, #tpu.memory_space<hbm>>
        %dma_wait3A_114 = arith.constant 2 : i32
        %dma_wait3A_115 = arith.constant 0 : i32
        %dma_wait3A_116 = tpu.memref_slice %arg6[%dma_wait3A_114, %dma_wait3A_115] : memref<4x128xi32, #tpu.memory_space<vmem>> -> memref<1x128xi32, #tpu.memory_space<vmem>>
        %dma_wait3A_117 = arith.constant 0 : i32
        %dma_wait3A_118 = tpu.memref_slice %arg3[%dma_wait3A_107, %add3A_106, %dma_wait3A_117] : memref<2x2500x128xi32, #tpu.memory_space<hbm>> -> memref<1x1x128xi32, #tpu.memory_space<hbm>>
        %dma_wait3A_119 = tpu.memref_squeeze %dma_wait3A_118 : memref<1x1x128xi32, #tpu.memory_space<hbm>> -> memref<1x128xi32, #tpu.memory_space<hbm>>
        tpu.wait_dma2 semaphore(%arg21 : memref<!tpu.dma_semaphore, #tpu.memory_space<semaphore_mem>>) src(%dma_wait3A_119 : memref<1x128xi32, #tpu.memory_space<hbm>>) dst(%dma_wait3A_116 : memref<1x128xi32, #tpu.memory_space<vmem>>)
        %dma_start3A = arith.constant 2 : i32
        %dma_start3A_120 = arith.constant 0 : i32
        %dma_start3A_121 = tpu.memref_slice %arg6[%dma_start3A, %dma_start3A_120] : memref<4x128xi32, #tpu.memory_space<vmem>> -> memref<1x128xi32, #tpu.memory_space<vmem>>
        %dma_start3A_122 = tpu.memref_squeeze %dma_start3A_121 : memref<1x128xi32, #tpu.memory_space<vmem>> -> memref<128xi32, #tpu.memory_space<vmem>>
        %dma_start3A_123 = arith.constant 0 : i32
        %dma_start3A_124 = arith.constant 0 : i32
        %dma_start3A_125 = tpu.memref_slice %arg10[%dma_start3A_123, %dma_start3A_124] : memref<10240x128xf32, #tpu.memory_space<vmem_shared>> -> memref<10240x128xf32, #tpu.memory_space<vmem_shared>>
        tpu.enqueue_indirect_dma source(%arg8 : memref<128x128xf32, #tpu.memory_space<vmem>>) target(%dma_start3A_125 : memref<10240x128xf32, #tpu.memory_space<vmem_shared>>) offsets(%dma_start3A_122 : memref<128xi32, #tpu.memory_space<vmem>>) semaphore(%arg13 : memref<!tpu.dma_semaphore, #tpu.memory_space<semaphore_mem>>) {add = true}
        %dma_wait3A_126 = arith.constant 2 : i32
        %dma_wait3A_127 = arith.constant 0 : i32
        %dma_wait3A_128 = tpu.memref_slice %arg6[%dma_wait3A_126, %dma_wait3A_127] : memref<4x128xi32, #tpu.memory_space<vmem>> -> memref<1x128xi32, #tpu.memory_space<vmem>>
        %dma_wait3A_129 = tpu.memref_squeeze %dma_wait3A_128 : memref<1x128xi32, #tpu.memory_space<vmem>> -> memref<128xi32, #tpu.memory_space<vmem>>
        %dma_wait3A_130 = arith.constant 0 : i32
        %dma_wait3A_131 = arith.constant 0 : i32
        %dma_wait3A_132 = tpu.memref_slice %arg10[%dma_wait3A_130, %dma_wait3A_131] : memref<10240x128xf32, #tpu.memory_space<vmem_shared>> -> memref<10240x128xf32, #tpu.memory_space<vmem_shared>>
        tpu.wait_indirect_dma semaphore(%arg13 : memref<!tpu.dma_semaphore, #tpu.memory_space<semaphore_mem>>) src(%arg8 : memref<128x128xf32, #tpu.memory_space<vmem>>) dst(%dma_wait3A_132 : memref<10240x128xf32, #tpu.memory_space<vmem_shared>>)
        %add3A_133 = arith.constant 4 : i32
        %add3A_134 = arith.addi %add3A_87, %add3A_133 : i32
        %lt3A_135 = arith.cmpi slt, %add3A_134, %select_n3A : i32
        %convert_element_type3A_136 = arith.extui %lt3A_135 : i1 to i32
        %cond3A_137 = arith.constant 0 : i32
        %cond3A_138 = arith.cmpi ne, %convert_element_type3A_136, %cond3A_137 : i32
        scf.if %cond3A_138 {
          %add3A_145 = arith.constant 4 : i32
          %add3A_146 = arith.addi %add3A_87, %add3A_145 : i32
          %add3A_147 = arith.addi %mul3A_2, %add3A_146 : i32
          %dma_start3A_148 = arith.constant 0 : i32
          %dma_start3A_149 = arith.constant 2 : i32
          %dma_start3A_150 = arith.constant 0 : i32
          %dma_start3A_151 = tpu.memref_slice %arg7[%dma_start3A_149, %dma_start3A_150] : memref<4x128xi32, #tpu.memory_space<vmem>> -> memref<1x128xi32, #tpu.memory_space<vmem>>
          %dma_start3A_152 = arith.constant 0 : i32
          %dma_start3A_153 = tpu.memref_slice %arg3[%dma_start3A_148, %add3A_147, %dma_start3A_152] : memref<2x2500x128xi32, #tpu.memory_space<hbm>> -> memref<1x1x128xi32, #tpu.memory_space<hbm>>
          %dma_start3A_154 = tpu.memref_squeeze %dma_start3A_153 : memref<1x1x128xi32, #tpu.memory_space<hbm>> -> memref<1x128xi32, #tpu.memory_space<hbm>>
          %dma_start3A_155 = arith.constant 2 : i32
          %dma_start3A_156 = arith.constant 0 : i32
          %dma_start3A_157 = tpu.memref_slice %arg7[%dma_start3A_155, %dma_start3A_156] : memref<4x128xi32, #tpu.memory_space<vmem>> -> memref<1x128xi32, #tpu.memory_space<vmem>>
          %dma_start3A_158 = arith.constant 0 : i32
          %dma_start3A_159 = tpu.memref_slice %arg3[%dma_start3A_148, %add3A_147, %dma_start3A_158] : memref<2x2500x128xi32, #tpu.memory_space<hbm>> -> memref<1x1x128xi32, #tpu.memory_space<hbm>>
          %dma_start3A_160 = tpu.memref_squeeze %dma_start3A_159 : memref<1x1x128xi32, #tpu.memory_space<hbm>> -> memref<1x128xi32, #tpu.memory_space<hbm>>
          tpu.enqueue_dma source(%dma_start3A_160 : memref<1x128xi32, #tpu.memory_space<hbm>>) target(%dma_start3A_157 : memref<1x128xi32, #tpu.memory_space<vmem>>) target_semaphore(%arg17 : memref<!tpu.dma_semaphore, #tpu.memory_space<semaphore_mem>>)
          %add3A_161 = arith.constant 4 : i32
          %add3A_162 = arith.addi %add3A_87, %add3A_161 : i32
          %add3A_163 = arith.addi %mul3A_2, %add3A_162 : i32
          %dma_start3A_164 = arith.constant 1 : i32
          %dma_start3A_165 = arith.constant 2 : i32
          %dma_start3A_166 = arith.constant 0 : i32
          %dma_start3A_167 = tpu.memref_slice %arg6[%dma_start3A_165, %dma_start3A_166] : memref<4x128xi32, #tpu.memory_space<vmem>> -> memref<1x128xi32, #tpu.memory_space<vmem>>
          %dma_start3A_168 = arith.constant 0 : i32
          %dma_start3A_169 = tpu.memref_slice %arg3[%dma_start3A_164, %add3A_163, %dma_start3A_168] : memref<2x2500x128xi32, #tpu.memory_space<hbm>> -> memref<1x1x128xi32, #tpu.memory_space<hbm>>
          %dma_start3A_170 = tpu.memref_squeeze %dma_start3A_169 : memref<1x1x128xi32, #tpu.memory_space<hbm>> -> memref<1x128xi32, #tpu.memory_space<hbm>>
          %dma_start3A_171 = arith.constant 2 : i32
          %dma_start3A_172 = arith.constant 0 : i32
          %dma_start3A_173 = tpu.memref_slice %arg6[%dma_start3A_171, %dma_start3A_172] : memref<4x128xi32, #tpu.memory_space<vmem>> -> memref<1x128xi32, #tpu.memory_space<vmem>>
          %dma_start3A_174 = arith.constant 0 : i32
          %dma_start3A_175 = tpu.memref_slice %arg3[%dma_start3A_164, %add3A_163, %dma_start3A_174] : memref<2x2500x128xi32, #tpu.memory_space<hbm>> -> memref<1x1x128xi32, #tpu.memory_space<hbm>>
          %dma_start3A_176 = tpu.memref_squeeze %dma_start3A_175 : memref<1x1x128xi32, #tpu.memory_space<hbm>> -> memref<1x128xi32, #tpu.memory_space<hbm>>
          tpu.enqueue_dma source(%dma_start3A_176 : memref<1x128xi32, #tpu.memory_space<hbm>>) target(%dma_start3A_173 : memref<1x128xi32, #tpu.memory_space<vmem>>) target_semaphore(%arg21 : memref<!tpu.dma_semaphore, #tpu.memory_space<semaphore_mem>>)
        } else {
        }
        %add3A_139 = arith.constant 2 : i32
        %add3A_140 = arith.addi %add3A_87, %add3A_139 : i32
        %lt3A_141 = arith.cmpi slt, %add3A_140, %select_n3A : i32
        %convert_element_type3A_142 = arith.extui %lt3A_141 : i1 to i32
        %cond3A_143 = arith.constant 0 : i32
        %cond3A_144 = arith.cmpi ne, %convert_element_type3A_142, %cond3A_143 : i32
        scf.if %cond3A_144 {
          %add3A_145 = arith.constant 2 : i32
          %add3A_146 = arith.addi %add3A_87, %add3A_145 : i32
          %add3A_147 = arith.addi %mul3A_2, %add3A_146 : i32
          %dma_wait3A_148 = arith.constant 0 : i32
          %dma_wait3A_149 = arith.constant 0 : i32
          %dma_wait3A_150 = arith.constant 0 : i32
          %dma_wait3A_151 = tpu.memref_slice %arg7[%dma_wait3A_149, %dma_wait3A_150] : memref<4x128xi32, #tpu.memory_space<vmem>> -> memref<1x128xi32, #tpu.memory_space<vmem>>
          %dma_wait3A_152 = arith.constant 0 : i32
          %dma_wait3A_153 = tpu.memref_slice %arg3[%dma_wait3A_148, %add3A_147, %dma_wait3A_152] : memref<2x2500x128xi32, #tpu.memory_space<hbm>> -> memref<1x1x128xi32, #tpu.memory_space<hbm>>
          %dma_wait3A_154 = tpu.memref_squeeze %dma_wait3A_153 : memref<1x1x128xi32, #tpu.memory_space<hbm>> -> memref<1x128xi32, #tpu.memory_space<hbm>>
          %dma_wait3A_155 = arith.constant 0 : i32
          %dma_wait3A_156 = arith.constant 0 : i32
          %dma_wait3A_157 = tpu.memref_slice %arg7[%dma_wait3A_155, %dma_wait3A_156] : memref<4x128xi32, #tpu.memory_space<vmem>> -> memref<1x128xi32, #tpu.memory_space<vmem>>
          %dma_wait3A_158 = arith.constant 0 : i32
          %dma_wait3A_159 = tpu.memref_slice %arg3[%dma_wait3A_148, %add3A_147, %dma_wait3A_158] : memref<2x2500x128xi32, #tpu.memory_space<hbm>> -> memref<1x1x128xi32, #tpu.memory_space<hbm>>
          %dma_wait3A_160 = tpu.memref_squeeze %dma_wait3A_159 : memref<1x1x128xi32, #tpu.memory_space<hbm>> -> memref<1x128xi32, #tpu.memory_space<hbm>>
          tpu.wait_dma2 semaphore(%arg15 : memref<!tpu.dma_semaphore, #tpu.memory_space<semaphore_mem>>) src(%dma_wait3A_160 : memref<1x128xi32, #tpu.memory_space<hbm>>) dst(%dma_wait3A_157 : memref<1x128xi32, #tpu.memory_space<vmem>>)
          %add3A_161 = arith.constant 2 : i32
          %add3A_162 = arith.addi %add3A_87, %add3A_161 : i32
          %dma_start3A_163 = arith.constant 0 : i32
          %dma_start3A_164 = arith.constant 0 : i32
          %dma_start3A_165 = tpu.memref_slice %arg7[%dma_start3A_163, %dma_start3A_164] : memref<4x128xi32, #tpu.memory_space<vmem>> -> memref<1x128xi32, #tpu.memory_space<vmem>>
          %dma_start3A_166 = tpu.memref_squeeze %dma_start3A_165 : memref<1x128xi32, #tpu.memory_space<vmem>> -> memref<128xi32, #tpu.memory_space<vmem>>
          %dma_start3A_167 = arith.constant 0 : i32
          %dma_start3A_168 = arith.constant 0 : i32
          %dma_start3A_169 = tpu.memref_slice %arg2[%dma_start3A_167, %dma_start3A_168] : memref<10000x128xf32, #tpu.memory_space<hbm>> -> memref<10000x128xf32, #tpu.memory_space<hbm>>
          tpu.enqueue_indirect_dma source(%dma_start3A_169 : memref<10000x128xf32, #tpu.memory_space<hbm>>) target(%arg8 : memref<128x128xf32, #tpu.memory_space<vmem>>) offsets(%dma_start3A_166 : memref<128xi32, #tpu.memory_space<vmem>>) semaphore(%arg11 : memref<!tpu.dma_semaphore, #tpu.memory_space<semaphore_mem>>)
        } else {
        }
      } else {
      }
      %mul3A_92 = arith.constant 4 : i32
      %mul3A_93 = arith.muli %scan3A_67, %mul3A_92 : i32
      %add3A_94 = arith.constant 3 : i32
      %add3A_95 = arith.addi %mul3A_93, %add3A_94 : i32
      %lt3A_96 = arith.cmpi slt, %add3A_95, %select_n3A : i32
      %convert_element_type3A_97 = arith.extui %lt3A_96 : i1 to i32
      %cond3A_98 = arith.constant 0 : i32
      %cond3A_99 = arith.cmpi ne, %convert_element_type3A_97, %cond3A_98 : i32
      scf.if %cond3A_99 {
        %dma_wait3A = arith.constant 3 : i32
        %dma_wait3A_100 = arith.constant 0 : i32
        %dma_wait3A_101 = tpu.memref_slice %arg7[%dma_wait3A, %dma_wait3A_100] : memref<4x128xi32, #tpu.memory_space<vmem>> -> memref<1x128xi32, #tpu.memory_space<vmem>>
        %dma_wait3A_102 = tpu.memref_squeeze %dma_wait3A_101 : memref<1x128xi32, #tpu.memory_space<vmem>> -> memref<128xi32, #tpu.memory_space<vmem>>
        %dma_wait3A_103 = arith.constant 0 : i32
        %dma_wait3A_104 = arith.constant 0 : i32
        %dma_wait3A_105 = tpu.memref_slice %arg2[%dma_wait3A_103, %dma_wait3A_104] : memref<10000x128xf32, #tpu.memory_space<hbm>> -> memref<10000x128xf32, #tpu.memory_space<hbm>>
        tpu.wait_indirect_dma semaphore(%arg12 : memref<!tpu.dma_semaphore, #tpu.memory_space<semaphore_mem>>) src(%dma_wait3A_105 : memref<10000x128xf32, #tpu.memory_space<hbm>>) dst(%arg9 : memref<128x128xf32, #tpu.memory_space<vmem>>)
        %add3A_106 = arith.addi %mul3A_2, %add3A_95 : i32
        %dma_wait3A_107 = arith.constant 1 : i32
        %dma_wait3A_108 = arith.constant 3 : i32
        %dma_wait3A_109 = arith.constant 0 : i32
        %dma_wait3A_110 = tpu.memref_slice %arg6[%dma_wait3A_108, %dma_wait3A_109] : memref<4x128xi32, #tpu.memory_space<vmem>> -> memref<1x128xi32, #tpu.memory_space<vmem>>
        %dma_wait3A_111 = arith.constant 0 : i32
        %dma_wait3A_112 = tpu.memref_slice %arg3[%dma_wait3A_107, %add3A_106, %dma_wait3A_111] : memref<2x2500x128xi32, #tpu.memory_space<hbm>> -> memref<1x1x128xi32, #tpu.memory_space<hbm>>
        %dma_wait3A_113 = tpu.memref_squeeze %dma_wait3A_112 : memref<1x1x128xi32, #tpu.memory_space<hbm>> -> memref<1x128xi32, #tpu.memory_space<hbm>>
        %dma_wait3A_114 = arith.constant 3 : i32
        %dma_wait3A_115 = arith.constant 0 : i32
        %dma_wait3A_116 = tpu.memref_slice %arg6[%dma_wait3A_114, %dma_wait3A_115] : memref<4x128xi32, #tpu.memory_space<vmem>> -> memref<1x128xi32, #tpu.memory_space<vmem>>
        %dma_wait3A_117 = arith.constant 0 : i32
        %dma_wait3A_118 = tpu.memref_slice %arg3[%dma_wait3A_107, %add3A_106, %dma_wait3A_117] : memref<2x2500x128xi32, #tpu.memory_space<hbm>> -> memref<1x1x128xi32, #tpu.memory_space<hbm>>
        %dma_wait3A_119 = tpu.memref_squeeze %dma_wait3A_118 : memref<1x1x128xi32, #tpu.memory_space<hbm>> -> memref<1x128xi32, #tpu.memory_space<hbm>>
        tpu.wait_dma2 semaphore(%arg22 : memref<!tpu.dma_semaphore, #tpu.memory_space<semaphore_mem>>) src(%dma_wait3A_119 : memref<1x128xi32, #tpu.memory_space<hbm>>) dst(%dma_wait3A_116 : memref<1x128xi32, #tpu.memory_space<vmem>>)
        %dma_start3A = arith.constant 3 : i32
        %dma_start3A_120 = arith.constant 0 : i32
        %dma_start3A_121 = tpu.memref_slice %arg6[%dma_start3A, %dma_start3A_120] : memref<4x128xi32, #tpu.memory_space<vmem>> -> memref<1x128xi32, #tpu.memory_space<vmem>>
        %dma_start3A_122 = tpu.memref_squeeze %dma_start3A_121 : memref<1x128xi32, #tpu.memory_space<vmem>> -> memref<128xi32, #tpu.memory_space<vmem>>
        %dma_start3A_123 = arith.constant 0 : i32
        %dma_start3A_124 = arith.constant 0 : i32
        %dma_start3A_125 = tpu.memref_slice %arg10[%dma_start3A_123, %dma_start3A_124] : memref<10240x128xf32, #tpu.memory_space<vmem_shared>> -> memref<10240x128xf32, #tpu.memory_space<vmem_shared>>
        tpu.enqueue_indirect_dma source(%arg9 : memref<128x128xf32, #tpu.memory_space<vmem>>) target(%dma_start3A_125 : memref<10240x128xf32, #tpu.memory_space<vmem_shared>>) offsets(%dma_start3A_122 : memref<128xi32, #tpu.memory_space<vmem>>) semaphore(%arg14 : memref<!tpu.dma_semaphore, #tpu.memory_space<semaphore_mem>>) {add = true}
        %dma_wait3A_126 = arith.constant 3 : i32
        %dma_wait3A_127 = arith.constant 0 : i32
        %dma_wait3A_128 = tpu.memref_slice %arg6[%dma_wait3A_126, %dma_wait3A_127] : memref<4x128xi32, #tpu.memory_space<vmem>> -> memref<1x128xi32, #tpu.memory_space<vmem>>
        %dma_wait3A_129 = tpu.memref_squeeze %dma_wait3A_128 : memref<1x128xi32, #tpu.memory_space<vmem>> -> memref<128xi32, #tpu.memory_space<vmem>>
        %dma_wait3A_130 = arith.constant 0 : i32
        %dma_wait3A_131 = arith.constant 0 : i32
        %dma_wait3A_132 = tpu.memref_slice %arg10[%dma_wait3A_130, %dma_wait3A_131] : memref<10240x128xf32, #tpu.memory_space<vmem_shared>> -> memref<10240x128xf32, #tpu.memory_space<vmem_shared>>
        tpu.wait_indirect_dma semaphore(%arg14 : memref<!tpu.dma_semaphore, #tpu.memory_space<semaphore_mem>>) src(%arg9 : memref<128x128xf32, #tpu.memory_space<vmem>>) dst(%dma_wait3A_132 : memref<10240x128xf32, #tpu.memory_space<vmem_shared>>)
        %add3A_133 = arith.constant 4 : i32
        %add3A_134 = arith.addi %add3A_95, %add3A_133 : i32
        %lt3A_135 = arith.cmpi slt, %add3A_134, %select_n3A : i32
        %convert_element_type3A_136 = arith.extui %lt3A_135 : i1 to i32
        %cond3A_137 = arith.constant 0 : i32
        %cond3A_138 = arith.cmpi ne, %convert_element_type3A_136, %cond3A_137 : i32
        scf.if %cond3A_138 {
          %add3A_145 = arith.constant 4 : i32
          %add3A_146 = arith.addi %add3A_95, %add3A_145 : i32
          %add3A_147 = arith.addi %mul3A_2, %add3A_146 : i32
          %dma_start3A_148 = arith.constant 0 : i32
          %dma_start3A_149 = arith.constant 3 : i32
          %dma_start3A_150 = arith.constant 0 : i32
          %dma_start3A_151 = tpu.memref_slice %arg7[%dma_start3A_149, %dma_start3A_150] : memref<4x128xi32, #tpu.memory_space<vmem>> -> memref<1x128xi32, #tpu.memory_space<vmem>>
          %dma_start3A_152 = arith.constant 0 : i32
          %dma_start3A_153 = tpu.memref_slice %arg3[%dma_start3A_148, %add3A_147, %dma_start3A_152] : memref<2x2500x128xi32, #tpu.memory_space<hbm>> -> memref<1x1x128xi32, #tpu.memory_space<hbm>>
          %dma_start3A_154 = tpu.memref_squeeze %dma_start3A_153 : memref<1x1x128xi32, #tpu.memory_space<hbm>> -> memref<1x128xi32, #tpu.memory_space<hbm>>
          %dma_start3A_155 = arith.constant 3 : i32
          %dma_start3A_156 = arith.constant 0 : i32
          %dma_start3A_157 = tpu.memref_slice %arg7[%dma_start3A_155, %dma_start3A_156] : memref<4x128xi32, #tpu.memory_space<vmem>> -> memref<1x128xi32, #tpu.memory_space<vmem>>
          %dma_start3A_158 = arith.constant 0 : i32
          %dma_start3A_159 = tpu.memref_slice %arg3[%dma_start3A_148, %add3A_147, %dma_start3A_158] : memref<2x2500x128xi32, #tpu.memory_space<hbm>> -> memref<1x1x128xi32, #tpu.memory_space<hbm>>
          %dma_start3A_160 = tpu.memref_squeeze %dma_start3A_159 : memref<1x1x128xi32, #tpu.memory_space<hbm>> -> memref<1x128xi32, #tpu.memory_space<hbm>>
          tpu.enqueue_dma source(%dma_start3A_160 : memref<1x128xi32, #tpu.memory_space<hbm>>) target(%dma_start3A_157 : memref<1x128xi32, #tpu.memory_space<vmem>>) target_semaphore(%arg18 : memref<!tpu.dma_semaphore, #tpu.memory_space<semaphore_mem>>)
          %add3A_161 = arith.constant 4 : i32
          %add3A_162 = arith.addi %add3A_95, %add3A_161 : i32
          %add3A_163 = arith.addi %mul3A_2, %add3A_162 : i32
          %dma_start3A_164 = arith.constant 1 : i32
          %dma_start3A_165 = arith.constant 3 : i32
          %dma_start3A_166 = arith.constant 0 : i32
          %dma_start3A_167 = tpu.memref_slice %arg6[%dma_start3A_165, %dma_start3A_166] : memref<4x128xi32, #tpu.memory_space<vmem>> -> memref<1x128xi32, #tpu.memory_space<vmem>>
          %dma_start3A_168 = arith.constant 0 : i32
          %dma_start3A_169 = tpu.memref_slice %arg3[%dma_start3A_164, %add3A_163, %dma_start3A_168] : memref<2x2500x128xi32, #tpu.memory_space<hbm>> -> memref<1x1x128xi32, #tpu.memory_space<hbm>>
          %dma_start3A_170 = tpu.memref_squeeze %dma_start3A_169 : memref<1x1x128xi32, #tpu.memory_space<hbm>> -> memref<1x128xi32, #tpu.memory_space<hbm>>
          %dma_start3A_171 = arith.constant 3 : i32
          %dma_start3A_172 = arith.constant 0 : i32
          %dma_start3A_173 = tpu.memref_slice %arg6[%dma_start3A_171, %dma_start3A_172] : memref<4x128xi32, #tpu.memory_space<vmem>> -> memref<1x128xi32, #tpu.memory_space<vmem>>
          %dma_start3A_174 = arith.constant 0 : i32
          %dma_start3A_175 = tpu.memref_slice %arg3[%dma_start3A_164, %add3A_163, %dma_start3A_174] : memref<2x2500x128xi32, #tpu.memory_space<hbm>> -> memref<1x1x128xi32, #tpu.memory_space<hbm>>
          %dma_start3A_176 = tpu.memref_squeeze %dma_start3A_175 : memref<1x1x128xi32, #tpu.memory_space<hbm>> -> memref<1x128xi32, #tpu.memory_space<hbm>>
          tpu.enqueue_dma source(%dma_start3A_176 : memref<1x128xi32, #tpu.memory_space<hbm>>) target(%dma_start3A_173 : memref<1x128xi32, #tpu.memory_space<vmem>>) target_semaphore(%arg22 : memref<!tpu.dma_semaphore, #tpu.memory_space<semaphore_mem>>)
        } else {
        }
        %add3A_139 = arith.constant 2 : i32
        %add3A_140 = arith.addi %add3A_95, %add3A_139 : i32
        %lt3A_141 = arith.cmpi slt, %add3A_140, %select_n3A : i32
        %convert_element_type3A_142 = arith.extui %lt3A_141 : i1 to i32
        %cond3A_143 = arith.constant 0 : i32
        %cond3A_144 = arith.cmpi ne, %convert_element_type3A_142, %cond3A_143 : i32
        scf.if %cond3A_144 {
          %add3A_145 = arith.constant 2 : i32
          %add3A_146 = arith.addi %add3A_95, %add3A_145 : i32
          %add3A_147 = arith.addi %mul3A_2, %add3A_146 : i32
          %dma_wait3A_148 = arith.constant 0 : i32
          %dma_wait3A_149 = arith.constant 1 : i32
          %dma_wait3A_150 = arith.constant 0 : i32
          %dma_wait3A_151 = tpu.memref_slice %arg7[%dma_wait3A_149, %dma_wait3A_150] : memref<4x128xi32, #tpu.memory_space<vmem>> -> memref<1x128xi32, #tpu.memory_space<vmem>>
          %dma_wait3A_152 = arith.constant 0 : i32
          %dma_wait3A_153 = tpu.memref_slice %arg3[%dma_wait3A_148, %add3A_147, %dma_wait3A_152] : memref<2x2500x128xi32, #tpu.memory_space<hbm>> -> memref<1x1x128xi32, #tpu.memory_space<hbm>>
          %dma_wait3A_154 = tpu.memref_squeeze %dma_wait3A_153 : memref<1x1x128xi32, #tpu.memory_space<hbm>> -> memref<1x128xi32, #tpu.memory_space<hbm>>
          %dma_wait3A_155 = arith.constant 1 : i32
          %dma_wait3A_156 = arith.constant 0 : i32
          %dma_wait3A_157 = tpu.memref_slice %arg7[%dma_wait3A_155, %dma_wait3A_156] : memref<4x128xi32, #tpu.memory_space<vmem>> -> memref<1x128xi32, #tpu.memory_space<vmem>>
          %dma_wait3A_158 = arith.constant 0 : i32
          %dma_wait3A_159 = tpu.memref_slice %arg3[%dma_wait3A_148, %add3A_147, %dma_wait3A_158] : memref<2x2500x128xi32, #tpu.memory_space<hbm>> -> memref<1x1x128xi32, #tpu.memory_space<hbm>>
          %dma_wait3A_160 = tpu.memref_squeeze %dma_wait3A_159 : memref<1x1x128xi32, #tpu.memory_space<hbm>> -> memref<1x128xi32, #tpu.memory_space<hbm>>
          tpu.wait_dma2 semaphore(%arg16 : memref<!tpu.dma_semaphore, #tpu.memory_space<semaphore_mem>>) src(%dma_wait3A_160 : memref<1x128xi32, #tpu.memory_space<hbm>>) dst(%dma_wait3A_157 : memref<1x128xi32, #tpu.memory_space<vmem>>)
          %add3A_161 = arith.constant 2 : i32
          %add3A_162 = arith.addi %add3A_95, %add3A_161 : i32
          %dma_start3A_163 = arith.constant 1 : i32
          %dma_start3A_164 = arith.constant 0 : i32
          %dma_start3A_165 = tpu.memref_slice %arg7[%dma_start3A_163, %dma_start3A_164] : memref<4x128xi32, #tpu.memory_space<vmem>> -> memref<1x128xi32, #tpu.memory_space<vmem>>
          %dma_start3A_166 = tpu.memref_squeeze %dma_start3A_165 : memref<1x128xi32, #tpu.memory_space<vmem>> -> memref<128xi32, #tpu.memory_space<vmem>>
          %dma_start3A_167 = arith.constant 0 : i32
          %dma_start3A_168 = arith.constant 0 : i32
          %dma_start3A_169 = tpu.memref_slice %arg2[%dma_start3A_167, %dma_start3A_168] : memref<10000x128xf32, #tpu.memory_space<hbm>> -> memref<10000x128xf32, #tpu.memory_space<hbm>>
          tpu.enqueue_indirect_dma source(%dma_start3A_169 : memref<10000x128xf32, #tpu.memory_space<hbm>>) target(%arg9 : memref<128x128xf32, #tpu.memory_space<vmem>>) offsets(%dma_start3A_166 : memref<128xi32, #tpu.memory_space<vmem>>) semaphore(%arg12 : memref<!tpu.dma_semaphore, #tpu.memory_space<semaphore_mem>>)
        } else {
        }
      } else {
      }
    }
    %scan3A_56 = arith.constant 20 : i32
    %barrier3A_57 = arith.constant 0 : index
    tpu.barrier barrier_id(%barrier3A_57)
    %eq3A = arith.constant 0 : i32
    %eq3A_58 = arith.cmpi eq, %arg0, %eq3A : i32
    %convert_element_type3A_59 = arith.extui %eq3A_58 : i1 to i32
    %cond3A_60 = arith.constant 0 : i32
    %cond3A_61 = arith.cmpi ne, %convert_element_type3A_59, %cond3A_60 : i32
    scf.if %cond3A_61 {
      "tpu.region"() ({
        %run_scoped3A = tpu.sem_alloc : memref<!tpu.dma_semaphore, #tpu.memory_space<semaphore_mem>>
        %dma_start3A = arith.constant 0 : i32
        %dma_start3A_67 = tpu.memref_slice %arg4[%mul3A_12, %dma_start3A] : memref<10240x128xf32, #tpu.memory_space<hbm>> -> memref<640x128xf32, #tpu.memory_space<hbm>>
        %dma_start3A_68 = arith.constant 0 : i32
        %dma_start3A_69 = tpu.memref_slice %arg10[%mul3A_12, %dma_start3A_68] : memref<10240x128xf32, #tpu.memory_space<vmem_shared>> -> memref<640x128xf32, #tpu.memory_space<vmem_shared>>
        tpu.enqueue_dma source(%dma_start3A_69 : memref<640x128xf32, #tpu.memory_space<vmem_shared>>) target(%dma_start3A_67 : memref<640x128xf32, #tpu.memory_space<hbm>>) target_semaphore(%run_scoped3A : memref<!tpu.dma_semaphore, #tpu.memory_space<semaphore_mem>>)
        %dma_wait3A = arith.constant 0 : i32
        %dma_wait3A_70 = tpu.memref_slice %arg4[%mul3A_12, %dma_wait3A] : memref<10240x128xf32, #tpu.memory_space<hbm>> -> memref<640x128xf32, #tpu.memory_space<hbm>>
        %dma_wait3A_71 = arith.constant 0 : i32
        %dma_wait3A_72 = tpu.memref_slice %arg10[%mul3A_12, %dma_wait3A_71] : memref<10240x128xf32, #tpu.memory_space<vmem_shared>> -> memref<640x128xf32, #tpu.memory_space<vmem_shared>>
        tpu.wait_dma2 semaphore(%run_scoped3A : memref<!tpu.dma_semaphore, #tpu.memory_space<semaphore_mem>>) src(%dma_wait3A_72 : memref<640x128xf32, #tpu.memory_space<vmem_shared>>) dst(%dma_wait3A_70 : memref<640x128xf32, #tpu.memory_space<hbm>>)
        tpu.yield
      }) : () -> ()
    } else {
    }
    %eq3A_62 = arith.constant 1 : i32
    %eq3A_63 = arith.cmpi eq, %arg0, %eq3A_62 : i32
    %convert_element_type3A_64 = arith.extui %eq3A_63 : i1 to i32
    %cond3A_65 = arith.constant 0 : i32
    %cond3A_66 = arith.cmpi ne, %convert_element_type3A_64, %cond3A_65 : i32
    scf.if %cond3A_66 {
      "tpu.region"() ({
        %run_scoped3A = tpu.sem_alloc : memref<!tpu.dma_semaphore, #tpu.memory_space<semaphore_mem>>
        %dma_start3A = arith.constant 0 : i32
        %dma_start3A_67 = tpu.memref_slice %arg5[%mul3A_12, %dma_start3A] : memref<10240x128xf32, #tpu.memory_space<hbm>> -> memref<640x128xf32, #tpu.memory_space<hbm>>
        %dma_start3A_68 = arith.constant 0 : i32
        %dma_start3A_69 = tpu.memref_slice %arg10[%mul3A_12, %dma_start3A_68] : memref<10240x128xf32, #tpu.memory_space<vmem_shared>> -> memref<640x128xf32, #tpu.memory_space<vmem_shared>>
        tpu.enqueue_dma source(%dma_start3A_69 : memref<640x128xf32, #tpu.memory_space<vmem_shared>>) target(%dma_start3A_67 : memref<640x128xf32, #tpu.memory_space<hbm>>) target_semaphore(%run_scoped3A : memref<!tpu.dma_semaphore, #tpu.memory_space<semaphore_mem>>)
        %dma_wait3A = arith.constant 0 : i32
        %dma_wait3A_70 = tpu.memref_slice %arg5[%mul3A_12, %dma_wait3A] : memref<10240x128xf32, #tpu.memory_space<hbm>> -> memref<640x128xf32, #tpu.memory_space<hbm>>
        %dma_wait3A_71 = arith.constant 0 : i32
        %dma_wait3A_72 = tpu.memref_slice %arg10[%mul3A_12, %dma_wait3A_71] : memref<10240x128xf32, #tpu.memory_space<vmem_shared>> -> memref<640x128xf32, #tpu.memory_space<vmem_shared>>
        tpu.wait_dma2 semaphore(%run_scoped3A : memref<!tpu.dma_semaphore, #tpu.memory_space<semaphore_mem>>) src(%dma_wait3A_72 : memref<640x128xf32, #tpu.memory_space<vmem_shared>>) dst(%dma_wait3A_70 : memref<640x128xf32, #tpu.memory_space<hbm>>)
        tpu.yield
      }) : () -> ()
    } else {
    }
    return
  }
}

#map = affine_map<(d0, d1) -> (0, 0, 0)>
#map1 = affine_map<(d0, d1) -> (0, 0)>
module attributes {stable_mosaic.version = 14 : i64} {
  func.func @_deg_pass(%arg0: i32, %arg1: i32, %arg2: memref<2x2500x128xi32, #tpu.memory_space<hbm>>, %arg3: memref<10240x16xf32, #tpu.memory_space<hbm>>, %arg4: memref<10240x16xf32, #tpu.memory_space<hbm>>, %arg5: memref<80x128xi32, #tpu.memory_space<vmem>>, %arg6: memref<128x16xf32, #tpu.memory_space<vmem>>, %arg7: memref<10240x16xf32, #tpu.memory_space<vmem_shared>>) attributes {dimension_semantics = [#tpu.dimension_semantics<core_parallel>, #tpu.dimension_semantics<subcore_parallel>], iteration_bounds = array<i64: 2, 16>, scalar_prefetch = 0 : i64, scratch_operands = 3 : i64, tpu.core_type = #tpu.core_type<sc_vector_subcore>, window_params = [{transform_indices = #map}, {transform_indices = #map1}, {transform_indices = #map1}]} {
    %mul3A = arith.constant 2 : i32
    %mul3A_0 = arith.muli %arg1, %mul3A : i32
    %add3A = arith.addi %mul3A_0, %arg0 : i32
    %broadcast_in_dim3A = arith.constant 0.000000e+00 : f32
    %broadcast_in_dim3A_1 = vector.broadcast %broadcast_in_dim3A : f32 to vector<16xf32>
    %scan3A = arith.constant 0 : i32
    %scan3A_2 = arith.constant 0 : i32
    %scan3A_3 = arith.constant 128 : i32
    %scan3A_4 = arith.addi %scan3A_2, %scan3A_3 : i32
    %scan3A_5 = arith.constant 1 : i32
    scf.for %scan3A_53 = %scan3A_2 to %scan3A_4 step %scan3A_5  : i32 {
      %swap3A = arith.index_cast %scan3A_53 : i32 to index
      %swap3A_54 = arith.constant 0 : index
      %swap3A_55 = tpu.vector_load %arg6[%swap3A, %swap3A_54] {strides = array<i32>} : memref<128x16xf32, #tpu.memory_space<vmem>>, vector<1x16xf32>,
      %swap3A_56 = vector.shape_cast %swap3A_55 : vector<1x16xf32> to vector<16xf32>
      %swap3A_57 = vector.shape_cast %broadcast_in_dim3A_1 : vector<16xf32> to vector<1x16xf32>
      tpu.vector_store %arg6[%swap3A, %swap3A_54], %swap3A_57 {strides = array<i32>} : memref<128x16xf32, #tpu.memory_space<vmem>>, vector<1x16xf32>,
    }
    %scan3A_6 = arith.constant 128 : i32
    %mul3A_7 = arith.constant 640 : i32
    %mul3A_8 = arith.muli %arg1, %mul3A_7 : i32
    %add3A_9 = arith.constant 0 : i32
    %add3A_10 = arith.addi %mul3A_8, %add3A_9 : i32
    "tpu.region"() ({
      %run_scoped3A = tpu.sem_alloc : memref<!tpu.dma_semaphore, #tpu.memory_space<semaphore_mem>>
      %dma_start3A = arith.constant 0 : i32
      %dma_start3A_53 = tpu.memref_slice %arg7[%add3A_10, %dma_start3A] : memref<10240x16xf32, #tpu.memory_space<vmem_shared>> -> memref<128x16xf32, #tpu.memory_space<vmem_shared>>
      %dma_start3A_54 = arith.constant 0 : i32
      %dma_start3A_55 = tpu.memref_slice %arg7[%add3A_10, %dma_start3A_54] : memref<10240x16xf32, #tpu.memory_space<vmem_shared>> -> memref<128x16xf32, #tpu.memory_space<vmem_shared>>
      tpu.enqueue_dma source(%arg6 : memref<128x16xf32, #tpu.memory_space<vmem>>) target(%dma_start3A_55 : memref<128x16xf32, #tpu.memory_space<vmem_shared>>) target_semaphore(%run_scoped3A : memref<!tpu.dma_semaphore, #tpu.memory_space<semaphore_mem>>)
      %dma_wait3A = arith.constant 0 : i32
      %dma_wait3A_56 = tpu.memref_slice %arg7[%add3A_10, %dma_wait3A] : memref<10240x16xf32, #tpu.memory_space<vmem_shared>> -> memref<128x16xf32, #tpu.memory_space<vmem_shared>>
      %dma_wait3A_57 = arith.constant 0 : i32
      %dma_wait3A_58 = tpu.memref_slice %arg7[%add3A_10, %dma_wait3A_57] : memref<10240x16xf32, #tpu.memory_space<vmem_shared>> -> memref<128x16xf32, #tpu.memory_space<vmem_shared>>
      tpu.wait_dma2 semaphore(%run_scoped3A : memref<!tpu.dma_semaphore, #tpu.memory_space<semaphore_mem>>) src(%arg6 : memref<128x16xf32, #tpu.memory_space<vmem>>) dst(%dma_wait3A_58 : memref<128x16xf32, #tpu.memory_space<vmem_shared>>)
      tpu.yield
    }) : () -> ()
    %add3A_11 = arith.constant 128 : i32
    %add3A_12 = arith.addi %mul3A_8, %add3A_11 : i32
    "tpu.region"() ({
      %run_scoped3A = tpu.sem_alloc : memref<!tpu.dma_semaphore, #tpu.memory_space<semaphore_mem>>
      %dma_start3A = arith.constant 0 : i32
      %dma_start3A_53 = tpu.memref_slice %arg7[%add3A_12, %dma_start3A] : memref<10240x16xf32, #tpu.memory_space<vmem_shared>> -> memref<128x16xf32, #tpu.memory_space<vmem_shared>>
      %dma_start3A_54 = arith.constant 0 : i32
      %dma_start3A_55 = tpu.memref_slice %arg7[%add3A_12, %dma_start3A_54] : memref<10240x16xf32, #tpu.memory_space<vmem_shared>> -> memref<128x16xf32, #tpu.memory_space<vmem_shared>>
      tpu.enqueue_dma source(%arg6 : memref<128x16xf32, #tpu.memory_space<vmem>>) target(%dma_start3A_55 : memref<128x16xf32, #tpu.memory_space<vmem_shared>>) target_semaphore(%run_scoped3A : memref<!tpu.dma_semaphore, #tpu.memory_space<semaphore_mem>>)
      %dma_wait3A = arith.constant 0 : i32
      %dma_wait3A_56 = tpu.memref_slice %arg7[%add3A_12, %dma_wait3A] : memref<10240x16xf32, #tpu.memory_space<vmem_shared>> -> memref<128x16xf32, #tpu.memory_space<vmem_shared>>
      %dma_wait3A_57 = arith.constant 0 : i32
      %dma_wait3A_58 = tpu.memref_slice %arg7[%add3A_12, %dma_wait3A_57] : memref<10240x16xf32, #tpu.memory_space<vmem_shared>> -> memref<128x16xf32, #tpu.memory_space<vmem_shared>>
      tpu.wait_dma2 semaphore(%run_scoped3A : memref<!tpu.dma_semaphore, #tpu.memory_space<semaphore_mem>>) src(%arg6 : memref<128x16xf32, #tpu.memory_space<vmem>>) dst(%dma_wait3A_58 : memref<128x16xf32, #tpu.memory_space<vmem_shared>>)
      tpu.yield
    }) : () -> ()
    %add3A_13 = arith.constant 256 : i32
    %add3A_14 = arith.addi %mul3A_8, %add3A_13 : i32
    "tpu.region"() ({
      %run_scoped3A = tpu.sem_alloc : memref<!tpu.dma_semaphore, #tpu.memory_space<semaphore_mem>>
      %dma_start3A = arith.constant 0 : i32
      %dma_start3A_53 = tpu.memref_slice %arg7[%add3A_14, %dma_start3A] : memref<10240x16xf32, #tpu.memory_space<vmem_shared>> -> memref<128x16xf32, #tpu.memory_space<vmem_shared>>
      %dma_start3A_54 = arith.constant 0 : i32
      %dma_start3A_55 = tpu.memref_slice %arg7[%add3A_14, %dma_start3A_54] : memref<10240x16xf32, #tpu.memory_space<vmem_shared>> -> memref<128x16xf32, #tpu.memory_space<vmem_shared>>
      tpu.enqueue_dma source(%arg6 : memref<128x16xf32, #tpu.memory_space<vmem>>) target(%dma_start3A_55 : memref<128x16xf32, #tpu.memory_space<vmem_shared>>) target_semaphore(%run_scoped3A : memref<!tpu.dma_semaphore, #tpu.memory_space<semaphore_mem>>)
      %dma_wait3A = arith.constant 0 : i32
      %dma_wait3A_56 = tpu.memref_slice %arg7[%add3A_14, %dma_wait3A] : memref<10240x16xf32, #tpu.memory_space<vmem_shared>> -> memref<128x16xf32, #tpu.memory_space<vmem_shared>>
      %dma_wait3A_57 = arith.constant 0 : i32
      %dma_wait3A_58 = tpu.memref_slice %arg7[%add3A_14, %dma_wait3A_57] : memref<10240x16xf32, #tpu.memory_space<vmem_shared>> -> memref<128x16xf32, #tpu.memory_space<vmem_shared>>
      tpu.wait_dma2 semaphore(%run_scoped3A : memref<!tpu.dma_semaphore, #tpu.memory_space<semaphore_mem>>) src(%arg6 : memref<128x16xf32, #tpu.memory_space<vmem>>) dst(%dma_wait3A_58 : memref<128x16xf32, #tpu.memory_space<vmem_shared>>)
      tpu.yield
    }) : () -> ()
    %add3A_15 = arith.constant 384 : i32
    %add3A_16 = arith.addi %mul3A_8, %add3A_15 : i32
    "tpu.region"() ({
      %run_scoped3A = tpu.sem_alloc : memref<!tpu.dma_semaphore, #tpu.memory_space<semaphore_mem>>
      %dma_start3A = arith.constant 0 : i32
      %dma_start3A_53 = tpu.memref_slice %arg7[%add3A_16, %dma_start3A] : memref<10240x16xf32, #tpu.memory_space<vmem_shared>> -> memref<128x16xf32, #tpu.memory_space<vmem_shared>>
      %dma_start3A_54 = arith.constant 0 : i32
      %dma_start3A_55 = tpu.memref_slice %arg7[%add3A_16, %dma_start3A_54] : memref<10240x16xf32, #tpu.memory_space<vmem_shared>> -> memref<128x16xf32, #tpu.memory_space<vmem_shared>>
      tpu.enqueue_dma source(%arg6 : memref<128x16xf32, #tpu.memory_space<vmem>>) target(%dma_start3A_55 : memref<128x16xf32, #tpu.memory_space<vmem_shared>>) target_semaphore(%run_scoped3A : memref<!tpu.dma_semaphore, #tpu.memory_space<semaphore_mem>>)
      %dma_wait3A = arith.constant 0 : i32
      %dma_wait3A_56 = tpu.memref_slice %arg7[%add3A_16, %dma_wait3A] : memref<10240x16xf32, #tpu.memory_space<vmem_shared>> -> memref<128x16xf32, #tpu.memory_space<vmem_shared>>
      %dma_wait3A_57 = arith.constant 0 : i32
      %dma_wait3A_58 = tpu.memref_slice %arg7[%add3A_16, %dma_wait3A_57] : memref<10240x16xf32, #tpu.memory_space<vmem_shared>> -> memref<128x16xf32, #tpu.memory_space<vmem_shared>>
      tpu.wait_dma2 semaphore(%run_scoped3A : memref<!tpu.dma_semaphore, #tpu.memory_space<semaphore_mem>>) src(%arg6 : memref<128x16xf32, #tpu.memory_space<vmem>>) dst(%dma_wait3A_58 : memref<128x16xf32, #tpu.memory_space<vmem_shared>>)
      tpu.yield
    }) : () -> ()
    %add3A_17 = arith.constant 512 : i32
    %add3A_18 = arith.addi %mul3A_8, %add3A_17 : i32
    "tpu.region"() ({
      %run_scoped3A = tpu.sem_alloc : memref<!tpu.dma_semaphore, #tpu.memory_space<semaphore_mem>>
      %dma_start3A = arith.constant 0 : i32
      %dma_start3A_53 = tpu.memref_slice %arg7[%add3A_18, %dma_start3A] : memref<10240x16xf32, #tpu.memory_space<vmem_shared>> -> memref<128x16xf32, #tpu.memory_space<vmem_shared>>
      %dma_start3A_54 = arith.constant 0 : i32
      %dma_start3A_55 = tpu.memref_slice %arg7[%add3A_18, %dma_start3A_54] : memref<10240x16xf32, #tpu.memory_space<vmem_shared>> -> memref<128x16xf32, #tpu.memory_space<vmem_shared>>
      tpu.enqueue_dma source(%arg6 : memref<128x16xf32, #tpu.memory_space<vmem>>) target(%dma_start3A_55 : memref<128x16xf32, #tpu.memory_space<vmem_shared>>) target_semaphore(%run_scoped3A : memref<!tpu.dma_semaphore, #tpu.memory_space<semaphore_mem>>)
      %dma_wait3A = arith.constant 0 : i32
      %dma_wait3A_56 = tpu.memref_slice %arg7[%add3A_18, %dma_wait3A] : memref<10240x16xf32, #tpu.memory_space<vmem_shared>> -> memref<128x16xf32, #tpu.memory_space<vmem_shared>>
      %dma_wait3A_57 = arith.constant 0 : i32
      %dma_wait3A_58 = tpu.memref_slice %arg7[%add3A_18, %dma_wait3A_57] : memref<10240x16xf32, #tpu.memory_space<vmem_shared>> -> memref<128x16xf32, #tpu.memory_space<vmem_shared>>
      tpu.wait_dma2 semaphore(%run_scoped3A : memref<!tpu.dma_semaphore, #tpu.memory_space<semaphore_mem>>) src(%arg6 : memref<128x16xf32, #tpu.memory_space<vmem>>) dst(%dma_wait3A_58 : memref<128x16xf32, #tpu.memory_space<vmem_shared>>)
      tpu.yield
    }) : () -> ()
    %lt3A = arith.constant 31 : i32
    %lt3A_19 = arith.cmpi slt, %add3A, %lt3A : i32
    %convert_element_type3A = arith.extui %lt3A_19 : i1 to i32
    %cond3A = arith.constant 0 : i32
    %cond3A_20 = arith.cmpi ne, %convert_element_type3A, %cond3A : i32
    scf.if %cond3A_20 {
      %mul3A_53 = arith.constant 80 : i32
      %mul3A_54 = arith.muli %add3A, %mul3A_53 : i32
      %run_scoped3A = arith.constant 1 : i32
      "tpu.region"() ({
        %run_scoped3A_55 = tpu.sem_alloc : memref<!tpu.dma_semaphore, #tpu.memory_space<semaphore_mem>>
        %dma_start3A = arith.constant 0 : i32
        %dma_start3A_56 = tpu.memref_slice %arg2[%run_scoped3A, %mul3A_54, %dma_start3A] : memref<2x2500x128xi32, #tpu.memory_space<hbm>> -> memref<1x80x128xi32, #tpu.memory_space<hbm>>
        %dma_start3A_57 = tpu.memref_squeeze %dma_start3A_56 : memref<1x80x128xi32, #tpu.memory_space<hbm>> -> memref<80x128xi32, #tpu.memory_space<hbm>>
        %dma_start3A_58 = arith.constant 0 : i32
        %dma_start3A_59 = tpu.memref_slice %arg2[%run_scoped3A, %mul3A_54, %dma_start3A_58] : memref<2x2500x128xi32, #tpu.memory_space<hbm>> -> memref<1x80x128xi32, #tpu.memory_space<hbm>>
        %dma_start3A_60 = tpu.memref_squeeze %dma_start3A_59 : memref<1x80x128xi32, #tpu.memory_space<hbm>> -> memref<80x128xi32, #tpu.memory_space<hbm>>
        tpu.enqueue_dma source(%dma_start3A_60 : memref<80x128xi32, #tpu.memory_space<hbm>>) target(%arg5 : memref<80x128xi32, #tpu.memory_space<vmem>>) target_semaphore(%run_scoped3A_55 : memref<!tpu.dma_semaphore, #tpu.memory_space<semaphore_mem>>)
        %dma_wait3A = arith.constant 0 : i32
        %dma_wait3A_61 = tpu.memref_slice %arg2[%run_scoped3A, %mul3A_54, %dma_wait3A] : memref<2x2500x128xi32, #tpu.memory_space<hbm>> -> memref<1x80x128xi32, #tpu.memory_space<hbm>>
        %dma_wait3A_62 = tpu.memref_squeeze %dma_wait3A_61 : memref<1x80x128xi32, #tpu.memory_space<hbm>> -> memref<80x128xi32, #tpu.memory_space<hbm>>
        %dma_wait3A_63 = arith.constant 0 : i32
        %dma_wait3A_64 = tpu.memref_slice %arg2[%run_scoped3A, %mul3A_54, %dma_wait3A_63] : memref<2x2500x128xi32, #tpu.memory_space<hbm>> -> memref<1x80x128xi32, #tpu.memory_space<hbm>>
        %dma_wait3A_65 = tpu.memref_squeeze %dma_wait3A_64 : memref<1x80x128xi32, #tpu.memory_space<hbm>> -> memref<80x128xi32, #tpu.memory_space<hbm>>
        tpu.wait_dma2 semaphore(%run_scoped3A_55 : memref<!tpu.dma_semaphore, #tpu.memory_space<semaphore_mem>>) src(%dma_wait3A_65 : memref<80x128xi32, #tpu.memory_space<hbm>>) dst(%arg5 : memref<80x128xi32, #tpu.memory_space<vmem>>)
        tpu.yield
      }) : () -> ()
    } else {
    }
    %eq3A = arith.constant 31 : i32
    %eq3A_21 = arith.cmpi eq, %add3A, %eq3A : i32
    %convert_element_type3A_22 = arith.extui %eq3A_21 : i1 to i32
    %cond3A_23 = arith.constant 0 : i32
    %cond3A_24 = arith.cmpi ne, %convert_element_type3A_22, %cond3A_23 : i32
    scf.if %cond3A_24 {
      %run_scoped3A = arith.constant 1 : i32
      "tpu.region"() ({
        %run_scoped3A_53 = tpu.sem_alloc : memref<!tpu.dma_semaphore, #tpu.memory_space<semaphore_mem>>
        %dma_start3A = arith.constant 0 : i32
        %dma_start3A_54 = arith.constant 0 : i32
        %dma_start3A_55 = tpu.memref_slice %arg5[%dma_start3A, %dma_start3A_54] : memref<80x128xi32, #tpu.memory_space<vmem>> -> memref<20x128xi32, #tpu.memory_space<vmem>>
        %dma_start3A_56 = arith.constant 2480 : i32
        %dma_start3A_57 = arith.constant 0 : i32
        %dma_start3A_58 = tpu.memref_slice %arg2[%run_scoped3A, %dma_start3A_56, %dma_start3A_57] : memref<2x2500x128xi32, #tpu.memory_space<hbm>> -> memref<1x20x128xi32, #tpu.memory_space<hbm>>
        %dma_start3A_59 = tpu.memref_squeeze %dma_start3A_58 : memref<1x20x128xi32, #tpu.memory_space<hbm>> -> memref<20x128xi32, #tpu.memory_space<hbm>>
        %dma_start3A_60 = arith.constant 0 : i32
        %dma_start3A_61 = arith.constant 0 : i32
        %dma_start3A_62 = tpu.memref_slice %arg5[%dma_start3A_60, %dma_start3A_61] : memref<80x128xi32, #tpu.memory_space<vmem>> -> memref<20x128xi32, #tpu.memory_space<vmem>>
        %dma_start3A_63 = arith.constant 2480 : i32
        %dma_start3A_64 = arith.constant 0 : i32
        %dma_start3A_65 = tpu.memref_slice %arg2[%run_scoped3A, %dma_start3A_63, %dma_start3A_64] : memref<2x2500x128xi32, #tpu.memory_space<hbm>> -> memref<1x20x128xi32, #tpu.memory_space<hbm>>
        %dma_start3A_66 = tpu.memref_squeeze %dma_start3A_65 : memref<1x20x128xi32, #tpu.memory_space<hbm>> -> memref<20x128xi32, #tpu.memory_space<hbm>>
        tpu.enqueue_dma source(%dma_start3A_66 : memref<20x128xi32, #tpu.memory_space<hbm>>) target(%dma_start3A_62 : memref<20x128xi32, #tpu.memory_space<vmem>>) target_semaphore(%run_scoped3A_53 : memref<!tpu.dma_semaphore, #tpu.memory_space<semaphore_mem>>)
        %dma_wait3A = arith.constant 0 : i32
        %dma_wait3A_67 = arith.constant 0 : i32
        %dma_wait3A_68 = tpu.memref_slice %arg5[%dma_wait3A, %dma_wait3A_67] : memref<80x128xi32, #tpu.memory_space<vmem>> -> memref<20x128xi32, #tpu.memory_space<vmem>>
        %dma_wait3A_69 = arith.constant 2480 : i32
        %dma_wait3A_70 = arith.constant 0 : i32
        %dma_wait3A_71 = tpu.memref_slice %arg2[%run_scoped3A, %dma_wait3A_69, %dma_wait3A_70] : memref<2x2500x128xi32, #tpu.memory_space<hbm>> -> memref<1x20x128xi32, #tpu.memory_space<hbm>>
        %dma_wait3A_72 = tpu.memref_squeeze %dma_wait3A_71 : memref<1x20x128xi32, #tpu.memory_space<hbm>> -> memref<20x128xi32, #tpu.memory_space<hbm>>
        %dma_wait3A_73 = arith.constant 0 : i32
        %dma_wait3A_74 = arith.constant 0 : i32
        %dma_wait3A_75 = tpu.memref_slice %arg5[%dma_wait3A_73, %dma_wait3A_74] : memref<80x128xi32, #tpu.memory_space<vmem>> -> memref<20x128xi32, #tpu.memory_space<vmem>>
        %dma_wait3A_76 = arith.constant 2480 : i32
        %dma_wait3A_77 = arith.constant 0 : i32
        %dma_wait3A_78 = tpu.memref_slice %arg2[%run_scoped3A, %dma_wait3A_76, %dma_wait3A_77] : memref<2x2500x128xi32, #tpu.memory_space<hbm>> -> memref<1x20x128xi32, #tpu.memory_space<hbm>>
        %dma_wait3A_79 = tpu.memref_squeeze %dma_wait3A_78 : memref<1x20x128xi32, #tpu.memory_space<hbm>> -> memref<20x128xi32, #tpu.memory_space<hbm>>
        tpu.wait_dma2 semaphore(%run_scoped3A_53 : memref<!tpu.dma_semaphore, #tpu.memory_space<semaphore_mem>>) src(%dma_wait3A_79 : memref<20x128xi32, #tpu.memory_space<hbm>>) dst(%dma_wait3A_75 : memref<20x128xi32, #tpu.memory_space<vmem>>)
        tpu.yield
      }) : () -> ()
    } else {
    }
    %lt3A_25 = arith.constant 31 : i32
    %lt3A_26 = arith.cmpi slt, %add3A, %lt3A_25 : i32
    %jit3A = arith.constant 80 : i32
    %jit3A_27 = arith.constant 20 : i32
    %select_n3A = arith.select %lt3A_26, %jit3A, %jit3A_27 : i32
    %barrier3A = arith.constant 0 : index
    tpu.barrier barrier_id(%barrier3A)
    %broadcast_in_dim3A_28 = arith.constant 1.000000e+00 : f32
    %broadcast_in_dim3A_29 = vector.broadcast %broadcast_in_dim3A_28 : f32 to vector<16xf32>
    %scan3A_30 = arith.constant 0 : i32
    %scan3A_31 = arith.constant 0 : i32
    %scan3A_32 = arith.constant 128 : i32
    %scan3A_33 = arith.addi %scan3A_31, %scan3A_32 : i32
    %scan3A_34 = arith.constant 1 : i32
    scf.for %scan3A_53 = %scan3A_31 to %scan3A_33 step %scan3A_34  : i32 {
      %swap3A = arith.index_cast %scan3A_53 : i32 to index
      %swap3A_54 = arith.constant 0 : index
      %swap3A_55 = tpu.vector_load %arg6[%swap3A, %swap3A_54] {strides = array<i32>} : memref<128x16xf32, #tpu.memory_space<vmem>>, vector<1x16xf32>,
      %swap3A_56 = vector.shape_cast %swap3A_55 : vector<1x16xf32> to vector<16xf32>
      %swap3A_57 = vector.shape_cast %broadcast_in_dim3A_29 : vector<16xf32> to vector<1x16xf32>
      tpu.vector_store %arg6[%swap3A, %swap3A_54], %swap3A_57 {strides = array<i32>} : memref<128x16xf32, #tpu.memory_space<vmem>>, vector<1x16xf32>,
    }
    %scan3A_35 = arith.constant 128 : i32
    %scan3A_36 = arith.constant 0 : i32
    %scan3A_37 = arith.constant 0 : i32
    %scan3A_38 = arith.constant 80 : i32
    %scan3A_39 = arith.addi %scan3A_37, %scan3A_38 : i32
    %scan3A_40 = arith.constant 1 : i32
    scf.for %scan3A_53 = %scan3A_37 to %scan3A_39 step %scan3A_40  : i32 {
      %lt3A_54 = arith.cmpi slt, %scan3A_53, %select_n3A : i32
      %convert_element_type3A_55 = arith.extui %lt3A_54 : i1 to i32
      %cond3A_56 = arith.constant 0 : i32
      %cond3A_57 = arith.cmpi ne, %convert_element_type3A_55, %cond3A_56 : i32
      scf.if %cond3A_57 {
        "tpu.region"() ({
          %run_scoped3A = tpu.sem_alloc : memref<!tpu.dma_semaphore, #tpu.memory_space<semaphore_mem>>
          %dma_start3A = arith.constant 0 : i32
          %dma_start3A_58 = tpu.memref_slice %arg5[%scan3A_53, %dma_start3A] : memref<80x128xi32, #tpu.memory_space<vmem>> -> memref<1x128xi32, #tpu.memory_space<vmem>>
          %dma_start3A_59 = tpu.memref_squeeze %dma_start3A_58 : memref<1x128xi32, #tpu.memory_space<vmem>> -> memref<128xi32, #tpu.memory_space<vmem>>
          %dma_start3A_60 = arith.constant 0 : i32
          %dma_start3A_61 = arith.constant 0 : i32
          %dma_start3A_62 = tpu.memref_slice %arg7[%dma_start3A_60, %dma_start3A_61] : memref<10240x16xf32, #tpu.memory_space<vmem_shared>> -> memref<10240x16xf32, #tpu.memory_space<vmem_shared>>
          tpu.enqueue_indirect_dma source(%arg6 : memref<128x16xf32, #tpu.memory_space<vmem>>) target(%dma_start3A_62 : memref<10240x16xf32, #tpu.memory_space<vmem_shared>>) offsets(%dma_start3A_59 : memref<128xi32, #tpu.memory_space<vmem>>) semaphore(%run_scoped3A : memref<!tpu.dma_semaphore, #tpu.memory_space<semaphore_mem>>) {add = true}
          %dma_wait3A = arith.constant 0 : i32
          %dma_wait3A_63 = tpu.memref_slice %arg5[%scan3A_53, %dma_wait3A] : memref<80x128xi32, #tpu.memory_space<vmem>> -> memref<1x128xi32, #tpu.memory_space<vmem>>
          %dma_wait3A_64 = tpu.memref_squeeze %dma_wait3A_63 : memref<1x128xi32, #tpu.memory_space<vmem>> -> memref<128xi32, #tpu.memory_space<vmem>>
          %dma_wait3A_65 = arith.constant 0 : i32
          %dma_wait3A_66 = arith.constant 0 : i32
          %dma_wait3A_67 = tpu.memref_slice %arg7[%dma_wait3A_65, %dma_wait3A_66] : memref<10240x16xf32, #tpu.memory_space<vmem_shared>> -> memref<10240x16xf32, #tpu.memory_space<vmem_shared>>
          tpu.wait_indirect_dma semaphore(%run_scoped3A : memref<!tpu.dma_semaphore, #tpu.memory_space<semaphore_mem>>) src(%arg6 : memref<128x16xf32, #tpu.memory_space<vmem>>) dst(%dma_wait3A_67 : memref<10240x16xf32, #tpu.memory_space<vmem_shared>>)
          tpu.yield
        }) : () -> ()
      } else {
      }
    }
    %scan3A_41 = arith.constant 80 : i32
    %barrier3A_42 = arith.constant 0 : index
    tpu.barrier barrier_id(%barrier3A_42)
    %eq3A_43 = arith.constant 0 : i32
    %eq3A_44 = arith.cmpi eq, %arg0, %eq3A_43 : i32
    %convert_element_type3A_45 = arith.extui %eq3A_44 : i1 to i32
    %cond3A_46 = arith.constant 0 : i32
    %cond3A_47 = arith.cmpi ne, %convert_element_type3A_45, %cond3A_46 : i32
    scf.if %cond3A_47 {
      "tpu.region"() ({
        %run_scoped3A = tpu.sem_alloc : memref<!tpu.dma_semaphore, #tpu.memory_space<semaphore_mem>>
        %dma_start3A = arith.constant 0 : i32
        %dma_start3A_53 = tpu.memref_slice %arg3[%mul3A_8, %dma_start3A] : memref<10240x16xf32, #tpu.memory_space<hbm>> -> memref<640x16xf32, #tpu.memory_space<hbm>>
        %dma_start3A_54 = arith.constant 0 : i32
        %dma_start3A_55 = tpu.memref_slice %arg7[%mul3A_8, %dma_start3A_54] : memref<10240x16xf32, #tpu.memory_space<vmem_shared>> -> memref<640x16xf32, #tpu.memory_space<vmem_shared>>
        tpu.enqueue_dma source(%dma_start3A_55 : memref<640x16xf32, #tpu.memory_space<vmem_shared>>) target(%dma_start3A_53 : memref<640x16xf32, #tpu.memory_space<hbm>>) target_semaphore(%run_scoped3A : memref<!tpu.dma_semaphore, #tpu.memory_space<semaphore_mem>>)
        %dma_wait3A = arith.constant 0 : i32
        %dma_wait3A_56 = tpu.memref_slice %arg3[%mul3A_8, %dma_wait3A] : memref<10240x16xf32, #tpu.memory_space<hbm>> -> memref<640x16xf32, #tpu.memory_space<hbm>>
        %dma_wait3A_57 = arith.constant 0 : i32
        %dma_wait3A_58 = tpu.memref_slice %arg7[%mul3A_8, %dma_wait3A_57] : memref<10240x16xf32, #tpu.memory_space<vmem_shared>> -> memref<640x16xf32, #tpu.memory_space<vmem_shared>>
        tpu.wait_dma2 semaphore(%run_scoped3A : memref<!tpu.dma_semaphore, #tpu.memory_space<semaphore_mem>>) src(%dma_wait3A_58 : memref<640x16xf32, #tpu.memory_space<vmem_shared>>) dst(%dma_wait3A_56 : memref<640x16xf32, #tpu.memory_space<hbm>>)
        tpu.yield
      }) : () -> ()
    } else {
    }
    %eq3A_48 = arith.constant 1 : i32
    %eq3A_49 = arith.cmpi eq, %arg0, %eq3A_48 : i32
    %convert_element_type3A_50 = arith.extui %eq3A_49 : i1 to i32
    %cond3A_51 = arith.constant 0 : i32
    %cond3A_52 = arith.cmpi ne, %convert_element_type3A_50, %cond3A_51 : i32
    scf.if %cond3A_52 {
      "tpu.region"() ({
        %run_scoped3A = tpu.sem_alloc : memref<!tpu.dma_semaphore, #tpu.memory_space<semaphore_mem>>
        %dma_start3A = arith.constant 0 : i32
        %dma_start3A_53 = tpu.memref_slice %arg4[%mul3A_8, %dma_start3A] : memref<10240x16xf32, #tpu.memory_space<hbm>> -> memref<640x16xf32, #tpu.memory_space<hbm>>
        %dma_start3A_54 = arith.constant 0 : i32
        %dma_start3A_55 = tpu.memref_slice %arg7[%mul3A_8, %dma_start3A_54] : memref<10240x16xf32, #tpu.memory_space<vmem_shared>> -> memref<640x16xf32, #tpu.memory_space<vmem_shared>>
        tpu.enqueue_dma source(%dma_start3A_55 : memref<640x16xf32, #tpu.memory_space<vmem_shared>>) target(%dma_start3A_53 : memref<640x16xf32, #tpu.memory_space<hbm>>) target_semaphore(%run_scoped3A : memref<!tpu.dma_semaphore, #tpu.memory_space<semaphore_mem>>)
        %dma_wait3A = arith.constant 0 : i32
        %dma_wait3A_56 = tpu.memref_slice %arg4[%mul3A_8, %dma_wait3A] : memref<10240x16xf32, #tpu.memory_space<hbm>> -> memref<640x16xf32, #tpu.memory_space<hbm>>
        %dma_wait3A_57 = arith.constant 0 : i32
        %dma_wait3A_58 = tpu.memref_slice %arg7[%mul3A_8, %dma_wait3A_57] : memref<10240x16xf32, #tpu.memory_space<vmem_shared>> -> memref<640x16xf32, #tpu.memory_space<vmem_shared>>
        tpu.wait_dma2 semaphore(%run_scoped3A : memref<!tpu.dma_semaphore, #tpu.memory_space<semaphore_mem>>) src(%dma_wait3A_58 : memref<640x16xf32, #tpu.memory_space<vmem_shared>>) dst(%dma_wait3A_56 : memref<640x16xf32, #tpu.memory_space<hbm>>)
        tpu.yield
      }) : () -> ()
    } else {
    }
    return
  }
}

#map = affine_map<(d0, d1) -> (0, 0)>
#map1 = affine_map<(d0, d1) -> (0, 0, 0)>
module attributes {stable_mosaic.version = 14 : i64} {
  func.func @_edge_pass(%arg0: i32, %arg1: i32, %arg2: memref<10000x128xf32, #tpu.memory_space<hbm>>, %arg3: memref<2x2500x128xi32, #tpu.memory_space<hbm>>, %arg4: memref<10240x128xf32, #tpu.memory_space<hbm>>, %arg5: memref<10240x128xf32, #tpu.memory_space<hbm>>, %arg6: memref<4x128xi32, #tpu.memory_space<vmem>>, %arg7: memref<4x128xi32, #tpu.memory_space<vmem>>, %arg8: memref<128x128xf32, #tpu.memory_space<vmem>>, %arg9: memref<128x128xf32, #tpu.memory_space<vmem>>, %arg10: memref<10240x128xf32, #tpu.memory_space<vmem_shared>>, %arg11: memref<!tpu.dma_semaphore, #tpu.memory_space<semaphore_mem>>, %arg12: memref<!tpu.dma_semaphore, #tpu.memory_space<semaphore_mem>>, %arg13: memref<!tpu.dma_semaphore, #tpu.memory_space<semaphore_mem>>, %arg14: memref<!tpu.dma_semaphore, #tpu.memory_space<semaphore_mem>>, %arg15: memref<!tpu.dma_semaphore, #tpu.memory_space<semaphore_mem>>, %arg16: memref<!tpu.dma_semaphore, #tpu.memory_space<semaphore_mem>>, %arg17: memref<!tpu.dma_semaphore, #tpu.memory_space<semaphore_mem>>, %arg18: memref<!tpu.dma_semaphore, #tpu.memory_space<semaphore_mem>>, %arg19: memref<!tpu.dma_semaphore, #tpu.memory_space<semaphore_mem>>, %arg20: memref<!tpu.dma_semaphore, #tpu.memory_space<semaphore_mem>>, %arg21: memref<!tpu.dma_semaphore, #tpu.memory_space<semaphore_mem>>, %arg22: memref<!tpu.dma_semaphore, #tpu.memory_space<semaphore_mem>>) attributes {dimension_semantics = [#tpu.dimension_semantics<core_parallel>, #tpu.dimension_semantics<subcore_parallel>], iteration_bounds = array<i64: 2, 16>, scalar_prefetch = 0 : i64, scratch_operands = 17 : i64, tpu.core_type = #tpu.core_type<sc_vector_subcore>, window_params = [{transform_indices = #map}, {transform_indices = #map1}, {transform_indices = #map}, {transform_indices = #map}]} {
    %mul3A = arith.constant 2 : i32
    %mul3A_0 = arith.muli %arg1, %mul3A : i32
    %add3A = arith.addi %mul3A_0, %arg0 : i32
    %mul3A_1 = arith.constant 80 : i32
    %mul3A_2 = arith.muli %add3A, %mul3A_1 : i32
    %lt3A = arith.constant 31 : i32
    %lt3A_3 = arith.cmpi slt, %add3A, %lt3A : i32
    %jit3A = arith.constant 80 : i32
    %jit3A_4 = arith.constant 20 : i32
    %select_n3A = arith.select %lt3A_3, %jit3A, %jit3A_4 : i32
    %broadcast_in_dim3A = arith.constant 0.000000e+00 : f32
    %broadcast_in_dim3A_5 = vector.broadcast %broadcast_in_dim3A : f32 to vector<16xf32>
    %scan3A = arith.constant 0 : i32
    %scan3A_6 = arith.constant 0 : i32
    %scan3A_7 = arith.constant 128 : i32
    %scan3A_8 = arith.addi %scan3A_6, %scan3A_7 : i32
    %scan3A_9 = arith.constant 1 : i32
    scf.for %scan3A_67 = %scan3A_6 to %scan3A_8 step %scan3A_9  : i32 {
      %swap3A = arith.index_cast %scan3A_67 : i32 to index
      %swap3A_68 = arith.constant 0 : index
      %swap3A_69 = tpu.vector_load %arg8[%swap3A, %swap3A_68] {strides = array<i32>} : memref<128x128xf32, #tpu.memory_space<vmem>>, vector<1x16xf32>,
      %swap3A_70 = vector.shape_cast %swap3A_69 : vector<1x16xf32> to vector<16xf32>
      %swap3A_71 = vector.shape_cast %broadcast_in_dim3A_5 : vector<16xf32> to vector<1x16xf32>
      tpu.vector_store %arg8[%swap3A, %swap3A_68], %swap3A_71 {strides = array<i32>} : memref<128x128xf32, #tpu.memory_space<vmem>>, vector<1x16xf32>,
      %swap3A_72 = arith.index_cast %scan3A_67 : i32 to index
      %swap3A_73 = arith.constant 16 : index
      %swap3A_74 = tpu.vector_load %arg8[%swap3A_72, %swap3A_73] {strides = array<i32>} : memref<128x128xf32, #tpu.memory_space<vmem>>, vector<1x16xf32>,
      %swap3A_75 = vector.shape_cast %swap3A_74 : vector<1x16xf32> to vector<16xf32>
      %swap3A_76 = vector.shape_cast %broadcast_in_dim3A_5 : vector<16xf32> to vector<1x16xf32>
      tpu.vector_store %arg8[%swap3A_72, %swap3A_73], %swap3A_76 {strides = array<i32>} : memref<128x128xf32, #tpu.memory_space<vmem>>, vector<1x16xf32>,
      %swap3A_77 = arith.index_cast %scan3A_67 : i32 to index
      %swap3A_78 = arith.constant 32 : index
      %swap3A_79 = tpu.vector_load %arg8[%swap3A_77, %swap3A_78] {strides = array<i32>} : memref<128x128xf32, #tpu.memory_space<vmem>>, vector<1x16xf32>,
      %swap3A_80 = vector.shape_cast %swap3A_79 : vector<1x16xf32> to vector<16xf32>
      %swap3A_81 = vector.shape_cast %broadcast_in_dim3A_5 : vector<16xf32> to vector<1x16xf32>
      tpu.vector_store %arg8[%swap3A_77, %swap3A_78], %swap3A_81 {strides = array<i32>} : memref<128x128xf32, #tpu.memory_space<vmem>>, vector<1x16xf32>,
      %swap3A_82 = arith.index_cast %scan3A_67 : i32 to index
      %swap3A_83 = arith.constant 48 : index
      %swap3A_84 = tpu.vector_load %arg8[%swap3A_82, %swap3A_83] {strides = array<i32>} : memref<128x128xf32, #tpu.memory_space<vmem>>, vector<1x16xf32>,
      %swap3A_85 = vector.shape_cast %swap3A_84 : vector<1x16xf32> to vector<16xf32>
      %swap3A_86 = vector.shape_cast %broadcast_in_dim3A_5 : vector<16xf32> to vector<1x16xf32>
      tpu.vector_store %arg8[%swap3A_82, %swap3A_83], %swap3A_86 {strides = array<i32>} : memref<128x128xf32, #tpu.memory_space<vmem>>, vector<1x16xf32>,
      %swap3A_87 = arith.index_cast %scan3A_67 : i32 to index
      %swap3A_88 = arith.constant 64 : index
      %swap3A_89 = tpu.vector_load %arg8[%swap3A_87, %swap3A_88] {strides = array<i32>} : memref<128x128xf32, #tpu.memory_space<vmem>>, vector<1x16xf32>,
      %swap3A_90 = vector.shape_cast %swap3A_89 : vector<1x16xf32> to vector<16xf32>
      %swap3A_91 = vector.shape_cast %broadcast_in_dim3A_5 : vector<16xf32> to vector<1x16xf32>
      tpu.vector_store %arg8[%swap3A_87, %swap3A_88], %swap3A_91 {strides = array<i32>} : memref<128x128xf32, #tpu.memory_space<vmem>>, vector<1x16xf32>,
      %swap3A_92 = arith.index_cast %scan3A_67 : i32 to index
      %swap3A_93 = arith.constant 80 : index
      %swap3A_94 = tpu.vector_load %arg8[%swap3A_92, %swap3A_93] {strides = array<i32>} : memref<128x128xf32, #tpu.memory_space<vmem>>, vector<1x16xf32>,
      %swap3A_95 = vector.shape_cast %swap3A_94 : vector<1x16xf32> to vector<16xf32>
      %swap3A_96 = vector.shape_cast %broadcast_in_dim3A_5 : vector<16xf32> to vector<1x16xf32>
      tpu.vector_store %arg8[%swap3A_92, %swap3A_93], %swap3A_96 {strides = array<i32>} : memref<128x128xf32, #tpu.memory_space<vmem>>, vector<1x16xf32>,
      %swap3A_97 = arith.index_cast %scan3A_67 : i32 to index
      %swap3A_98 = arith.constant 96 : index
      %swap3A_99 = tpu.vector_load %arg8[%swap3A_97, %swap3A_98] {strides = array<i32>} : memref<128x128xf32, #tpu.memory_space<vmem>>, vector<1x16xf32>,
      %swap3A_100 = vector.shape_cast %swap3A_99 : vector<1x16xf32> to vector<16xf32>
      %swap3A_101 = vector.shape_cast %broadcast_in_dim3A_5 : vector<16xf32> to vector<1x16xf32>
      tpu.vector_store %arg8[%swap3A_97, %swap3A_98], %swap3A_101 {strides = array<i32>} : memref<128x128xf32, #tpu.memory_space<vmem>>, vector<1x16xf32>,
      %swap3A_102 = arith.index_cast %scan3A_67 : i32 to index
      %swap3A_103 = arith.constant 112 : index
      %swap3A_104 = tpu.vector_load %arg8[%swap3A_102, %swap3A_103] {strides = array<i32>} : memref<128x128xf32, #tpu.memory_space<vmem>>, vector<1x16xf32>,
      %swap3A_105 = vector.shape_cast %swap3A_104 : vector<1x16xf32> to vector<16xf32>
      %swap3A_106 = vector.shape_cast %broadcast_in_dim3A_5 : vector<16xf32> to vector<1x16xf32>
      tpu.vector_store %arg8[%swap3A_102, %swap3A_103], %swap3A_106 {strides = array<i32>} : memref<128x128xf32, #tpu.memory_space<vmem>>, vector<1x16xf32>,
    }
    %scan3A_10 = arith.constant 128 : i32
    %mul3A_11 = arith.constant 640 : i32
    %mul3A_12 = arith.muli %arg1, %mul3A_11 : i32
    %add3A_13 = arith.constant 0 : i32
    %add3A_14 = arith.addi %mul3A_12, %add3A_13 : i32
    "tpu.region"() ({
      %run_scoped3A = tpu.sem_alloc : memref<!tpu.dma_semaphore, #tpu.memory_space<semaphore_mem>>
      %dma_start3A = arith.constant 0 : i32
      %dma_start3A_67 = tpu.memref_slice %arg10[%add3A_14, %dma_start3A] : memref<10240x128xf32, #tpu.memory_space<vmem_shared>> -> memref<128x128xf32, #tpu.memory_space<vmem_shared>>
      %dma_start3A_68 = arith.constant 0 : i32
      %dma_start3A_69 = tpu.memref_slice %arg10[%add3A_14, %dma_start3A_68] : memref<10240x128xf32, #tpu.memory_space<vmem_shared>> -> memref<128x128xf32, #tpu.memory_space<vmem_shared>>
      tpu.enqueue_dma source(%arg8 : memref<128x128xf32, #tpu.memory_space<vmem>>) target(%dma_start3A_69 : memref<128x128xf32, #tpu.memory_space<vmem_shared>>) target_semaphore(%run_scoped3A : memref<!tpu.dma_semaphore, #tpu.memory_space<semaphore_mem>>)
      %dma_wait3A = arith.constant 0 : i32
      %dma_wait3A_70 = tpu.memref_slice %arg10[%add3A_14, %dma_wait3A] : memref<10240x128xf32, #tpu.memory_space<vmem_shared>> -> memref<128x128xf32, #tpu.memory_space<vmem_shared>>
      %dma_wait3A_71 = arith.constant 0 : i32
      %dma_wait3A_72 = tpu.memref_slice %arg10[%add3A_14, %dma_wait3A_71] : memref<10240x128xf32, #tpu.memory_space<vmem_shared>> -> memref<128x128xf32, #tpu.memory_space<vmem_shared>>
      tpu.wait_dma2 semaphore(%run_scoped3A : memref<!tpu.dma_semaphore, #tpu.memory_space<semaphore_mem>>) src(%arg8 : memref<128x128xf32, #tpu.memory_space<vmem>>) dst(%dma_wait3A_72 : memref<128x128xf32, #tpu.memory_space<vmem_shared>>)
      tpu.yield
    }) : () -> ()
    %add3A_15 = arith.constant 128 : i32
    %add3A_16 = arith.addi %mul3A_12, %add3A_15 : i32
    "tpu.region"() ({
      %run_scoped3A = tpu.sem_alloc : memref<!tpu.dma_semaphore, #tpu.memory_space<semaphore_mem>>
      %dma_start3A = arith.constant 0 : i32
      %dma_start3A_67 = tpu.memref_slice %arg10[%add3A_16, %dma_start3A] : memref<10240x128xf32, #tpu.memory_space<vmem_shared>> -> memref<128x128xf32, #tpu.memory_space<vmem_shared>>
      %dma_start3A_68 = arith.constant 0 : i32
      %dma_start3A_69 = tpu.memref_slice %arg10[%add3A_16, %dma_start3A_68] : memref<10240x128xf32, #tpu.memory_space<vmem_shared>> -> memref<128x128xf32, #tpu.memory_space<vmem_shared>>
      tpu.enqueue_dma source(%arg8 : memref<128x128xf32, #tpu.memory_space<vmem>>) target(%dma_start3A_69 : memref<128x128xf32, #tpu.memory_space<vmem_shared>>) target_semaphore(%run_scoped3A : memref<!tpu.dma_semaphore, #tpu.memory_space<semaphore_mem>>)
      %dma_wait3A = arith.constant 0 : i32
      %dma_wait3A_70 = tpu.memref_slice %arg10[%add3A_16, %dma_wait3A] : memref<10240x128xf32, #tpu.memory_space<vmem_shared>> -> memref<128x128xf32, #tpu.memory_space<vmem_shared>>
      %dma_wait3A_71 = arith.constant 0 : i32
      %dma_wait3A_72 = tpu.memref_slice %arg10[%add3A_16, %dma_wait3A_71] : memref<10240x128xf32, #tpu.memory_space<vmem_shared>> -> memref<128x128xf32, #tpu.memory_space<vmem_shared>>
      tpu.wait_dma2 semaphore(%run_scoped3A : memref<!tpu.dma_semaphore, #tpu.memory_space<semaphore_mem>>) src(%arg8 : memref<128x128xf32, #tpu.memory_space<vmem>>) dst(%dma_wait3A_72 : memref<128x128xf32, #tpu.memory_space<vmem_shared>>)
      tpu.yield
    }) : () -> ()
    %add3A_17 = arith.constant 256 : i32
    %add3A_18 = arith.addi %mul3A_12, %add3A_17 : i32
    "tpu.region"() ({
      %run_scoped3A = tpu.sem_alloc : memref<!tpu.dma_semaphore, #tpu.memory_space<semaphore_mem>>
      %dma_start3A = arith.constant 0 : i32
      %dma_start3A_67 = tpu.memref_slice %arg10[%add3A_18, %dma_start3A] : memref<10240x128xf32, #tpu.memory_space<vmem_shared>> -> memref<128x128xf32, #tpu.memory_space<vmem_shared>>
      %dma_start3A_68 = arith.constant 0 : i32
      %dma_start3A_69 = tpu.memref_slice %arg10[%add3A_18, %dma_start3A_68] : memref<10240x128xf32, #tpu.memory_space<vmem_shared>> -> memref<128x128xf32, #tpu.memory_space<vmem_shared>>
      tpu.enqueue_dma source(%arg8 : memref<128x128xf32, #tpu.memory_space<vmem>>) target(%dma_start3A_69 : memref<128x128xf32, #tpu.memory_space<vmem_shared>>) target_semaphore(%run_scoped3A : memref<!tpu.dma_semaphore, #tpu.memory_space<semaphore_mem>>)
      %dma_wait3A = arith.constant 0 : i32
      %dma_wait3A_70 = tpu.memref_slice %arg10[%add3A_18, %dma_wait3A] : memref<10240x128xf32, #tpu.memory_space<vmem_shared>> -> memref<128x128xf32, #tpu.memory_space<vmem_shared>>
      %dma_wait3A_71 = arith.constant 0 : i32
      %dma_wait3A_72 = tpu.memref_slice %arg10[%add3A_18, %dma_wait3A_71] : memref<10240x128xf32, #tpu.memory_space<vmem_shared>> -> memref<128x128xf32, #tpu.memory_space<vmem_shared>>
      tpu.wait_dma2 semaphore(%run_scoped3A : memref<!tpu.dma_semaphore, #tpu.memory_space<semaphore_mem>>) src(%arg8 : memref<128x128xf32, #tpu.memory_space<vmem>>) dst(%dma_wait3A_72 : memref<128x128xf32, #tpu.memory_space<vmem_shared>>)
      tpu.yield
    }) : () -> ()
    %add3A_19 = arith.constant 384 : i32
    %add3A_20 = arith.addi %mul3A_12, %add3A_19 : i32
    "tpu.region"() ({
      %run_scoped3A = tpu.sem_alloc : memref<!tpu.dma_semaphore, #tpu.memory_space<semaphore_mem>>
      %dma_start3A = arith.constant 0 : i32
      %dma_start3A_67 = tpu.memref_slice %arg10[%add3A_20, %dma_start3A] : memref<10240x128xf32, #tpu.memory_space<vmem_shared>> -> memref<128x128xf32, #tpu.memory_space<vmem_shared>>
      %dma_start3A_68 = arith.constant 0 : i32
      %dma_start3A_69 = tpu.memref_slice %arg10[%add3A_20, %dma_start3A_68] : memref<10240x128xf32, #tpu.memory_space<vmem_shared>> -> memref<128x128xf32, #tpu.memory_space<vmem_shared>>
      tpu.enqueue_dma source(%arg8 : memref<128x128xf32, #tpu.memory_space<vmem>>) target(%dma_start3A_69 : memref<128x128xf32, #tpu.memory_space<vmem_shared>>) target_semaphore(%run_scoped3A : memref<!tpu.dma_semaphore, #tpu.memory_space<semaphore_mem>>)
      %dma_wait3A = arith.constant 0 : i32
      %dma_wait3A_70 = tpu.memref_slice %arg10[%add3A_20, %dma_wait3A] : memref<10240x128xf32, #tpu.memory_space<vmem_shared>> -> memref<128x128xf32, #tpu.memory_space<vmem_shared>>
      %dma_wait3A_71 = arith.constant 0 : i32
      %dma_wait3A_72 = tpu.memref_slice %arg10[%add3A_20, %dma_wait3A_71] : memref<10240x128xf32, #tpu.memory_space<vmem_shared>> -> memref<128x128xf32, #tpu.memory_space<vmem_shared>>
      tpu.wait_dma2 semaphore(%run_scoped3A : memref<!tpu.dma_semaphore, #tpu.memory_space<semaphore_mem>>) src(%arg8 : memref<128x128xf32, #tpu.memory_space<vmem>>) dst(%dma_wait3A_72 : memref<128x128xf32, #tpu.memory_space<vmem_shared>>)
      tpu.yield
    }) : () -> ()
    %add3A_21 = arith.constant 512 : i32
    %add3A_22 = arith.addi %mul3A_12, %add3A_21 : i32
    "tpu.region"() ({
      %run_scoped3A = tpu.sem_alloc : memref<!tpu.dma_semaphore, #tpu.memory_space<semaphore_mem>>
      %dma_start3A = arith.constant 0 : i32
      %dma_start3A_67 = tpu.memref_slice %arg10[%add3A_22, %dma_start3A] : memref<10240x128xf32, #tpu.memory_space<vmem_shared>> -> memref<128x128xf32, #tpu.memory_space<vmem_shared>>
      %dma_start3A_68 = arith.constant 0 : i32
      %dma_start3A_69 = tpu.memref_slice %arg10[%add3A_22, %dma_start3A_68] : memref<10240x128xf32, #tpu.memory_space<vmem_shared>> -> memref<128x128xf32, #tpu.memory_space<vmem_shared>>
      tpu.enqueue_dma source(%arg8 : memref<128x128xf32, #tpu.memory_space<vmem>>) target(%dma_start3A_69 : memref<128x128xf32, #tpu.memory_space<vmem_shared>>) target_semaphore(%run_scoped3A : memref<!tpu.dma_semaphore, #tpu.memory_space<semaphore_mem>>)
      %dma_wait3A = arith.constant 0 : i32
      %dma_wait3A_70 = tpu.memref_slice %arg10[%add3A_22, %dma_wait3A] : memref<10240x128xf32, #tpu.memory_space<vmem_shared>> -> memref<128x128xf32, #tpu.memory_space<vmem_shared>>
      %dma_wait3A_71 = arith.constant 0 : i32
      %dma_wait3A_72 = tpu.memref_slice %arg10[%add3A_22, %dma_wait3A_71] : memref<10240x128xf32, #tpu.memory_space<vmem_shared>> -> memref<128x128xf32, #tpu.memory_space<vmem_shared>>
      tpu.wait_dma2 semaphore(%run_scoped3A : memref<!tpu.dma_semaphore, #tpu.memory_space<semaphore_mem>>) src(%arg8 : memref<128x128xf32, #tpu.memory_space<vmem>>) dst(%dma_wait3A_72 : memref<128x128xf32, #tpu.memory_space<vmem_shared>>)
      tpu.yield
    }) : () -> ()
    %barrier3A = arith.constant 0 : index
    tpu.barrier barrier_id(%barrier3A)
    %lt3A_23 = arith.constant 0 : i32
    %lt3A_24 = arith.cmpi slt, %lt3A_23, %select_n3A : i32
    %convert_element_type3A = arith.extui %lt3A_24 : i1 to i32
    %cond3A = arith.constant 0 : i32
    %cond3A_25 = arith.cmpi ne, %convert_element_type3A, %cond3A : i32
    scf.if %cond3A_25 {
      %add3A_67 = arith.constant 0 : i32
      %add3A_68 = arith.addi %mul3A_2, %add3A_67 : i32
      %dma_start3A = arith.constant 0 : i32
      %dma_start3A_69 = arith.constant 0 : i32
      %dma_start3A_70 = arith.constant 0 : i32
      %dma_start3A_71 = tpu.memref_slice %arg7[%dma_start3A_69, %dma_start3A_70] : memref<4x128xi32, #tpu.memory_space<vmem>> -> memref<1x128xi32, #tpu.memory_space<vmem>>
      %dma_start3A_72 = arith.constant 0 : i32
      %dma_start3A_73 = tpu.memref_slice %arg3[%dma_start3A, %add3A_68, %dma_start3A_72] : memref<2x2500x128xi32, #tpu.memory_space<hbm>> -> memref<1x1x128xi32, #tpu.memory_space<hbm>>
      %dma_start3A_74 = tpu.memref_squeeze %dma_start3A_73 : memref<1x1x128xi32, #tpu.memory_space<hbm>> -> memref<1x128xi32, #tpu.memory_space<hbm>>
      %dma_start3A_75 = arith.constant 0 : i32
      %dma_start3A_76 = arith.constant 0 : i32
      %dma_start3A_77 = tpu.memref_slice %arg7[%dma_start3A_75, %dma_start3A_76] : memref<4x128xi32, #tpu.memory_space<vmem>> -> memref<1x128xi32, #tpu.memory_space<vmem>>
      %dma_start3A_78 = arith.constant 0 : i32
      %dma_start3A_79 = tpu.memref_slice %arg3[%dma_start3A, %add3A_68, %dma_start3A_78] : memref<2x2500x128xi32, #tpu.memory_space<hbm>> -> memref<1x1x128xi32, #tpu.memory_space<hbm>>
      %dma_start3A_80 = tpu.memref_squeeze %dma_start3A_79 : memref<1x1x128xi32, #tpu.memory_space<hbm>> -> memref<1x128xi32, #tpu.memory_space<hbm>>
      tpu.enqueue_dma source(%dma_start3A_80 : memref<1x128xi32, #tpu.memory_space<hbm>>) target(%dma_start3A_77 : memref<1x128xi32, #tpu.memory_space<vmem>>) target_semaphore(%arg15 : memref<!tpu.dma_semaphore, #tpu.memory_space<semaphore_mem>>)
      %add3A_81 = arith.constant 0 : i32
      %add3A_82 = arith.addi %mul3A_2, %add3A_81 : i32
      %dma_start3A_83 = arith.constant 1 : i32
      %dma_start3A_84 = arith.constant 0 : i32
      %dma_start3A_85 = arith.constant 0 : i32
      %dma_start3A_86 = tpu.memref_slice %arg6[%dma_start3A_84, %dma_start3A_85] : memref<4x128xi32, #tpu.memory_space<vmem>> -> memref<1x128xi32, #tpu.memory_space<vmem>>
      %dma_start3A_87 = arith.constant 0 : i32
      %dma_start3A_88 = tpu.memref_slice %arg3[%dma_start3A_83, %add3A_82, %dma_start3A_87] : memref<2x2500x128xi32, #tpu.memory_space<hbm>> -> memref<1x1x128xi32, #tpu.memory_space<hbm>>
      %dma_start3A_89 = tpu.memref_squeeze %dma_start3A_88 : memref<1x1x128xi32, #tpu.memory_space<hbm>> -> memref<1x128xi32, #tpu.memory_space<hbm>>
      %dma_start3A_90 = arith.constant 0 : i32
      %dma_start3A_91 = arith.constant 0 : i32
      %dma_start3A_92 = tpu.memref_slice %arg6[%dma_start3A_90, %dma_start3A_91] : memref<4x128xi32, #tpu.memory_space<vmem>> -> memref<1x128xi32, #tpu.memory_space<vmem>>
      %dma_start3A_93 = arith.constant 0 : i32
      %dma_start3A_94 = tpu.memref_slice %arg3[%dma_start3A_83, %add3A_82, %dma_start3A_93] : memref<2x2500x128xi32, #tpu.memory_space<hbm>> -> memref<1x1x128xi32, #tpu.memory_space<hbm>>
      %dma_start3A_95 = tpu.memref_squeeze %dma_start3A_94 : memref<1x1x128xi32, #tpu.memory_space<hbm>> -> memref<1x128xi32, #tpu.memory_space<hbm>>
      tpu.enqueue_dma source(%dma_start3A_95 : memref<1x128xi32, #tpu.memory_space<hbm>>) target(%dma_start3A_92 : memref<1x128xi32, #tpu.memory_space<vmem>>) target_semaphore(%arg19 : memref<!tpu.dma_semaphore, #tpu.memory_space<semaphore_mem>>)
    } else {
    }
    %lt3A_26 = arith.constant 1 : i32
    %lt3A_27 = arith.cmpi slt, %lt3A_26, %select_n3A : i32
    %convert_element_type3A_28 = arith.extui %lt3A_27 : i1 to i32
    %cond3A_29 = arith.constant 0 : i32
    %cond3A_30 = arith.cmpi ne, %convert_element_type3A_28, %cond3A_29 : i32
    scf.if %cond3A_30 {
      %add3A_67 = arith.constant 1 : i32
      %add3A_68 = arith.addi %mul3A_2, %add3A_67 : i32
      %dma_start3A = arith.constant 0 : i32
      %dma_start3A_69 = arith.constant 1 : i32
      %dma_start3A_70 = arith.constant 0 : i32
      %dma_start3A_71 = tpu.memref_slice %arg7[%dma_start3A_69, %dma_start3A_70] : memref<4x128xi32, #tpu.memory_space<vmem>> -> memref<1x128xi32, #tpu.memory_space<vmem>>
      %dma_start3A_72 = arith.constant 0 : i32
      %dma_start3A_73 = tpu.memref_slice %arg3[%dma_start3A, %add3A_68, %dma_start3A_72] : memref<2x2500x128xi32, #tpu.memory_space<hbm>> -> memref<1x1x128xi32, #tpu.memory_space<hbm>>
      %dma_start3A_74 = tpu.memref_squeeze %dma_start3A_73 : memref<1x1x128xi32, #tpu.memory_space<hbm>> -> memref<1x128xi32, #tpu.memory_space<hbm>>
      %dma_start3A_75 = arith.constant 1 : i32
      %dma_start3A_76 = arith.constant 0 : i32
      %dma_start3A_77 = tpu.memref_slice %arg7[%dma_start3A_75, %dma_start3A_76] : memref<4x128xi32, #tpu.memory_space<vmem>> -> memref<1x128xi32, #tpu.memory_space<vmem>>
      %dma_start3A_78 = arith.constant 0 : i32
      %dma_start3A_79 = tpu.memref_slice %arg3[%dma_start3A, %add3A_68, %dma_start3A_78] : memref<2x2500x128xi32, #tpu.memory_space<hbm>> -> memref<1x1x128xi32, #tpu.memory_space<hbm>>
      %dma_start3A_80 = tpu.memref_squeeze %dma_start3A_79 : memref<1x1x128xi32, #tpu.memory_space<hbm>> -> memref<1x128xi32, #tpu.memory_space<hbm>>
      tpu.enqueue_dma source(%dma_start3A_80 : memref<1x128xi32, #tpu.memory_space<hbm>>) target(%dma_start3A_77 : memref<1x128xi32, #tpu.memory_space<vmem>>) target_semaphore(%arg16 : memref<!tpu.dma_semaphore, #tpu.memory_space<semaphore_mem>>)
      %add3A_81 = arith.constant 1 : i32
      %add3A_82 = arith.addi %mul3A_2, %add3A_81 : i32
      %dma_start3A_83 = arith.constant 1 : i32
      %dma_start3A_84 = arith.constant 1 : i32
      %dma_start3A_85 = arith.constant 0 : i32
      %dma_start3A_86 = tpu.memref_slice %arg6[%dma_start3A_84, %dma_start3A_85] : memref<4x128xi32, #tpu.memory_space<vmem>> -> memref<1x128xi32, #tpu.memory_space<vmem>>
      %dma_start3A_87 = arith.constant 0 : i32
      %dma_start3A_88 = tpu.memref_slice %arg3[%dma_start3A_83, %add3A_82, %dma_start3A_87] : memref<2x2500x128xi32, #tpu.memory_space<hbm>> -> memref<1x1x128xi32, #tpu.memory_space<hbm>>
      %dma_start3A_89 = tpu.memref_squeeze %dma_start3A_88 : memref<1x1x128xi32, #tpu.memory_space<hbm>> -> memref<1x128xi32, #tpu.memory_space<hbm>>
      %dma_start3A_90 = arith.constant 1 : i32
      %dma_start3A_91 = arith.constant 0 : i32
      %dma_start3A_92 = tpu.memref_slice %arg6[%dma_start3A_90, %dma_start3A_91] : memref<4x128xi32, #tpu.memory_space<vmem>> -> memref<1x128xi32, #tpu.memory_space<vmem>>
      %dma_start3A_93 = arith.constant 0 : i32
      %dma_start3A_94 = tpu.memref_slice %arg3[%dma_start3A_83, %add3A_82, %dma_start3A_93] : memref<2x2500x128xi32, #tpu.memory_space<hbm>> -> memref<1x1x128xi32, #tpu.memory_space<hbm>>
      %dma_start3A_95 = tpu.memref_squeeze %dma_start3A_94 : memref<1x1x128xi32, #tpu.memory_space<hbm>> -> memref<1x128xi32, #tpu.memory_space<hbm>>
      tpu.enqueue_dma source(%dma_start3A_95 : memref<1x128xi32, #tpu.memory_space<hbm>>) target(%dma_start3A_92 : memref<1x128xi32, #tpu.memory_space<vmem>>) target_semaphore(%arg20 : memref<!tpu.dma_semaphore, #tpu.memory_space<semaphore_mem>>)
    } else {
    }
    %lt3A_31 = arith.constant 2 : i32
    %lt3A_32 = arith.cmpi slt, %lt3A_31, %select_n3A : i32
    %convert_element_type3A_33 = arith.extui %lt3A_32 : i1 to i32
    %cond3A_34 = arith.constant 0 : i32
    %cond3A_35 = arith.cmpi ne, %convert_element_type3A_33, %cond3A_34 : i32
    scf.if %cond3A_35 {
      %add3A_67 = arith.constant 2 : i32
      %add3A_68 = arith.addi %mul3A_2, %add3A_67 : i32
      %dma_start3A = arith.constant 0 : i32
      %dma_start3A_69 = arith.constant 2 : i32
      %dma_start3A_70 = arith.constant 0 : i32
      %dma_start3A_71 = tpu.memref_slice %arg7[%dma_start3A_69, %dma_start3A_70] : memref<4x128xi32, #tpu.memory_space<vmem>> -> memref<1x128xi32, #tpu.memory_space<vmem>>
      %dma_start3A_72 = arith.constant 0 : i32
      %dma_start3A_73 = tpu.memref_slice %arg3[%dma_start3A, %add3A_68, %dma_start3A_72] : memref<2x2500x128xi32, #tpu.memory_space<hbm>> -> memref<1x1x128xi32, #tpu.memory_space<hbm>>
      %dma_start3A_74 = tpu.memref_squeeze %dma_start3A_73 : memref<1x1x128xi32, #tpu.memory_space<hbm>> -> memref<1x128xi32, #tpu.memory_space<hbm>>
      %dma_start3A_75 = arith.constant 2 : i32
      %dma_start3A_76 = arith.constant 0 : i32
      %dma_start3A_77 = tpu.memref_slice %arg7[%dma_start3A_75, %dma_start3A_76] : memref<4x128xi32, #tpu.memory_space<vmem>> -> memref<1x128xi32, #tpu.memory_space<vmem>>
      %dma_start3A_78 = arith.constant 0 : i32
      %dma_start3A_79 = tpu.memref_slice %arg3[%dma_start3A, %add3A_68, %dma_start3A_78] : memref<2x2500x128xi32, #tpu.memory_space<hbm>> -> memref<1x1x128xi32, #tpu.memory_space<hbm>>
      %dma_start3A_80 = tpu.memref_squeeze %dma_start3A_79 : memref<1x1x128xi32, #tpu.memory_space<hbm>> -> memref<1x128xi32, #tpu.memory_space<hbm>>
      tpu.enqueue_dma source(%dma_start3A_80 : memref<1x128xi32, #tpu.memory_space<hbm>>) target(%dma_start3A_77 : memref<1x128xi32, #tpu.memory_space<vmem>>) target_semaphore(%arg17 : memref<!tpu.dma_semaphore, #tpu.memory_space<semaphore_mem>>)
      %add3A_81 = arith.constant 2 : i32
      %add3A_82 = arith.addi %mul3A_2, %add3A_81 : i32
      %dma_start3A_83 = arith.constant 1 : i32
      %dma_start3A_84 = arith.constant 2 : i32
      %dma_start3A_85 = arith.constant 0 : i32
      %dma_start3A_86 = tpu.memref_slice %arg6[%dma_start3A_84, %dma_start3A_85] : memref<4x128xi32, #tpu.memory_space<vmem>> -> memref<1x128xi32, #tpu.memory_space<vmem>>
      %dma_start3A_87 = arith.constant 0 : i32
      %dma_start3A_88 = tpu.memref_slice %arg3[%dma_start3A_83, %add3A_82, %dma_start3A_87] : memref<2x2500x128xi32, #tpu.memory_space<hbm>> -> memref<1x1x128xi32, #tpu.memory_space<hbm>>
      %dma_start3A_89 = tpu.memref_squeeze %dma_start3A_88 : memref<1x1x128xi32, #tpu.memory_space<hbm>> -> memref<1x128xi32, #tpu.memory_space<hbm>>
      %dma_start3A_90 = arith.constant 2 : i32
      %dma_start3A_91 = arith.constant 0 : i32
      %dma_start3A_92 = tpu.memref_slice %arg6[%dma_start3A_90, %dma_start3A_91] : memref<4x128xi32, #tpu.memory_space<vmem>> -> memref<1x128xi32, #tpu.memory_space<vmem>>
      %dma_start3A_93 = arith.constant 0 : i32
      %dma_start3A_94 = tpu.memref_slice %arg3[%dma_start3A_83, %add3A_82, %dma_start3A_93] : memref<2x2500x128xi32, #tpu.memory_space<hbm>> -> memref<1x1x128xi32, #tpu.memory_space<hbm>>
      %dma_start3A_95 = tpu.memref_squeeze %dma_start3A_94 : memref<1x1x128xi32, #tpu.memory_space<hbm>> -> memref<1x128xi32, #tpu.memory_space<hbm>>
      tpu.enqueue_dma source(%dma_start3A_95 : memref<1x128xi32, #tpu.memory_space<hbm>>) target(%dma_start3A_92 : memref<1x128xi32, #tpu.memory_space<vmem>>) target_semaphore(%arg21 : memref<!tpu.dma_semaphore, #tpu.memory_space<semaphore_mem>>)
    } else {
    }
    %lt3A_36 = arith.constant 3 : i32
    %lt3A_37 = arith.cmpi slt, %lt3A_36, %select_n3A : i32
    %convert_element_type3A_38 = arith.extui %lt3A_37 : i1 to i32
    %cond3A_39 = arith.constant 0 : i32
    %cond3A_40 = arith.cmpi ne, %convert_element_type3A_38, %cond3A_39 : i32
    scf.if %cond3A_40 {
      %add3A_67 = arith.constant 3 : i32
      %add3A_68 = arith.addi %mul3A_2, %add3A_67 : i32
      %dma_start3A = arith.constant 0 : i32
      %dma_start3A_69 = arith.constant 3 : i32
      %dma_start3A_70 = arith.constant 0 : i32
      %dma_start3A_71 = tpu.memref_slice %arg7[%dma_start3A_69, %dma_start3A_70] : memref<4x128xi32, #tpu.memory_space<vmem>> -> memref<1x128xi32, #tpu.memory_space<vmem>>
      %dma_start3A_72 = arith.constant 0 : i32
      %dma_start3A_73 = tpu.memref_slice %arg3[%dma_start3A, %add3A_68, %dma_start3A_72] : memref<2x2500x128xi32, #tpu.memory_space<hbm>> -> memref<1x1x128xi32, #tpu.memory_space<hbm>>
      %dma_start3A_74 = tpu.memref_squeeze %dma_start3A_73 : memref<1x1x128xi32, #tpu.memory_space<hbm>> -> memref<1x128xi32, #tpu.memory_space<hbm>>
      %dma_start3A_75 = arith.constant 3 : i32
      %dma_start3A_76 = arith.constant 0 : i32
      %dma_start3A_77 = tpu.memref_slice %arg7[%dma_start3A_75, %dma_start3A_76] : memref<4x128xi32, #tpu.memory_space<vmem>> -> memref<1x128xi32, #tpu.memory_space<vmem>>
      %dma_start3A_78 = arith.constant 0 : i32
      %dma_start3A_79 = tpu.memref_slice %arg3[%dma_start3A, %add3A_68, %dma_start3A_78] : memref<2x2500x128xi32, #tpu.memory_space<hbm>> -> memref<1x1x128xi32, #tpu.memory_space<hbm>>
      %dma_start3A_80 = tpu.memref_squeeze %dma_start3A_79 : memref<1x1x128xi32, #tpu.memory_space<hbm>> -> memref<1x128xi32, #tpu.memory_space<hbm>>
      tpu.enqueue_dma source(%dma_start3A_80 : memref<1x128xi32, #tpu.memory_space<hbm>>) target(%dma_start3A_77 : memref<1x128xi32, #tpu.memory_space<vmem>>) target_semaphore(%arg18 : memref<!tpu.dma_semaphore, #tpu.memory_space<semaphore_mem>>)
      %add3A_81 = arith.constant 3 : i32
      %add3A_82 = arith.addi %mul3A_2, %add3A_81 : i32
      %dma_start3A_83 = arith.constant 1 : i32
      %dma_start3A_84 = arith.constant 3 : i32
      %dma_start3A_85 = arith.constant 0 : i32
      %dma_start3A_86 = tpu.memref_slice %arg6[%dma_start3A_84, %dma_start3A_85] : memref<4x128xi32, #tpu.memory_space<vmem>> -> memref<1x128xi32, #tpu.memory_space<vmem>>
      %dma_start3A_87 = arith.constant 0 : i32
      %dma_start3A_88 = tpu.memref_slice %arg3[%dma_start3A_83, %add3A_82, %dma_start3A_87] : memref<2x2500x128xi32, #tpu.memory_space<hbm>> -> memref<1x1x128xi32, #tpu.memory_space<hbm>>
      %dma_start3A_89 = tpu.memref_squeeze %dma_start3A_88 : memref<1x1x128xi32, #tpu.memory_space<hbm>> -> memref<1x128xi32, #tpu.memory_space<hbm>>
      %dma_start3A_90 = arith.constant 3 : i32
      %dma_start3A_91 = arith.constant 0 : i32
      %dma_start3A_92 = tpu.memref_slice %arg6[%dma_start3A_90, %dma_start3A_91] : memref<4x128xi32, #tpu.memory_space<vmem>> -> memref<1x128xi32, #tpu.memory_space<vmem>>
      %dma_start3A_93 = arith.constant 0 : i32
      %dma_start3A_94 = tpu.memref_slice %arg3[%dma_start3A_83, %add3A_82, %dma_start3A_93] : memref<2x2500x128xi32, #tpu.memory_space<hbm>> -> memref<1x1x128xi32, #tpu.memory_space<hbm>>
      %dma_start3A_95 = tpu.memref_squeeze %dma_start3A_94 : memref<1x1x128xi32, #tpu.memory_space<hbm>> -> memref<1x128xi32, #tpu.memory_space<hbm>>
      tpu.enqueue_dma source(%dma_start3A_95 : memref<1x128xi32, #tpu.memory_space<hbm>>) target(%dma_start3A_92 : memref<1x128xi32, #tpu.memory_space<vmem>>) target_semaphore(%arg22 : memref<!tpu.dma_semaphore, #tpu.memory_space<semaphore_mem>>)
    } else {
    }
    %lt3A_41 = arith.constant 0 : i32
    %lt3A_42 = arith.cmpi slt, %lt3A_41, %select_n3A : i32
    %convert_element_type3A_43 = arith.extui %lt3A_42 : i1 to i32
    %cond3A_44 = arith.constant 0 : i32
    %cond3A_45 = arith.cmpi ne, %convert_element_type3A_43, %cond3A_44 : i32
    scf.if %cond3A_45 {
      %add3A_67 = arith.constant 0 : i32
      %add3A_68 = arith.addi %mul3A_2, %add3A_67 : i32
      %dma_wait3A = arith.constant 0 : i32
      %dma_wait3A_69 = arith.constant 0 : i32
      %dma_wait3A_70 = arith.constant 0 : i32
      %dma_wait3A_71 = tpu.memref_slice %arg7[%dma_wait3A_69, %dma_wait3A_70] : memref<4x128xi32, #tpu.memory_space<vmem>> -> memref<1x128xi32, #tpu.memory_space<vmem>>
      %dma_wait3A_72 = arith.constant 0 : i32
      %dma_wait3A_73 = tpu.memref_slice %arg3[%dma_wait3A, %add3A_68, %dma_wait3A_72] : memref<2x2500x128xi32, #tpu.memory_space<hbm>> -> memref<1x1x128xi32, #tpu.memory_space<hbm>>
      %dma_wait3A_74 = tpu.memref_squeeze %dma_wait3A_73 : memref<1x1x128xi32, #tpu.memory_space<hbm>> -> memref<1x128xi32, #tpu.memory_space<hbm>>
      %dma_wait3A_75 = arith.constant 0 : i32
      %dma_wait3A_76 = arith.constant 0 : i32
      %dma_wait3A_77 = tpu.memref_slice %arg7[%dma_wait3A_75, %dma_wait3A_76] : memref<4x128xi32, #tpu.memory_space<vmem>> -> memref<1x128xi32, #tpu.memory_space<vmem>>
      %dma_wait3A_78 = arith.constant 0 : i32
      %dma_wait3A_79 = tpu.memref_slice %arg3[%dma_wait3A, %add3A_68, %dma_wait3A_78] : memref<2x2500x128xi32, #tpu.memory_space<hbm>> -> memref<1x1x128xi32, #tpu.memory_space<hbm>>
      %dma_wait3A_80 = tpu.memref_squeeze %dma_wait3A_79 : memref<1x1x128xi32, #tpu.memory_space<hbm>> -> memref<1x128xi32, #tpu.memory_space<hbm>>
      tpu.wait_dma2 semaphore(%arg15 : memref<!tpu.dma_semaphore, #tpu.memory_space<semaphore_mem>>) src(%dma_wait3A_80 : memref<1x128xi32, #tpu.memory_space<hbm>>) dst(%dma_wait3A_77 : memref<1x128xi32, #tpu.memory_space<vmem>>)
      %dma_start3A = arith.constant 0 : i32
      %dma_start3A_81 = arith.constant 0 : i32
      %dma_start3A_82 = tpu.memref_slice %arg7[%dma_start3A, %dma_start3A_81] : memref<4x128xi32, #tpu.memory_space<vmem>> -> memref<1x128xi32, #tpu.memory_space<vmem>>
      %dma_start3A_83 = tpu.memref_squeeze %dma_start3A_82 : memref<1x128xi32, #tpu.memory_space<vmem>> -> memref<128xi32, #tpu.memory_space<vmem>>
      %dma_start3A_84 = arith.constant 0 : i32
      %dma_start3A_85 = arith.constant 0 : i32
      %dma_start3A_86 = tpu.memref_slice %arg2[%dma_start3A_84, %dma_start3A_85] : memref<10000x128xf32, #tpu.memory_space<hbm>> -> memref<10000x128xf32, #tpu.memory_space<hbm>>
      tpu.enqueue_indirect_dma source(%dma_start3A_86 : memref<10000x128xf32, #tpu.memory_space<hbm>>) target(%arg8 : memref<128x128xf32, #tpu.memory_space<vmem>>) offsets(%dma_start3A_83 : memref<128xi32, #tpu.memory_space<vmem>>) semaphore(%arg11 : memref<!tpu.dma_semaphore, #tpu.memory_space<semaphore_mem>>)
    } else {
    }
    %lt3A_46 = arith.constant 1 : i32
    %lt3A_47 = arith.cmpi slt, %lt3A_46, %select_n3A : i32
    %convert_element_type3A_48 = arith.extui %lt3A_47 : i1 to i32
    %cond3A_49 = arith.constant 0 : i32
    %cond3A_50 = arith.cmpi ne, %convert_element_type3A_48, %cond3A_49 : i32
    scf.if %cond3A_50 {
      %add3A_67 = arith.constant 1 : i32
      %add3A_68 = arith.addi %mul3A_2, %add3A_67 : i32
      %dma_wait3A = arith.constant 0 : i32
      %dma_wait3A_69 = arith.constant 1 : i32
      %dma_wait3A_70 = arith.constant 0 : i32
      %dma_wait3A_71 = tpu.memref_slice %arg7[%dma_wait3A_69, %dma_wait3A_70] : memref<4x128xi32, #tpu.memory_space<vmem>> -> memref<1x128xi32, #tpu.memory_space<vmem>>
      %dma_wait3A_72 = arith.constant 0 : i32
      %dma_wait3A_73 = tpu.memref_slice %arg3[%dma_wait3A, %add3A_68, %dma_wait3A_72] : memref<2x2500x128xi32, #tpu.memory_space<hbm>> -> memref<1x1x128xi32, #tpu.memory_space<hbm>>
      %dma_wait3A_74 = tpu.memref_squeeze %dma_wait3A_73 : memref<1x1x128xi32, #tpu.memory_space<hbm>> -> memref<1x128xi32, #tpu.memory_space<hbm>>
      %dma_wait3A_75 = arith.constant 1 : i32
      %dma_wait3A_76 = arith.constant 0 : i32
      %dma_wait3A_77 = tpu.memref_slice %arg7[%dma_wait3A_75, %dma_wait3A_76] : memref<4x128xi32, #tpu.memory_space<vmem>> -> memref<1x128xi32, #tpu.memory_space<vmem>>
      %dma_wait3A_78 = arith.constant 0 : i32
      %dma_wait3A_79 = tpu.memref_slice %arg3[%dma_wait3A, %add3A_68, %dma_wait3A_78] : memref<2x2500x128xi32, #tpu.memory_space<hbm>> -> memref<1x1x128xi32, #tpu.memory_space<hbm>>
      %dma_wait3A_80 = tpu.memref_squeeze %dma_wait3A_79 : memref<1x1x128xi32, #tpu.memory_space<hbm>> -> memref<1x128xi32, #tpu.memory_space<hbm>>
      tpu.wait_dma2 semaphore(%arg16 : memref<!tpu.dma_semaphore, #tpu.memory_space<semaphore_mem>>) src(%dma_wait3A_80 : memref<1x128xi32, #tpu.memory_space<hbm>>) dst(%dma_wait3A_77 : memref<1x128xi32, #tpu.memory_space<vmem>>)
      %dma_start3A = arith.constant 1 : i32
      %dma_start3A_81 = arith.constant 0 : i32
      %dma_start3A_82 = tpu.memref_slice %arg7[%dma_start3A, %dma_start3A_81] : memref<4x128xi32, #tpu.memory_space<vmem>> -> memref<1x128xi32, #tpu.memory_space<vmem>>
      %dma_start3A_83 = tpu.memref_squeeze %dma_start3A_82 : memref<1x128xi32, #tpu.memory_space<vmem>> -> memref<128xi32, #tpu.memory_space<vmem>>
      %dma_start3A_84 = arith.constant 0 : i32
      %dma_start3A_85 = arith.constant 0 : i32
      %dma_start3A_86 = tpu.memref_slice %arg2[%dma_start3A_84, %dma_start3A_85] : memref<10000x128xf32, #tpu.memory_space<hbm>> -> memref<10000x128xf32, #tpu.memory_space<hbm>>
      tpu.enqueue_indirect_dma source(%dma_start3A_86 : memref<10000x128xf32, #tpu.memory_space<hbm>>) target(%arg9 : memref<128x128xf32, #tpu.memory_space<vmem>>) offsets(%dma_start3A_83 : memref<128xi32, #tpu.memory_space<vmem>>) semaphore(%arg12 : memref<!tpu.dma_semaphore, #tpu.memory_space<semaphore_mem>>)
    } else {
    }
    %scan3A_51 = arith.constant 0 : i32
    %scan3A_52 = arith.constant 0 : i32
    %scan3A_53 = arith.constant 20 : i32
    %scan3A_54 = arith.addi %scan3A_52, %scan3A_53 : i32
    %scan3A_55 = arith.constant 1 : i32
    scf.for %scan3A_67 = %scan3A_52 to %scan3A_54 step %scan3A_55  : i32 {
      %mul3A_68 = arith.constant 4 : i32
      %mul3A_69 = arith.muli %scan3A_67, %mul3A_68 : i32
      %add3A_70 = arith.constant 0 : i32
      %add3A_71 = arith.addi %mul3A_69, %add3A_70 : i32
      %lt3A_72 = arith.cmpi slt, %add3A_71, %select_n3A : i32
      %convert_element_type3A_73 = arith.extui %lt3A_72 : i1 to i32
      %cond3A_74 = arith.constant 0 : i32
      %cond3A_75 = arith.cmpi ne, %convert_element_type3A_73, %cond3A_74 : i32
      scf.if %cond3A_75 {
        %dma_wait3A = arith.constant 0 : i32
        %dma_wait3A_100 = arith.constant 0 : i32
        %dma_wait3A_101 = tpu.memref_slice %arg7[%dma_wait3A, %dma_wait3A_100] : memref<4x128xi32, #tpu.memory_space<vmem>> -> memref<1x128xi32, #tpu.memory_space<vmem>>
        %dma_wait3A_102 = tpu.memref_squeeze %dma_wait3A_101 : memref<1x128xi32, #tpu.memory_space<vmem>> -> memref<128xi32, #tpu.memory_space<vmem>>
        %dma_wait3A_103 = arith.constant 0 : i32
        %dma_wait3A_104 = arith.constant 0 : i32
        %dma_wait3A_105 = tpu.memref_slice %arg2[%dma_wait3A_103, %dma_wait3A_104] : memref<10000x128xf32, #tpu.memory_space<hbm>> -> memref<10000x128xf32, #tpu.memory_space<hbm>>
        tpu.wait_indirect_dma semaphore(%arg11 : memref<!tpu.dma_semaphore, #tpu.memory_space<semaphore_mem>>) src(%dma_wait3A_105 : memref<10000x128xf32, #tpu.memory_space<hbm>>) dst(%arg8 : memref<128x128xf32, #tpu.memory_space<vmem>>)
        %add3A_106 = arith.addi %mul3A_2, %add3A_71 : i32
        %dma_wait3A_107 = arith.constant 1 : i32
        %dma_wait3A_108 = arith.constant 0 : i32
        %dma_wait3A_109 = arith.constant 0 : i32
        %dma_wait3A_110 = tpu.memref_slice %arg6[%dma_wait3A_108, %dma_wait3A_109] : memref<4x128xi32, #tpu.memory_space<vmem>> -> memref<1x128xi32, #tpu.memory_space<vmem>>
        %dma_wait3A_111 = arith.constant 0 : i32
        %dma_wait3A_112 = tpu.memref_slice %arg3[%dma_wait3A_107, %add3A_106, %dma_wait3A_111] : memref<2x2500x128xi32, #tpu.memory_space<hbm>> -> memref<1x1x128xi32, #tpu.memory_space<hbm>>
        %dma_wait3A_113 = tpu.memref_squeeze %dma_wait3A_112 : memref<1x1x128xi32, #tpu.memory_space<hbm>> -> memref<1x128xi32, #tpu.memory_space<hbm>>
        %dma_wait3A_114 = arith.constant 0 : i32
        %dma_wait3A_115 = arith.constant 0 : i32
        %dma_wait3A_116 = tpu.memref_slice %arg6[%dma_wait3A_114, %dma_wait3A_115] : memref<4x128xi32, #tpu.memory_space<vmem>> -> memref<1x128xi32, #tpu.memory_space<vmem>>
        %dma_wait3A_117 = arith.constant 0 : i32
        %dma_wait3A_118 = tpu.memref_slice %arg3[%dma_wait3A_107, %add3A_106, %dma_wait3A_117] : memref<2x2500x128xi32, #tpu.memory_space<hbm>> -> memref<1x1x128xi32, #tpu.memory_space<hbm>>
        %dma_wait3A_119 = tpu.memref_squeeze %dma_wait3A_118 : memref<1x1x128xi32, #tpu.memory_space<hbm>> -> memref<1x128xi32, #tpu.memory_space<hbm>>
        tpu.wait_dma2 semaphore(%arg19 : memref<!tpu.dma_semaphore, #tpu.memory_space<semaphore_mem>>) src(%dma_wait3A_119 : memref<1x128xi32, #tpu.memory_space<hbm>>) dst(%dma_wait3A_116 : memref<1x128xi32, #tpu.memory_space<vmem>>)
        %dma_start3A = arith.constant 0 : i32
        %dma_start3A_120 = arith.constant 0 : i32
        %dma_start3A_121 = tpu.memref_slice %arg6[%dma_start3A, %dma_start3A_120] : memref<4x128xi32, #tpu.memory_space<vmem>> -> memref<1x128xi32, #tpu.memory_space<vmem>>
        %dma_start3A_122 = tpu.memref_squeeze %dma_start3A_121 : memref<1x128xi32, #tpu.memory_space<vmem>> -> memref<128xi32, #tpu.memory_space<vmem>>
        %dma_start3A_123 = arith.constant 0 : i32
        %dma_start3A_124 = arith.constant 0 : i32
        %dma_start3A_125 = tpu.memref_slice %arg10[%dma_start3A_123, %dma_start3A_124] : memref<10240x128xf32, #tpu.memory_space<vmem_shared>> -> memref<10240x128xf32, #tpu.memory_space<vmem_shared>>
        tpu.enqueue_indirect_dma source(%arg8 : memref<128x128xf32, #tpu.memory_space<vmem>>) target(%dma_start3A_125 : memref<10240x128xf32, #tpu.memory_space<vmem_shared>>) offsets(%dma_start3A_122 : memref<128xi32, #tpu.memory_space<vmem>>) semaphore(%arg13 : memref<!tpu.dma_semaphore, #tpu.memory_space<semaphore_mem>>) {add = true}
        %dma_wait3A_126 = arith.constant 0 : i32
        %dma_wait3A_127 = arith.constant 0 : i32
        %dma_wait3A_128 = tpu.memref_slice %arg6[%dma_wait3A_126, %dma_wait3A_127] : memref<4x128xi32, #tpu.memory_space<vmem>> -> memref<1x128xi32, #tpu.memory_space<vmem>>
        %dma_wait3A_129 = tpu.memref_squeeze %dma_wait3A_128 : memref<1x128xi32, #tpu.memory_space<vmem>> -> memref<128xi32, #tpu.memory_space<vmem>>
        %dma_wait3A_130 = arith.constant 0 : i32
        %dma_wait3A_131 = arith.constant 0 : i32
        %dma_wait3A_132 = tpu.memref_slice %arg10[%dma_wait3A_130, %dma_wait3A_131] : memref<10240x128xf32, #tpu.memory_space<vmem_shared>> -> memref<10240x128xf32, #tpu.memory_space<vmem_shared>>
        tpu.wait_indirect_dma semaphore(%arg13 : memref<!tpu.dma_semaphore, #tpu.memory_space<semaphore_mem>>) src(%arg8 : memref<128x128xf32, #tpu.memory_space<vmem>>) dst(%dma_wait3A_132 : memref<10240x128xf32, #tpu.memory_space<vmem_shared>>)
        %add3A_133 = arith.constant 4 : i32
        %add3A_134 = arith.addi %add3A_71, %add3A_133 : i32
        %lt3A_135 = arith.cmpi slt, %add3A_134, %select_n3A : i32
        %convert_element_type3A_136 = arith.extui %lt3A_135 : i1 to i32
        %cond3A_137 = arith.constant 0 : i32
        %cond3A_138 = arith.cmpi ne, %convert_element_type3A_136, %cond3A_137 : i32
        scf.if %cond3A_138 {
          %add3A_145 = arith.constant 4 : i32
          %add3A_146 = arith.addi %add3A_71, %add3A_145 : i32
          %add3A_147 = arith.addi %mul3A_2, %add3A_146 : i32
          %dma_start3A_148 = arith.constant 0 : i32
          %dma_start3A_149 = arith.constant 0 : i32
          %dma_start3A_150 = arith.constant 0 : i32
          %dma_start3A_151 = tpu.memref_slice %arg7[%dma_start3A_149, %dma_start3A_150] : memref<4x128xi32, #tpu.memory_space<vmem>> -> memref<1x128xi32, #tpu.memory_space<vmem>>
          %dma_start3A_152 = arith.constant 0 : i32
          %dma_start3A_153 = tpu.memref_slice %arg3[%dma_start3A_148, %add3A_147, %dma_start3A_152] : memref<2x2500x128xi32, #tpu.memory_space<hbm>> -> memref<1x1x128xi32, #tpu.memory_space<hbm>>
          %dma_start3A_154 = tpu.memref_squeeze %dma_start3A_153 : memref<1x1x128xi32, #tpu.memory_space<hbm>> -> memref<1x128xi32, #tpu.memory_space<hbm>>
          %dma_start3A_155 = arith.constant 0 : i32
          %dma_start3A_156 = arith.constant 0 : i32
          %dma_start3A_157 = tpu.memref_slice %arg7[%dma_start3A_155, %dma_start3A_156] : memref<4x128xi32, #tpu.memory_space<vmem>> -> memref<1x128xi32, #tpu.memory_space<vmem>>
          %dma_start3A_158 = arith.constant 0 : i32
          %dma_start3A_159 = tpu.memref_slice %arg3[%dma_start3A_148, %add3A_147, %dma_start3A_158] : memref<2x2500x128xi32, #tpu.memory_space<hbm>> -> memref<1x1x128xi32, #tpu.memory_space<hbm>>
          %dma_start3A_160 = tpu.memref_squeeze %dma_start3A_159 : memref<1x1x128xi32, #tpu.memory_space<hbm>> -> memref<1x128xi32, #tpu.memory_space<hbm>>
          tpu.enqueue_dma source(%dma_start3A_160 : memref<1x128xi32, #tpu.memory_space<hbm>>) target(%dma_start3A_157 : memref<1x128xi32, #tpu.memory_space<vmem>>) target_semaphore(%arg15 : memref<!tpu.dma_semaphore, #tpu.memory_space<semaphore_mem>>)
          %add3A_161 = arith.constant 4 : i32
          %add3A_162 = arith.addi %add3A_71, %add3A_161 : i32
          %add3A_163 = arith.addi %mul3A_2, %add3A_162 : i32
          %dma_start3A_164 = arith.constant 1 : i32
          %dma_start3A_165 = arith.constant 0 : i32
          %dma_start3A_166 = arith.constant 0 : i32
          %dma_start3A_167 = tpu.memref_slice %arg6[%dma_start3A_165, %dma_start3A_166] : memref<4x128xi32, #tpu.memory_space<vmem>> -> memref<1x128xi32, #tpu.memory_space<vmem>>
          %dma_start3A_168 = arith.constant 0 : i32
          %dma_start3A_169 = tpu.memref_slice %arg3[%dma_start3A_164, %add3A_163, %dma_start3A_168] : memref<2x2500x128xi32, #tpu.memory_space<hbm>> -> memref<1x1x128xi32, #tpu.memory_space<hbm>>
          %dma_start3A_170 = tpu.memref_squeeze %dma_start3A_169 : memref<1x1x128xi32, #tpu.memory_space<hbm>> -> memref<1x128xi32, #tpu.memory_space<hbm>>
          %dma_start3A_171 = arith.constant 0 : i32
          %dma_start3A_172 = arith.constant 0 : i32
          %dma_start3A_173 = tpu.memref_slice %arg6[%dma_start3A_171, %dma_start3A_172] : memref<4x128xi32, #tpu.memory_space<vmem>> -> memref<1x128xi32, #tpu.memory_space<vmem>>
          %dma_start3A_174 = arith.constant 0 : i32
          %dma_start3A_175 = tpu.memref_slice %arg3[%dma_start3A_164, %add3A_163, %dma_start3A_174] : memref<2x2500x128xi32, #tpu.memory_space<hbm>> -> memref<1x1x128xi32, #tpu.memory_space<hbm>>
          %dma_start3A_176 = tpu.memref_squeeze %dma_start3A_175 : memref<1x1x128xi32, #tpu.memory_space<hbm>> -> memref<1x128xi32, #tpu.memory_space<hbm>>
          tpu.enqueue_dma source(%dma_start3A_176 : memref<1x128xi32, #tpu.memory_space<hbm>>) target(%dma_start3A_173 : memref<1x128xi32, #tpu.memory_space<vmem>>) target_semaphore(%arg19 : memref<!tpu.dma_semaphore, #tpu.memory_space<semaphore_mem>>)
        } else {
        }
        %add3A_139 = arith.constant 2 : i32
        %add3A_140 = arith.addi %add3A_71, %add3A_139 : i32
        %lt3A_141 = arith.cmpi slt, %add3A_140, %select_n3A : i32
        %convert_element_type3A_142 = arith.extui %lt3A_141 : i1 to i32
        %cond3A_143 = arith.constant 0 : i32
        %cond3A_144 = arith.cmpi ne, %convert_element_type3A_142, %cond3A_143 : i32
        scf.if %cond3A_144 {
          %add3A_145 = arith.constant 2 : i32
          %add3A_146 = arith.addi %add3A_71, %add3A_145 : i32
          %add3A_147 = arith.addi %mul3A_2, %add3A_146 : i32
          %dma_wait3A_148 = arith.constant 0 : i32
          %dma_wait3A_149 = arith.constant 2 : i32
          %dma_wait3A_150 = arith.constant 0 : i32
          %dma_wait3A_151 = tpu.memref_slice %arg7[%dma_wait3A_149, %dma_wait3A_150] : memref<4x128xi32, #tpu.memory_space<vmem>> -> memref<1x128xi32, #tpu.memory_space<vmem>>
          %dma_wait3A_152 = arith.constant 0 : i32
          %dma_wait3A_153 = tpu.memref_slice %arg3[%dma_wait3A_148, %add3A_147, %dma_wait3A_152] : memref<2x2500x128xi32, #tpu.memory_space<hbm>> -> memref<1x1x128xi32, #tpu.memory_space<hbm>>
          %dma_wait3A_154 = tpu.memref_squeeze %dma_wait3A_153 : memref<1x1x128xi32, #tpu.memory_space<hbm>> -> memref<1x128xi32, #tpu.memory_space<hbm>>
          %dma_wait3A_155 = arith.constant 2 : i32
          %dma_wait3A_156 = arith.constant 0 : i32
          %dma_wait3A_157 = tpu.memref_slice %arg7[%dma_wait3A_155, %dma_wait3A_156] : memref<4x128xi32, #tpu.memory_space<vmem>> -> memref<1x128xi32, #tpu.memory_space<vmem>>
          %dma_wait3A_158 = arith.constant 0 : i32
          %dma_wait3A_159 = tpu.memref_slice %arg3[%dma_wait3A_148, %add3A_147, %dma_wait3A_158] : memref<2x2500x128xi32, #tpu.memory_space<hbm>> -> memref<1x1x128xi32, #tpu.memory_space<hbm>>
          %dma_wait3A_160 = tpu.memref_squeeze %dma_wait3A_159 : memref<1x1x128xi32, #tpu.memory_space<hbm>> -> memref<1x128xi32, #tpu.memory_space<hbm>>
          tpu.wait_dma2 semaphore(%arg17 : memref<!tpu.dma_semaphore, #tpu.memory_space<semaphore_mem>>) src(%dma_wait3A_160 : memref<1x128xi32, #tpu.memory_space<hbm>>) dst(%dma_wait3A_157 : memref<1x128xi32, #tpu.memory_space<vmem>>)
          %add3A_161 = arith.constant 2 : i32
          %add3A_162 = arith.addi %add3A_71, %add3A_161 : i32
          %dma_start3A_163 = arith.constant 2 : i32
          %dma_start3A_164 = arith.constant 0 : i32
          %dma_start3A_165 = tpu.memref_slice %arg7[%dma_start3A_163, %dma_start3A_164] : memref<4x128xi32, #tpu.memory_space<vmem>> -> memref<1x128xi32, #tpu.memory_space<vmem>>
          %dma_start3A_166 = tpu.memref_squeeze %dma_start3A_165 : memref<1x128xi32, #tpu.memory_space<vmem>> -> memref<128xi32, #tpu.memory_space<vmem>>
          %dma_start3A_167 = arith.constant 0 : i32
          %dma_start3A_168 = arith.constant 0 : i32
          %dma_start3A_169 = tpu.memref_slice %arg2[%dma_start3A_167, %dma_start3A_168] : memref<10000x128xf32, #tpu.memory_space<hbm>> -> memref<10000x128xf32, #tpu.memory_space<hbm>>
          tpu.enqueue_indirect_dma source(%dma_start3A_169 : memref<10000x128xf32, #tpu.memory_space<hbm>>) target(%arg8 : memref<128x128xf32, #tpu.memory_space<vmem>>) offsets(%dma_start3A_166 : memref<128xi32, #tpu.memory_space<vmem>>) semaphore(%arg11 : memref<!tpu.dma_semaphore, #tpu.memory_space<semaphore_mem>>)
        } else {
        }
      } else {
      }
      %mul3A_76 = arith.constant 4 : i32
      %mul3A_77 = arith.muli %scan3A_67, %mul3A_76 : i32
      %add3A_78 = arith.constant 1 : i32
      %add3A_79 = arith.addi %mul3A_77, %add3A_78 : i32
      %lt3A_80 = arith.cmpi slt, %add3A_79, %select_n3A : i32
      %convert_element_type3A_81 = arith.extui %lt3A_80 : i1 to i32
      %cond3A_82 = arith.constant 0 : i32
      %cond3A_83 = arith.cmpi ne, %convert_element_type3A_81, %cond3A_82 : i32
      scf.if %cond3A_83 {
        %dma_wait3A = arith.constant 1 : i32
        %dma_wait3A_100 = arith.constant 0 : i32
        %dma_wait3A_101 = tpu.memref_slice %arg7[%dma_wait3A, %dma_wait3A_100] : memref<4x128xi32, #tpu.memory_space<vmem>> -> memref<1x128xi32, #tpu.memory_space<vmem>>
        %dma_wait3A_102 = tpu.memref_squeeze %dma_wait3A_101 : memref<1x128xi32, #tpu.memory_space<vmem>> -> memref<128xi32, #tpu.memory_space<vmem>>
        %dma_wait3A_103 = arith.constant 0 : i32
        %dma_wait3A_104 = arith.constant 0 : i32
        %dma_wait3A_105 = tpu.memref_slice %arg2[%dma_wait3A_103, %dma_wait3A_104] : memref<10000x128xf32, #tpu.memory_space<hbm>> -> memref<10000x128xf32, #tpu.memory_space<hbm>>
        tpu.wait_indirect_dma semaphore(%arg12 : memref<!tpu.dma_semaphore, #tpu.memory_space<semaphore_mem>>) src(%dma_wait3A_105 : memref<10000x128xf32, #tpu.memory_space<hbm>>) dst(%arg9 : memref<128x128xf32, #tpu.memory_space<vmem>>)
        %add3A_106 = arith.addi %mul3A_2, %add3A_79 : i32
        %dma_wait3A_107 = arith.constant 1 : i32
        %dma_wait3A_108 = arith.constant 1 : i32
        %dma_wait3A_109 = arith.constant 0 : i32
        %dma_wait3A_110 = tpu.memref_slice %arg6[%dma_wait3A_108, %dma_wait3A_109] : memref<4x128xi32, #tpu.memory_space<vmem>> -> memref<1x128xi32, #tpu.memory_space<vmem>>
        %dma_wait3A_111 = arith.constant 0 : i32
        %dma_wait3A_112 = tpu.memref_slice %arg3[%dma_wait3A_107, %add3A_106, %dma_wait3A_111] : memref<2x2500x128xi32, #tpu.memory_space<hbm>> -> memref<1x1x128xi32, #tpu.memory_space<hbm>>
        %dma_wait3A_113 = tpu.memref_squeeze %dma_wait3A_112 : memref<1x1x128xi32, #tpu.memory_space<hbm>> -> memref<1x128xi32, #tpu.memory_space<hbm>>
        %dma_wait3A_114 = arith.constant 1 : i32
        %dma_wait3A_115 = arith.constant 0 : i32
        %dma_wait3A_116 = tpu.memref_slice %arg6[%dma_wait3A_114, %dma_wait3A_115] : memref<4x128xi32, #tpu.memory_space<vmem>> -> memref<1x128xi32, #tpu.memory_space<vmem>>
        %dma_wait3A_117 = arith.constant 0 : i32
        %dma_wait3A_118 = tpu.memref_slice %arg3[%dma_wait3A_107, %add3A_106, %dma_wait3A_117] : memref<2x2500x128xi32, #tpu.memory_space<hbm>> -> memref<1x1x128xi32, #tpu.memory_space<hbm>>
        %dma_wait3A_119 = tpu.memref_squeeze %dma_wait3A_118 : memref<1x1x128xi32, #tpu.memory_space<hbm>> -> memref<1x128xi32, #tpu.memory_space<hbm>>
        tpu.wait_dma2 semaphore(%arg20 : memref<!tpu.dma_semaphore, #tpu.memory_space<semaphore_mem>>) src(%dma_wait3A_119 : memref<1x128xi32, #tpu.memory_space<hbm>>) dst(%dma_wait3A_116 : memref<1x128xi32, #tpu.memory_space<vmem>>)
        %dma_start3A = arith.constant 1 : i32
        %dma_start3A_120 = arith.constant 0 : i32
        %dma_start3A_121 = tpu.memref_slice %arg6[%dma_start3A, %dma_start3A_120] : memref<4x128xi32, #tpu.memory_space<vmem>> -> memref<1x128xi32, #tpu.memory_space<vmem>>
        %dma_start3A_122 = tpu.memref_squeeze %dma_start3A_121 : memref<1x128xi32, #tpu.memory_space<vmem>> -> memref<128xi32, #tpu.memory_space<vmem>>
        %dma_start3A_123 = arith.constant 0 : i32
        %dma_start3A_124 = arith.constant 0 : i32
        %dma_start3A_125 = tpu.memref_slice %arg10[%dma_start3A_123, %dma_start3A_124] : memref<10240x128xf32, #tpu.memory_space<vmem_shared>> -> memref<10240x128xf32, #tpu.memory_space<vmem_shared>>
        tpu.enqueue_indirect_dma source(%arg9 : memref<128x128xf32, #tpu.memory_space<vmem>>) target(%dma_start3A_125 : memref<10240x128xf32, #tpu.memory_space<vmem_shared>>) offsets(%dma_start3A_122 : memref<128xi32, #tpu.memory_space<vmem>>) semaphore(%arg14 : memref<!tpu.dma_semaphore, #tpu.memory_space<semaphore_mem>>) {add = true}
        %dma_wait3A_126 = arith.constant 1 : i32
        %dma_wait3A_127 = arith.constant 0 : i32
        %dma_wait3A_128 = tpu.memref_slice %arg6[%dma_wait3A_126, %dma_wait3A_127] : memref<4x128xi32, #tpu.memory_space<vmem>> -> memref<1x128xi32, #tpu.memory_space<vmem>>
        %dma_wait3A_129 = tpu.memref_squeeze %dma_wait3A_128 : memref<1x128xi32, #tpu.memory_space<vmem>> -> memref<128xi32, #tpu.memory_space<vmem>>
        %dma_wait3A_130 = arith.constant 0 : i32
        %dma_wait3A_131 = arith.constant 0 : i32
        %dma_wait3A_132 = tpu.memref_slice %arg10[%dma_wait3A_130, %dma_wait3A_131] : memref<10240x128xf32, #tpu.memory_space<vmem_shared>> -> memref<10240x128xf32, #tpu.memory_space<vmem_shared>>
        tpu.wait_indirect_dma semaphore(%arg14 : memref<!tpu.dma_semaphore, #tpu.memory_space<semaphore_mem>>) src(%arg9 : memref<128x128xf32, #tpu.memory_space<vmem>>) dst(%dma_wait3A_132 : memref<10240x128xf32, #tpu.memory_space<vmem_shared>>)
        %add3A_133 = arith.constant 4 : i32
        %add3A_134 = arith.addi %add3A_79, %add3A_133 : i32
        %lt3A_135 = arith.cmpi slt, %add3A_134, %select_n3A : i32
        %convert_element_type3A_136 = arith.extui %lt3A_135 : i1 to i32
        %cond3A_137 = arith.constant 0 : i32
        %cond3A_138 = arith.cmpi ne, %convert_element_type3A_136, %cond3A_137 : i32
        scf.if %cond3A_138 {
          %add3A_145 = arith.constant 4 : i32
          %add3A_146 = arith.addi %add3A_79, %add3A_145 : i32
          %add3A_147 = arith.addi %mul3A_2, %add3A_146 : i32
          %dma_start3A_148 = arith.constant 0 : i32
          %dma_start3A_149 = arith.constant 1 : i32
          %dma_start3A_150 = arith.constant 0 : i32
          %dma_start3A_151 = tpu.memref_slice %arg7[%dma_start3A_149, %dma_start3A_150] : memref<4x128xi32, #tpu.memory_space<vmem>> -> memref<1x128xi32, #tpu.memory_space<vmem>>
          %dma_start3A_152 = arith.constant 0 : i32
          %dma_start3A_153 = tpu.memref_slice %arg3[%dma_start3A_148, %add3A_147, %dma_start3A_152] : memref<2x2500x128xi32, #tpu.memory_space<hbm>> -> memref<1x1x128xi32, #tpu.memory_space<hbm>>
          %dma_start3A_154 = tpu.memref_squeeze %dma_start3A_153 : memref<1x1x128xi32, #tpu.memory_space<hbm>> -> memref<1x128xi32, #tpu.memory_space<hbm>>
          %dma_start3A_155 = arith.constant 1 : i32
          %dma_start3A_156 = arith.constant 0 : i32
          %dma_start3A_157 = tpu.memref_slice %arg7[%dma_start3A_155, %dma_start3A_156] : memref<4x128xi32, #tpu.memory_space<vmem>> -> memref<1x128xi32, #tpu.memory_space<vmem>>
          %dma_start3A_158 = arith.constant 0 : i32
          %dma_start3A_159 = tpu.memref_slice %arg3[%dma_start3A_148, %add3A_147, %dma_start3A_158] : memref<2x2500x128xi32, #tpu.memory_space<hbm>> -> memref<1x1x128xi32, #tpu.memory_space<hbm>>
          %dma_start3A_160 = tpu.memref_squeeze %dma_start3A_159 : memref<1x1x128xi32, #tpu.memory_space<hbm>> -> memref<1x128xi32, #tpu.memory_space<hbm>>
          tpu.enqueue_dma source(%dma_start3A_160 : memref<1x128xi32, #tpu.memory_space<hbm>>) target(%dma_start3A_157 : memref<1x128xi32, #tpu.memory_space<vmem>>) target_semaphore(%arg16 : memref<!tpu.dma_semaphore, #tpu.memory_space<semaphore_mem>>)
          %add3A_161 = arith.constant 4 : i32
          %add3A_162 = arith.addi %add3A_79, %add3A_161 : i32
          %add3A_163 = arith.addi %mul3A_2, %add3A_162 : i32
          %dma_start3A_164 = arith.constant 1 : i32
          %dma_start3A_165 = arith.constant 1 : i32
          %dma_start3A_166 = arith.constant 0 : i32
          %dma_start3A_167 = tpu.memref_slice %arg6[%dma_start3A_165, %dma_start3A_166] : memref<4x128xi32, #tpu.memory_space<vmem>> -> memref<1x128xi32, #tpu.memory_space<vmem>>
          %dma_start3A_168 = arith.constant 0 : i32
          %dma_start3A_169 = tpu.memref_slice %arg3[%dma_start3A_164, %add3A_163, %dma_start3A_168] : memref<2x2500x128xi32, #tpu.memory_space<hbm>> -> memref<1x1x128xi32, #tpu.memory_space<hbm>>
          %dma_start3A_170 = tpu.memref_squeeze %dma_start3A_169 : memref<1x1x128xi32, #tpu.memory_space<hbm>> -> memref<1x128xi32, #tpu.memory_space<hbm>>
          %dma_start3A_171 = arith.constant 1 : i32
          %dma_start3A_172 = arith.constant 0 : i32
          %dma_start3A_173 = tpu.memref_slice %arg6[%dma_start3A_171, %dma_start3A_172] : memref<4x128xi32, #tpu.memory_space<vmem>> -> memref<1x128xi32, #tpu.memory_space<vmem>>
          %dma_start3A_174 = arith.constant 0 : i32
          %dma_start3A_175 = tpu.memref_slice %arg3[%dma_start3A_164, %add3A_163, %dma_start3A_174] : memref<2x2500x128xi32, #tpu.memory_space<hbm>> -> memref<1x1x128xi32, #tpu.memory_space<hbm>>
          %dma_start3A_176 = tpu.memref_squeeze %dma_start3A_175 : memref<1x1x128xi32, #tpu.memory_space<hbm>> -> memref<1x128xi32, #tpu.memory_space<hbm>>
          tpu.enqueue_dma source(%dma_start3A_176 : memref<1x128xi32, #tpu.memory_space<hbm>>) target(%dma_start3A_173 : memref<1x128xi32, #tpu.memory_space<vmem>>) target_semaphore(%arg20 : memref<!tpu.dma_semaphore, #tpu.memory_space<semaphore_mem>>)
        } else {
        }
        %add3A_139 = arith.constant 2 : i32
        %add3A_140 = arith.addi %add3A_79, %add3A_139 : i32
        %lt3A_141 = arith.cmpi slt, %add3A_140, %select_n3A : i32
        %convert_element_type3A_142 = arith.extui %lt3A_141 : i1 to i32
        %cond3A_143 = arith.constant 0 : i32
        %cond3A_144 = arith.cmpi ne, %convert_element_type3A_142, %cond3A_143 : i32
        scf.if %cond3A_144 {
          %add3A_145 = arith.constant 2 : i32
          %add3A_146 = arith.addi %add3A_79, %add3A_145 : i32
          %add3A_147 = arith.addi %mul3A_2, %add3A_146 : i32
          %dma_wait3A_148 = arith.constant 0 : i32
          %dma_wait3A_149 = arith.constant 3 : i32
          %dma_wait3A_150 = arith.constant 0 : i32
          %dma_wait3A_151 = tpu.memref_slice %arg7[%dma_wait3A_149, %dma_wait3A_150] : memref<4x128xi32, #tpu.memory_space<vmem>> -> memref<1x128xi32, #tpu.memory_space<vmem>>
          %dma_wait3A_152 = arith.constant 0 : i32
          %dma_wait3A_153 = tpu.memref_slice %arg3[%dma_wait3A_148, %add3A_147, %dma_wait3A_152] : memref<2x2500x128xi32, #tpu.memory_space<hbm>> -> memref<1x1x128xi32, #tpu.memory_space<hbm>>
          %dma_wait3A_154 = tpu.memref_squeeze %dma_wait3A_153 : memref<1x1x128xi32, #tpu.memory_space<hbm>> -> memref<1x128xi32, #tpu.memory_space<hbm>>
          %dma_wait3A_155 = arith.constant 3 : i32
          %dma_wait3A_156 = arith.constant 0 : i32
          %dma_wait3A_157 = tpu.memref_slice %arg7[%dma_wait3A_155, %dma_wait3A_156] : memref<4x128xi32, #tpu.memory_space<vmem>> -> memref<1x128xi32, #tpu.memory_space<vmem>>
          %dma_wait3A_158 = arith.constant 0 : i32
          %dma_wait3A_159 = tpu.memref_slice %arg3[%dma_wait3A_148, %add3A_147, %dma_wait3A_158] : memref<2x2500x128xi32, #tpu.memory_space<hbm>> -> memref<1x1x128xi32, #tpu.memory_space<hbm>>
          %dma_wait3A_160 = tpu.memref_squeeze %dma_wait3A_159 : memref<1x1x128xi32, #tpu.memory_space<hbm>> -> memref<1x128xi32, #tpu.memory_space<hbm>>
          tpu.wait_dma2 semaphore(%arg18 : memref<!tpu.dma_semaphore, #tpu.memory_space<semaphore_mem>>) src(%dma_wait3A_160 : memref<1x128xi32, #tpu.memory_space<hbm>>) dst(%dma_wait3A_157 : memref<1x128xi32, #tpu.memory_space<vmem>>)
          %add3A_161 = arith.constant 2 : i32
          %add3A_162 = arith.addi %add3A_79, %add3A_161 : i32
          %dma_start3A_163 = arith.constant 3 : i32
          %dma_start3A_164 = arith.constant 0 : i32
          %dma_start3A_165 = tpu.memref_slice %arg7[%dma_start3A_163, %dma_start3A_164] : memref<4x128xi32, #tpu.memory_space<vmem>> -> memref<1x128xi32, #tpu.memory_space<vmem>>
          %dma_start3A_166 = tpu.memref_squeeze %dma_start3A_165 : memref<1x128xi32, #tpu.memory_space<vmem>> -> memref<128xi32, #tpu.memory_space<vmem>>
          %dma_start3A_167 = arith.constant 0 : i32
          %dma_start3A_168 = arith.constant 0 : i32
          %dma_start3A_169 = tpu.memref_slice %arg2[%dma_start3A_167, %dma_start3A_168] : memref<10000x128xf32, #tpu.memory_space<hbm>> -> memref<10000x128xf32, #tpu.memory_space<hbm>>
          tpu.enqueue_indirect_dma source(%dma_start3A_169 : memref<10000x128xf32, #tpu.memory_space<hbm>>) target(%arg9 : memref<128x128xf32, #tpu.memory_space<vmem>>) offsets(%dma_start3A_166 : memref<128xi32, #tpu.memory_space<vmem>>) semaphore(%arg12 : memref<!tpu.dma_semaphore, #tpu.memory_space<semaphore_mem>>)
        } else {
        }
      } else {
      }
      %mul3A_84 = arith.constant 4 : i32
      %mul3A_85 = arith.muli %scan3A_67, %mul3A_84 : i32
      %add3A_86 = arith.constant 2 : i32
      %add3A_87 = arith.addi %mul3A_85, %add3A_86 : i32
      %lt3A_88 = arith.cmpi slt, %add3A_87, %select_n3A : i32
      %convert_element_type3A_89 = arith.extui %lt3A_88 : i1 to i32
      %cond3A_90 = arith.constant 0 : i32
      %cond3A_91 = arith.cmpi ne, %convert_element_type3A_89, %cond3A_90 : i32
      scf.if %cond3A_91 {
        %dma_wait3A = arith.constant 2 : i32
        %dma_wait3A_100 = arith.constant 0 : i32
        %dma_wait3A_101 = tpu.memref_slice %arg7[%dma_wait3A, %dma_wait3A_100] : memref<4x128xi32, #tpu.memory_space<vmem>> -> memref<1x128xi32, #tpu.memory_space<vmem>>
        %dma_wait3A_102 = tpu.memref_squeeze %dma_wait3A_101 : memref<1x128xi32, #tpu.memory_space<vmem>> -> memref<128xi32, #tpu.memory_space<vmem>>
        %dma_wait3A_103 = arith.constant 0 : i32
        %dma_wait3A_104 = arith.constant 0 : i32
        %dma_wait3A_105 = tpu.memref_slice %arg2[%dma_wait3A_103, %dma_wait3A_104] : memref<10000x128xf32, #tpu.memory_space<hbm>> -> memref<10000x128xf32, #tpu.memory_space<hbm>>
        tpu.wait_indirect_dma semaphore(%arg11 : memref<!tpu.dma_semaphore, #tpu.memory_space<semaphore_mem>>) src(%dma_wait3A_105 : memref<10000x128xf32, #tpu.memory_space<hbm>>) dst(%arg8 : memref<128x128xf32, #tpu.memory_space<vmem>>)
        %add3A_106 = arith.addi %mul3A_2, %add3A_87 : i32
        %dma_wait3A_107 = arith.constant 1 : i32
        %dma_wait3A_108 = arith.constant 2 : i32
        %dma_wait3A_109 = arith.constant 0 : i32
        %dma_wait3A_110 = tpu.memref_slice %arg6[%dma_wait3A_108, %dma_wait3A_109] : memref<4x128xi32, #tpu.memory_space<vmem>> -> memref<1x128xi32, #tpu.memory_space<vmem>>
        %dma_wait3A_111 = arith.constant 0 : i32
        %dma_wait3A_112 = tpu.memref_slice %arg3[%dma_wait3A_107, %add3A_106, %dma_wait3A_111] : memref<2x2500x128xi32, #tpu.memory_space<hbm>> -> memref<1x1x128xi32, #tpu.memory_space<hbm>>
        %dma_wait3A_113 = tpu.memref_squeeze %dma_wait3A_112 : memref<1x1x128xi32, #tpu.memory_space<hbm>> -> memref<1x128xi32, #tpu.memory_space<hbm>>
        %dma_wait3A_114 = arith.constant 2 : i32
        %dma_wait3A_115 = arith.constant 0 : i32
        %dma_wait3A_116 = tpu.memref_slice %arg6[%dma_wait3A_114, %dma_wait3A_115] : memref<4x128xi32, #tpu.memory_space<vmem>> -> memref<1x128xi32, #tpu.memory_space<vmem>>
        %dma_wait3A_117 = arith.constant 0 : i32
        %dma_wait3A_118 = tpu.memref_slice %arg3[%dma_wait3A_107, %add3A_106, %dma_wait3A_117] : memref<2x2500x128xi32, #tpu.memory_space<hbm>> -> memref<1x1x128xi32, #tpu.memory_space<hbm>>
        %dma_wait3A_119 = tpu.memref_squeeze %dma_wait3A_118 : memref<1x1x128xi32, #tpu.memory_space<hbm>> -> memref<1x128xi32, #tpu.memory_space<hbm>>
        tpu.wait_dma2 semaphore(%arg21 : memref<!tpu.dma_semaphore, #tpu.memory_space<semaphore_mem>>) src(%dma_wait3A_119 : memref<1x128xi32, #tpu.memory_space<hbm>>) dst(%dma_wait3A_116 : memref<1x128xi32, #tpu.memory_space<vmem>>)
        %dma_start3A = arith.constant 2 : i32
        %dma_start3A_120 = arith.constant 0 : i32
        %dma_start3A_121 = tpu.memref_slice %arg6[%dma_start3A, %dma_start3A_120] : memref<4x128xi32, #tpu.memory_space<vmem>> -> memref<1x128xi32, #tpu.memory_space<vmem>>
        %dma_start3A_122 = tpu.memref_squeeze %dma_start3A_121 : memref<1x128xi32, #tpu.memory_space<vmem>> -> memref<128xi32, #tpu.memory_space<vmem>>
        %dma_start3A_123 = arith.constant 0 : i32
        %dma_start3A_124 = arith.constant 0 : i32
        %dma_start3A_125 = tpu.memref_slice %arg10[%dma_start3A_123, %dma_start3A_124] : memref<10240x128xf32, #tpu.memory_space<vmem_shared>> -> memref<10240x128xf32, #tpu.memory_space<vmem_shared>>
        tpu.enqueue_indirect_dma source(%arg8 : memref<128x128xf32, #tpu.memory_space<vmem>>) target(%dma_start3A_125 : memref<10240x128xf32, #tpu.memory_space<vmem_shared>>) offsets(%dma_start3A_122 : memref<128xi32, #tpu.memory_space<vmem>>) semaphore(%arg13 : memref<!tpu.dma_semaphore, #tpu.memory_space<semaphore_mem>>) {add = true}
        %dma_wait3A_126 = arith.constant 2 : i32
        %dma_wait3A_127 = arith.constant 0 : i32
        %dma_wait3A_128 = tpu.memref_slice %arg6[%dma_wait3A_126, %dma_wait3A_127] : memref<4x128xi32, #tpu.memory_space<vmem>> -> memref<1x128xi32, #tpu.memory_space<vmem>>
        %dma_wait3A_129 = tpu.memref_squeeze %dma_wait3A_128 : memref<1x128xi32, #tpu.memory_space<vmem>> -> memref<128xi32, #tpu.memory_space<vmem>>
        %dma_wait3A_130 = arith.constant 0 : i32
        %dma_wait3A_131 = arith.constant 0 : i32
        %dma_wait3A_132 = tpu.memref_slice %arg10[%dma_wait3A_130, %dma_wait3A_131] : memref<10240x128xf32, #tpu.memory_space<vmem_shared>> -> memref<10240x128xf32, #tpu.memory_space<vmem_shared>>
        tpu.wait_indirect_dma semaphore(%arg13 : memref<!tpu.dma_semaphore, #tpu.memory_space<semaphore_mem>>) src(%arg8 : memref<128x128xf32, #tpu.memory_space<vmem>>) dst(%dma_wait3A_132 : memref<10240x128xf32, #tpu.memory_space<vmem_shared>>)
        %add3A_133 = arith.constant 4 : i32
        %add3A_134 = arith.addi %add3A_87, %add3A_133 : i32
        %lt3A_135 = arith.cmpi slt, %add3A_134, %select_n3A : i32
        %convert_element_type3A_136 = arith.extui %lt3A_135 : i1 to i32
        %cond3A_137 = arith.constant 0 : i32
        %cond3A_138 = arith.cmpi ne, %convert_element_type3A_136, %cond3A_137 : i32
        scf.if %cond3A_138 {
          %add3A_145 = arith.constant 4 : i32
          %add3A_146 = arith.addi %add3A_87, %add3A_145 : i32
          %add3A_147 = arith.addi %mul3A_2, %add3A_146 : i32
          %dma_start3A_148 = arith.constant 0 : i32
          %dma_start3A_149 = arith.constant 2 : i32
          %dma_start3A_150 = arith.constant 0 : i32
          %dma_start3A_151 = tpu.memref_slice %arg7[%dma_start3A_149, %dma_start3A_150] : memref<4x128xi32, #tpu.memory_space<vmem>> -> memref<1x128xi32, #tpu.memory_space<vmem>>
          %dma_start3A_152 = arith.constant 0 : i32
          %dma_start3A_153 = tpu.memref_slice %arg3[%dma_start3A_148, %add3A_147, %dma_start3A_152] : memref<2x2500x128xi32, #tpu.memory_space<hbm>> -> memref<1x1x128xi32, #tpu.memory_space<hbm>>
          %dma_start3A_154 = tpu.memref_squeeze %dma_start3A_153 : memref<1x1x128xi32, #tpu.memory_space<hbm>> -> memref<1x128xi32, #tpu.memory_space<hbm>>
          %dma_start3A_155 = arith.constant 2 : i32
          %dma_start3A_156 = arith.constant 0 : i32
          %dma_start3A_157 = tpu.memref_slice %arg7[%dma_start3A_155, %dma_start3A_156] : memref<4x128xi32, #tpu.memory_space<vmem>> -> memref<1x128xi32, #tpu.memory_space<vmem>>
          %dma_start3A_158 = arith.constant 0 : i32
          %dma_start3A_159 = tpu.memref_slice %arg3[%dma_start3A_148, %add3A_147, %dma_start3A_158] : memref<2x2500x128xi32, #tpu.memory_space<hbm>> -> memref<1x1x128xi32, #tpu.memory_space<hbm>>
          %dma_start3A_160 = tpu.memref_squeeze %dma_start3A_159 : memref<1x1x128xi32, #tpu.memory_space<hbm>> -> memref<1x128xi32, #tpu.memory_space<hbm>>
          tpu.enqueue_dma source(%dma_start3A_160 : memref<1x128xi32, #tpu.memory_space<hbm>>) target(%dma_start3A_157 : memref<1x128xi32, #tpu.memory_space<vmem>>) target_semaphore(%arg17 : memref<!tpu.dma_semaphore, #tpu.memory_space<semaphore_mem>>)
          %add3A_161 = arith.constant 4 : i32
          %add3A_162 = arith.addi %add3A_87, %add3A_161 : i32
          %add3A_163 = arith.addi %mul3A_2, %add3A_162 : i32
          %dma_start3A_164 = arith.constant 1 : i32
          %dma_start3A_165 = arith.constant 2 : i32
          %dma_start3A_166 = arith.constant 0 : i32
          %dma_start3A_167 = tpu.memref_slice %arg6[%dma_start3A_165, %dma_start3A_166] : memref<4x128xi32, #tpu.memory_space<vmem>> -> memref<1x128xi32, #tpu.memory_space<vmem>>
          %dma_start3A_168 = arith.constant 0 : i32
          %dma_start3A_169 = tpu.memref_slice %arg3[%dma_start3A_164, %add3A_163, %dma_start3A_168] : memref<2x2500x128xi32, #tpu.memory_space<hbm>> -> memref<1x1x128xi32, #tpu.memory_space<hbm>>
          %dma_start3A_170 = tpu.memref_squeeze %dma_start3A_169 : memref<1x1x128xi32, #tpu.memory_space<hbm>> -> memref<1x128xi32, #tpu.memory_space<hbm>>
          %dma_start3A_171 = arith.constant 2 : i32
          %dma_start3A_172 = arith.constant 0 : i32
          %dma_start3A_173 = tpu.memref_slice %arg6[%dma_start3A_171, %dma_start3A_172] : memref<4x128xi32, #tpu.memory_space<vmem>> -> memref<1x128xi32, #tpu.memory_space<vmem>>
          %dma_start3A_174 = arith.constant 0 : i32
          %dma_start3A_175 = tpu.memref_slice %arg3[%dma_start3A_164, %add3A_163, %dma_start3A_174] : memref<2x2500x128xi32, #tpu.memory_space<hbm>> -> memref<1x1x128xi32, #tpu.memory_space<hbm>>
          %dma_start3A_176 = tpu.memref_squeeze %dma_start3A_175 : memref<1x1x128xi32, #tpu.memory_space<hbm>> -> memref<1x128xi32, #tpu.memory_space<hbm>>
          tpu.enqueue_dma source(%dma_start3A_176 : memref<1x128xi32, #tpu.memory_space<hbm>>) target(%dma_start3A_173 : memref<1x128xi32, #tpu.memory_space<vmem>>) target_semaphore(%arg21 : memref<!tpu.dma_semaphore, #tpu.memory_space<semaphore_mem>>)
        } else {
        }
        %add3A_139 = arith.constant 2 : i32
        %add3A_140 = arith.addi %add3A_87, %add3A_139 : i32
        %lt3A_141 = arith.cmpi slt, %add3A_140, %select_n3A : i32
        %convert_element_type3A_142 = arith.extui %lt3A_141 : i1 to i32
        %cond3A_143 = arith.constant 0 : i32
        %cond3A_144 = arith.cmpi ne, %convert_element_type3A_142, %cond3A_143 : i32
        scf.if %cond3A_144 {
          %add3A_145 = arith.constant 2 : i32
          %add3A_146 = arith.addi %add3A_87, %add3A_145 : i32
          %add3A_147 = arith.addi %mul3A_2, %add3A_146 : i32
          %dma_wait3A_148 = arith.constant 0 : i32
          %dma_wait3A_149 = arith.constant 0 : i32
          %dma_wait3A_150 = arith.constant 0 : i32
          %dma_wait3A_151 = tpu.memref_slice %arg7[%dma_wait3A_149, %dma_wait3A_150] : memref<4x128xi32, #tpu.memory_space<vmem>> -> memref<1x128xi32, #tpu.memory_space<vmem>>
          %dma_wait3A_152 = arith.constant 0 : i32
          %dma_wait3A_153 = tpu.memref_slice %arg3[%dma_wait3A_148, %add3A_147, %dma_wait3A_152] : memref<2x2500x128xi32, #tpu.memory_space<hbm>> -> memref<1x1x128xi32, #tpu.memory_space<hbm>>
          %dma_wait3A_154 = tpu.memref_squeeze %dma_wait3A_153 : memref<1x1x128xi32, #tpu.memory_space<hbm>> -> memref<1x128xi32, #tpu.memory_space<hbm>>
          %dma_wait3A_155 = arith.constant 0 : i32
          %dma_wait3A_156 = arith.constant 0 : i32
          %dma_wait3A_157 = tpu.memref_slice %arg7[%dma_wait3A_155, %dma_wait3A_156] : memref<4x128xi32, #tpu.memory_space<vmem>> -> memref<1x128xi32, #tpu.memory_space<vmem>>
          %dma_wait3A_158 = arith.constant 0 : i32
          %dma_wait3A_159 = tpu.memref_slice %arg3[%dma_wait3A_148, %add3A_147, %dma_wait3A_158] : memref<2x2500x128xi32, #tpu.memory_space<hbm>> -> memref<1x1x128xi32, #tpu.memory_space<hbm>>
          %dma_wait3A_160 = tpu.memref_squeeze %dma_wait3A_159 : memref<1x1x128xi32, #tpu.memory_space<hbm>> -> memref<1x128xi32, #tpu.memory_space<hbm>>
          tpu.wait_dma2 semaphore(%arg15 : memref<!tpu.dma_semaphore, #tpu.memory_space<semaphore_mem>>) src(%dma_wait3A_160 : memref<1x128xi32, #tpu.memory_space<hbm>>) dst(%dma_wait3A_157 : memref<1x128xi32, #tpu.memory_space<vmem>>)
          %add3A_161 = arith.constant 2 : i32
          %add3A_162 = arith.addi %add3A_87, %add3A_161 : i32
          %dma_start3A_163 = arith.constant 0 : i32
          %dma_start3A_164 = arith.constant 0 : i32
          %dma_start3A_165 = tpu.memref_slice %arg7[%dma_start3A_163, %dma_start3A_164] : memref<4x128xi32, #tpu.memory_space<vmem>> -> memref<1x128xi32, #tpu.memory_space<vmem>>
          %dma_start3A_166 = tpu.memref_squeeze %dma_start3A_165 : memref<1x128xi32, #tpu.memory_space<vmem>> -> memref<128xi32, #tpu.memory_space<vmem>>
          %dma_start3A_167 = arith.constant 0 : i32
          %dma_start3A_168 = arith.constant 0 : i32
          %dma_start3A_169 = tpu.memref_slice %arg2[%dma_start3A_167, %dma_start3A_168] : memref<10000x128xf32, #tpu.memory_space<hbm>> -> memref<10000x128xf32, #tpu.memory_space<hbm>>
          tpu.enqueue_indirect_dma source(%dma_start3A_169 : memref<10000x128xf32, #tpu.memory_space<hbm>>) target(%arg8 : memref<128x128xf32, #tpu.memory_space<vmem>>) offsets(%dma_start3A_166 : memref<128xi32, #tpu.memory_space<vmem>>) semaphore(%arg11 : memref<!tpu.dma_semaphore, #tpu.memory_space<semaphore_mem>>)
        } else {
        }
      } else {
      }
      %mul3A_92 = arith.constant 4 : i32
      %mul3A_93 = arith.muli %scan3A_67, %mul3A_92 : i32
      %add3A_94 = arith.constant 3 : i32
      %add3A_95 = arith.addi %mul3A_93, %add3A_94 : i32
      %lt3A_96 = arith.cmpi slt, %add3A_95, %select_n3A : i32
      %convert_element_type3A_97 = arith.extui %lt3A_96 : i1 to i32
      %cond3A_98 = arith.constant 0 : i32
      %cond3A_99 = arith.cmpi ne, %convert_element_type3A_97, %cond3A_98 : i32
      scf.if %cond3A_99 {
        %dma_wait3A = arith.constant 3 : i32
        %dma_wait3A_100 = arith.constant 0 : i32
        %dma_wait3A_101 = tpu.memref_slice %arg7[%dma_wait3A, %dma_wait3A_100] : memref<4x128xi32, #tpu.memory_space<vmem>> -> memref<1x128xi32, #tpu.memory_space<vmem>>
        %dma_wait3A_102 = tpu.memref_squeeze %dma_wait3A_101 : memref<1x128xi32, #tpu.memory_space<vmem>> -> memref<128xi32, #tpu.memory_space<vmem>>
        %dma_wait3A_103 = arith.constant 0 : i32
        %dma_wait3A_104 = arith.constant 0 : i32
        %dma_wait3A_105 = tpu.memref_slice %arg2[%dma_wait3A_103, %dma_wait3A_104] : memref<10000x128xf32, #tpu.memory_space<hbm>> -> memref<10000x128xf32, #tpu.memory_space<hbm>>
        tpu.wait_indirect_dma semaphore(%arg12 : memref<!tpu.dma_semaphore, #tpu.memory_space<semaphore_mem>>) src(%dma_wait3A_105 : memref<10000x128xf32, #tpu.memory_space<hbm>>) dst(%arg9 : memref<128x128xf32, #tpu.memory_space<vmem>>)
        %add3A_106 = arith.addi %mul3A_2, %add3A_95 : i32
        %dma_wait3A_107 = arith.constant 1 : i32
        %dma_wait3A_108 = arith.constant 3 : i32
        %dma_wait3A_109 = arith.constant 0 : i32
        %dma_wait3A_110 = tpu.memref_slice %arg6[%dma_wait3A_108, %dma_wait3A_109] : memref<4x128xi32, #tpu.memory_space<vmem>> -> memref<1x128xi32, #tpu.memory_space<vmem>>
        %dma_wait3A_111 = arith.constant 0 : i32
        %dma_wait3A_112 = tpu.memref_slice %arg3[%dma_wait3A_107, %add3A_106, %dma_wait3A_111] : memref<2x2500x128xi32, #tpu.memory_space<hbm>> -> memref<1x1x128xi32, #tpu.memory_space<hbm>>
        %dma_wait3A_113 = tpu.memref_squeeze %dma_wait3A_112 : memref<1x1x128xi32, #tpu.memory_space<hbm>> -> memref<1x128xi32, #tpu.memory_space<hbm>>
        %dma_wait3A_114 = arith.constant 3 : i32
        %dma_wait3A_115 = arith.constant 0 : i32
        %dma_wait3A_116 = tpu.memref_slice %arg6[%dma_wait3A_114, %dma_wait3A_115] : memref<4x128xi32, #tpu.memory_space<vmem>> -> memref<1x128xi32, #tpu.memory_space<vmem>>
        %dma_wait3A_117 = arith.constant 0 : i32
        %dma_wait3A_118 = tpu.memref_slice %arg3[%dma_wait3A_107, %add3A_106, %dma_wait3A_117] : memref<2x2500x128xi32, #tpu.memory_space<hbm>> -> memref<1x1x128xi32, #tpu.memory_space<hbm>>
        %dma_wait3A_119 = tpu.memref_squeeze %dma_wait3A_118 : memref<1x1x128xi32, #tpu.memory_space<hbm>> -> memref<1x128xi32, #tpu.memory_space<hbm>>
        tpu.wait_dma2 semaphore(%arg22 : memref<!tpu.dma_semaphore, #tpu.memory_space<semaphore_mem>>) src(%dma_wait3A_119 : memref<1x128xi32, #tpu.memory_space<hbm>>) dst(%dma_wait3A_116 : memref<1x128xi32, #tpu.memory_space<vmem>>)
        %dma_start3A = arith.constant 3 : i32
        %dma_start3A_120 = arith.constant 0 : i32
        %dma_start3A_121 = tpu.memref_slice %arg6[%dma_start3A, %dma_start3A_120] : memref<4x128xi32, #tpu.memory_space<vmem>> -> memref<1x128xi32, #tpu.memory_space<vmem>>
        %dma_start3A_122 = tpu.memref_squeeze %dma_start3A_121 : memref<1x128xi32, #tpu.memory_space<vmem>> -> memref<128xi32, #tpu.memory_space<vmem>>
        %dma_start3A_123 = arith.constant 0 : i32
        %dma_start3A_124 = arith.constant 0 : i32
        %dma_start3A_125 = tpu.memref_slice %arg10[%dma_start3A_123, %dma_start3A_124] : memref<10240x128xf32, #tpu.memory_space<vmem_shared>> -> memref<10240x128xf32, #tpu.memory_space<vmem_shared>>
        tpu.enqueue_indirect_dma source(%arg9 : memref<128x128xf32, #tpu.memory_space<vmem>>) target(%dma_start3A_125 : memref<10240x128xf32, #tpu.memory_space<vmem_shared>>) offsets(%dma_start3A_122 : memref<128xi32, #tpu.memory_space<vmem>>) semaphore(%arg14 : memref<!tpu.dma_semaphore, #tpu.memory_space<semaphore_mem>>) {add = true}
        %dma_wait3A_126 = arith.constant 3 : i32
        %dma_wait3A_127 = arith.constant 0 : i32
        %dma_wait3A_128 = tpu.memref_slice %arg6[%dma_wait3A_126, %dma_wait3A_127] : memref<4x128xi32, #tpu.memory_space<vmem>> -> memref<1x128xi32, #tpu.memory_space<vmem>>
        %dma_wait3A_129 = tpu.memref_squeeze %dma_wait3A_128 : memref<1x128xi32, #tpu.memory_space<vmem>> -> memref<128xi32, #tpu.memory_space<vmem>>
        %dma_wait3A_130 = arith.constant 0 : i32
        %dma_wait3A_131 = arith.constant 0 : i32
        %dma_wait3A_132 = tpu.memref_slice %arg10[%dma_wait3A_130, %dma_wait3A_131] : memref<10240x128xf32, #tpu.memory_space<vmem_shared>> -> memref<10240x128xf32, #tpu.memory_space<vmem_shared>>
        tpu.wait_indirect_dma semaphore(%arg14 : memref<!tpu.dma_semaphore, #tpu.memory_space<semaphore_mem>>) src(%arg9 : memref<128x128xf32, #tpu.memory_space<vmem>>) dst(%dma_wait3A_132 : memref<10240x128xf32, #tpu.memory_space<vmem_shared>>)
        %add3A_133 = arith.constant 4 : i32
        %add3A_134 = arith.addi %add3A_95, %add3A_133 : i32
        %lt3A_135 = arith.cmpi slt, %add3A_134, %select_n3A : i32
        %convert_element_type3A_136 = arith.extui %lt3A_135 : i1 to i32
        %cond3A_137 = arith.constant 0 : i32
        %cond3A_138 = arith.cmpi ne, %convert_element_type3A_136, %cond3A_137 : i32
        scf.if %cond3A_138 {
          %add3A_145 = arith.constant 4 : i32
          %add3A_146 = arith.addi %add3A_95, %add3A_145 : i32
          %add3A_147 = arith.addi %mul3A_2, %add3A_146 : i32
          %dma_start3A_148 = arith.constant 0 : i32
          %dma_start3A_149 = arith.constant 3 : i32
          %dma_start3A_150 = arith.constant 0 : i32
          %dma_start3A_151 = tpu.memref_slice %arg7[%dma_start3A_149, %dma_start3A_150] : memref<4x128xi32, #tpu.memory_space<vmem>> -> memref<1x128xi32, #tpu.memory_space<vmem>>
          %dma_start3A_152 = arith.constant 0 : i32
          %dma_start3A_153 = tpu.memref_slice %arg3[%dma_start3A_148, %add3A_147, %dma_start3A_152] : memref<2x2500x128xi32, #tpu.memory_space<hbm>> -> memref<1x1x128xi32, #tpu.memory_space<hbm>>
          %dma_start3A_154 = tpu.memref_squeeze %dma_start3A_153 : memref<1x1x128xi32, #tpu.memory_space<hbm>> -> memref<1x128xi32, #tpu.memory_space<hbm>>
          %dma_start3A_155 = arith.constant 3 : i32
          %dma_start3A_156 = arith.constant 0 : i32
          %dma_start3A_157 = tpu.memref_slice %arg7[%dma_start3A_155, %dma_start3A_156] : memref<4x128xi32, #tpu.memory_space<vmem>> -> memref<1x128xi32, #tpu.memory_space<vmem>>
          %dma_start3A_158 = arith.constant 0 : i32
          %dma_start3A_159 = tpu.memref_slice %arg3[%dma_start3A_148, %add3A_147, %dma_start3A_158] : memref<2x2500x128xi32, #tpu.memory_space<hbm>> -> memref<1x1x128xi32, #tpu.memory_space<hbm>>
          %dma_start3A_160 = tpu.memref_squeeze %dma_start3A_159 : memref<1x1x128xi32, #tpu.memory_space<hbm>> -> memref<1x128xi32, #tpu.memory_space<hbm>>
          tpu.enqueue_dma source(%dma_start3A_160 : memref<1x128xi32, #tpu.memory_space<hbm>>) target(%dma_start3A_157 : memref<1x128xi32, #tpu.memory_space<vmem>>) target_semaphore(%arg18 : memref<!tpu.dma_semaphore, #tpu.memory_space<semaphore_mem>>)
          %add3A_161 = arith.constant 4 : i32
          %add3A_162 = arith.addi %add3A_95, %add3A_161 : i32
          %add3A_163 = arith.addi %mul3A_2, %add3A_162 : i32
          %dma_start3A_164 = arith.constant 1 : i32
          %dma_start3A_165 = arith.constant 3 : i32
          %dma_start3A_166 = arith.constant 0 : i32
          %dma_start3A_167 = tpu.memref_slice %arg6[%dma_start3A_165, %dma_start3A_166] : memref<4x128xi32, #tpu.memory_space<vmem>> -> memref<1x128xi32, #tpu.memory_space<vmem>>
          %dma_start3A_168 = arith.constant 0 : i32
          %dma_start3A_169 = tpu.memref_slice %arg3[%dma_start3A_164, %add3A_163, %dma_start3A_168] : memref<2x2500x128xi32, #tpu.memory_space<hbm>> -> memref<1x1x128xi32, #tpu.memory_space<hbm>>
          %dma_start3A_170 = tpu.memref_squeeze %dma_start3A_169 : memref<1x1x128xi32, #tpu.memory_space<hbm>> -> memref<1x128xi32, #tpu.memory_space<hbm>>
          %dma_start3A_171 = arith.constant 3 : i32
          %dma_start3A_172 = arith.constant 0 : i32
          %dma_start3A_173 = tpu.memref_slice %arg6[%dma_start3A_171, %dma_start3A_172] : memref<4x128xi32, #tpu.memory_space<vmem>> -> memref<1x128xi32, #tpu.memory_space<vmem>>
          %dma_start3A_174 = arith.constant 0 : i32
          %dma_start3A_175 = tpu.memref_slice %arg3[%dma_start3A_164, %add3A_163, %dma_start3A_174] : memref<2x2500x128xi32, #tpu.memory_space<hbm>> -> memref<1x1x128xi32, #tpu.memory_space<hbm>>
          %dma_start3A_176 = tpu.memref_squeeze %dma_start3A_175 : memref<1x1x128xi32, #tpu.memory_space<hbm>> -> memref<1x128xi32, #tpu.memory_space<hbm>>
          tpu.enqueue_dma source(%dma_start3A_176 : memref<1x128xi32, #tpu.memory_space<hbm>>) target(%dma_start3A_173 : memref<1x128xi32, #tpu.memory_space<vmem>>) target_semaphore(%arg22 : memref<!tpu.dma_semaphore, #tpu.memory_space<semaphore_mem>>)
        } else {
        }
        %add3A_139 = arith.constant 2 : i32
        %add3A_140 = arith.addi %add3A_95, %add3A_139 : i32
        %lt3A_141 = arith.cmpi slt, %add3A_140, %select_n3A : i32
        %convert_element_type3A_142 = arith.extui %lt3A_141 : i1 to i32
        %cond3A_143 = arith.constant 0 : i32
        %cond3A_144 = arith.cmpi ne, %convert_element_type3A_142, %cond3A_143 : i32
        scf.if %cond3A_144 {
          %add3A_145 = arith.constant 2 : i32
          %add3A_146 = arith.addi %add3A_95, %add3A_145 : i32
          %add3A_147 = arith.addi %mul3A_2, %add3A_146 : i32
          %dma_wait3A_148 = arith.constant 0 : i32
          %dma_wait3A_149 = arith.constant 1 : i32
          %dma_wait3A_150 = arith.constant 0 : i32
          %dma_wait3A_151 = tpu.memref_slice %arg7[%dma_wait3A_149, %dma_wait3A_150] : memref<4x128xi32, #tpu.memory_space<vmem>> -> memref<1x128xi32, #tpu.memory_space<vmem>>
          %dma_wait3A_152 = arith.constant 0 : i32
          %dma_wait3A_153 = tpu.memref_slice %arg3[%dma_wait3A_148, %add3A_147, %dma_wait3A_152] : memref<2x2500x128xi32, #tpu.memory_space<hbm>> -> memref<1x1x128xi32, #tpu.memory_space<hbm>>
          %dma_wait3A_154 = tpu.memref_squeeze %dma_wait3A_153 : memref<1x1x128xi32, #tpu.memory_space<hbm>> -> memref<1x128xi32, #tpu.memory_space<hbm>>
          %dma_wait3A_155 = arith.constant 1 : i32
          %dma_wait3A_156 = arith.constant 0 : i32
          %dma_wait3A_157 = tpu.memref_slice %arg7[%dma_wait3A_155, %dma_wait3A_156] : memref<4x128xi32, #tpu.memory_space<vmem>> -> memref<1x128xi32, #tpu.memory_space<vmem>>
          %dma_wait3A_158 = arith.constant 0 : i32
          %dma_wait3A_159 = tpu.memref_slice %arg3[%dma_wait3A_148, %add3A_147, %dma_wait3A_158] : memref<2x2500x128xi32, #tpu.memory_space<hbm>> -> memref<1x1x128xi32, #tpu.memory_space<hbm>>
          %dma_wait3A_160 = tpu.memref_squeeze %dma_wait3A_159 : memref<1x1x128xi32, #tpu.memory_space<hbm>> -> memref<1x128xi32, #tpu.memory_space<hbm>>
          tpu.wait_dma2 semaphore(%arg16 : memref<!tpu.dma_semaphore, #tpu.memory_space<semaphore_mem>>) src(%dma_wait3A_160 : memref<1x128xi32, #tpu.memory_space<hbm>>) dst(%dma_wait3A_157 : memref<1x128xi32, #tpu.memory_space<vmem>>)
          %add3A_161 = arith.constant 2 : i32
          %add3A_162 = arith.addi %add3A_95, %add3A_161 : i32
          %dma_start3A_163 = arith.constant 1 : i32
          %dma_start3A_164 = arith.constant 0 : i32
          %dma_start3A_165 = tpu.memref_slice %arg7[%dma_start3A_163, %dma_start3A_164] : memref<4x128xi32, #tpu.memory_space<vmem>> -> memref<1x128xi32, #tpu.memory_space<vmem>>
          %dma_start3A_166 = tpu.memref_squeeze %dma_start3A_165 : memref<1x128xi32, #tpu.memory_space<vmem>> -> memref<128xi32, #tpu.memory_space<vmem>>
          %dma_start3A_167 = arith.constant 0 : i32
          %dma_start3A_168 = arith.constant 0 : i32
          %dma_start3A_169 = tpu.memref_slice %arg2[%dma_start3A_167, %dma_start3A_168] : memref<10000x128xf32, #tpu.memory_space<hbm>> -> memref<10000x128xf32, #tpu.memory_space<hbm>>
          tpu.enqueue_indirect_dma source(%dma_start3A_169 : memref<10000x128xf32, #tpu.memory_space<hbm>>) target(%arg9 : memref<128x128xf32, #tpu.memory_space<vmem>>) offsets(%dma_start3A_166 : memref<128xi32, #tpu.memory_space<vmem>>) semaphore(%arg12 : memref<!tpu.dma_semaphore, #tpu.memory_space<semaphore_mem>>)
        } else {
        }
      } else {
      }
    }
    %scan3A_56 = arith.constant 20 : i32
    %barrier3A_57 = arith.constant 0 : index
    tpu.barrier barrier_id(%barrier3A_57)
    %eq3A = arith.constant 0 : i32
    %eq3A_58 = arith.cmpi eq, %arg0, %eq3A : i32
    %convert_element_type3A_59 = arith.extui %eq3A_58 : i1 to i32
    %cond3A_60 = arith.constant 0 : i32
    %cond3A_61 = arith.cmpi ne, %convert_element_type3A_59, %cond3A_60 : i32
    scf.if %cond3A_61 {
      "tpu.region"() ({
        %run_scoped3A = tpu.sem_alloc : memref<!tpu.dma_semaphore, #tpu.memory_space<semaphore_mem>>
        %dma_start3A = arith.constant 0 : i32
        %dma_start3A_67 = tpu.memref_slice %arg4[%mul3A_12, %dma_start3A] : memref<10240x128xf32, #tpu.memory_space<hbm>> -> memref<640x128xf32, #tpu.memory_space<hbm>>
        %dma_start3A_68 = arith.constant 0 : i32
        %dma_start3A_69 = tpu.memref_slice %arg10[%mul3A_12, %dma_start3A_68] : memref<10240x128xf32, #tpu.memory_space<vmem_shared>> -> memref<640x128xf32, #tpu.memory_space<vmem_shared>>
        tpu.enqueue_dma source(%dma_start3A_69 : memref<640x128xf32, #tpu.memory_space<vmem_shared>>) target(%dma_start3A_67 : memref<640x128xf32, #tpu.memory_space<hbm>>) target_semaphore(%run_scoped3A : memref<!tpu.dma_semaphore, #tpu.memory_space<semaphore_mem>>)
        %dma_wait3A = arith.constant 0 : i32
        %dma_wait3A_70 = tpu.memref_slice %arg4[%mul3A_12, %dma_wait3A] : memref<10240x128xf32, #tpu.memory_space<hbm>> -> memref<640x128xf32, #tpu.memory_space<hbm>>
        %dma_wait3A_71 = arith.constant 0 : i32
        %dma_wait3A_72 = tpu.memref_slice %arg10[%mul3A_12, %dma_wait3A_71] : memref<10240x128xf32, #tpu.memory_space<vmem_shared>> -> memref<640x128xf32, #tpu.memory_space<vmem_shared>>
        tpu.wait_dma2 semaphore(%run_scoped3A : memref<!tpu.dma_semaphore, #tpu.memory_space<semaphore_mem>>) src(%dma_wait3A_72 : memref<640x128xf32, #tpu.memory_space<vmem_shared>>) dst(%dma_wait3A_70 : memref<640x128xf32, #tpu.memory_space<hbm>>)
        tpu.yield
      }) : () -> ()
    } else {
    }
    %eq3A_62 = arith.constant 1 : i32
    %eq3A_63 = arith.cmpi eq, %arg0, %eq3A_62 : i32
    %convert_element_type3A_64 = arith.extui %eq3A_63 : i1 to i32
    %cond3A_65 = arith.constant 0 : i32
    %cond3A_66 = arith.cmpi ne, %convert_element_type3A_64, %cond3A_65 : i32
    scf.if %cond3A_66 {
      "tpu.region"() ({
        %run_scoped3A = tpu.sem_alloc : memref<!tpu.dma_semaphore, #tpu.memory_space<semaphore_mem>>
        %dma_start3A = arith.constant 0 : i32
        %dma_start3A_67 = tpu.memref_slice %arg5[%mul3A_12, %dma_start3A] : memref<10240x128xf32, #tpu.memory_space<hbm>> -> memref<640x128xf32, #tpu.memory_space<hbm>>
        %dma_start3A_68 = arith.constant 0 : i32
        %dma_start3A_69 = tpu.memref_slice %arg10[%mul3A_12, %dma_start3A_68] : memref<10240x128xf32, #tpu.memory_space<vmem_shared>> -> memref<640x128xf32, #tpu.memory_space<vmem_shared>>
        tpu.enqueue_dma source(%dma_start3A_69 : memref<640x128xf32, #tpu.memory_space<vmem_shared>>) target(%dma_start3A_67 : memref<640x128xf32, #tpu.memory_space<hbm>>) target_semaphore(%run_scoped3A : memref<!tpu.dma_semaphore, #tpu.memory_space<semaphore_mem>>)
        %dma_wait3A = arith.constant 0 : i32
        %dma_wait3A_70 = tpu.memref_slice %arg5[%mul3A_12, %dma_wait3A] : memref<10240x128xf32, #tpu.memory_space<hbm>> -> memref<640x128xf32, #tpu.memory_space<hbm>>
        %dma_wait3A_71 = arith.constant 0 : i32
        %dma_wait3A_72 = tpu.memref_slice %arg10[%mul3A_12, %dma_wait3A_71] : memref<10240x128xf32, #tpu.memory_space<vmem_shared>> -> memref<640x128xf32, #tpu.memory_space<vmem_shared>>
        tpu.wait_dma2 semaphore(%run_scoped3A : memref<!tpu.dma_semaphore, #tpu.memory_space<semaphore_mem>>) src(%dma_wait3A_72 : memref<640x128xf32, #tpu.memory_space<vmem_shared>>) dst(%dma_wait3A_70 : memref<640x128xf32, #tpu.memory_space<hbm>>)
        tpu.yield
      }) : () -> ()
    } else {
    }
    return
  }
}

module attributes {stable_mosaic.version = 14 : i64} {
  func.func @_post_body(%arg0: i32, %arg1: memref<2000x128xf32, #tpu.memory_space<vmem>>, %arg2: memref<2000x128xf32, #tpu.memory_space<vmem>>, %arg3: memref<2000x128xf32, #tpu.memory_space<vmem>>, %arg4: memref<2000x128xf32, #tpu.memory_space<vmem>>, %arg5: memref<2000x16xf32, #tpu.memory_space<vmem>>, %arg6: memref<2000x16xf32, #tpu.memory_space<vmem>>, %arg7: memref<1x128xf32, #tpu.memory_space<vmem>>, %arg8: memref<1x128xf32, #tpu.memory_space<vmem>>, %arg9: memref<1x128xf32, #tpu.memory_space<vmem>>, %arg10: memref<128x128xf32, #tpu.memory_space<vmem>>, %arg11: memref<2000x128xf32, #tpu.memory_space<vmem>>, %arg12: memref<2000x128xf32, #tpu.memory_space<vmem>>) attributes {dimension_semantics = [#tpu.dimension_semantics<arbitrary>], iteration_bounds = array<i64: 5>, scalar_prefetch = 0 : i64, scratch_operands = 0 : i64, tpu.core_type = #tpu.core_type<tc>, window_params = [{transform_indices = @transform_0, window_bounds = array<i64: 2000, 128>}, {transform_indices = @transform_1, window_bounds = array<i64: 2000, 128>}, {transform_indices = @transform_2, window_bounds = array<i64: 2000, 128>}, {transform_indices = @transform_3, window_bounds = array<i64: 2000, 128>}, {transform_indices = @transform_4, window_bounds = array<i64: 2000, 16>}, {transform_indices = @transform_5, window_bounds = array<i64: 2000, 16>}, {pipeline_mode = #tpu.pipeline_mode<synchronous>, transform_indices = @transform_6, window_bounds = array<i64: 1, 128>}, {pipeline_mode = #tpu.pipeline_mode<synchronous>, transform_indices = @transform_7, window_bounds = array<i64: 1, 128>}, {pipeline_mode = #tpu.pipeline_mode<synchronous>, transform_indices = @transform_8, window_bounds = array<i64: 1, 128>}, {pipeline_mode = #tpu.pipeline_mode<synchronous>, transform_indices = @transform_9, window_bounds = array<i64: 128, 128>}, {transform_indices = @transform_10, window_bounds = array<i64: 2000, 128>}, {transform_indices = @transform_11, window_bounds = array<i64: 2000, 128>}]} {
    %get3A = arith.constant 0 : index
    %get3A_0 = arith.constant 0 : index
    %get3A_1 = vector.load %arg5[%get3A, %get3A_0] : memref<2000x16xf32, #tpu.memory_space<vmem>>, vector<2000x16xf32>
    %get3A_2 = arith.constant 0 : index
    %get3A_3 = arith.constant 0 : index
    %get3A_4 = vector.load %arg6[%get3A_2, %get3A_3] : memref<2000x16xf32, #tpu.memory_space<vmem>>, vector<2000x16xf32>
    %slice3A = vector.extract_strided_slice %get3A_1 {offsets = [0, 0], sizes = [2000, 1], strides = [1, 1]} : vector<2000x16xf32> to vector<2000x1xf32>
    %slice3A_5 = vector.extract_strided_slice %get3A_4 {offsets = [0, 0], sizes = [2000, 1], strides = [1, 1]} : vector<2000x16xf32> to vector<2000x1xf32>
    %add3A = arith.addf %slice3A, %slice3A_5 : vector<2000x1xf32>
    %add3A_6 = arith.constant 1.000000e+00 : f32
    %add3A_7 = vector.broadcast %add3A_6 : f32 to vector<2000x1xf32>
    %add3A_8 = arith.addf %add3A, %add3A_7 : vector<2000x1xf32>
    %sqrt3A = math.sqrt %add3A_8 : vector<2000x1xf32>
    %div3A = arith.constant 1.000000e+00 : f32
    %div3A_9 = vector.broadcast %div3A : f32 to vector<2000x1xf32>
    %div3A_10 = arith.divf %div3A_9, %sqrt3A : vector<2000x1xf32>
    %get3A_11 = arith.constant 0 : index
    %get3A_12 = arith.constant 0 : index
    %get3A_13 = vector.load %arg1[%get3A_11, %get3A_12] : memref<2000x128xf32, #tpu.memory_space<vmem>>, vector<2000x128xf32>
    %get3A_14 = arith.constant 0 : index
    %get3A_15 = arith.constant 0 : index
    %get3A_16 = vector.load %arg2[%get3A_14, %get3A_15] : memref<2000x128xf32, #tpu.memory_space<vmem>>, vector<2000x128xf32>
    %add3A_17 = arith.addf %get3A_13, %get3A_16 : vector<2000x128xf32>
    %get3A_18 = arith.constant 0 : index
    %get3A_19 = arith.constant 0 : index
    %get3A_20 = vector.load %arg3[%get3A_18, %get3A_19] : memref<2000x128xf32, #tpu.memory_space<vmem>>, vector<2000x128xf32>
    %add3A_21 = arith.addf %add3A_17, %get3A_20 : vector<2000x128xf32>
    %mul3A = vector.broadcast %div3A_10 : vector<2000x1xf32> to vector<2000x128xf32>
    %mul3A_22 = arith.mulf %mul3A, %add3A_21 : vector<2000x128xf32>
    %get3A_23 = arith.constant 0 : index
    %get3A_24 = arith.constant 0 : index
    %get3A_25 = vector.load %arg7[%get3A_23, %get3A_24] : memref<1x128xf32, #tpu.memory_space<vmem>>, vector<1x128xf32>
    %add3A_26 = vector.broadcast %get3A_25 : vector<1x128xf32> to vector<2000x128xf32>
    %add3A_27 = arith.addf %mul3A_22, %add3A_26 : vector<2000x128xf32>
    %get3A_28 = arith.constant 0 : index
    %get3A_29 = arith.constant 0 : index
    %get3A_30 = vector.load %arg8[%get3A_28, %get3A_29] : memref<1x128xf32, #tpu.memory_space<vmem>>, vector<1x128xf32>
    %get3A_31 = arith.constant 0 : index
    %get3A_32 = arith.constant 0 : index
    %get3A_33 = vector.load %arg9[%get3A_31, %get3A_32] : memref<1x128xf32, #tpu.memory_space<vmem>>, vector<1x128xf32>
    %reduce_sum3A = arith.constant dense<0.000000e+00> : vector<2000xf32>
    %reduce_sum3A_34 = vector.multi_reduction <add>, %add3A_27, %reduce_sum3A [1] : vector<2000x128xf32> to vector<2000xf32>
    %broadcast_in_dim3A = vector.shape_cast %reduce_sum3A_34 : vector<2000xf32> to vector<2000x1xf32>
    %div3A_35 = arith.constant 1.280000e+02 : f32
    %div3A_36 = vector.broadcast %div3A_35 : f32 to vector<2000x1xf32>
    %div3A_37 = arith.divf %broadcast_in_dim3A, %div3A_36 : vector<2000x1xf32>
    %sub3A = vector.broadcast %div3A_37 : vector<2000x1xf32> to vector<2000x128xf32>
    %sub3A_38 = arith.subf %add3A_27, %sub3A : vector<2000x128xf32>
    %integer_pow3A = arith.mulf %sub3A_38, %sub3A_38 : vector<2000x128xf32>
    %reduce_sum3A_39 = arith.constant dense<0.000000e+00> : vector<2000xf32>
    %reduce_sum3A_40 = vector.multi_reduction <add>, %integer_pow3A, %reduce_sum3A_39 [1] : vector<2000x128xf32> to vector<2000xf32>
    %broadcast_in_dim3A_41 = vector.shape_cast %reduce_sum3A_40 : vector<2000xf32> to vector<2000x1xf32>
    %div3A_42 = arith.constant 1.280000e+02 : f32
    %div3A_43 = vector.broadcast %div3A_42 : f32 to vector<2000x1xf32>
    %div3A_44 = arith.divf %broadcast_in_dim3A_41, %div3A_43 : vector<2000x1xf32>
    %sub3A_45 = vector.broadcast %div3A_37 : vector<2000x1xf32> to vector<2000x128xf32>
    %sub3A_46 = arith.subf %add3A_27, %sub3A_45 : vector<2000x128xf32>
    %add3A_47 = arith.constant 9.99999974E-6 : f32
    %add3A_48 = vector.broadcast %add3A_47 : f32 to vector<2000x1xf32>
    %add3A_49 = arith.addf %div3A_44, %add3A_48 : vector<2000x1xf32>
    %sqrt3A_50 = math.sqrt %add3A_49 : vector<2000x1xf32>
    %div3A_51 = vector.broadcast %sqrt3A_50 : vector<2000x1xf32> to vector<2000x128xf32>
    %div3A_52 = arith.divf %sub3A_46, %div3A_51 : vector<2000x128xf32>
    %mul3A_53 = vector.broadcast %get3A_30 : vector<1x128xf32> to vector<2000x128xf32>
    %mul3A_54 = arith.mulf %div3A_52, %mul3A_53 : vector<2000x128xf32>
    %add3A_55 = vector.broadcast %get3A_33 : vector<1x128xf32> to vector<2000x128xf32>
    %add3A_56 = arith.addf %mul3A_54, %add3A_55 : vector<2000x128xf32>
    %max3A = arith.constant 0.000000e+00 : f32
    %max3A_57 = vector.broadcast %max3A : f32 to vector<2000x128xf32>
    %max3A_58 = arith.maximumf %add3A_56, %max3A_57 : vector<2000x128xf32>
    %get3A_59 = arith.constant 0 : index
    %get3A_60 = arith.constant 0 : index
    %get3A_61 = vector.load %arg4[%get3A_59, %get3A_60] : memref<2000x128xf32, #tpu.memory_space<vmem>>, vector<2000x128xf32>
    %add3A_62 = arith.addf %max3A_58, %get3A_61 : vector<2000x128xf32>
    %swap3A = arith.constant 0 : index
    %swap3A_63 = arith.constant 0 : index
    %swap3A_64 = vector.load %arg11[%swap3A, %swap3A_63] : memref<2000x128xf32, #tpu.memory_space<vmem>>, vector<2000x128xf32>
    tpu.vector_store %arg11[%swap3A, %swap3A_63], %add3A_62 {strides = array<i32>} : memref<2000x128xf32, #tpu.memory_space<vmem>>, vector<2000x128xf32>,
    %get3A_65 = arith.constant 0 : index
    %get3A_66 = arith.constant 0 : index
    %get3A_67 = vector.load %arg10[%get3A_65, %get3A_66] : memref<128x128xf32, #tpu.memory_space<vmem>>, vector<128x128xf32>
    %dot_general3A = arith.constant dense<0.000000e+00> : vector<2000x128xf32>
    %dot_general3A_68 = tpu.matmul %add3A_62, %get3A_67, %dot_general3A {dimension_numbers = #tpu.dot_dimension_numbers<[1], [0], [0], [1], [0, 0, 1, 1], [], []>, precision = #tpu.contract_precision<fp32>, transpose_lhs_hint = false} : vector<2000x128xf32>, vector<128x128xf32>, vector<2000x128xf32> -> vector<2000x128xf32>
    %mul3A_69 = vector.broadcast %div3A_10 : vector<2000x1xf32> to vector<2000x128xf32>
    %mul3A_70 = arith.mulf %mul3A_69, %dot_general3A_68 : vector<2000x128xf32>
    %swap3A_71 = arith.constant 0 : index
    %swap3A_72 = arith.constant 0 : index
    %swap3A_73 = vector.load %arg12[%swap3A_71, %swap3A_72] : memref<2000x128xf32, #tpu.memory_space<vmem>>, vector<2000x128xf32>
    tpu.vector_store %arg12[%swap3A_71, %swap3A_72], %mul3A_70 {strides = array<i32>} : memref<2000x128xf32, #tpu.memory_space<vmem>>, vector<2000x128xf32>,
    return
  }
  func.func @transform_0(%arg0: i32) -> (i32, i32) {
    %c0_i32 = arith.constant 0 : i32
    %c0_i32_0 = arith.constant 0 : i32
    return %arg0, %c0_i32 : i32, i32
  }
  func.func @transform_1(%arg0: i32) -> (i32, i32) {
    %c0_i32 = arith.constant 0 : i32
    %c0_i32_0 = arith.constant 0 : i32
    return %arg0, %c0_i32 : i32, i32
  }
  func.func @transform_2(%arg0: i32) -> (i32, i32) {
    %c0_i32 = arith.constant 0 : i32
    %c0_i32_0 = arith.constant 0 : i32
    return %arg0, %c0_i32 : i32, i32
  }
  func.func @transform_3(%arg0: i32) -> (i32, i32) {
    %c0_i32 = arith.constant 0 : i32
    %c0_i32_0 = arith.constant 0 : i32
    return %arg0, %c0_i32 : i32, i32
  }
  func.func @transform_4(%arg0: i32) -> (i32, i32) {
    %c0_i32 = arith.constant 0 : i32
    %c0_i32_0 = arith.constant 0 : i32
    return %arg0, %c0_i32 : i32, i32
  }
  func.func @transform_5(%arg0: i32) -> (i32, i32) {
    %c0_i32 = arith.constant 0 : i32
    %c0_i32_0 = arith.constant 0 : i32
    return %arg0, %c0_i32 : i32, i32
  }
  func.func @transform_6(%arg0: i32) -> (i32, i32) {
    %c0_i32 = arith.constant 0 : i32
    %c0_i32_0 = arith.constant 0 : i32
    %c0_i32_1 = arith.constant 0 : i32
    return %c0_i32, %c0_i32_0 : i32, i32
  }
  func.func @transform_7(%arg0: i32) -> (i32, i32) {
    %c0_i32 = arith.constant 0 : i32
    %c0_i32_0 = arith.constant 0 : i32
    %c0_i32_1 = arith.constant 0 : i32
    return %c0_i32, %c0_i32_0 : i32, i32
  }
  func.func @transform_8(%arg0: i32) -> (i32, i32) {
    %c0_i32 = arith.constant 0 : i32
    %c0_i32_0 = arith.constant 0 : i32
    %c0_i32_1 = arith.constant 0 : i32
    return %c0_i32, %c0_i32_0 : i32, i32
  }
  func.func @transform_9(%arg0: i32) -> (i32, i32) {
    %c0_i32 = arith.constant 0 : i32
    %c0_i32_0 = arith.constant 0 : i32
    %c0_i32_1 = arith.constant 0 : i32
    return %c0_i32, %c0_i32_0 : i32, i32
  }
  func.func @transform_10(%arg0: i32) -> (i32, i32) {
    %c0_i32 = arith.constant 0 : i32
    %c0_i32_0 = arith.constant 0 : i32
    return %arg0, %c0_i32 : i32, i32
  }
  func.func @transform_11(%arg0: i32) -> (i32, i32) {
    %c0_i32 = arith.constant 0 : i32
    %c0_i32_0 = arith.constant 0 : i32
    return %arg0, %c0_i32 : i32, i32
  }
}

module attributes {stable_mosaic.version = 14 : i64} {
  func.func @_scale_body(%arg0: i32, %arg1: memref<2000x128xf32, #tpu.memory_space<vmem>>, %arg2: memref<2000x16xf32, #tpu.memory_space<vmem>>, %arg3: memref<2000x16xf32, #tpu.memory_space<vmem>>, %arg4: memref<2000x128xf32, #tpu.memory_space<vmem>>) attributes {dimension_semantics = [#tpu.dimension_semantics<arbitrary>], iteration_bounds = array<i64: 5>, scalar_prefetch = 0 : i64, scratch_operands = 0 : i64, tpu.core_type = #tpu.core_type<tc>, window_params = [{transform_indices = @transform_0, window_bounds = array<i64: 2000, 128>}, {transform_indices = @transform_1, window_bounds = array<i64: 2000, 16>}, {transform_indices = @transform_2, window_bounds = array<i64: 2000, 16>}, {transform_indices = @transform_3, window_bounds = array<i64: 2000, 128>}]} {
    %get3A = arith.constant 0 : index
    %get3A_0 = arith.constant 0 : index
    %get3A_1 = vector.load %arg2[%get3A, %get3A_0] : memref<2000x16xf32, #tpu.memory_space<vmem>>, vector<2000x16xf32>
    %get3A_2 = arith.constant 0 : index
    %get3A_3 = arith.constant 0 : index
    %get3A_4 = vector.load %arg3[%get3A_2, %get3A_3] : memref<2000x16xf32, #tpu.memory_space<vmem>>, vector<2000x16xf32>
    %slice3A = vector.extract_strided_slice %get3A_1 {offsets = [0, 0], sizes = [2000, 1], strides = [1, 1]} : vector<2000x16xf32> to vector<2000x1xf32>
    %slice3A_5 = vector.extract_strided_slice %get3A_4 {offsets = [0, 0], sizes = [2000, 1], strides = [1, 1]} : vector<2000x16xf32> to vector<2000x1xf32>
    %add3A = arith.addf %slice3A, %slice3A_5 : vector<2000x1xf32>
    %add3A_6 = arith.constant 1.000000e+00 : f32
    %add3A_7 = vector.broadcast %add3A_6 : f32 to vector<2000x1xf32>
    %add3A_8 = arith.addf %add3A, %add3A_7 : vector<2000x1xf32>
    %sqrt3A = math.sqrt %add3A_8 : vector<2000x1xf32>
    %div3A = arith.constant 1.000000e+00 : f32
    %div3A_9 = vector.broadcast %div3A : f32 to vector<2000x1xf32>
    %div3A_10 = arith.divf %div3A_9, %sqrt3A : vector<2000x1xf32>
    %get3A_11 = arith.constant 0 : index
    %get3A_12 = arith.constant 0 : index
    %get3A_13 = vector.load %arg1[%get3A_11, %get3A_12] : memref<2000x128xf32, #tpu.memory_space<vmem>>, vector<2000x128xf32>
    %mul3A = vector.broadcast %div3A_10 : vector<2000x1xf32> to vector<2000x128xf32>
    %mul3A_14 = arith.mulf %mul3A, %get3A_13 : vector<2000x128xf32>
    %swap3A = arith.constant 0 : index
    %swap3A_15 = arith.constant 0 : index
    %swap3A_16 = vector.load %arg4[%swap3A, %swap3A_15] : memref<2000x128xf32, #tpu.memory_space<vmem>>, vector<2000x128xf32>
    tpu.vector_store %arg4[%swap3A, %swap3A_15], %mul3A_14 {strides = array<i32>} : memref<2000x128xf32, #tpu.memory_space<vmem>>, vector<2000x128xf32>,
    return
  }
  func.func @transform_0(%arg0: i32) -> (i32, i32) {
    %c0_i32 = arith.constant 0 : i32
    %c0_i32_0 = arith.constant 0 : i32
    return %arg0, %c0_i32 : i32, i32
  }
  func.func @transform_1(%arg0: i32) -> (i32, i32) {
    %c0_i32 = arith.constant 0 : i32
    %c0_i32_0 = arith.constant 0 : i32
    return %arg0, %c0_i32 : i32, i32
  }
  func.func @transform_2(%arg0: i32) -> (i32, i32) {
    %c0_i32 = arith.constant 0 : i32
    %c0_i32_0 = arith.constant 0 : i32
    return %arg0, %c0_i32 : i32, i32
  }
  func.func @transform_3(%arg0: i32) -> (i32, i32) {
    %c0_i32 = arith.constant 0 : i32
    %c0_i32_0 = arith.constant 0 : i32
    return %arg0, %c0_i32 : i32, i32
  }
}

module attributes {stable_mosaic.version = 14 : i64} {
  func.func @_emb_body(%arg0: i32, %arg1: memref<2000x128xf32, #tpu.memory_space<vmem>>, %arg2: memref<128x128xf32, #tpu.memory_space<vmem>>, %arg3: memref<1x128xf32, #tpu.memory_space<vmem>>, %arg4: memref<1x128xf32, #tpu.memory_space<vmem>>, %arg5: memref<1x128xf32, #tpu.memory_space<vmem>>, %arg6: memref<128x128xf32, #tpu.memory_space<vmem>>, %arg7: memref<2000x128xf32, #tpu.memory_space<vmem>>, %arg8: memref<2000x128xf32, #tpu.memory_space<vmem>>) attributes {dimension_semantics = [#tpu.dimension_semantics<arbitrary>], iteration_bounds = array<i64: 5>, scalar_prefetch = 0 : i64, scratch_operands = 0 : i64, tpu.core_type = #tpu.core_type<tc>, window_params = [{transform_indices = @transform_0, window_bounds = array<i64: 2000, 128>}, {pipeline_mode = #tpu.pipeline_mode<synchronous>, transform_indices = @transform_1, window_bounds = array<i64: 128, 128>}, {pipeline_mode = #tpu.pipeline_mode<synchronous>, transform_indices = @transform_2, window_bounds = array<i64: 1, 128>}, {pipeline_mode = #tpu.pipeline_mode<synchronous>, transform_indices = @transform_3, window_bounds = array<i64: 1, 128>}, {pipeline_mode = #tpu.pipeline_mode<synchronous>, transform_indices = @transform_4, window_bounds = array<i64: 1, 128>}, {pipeline_mode = #tpu.pipeline_mode<synchronous>, transform_indices = @transform_5, window_bounds = array<i64: 128, 128>}, {transform_indices = @transform_6, window_bounds = array<i64: 2000, 128>}, {transform_indices = @transform_7, window_bounds = array<i64: 2000, 128>}]} {
    %get3A = arith.constant 0 : index
    %get3A_0 = arith.constant 0 : index
    %get3A_1 = vector.load %arg1[%get3A, %get3A_0] : memref<2000x128xf32, #tpu.memory_space<vmem>>, vector<2000x128xf32>
    %get3A_2 = arith.constant 0 : index
    %get3A_3 = arith.constant 0 : index
    %get3A_4 = vector.load %arg2[%get3A_2, %get3A_3] : memref<128x128xf32, #tpu.memory_space<vmem>>, vector<128x128xf32>
    %dot_general3A = arith.constant dense<0.000000e+00> : vector<2000x128xf32>
    %dot_general3A_5 = tpu.matmul %get3A_1, %get3A_4, %dot_general3A {dimension_numbers = #tpu.dot_dimension_numbers<[1], [0], [0], [1], [0, 0, 1, 1], [], []>, precision = #tpu.contract_precision<fp32>, transpose_lhs_hint = false} : vector<2000x128xf32>, vector<128x128xf32>, vector<2000x128xf32> -> vector<2000x128xf32>
    %get3A_6 = arith.constant 0 : index
    %get3A_7 = arith.constant 0 : index
    %get3A_8 = vector.load %arg3[%get3A_6, %get3A_7] : memref<1x128xf32, #tpu.memory_space<vmem>>, vector<1x128xf32>
    %add3A = vector.broadcast %get3A_8 : vector<1x128xf32> to vector<2000x128xf32>
    %add3A_9 = arith.addf %dot_general3A_5, %add3A : vector<2000x128xf32>
    %get3A_10 = arith.constant 0 : index
    %get3A_11 = arith.constant 0 : index
    %get3A_12 = vector.load %arg4[%get3A_10, %get3A_11] : memref<1x128xf32, #tpu.memory_space<vmem>>, vector<1x128xf32>
    %get3A_13 = arith.constant 0 : index
    %get3A_14 = arith.constant 0 : index
    %get3A_15 = vector.load %arg5[%get3A_13, %get3A_14] : memref<1x128xf32, #tpu.memory_space<vmem>>, vector<1x128xf32>
    %reduce_sum3A = arith.constant dense<0.000000e+00> : vector<2000xf32>
    %reduce_sum3A_16 = vector.multi_reduction <add>, %add3A_9, %reduce_sum3A [1] : vector<2000x128xf32> to vector<2000xf32>
    %broadcast_in_dim3A = vector.shape_cast %reduce_sum3A_16 : vector<2000xf32> to vector<2000x1xf32>
    %div3A = arith.constant 1.280000e+02 : f32
    %div3A_17 = vector.broadcast %div3A : f32 to vector<2000x1xf32>
    %div3A_18 = arith.divf %broadcast_in_dim3A, %div3A_17 : vector<2000x1xf32>
    %sub3A = vector.broadcast %div3A_18 : vector<2000x1xf32> to vector<2000x128xf32>
    %sub3A_19 = arith.subf %add3A_9, %sub3A : vector<2000x128xf32>
    %integer_pow3A = arith.mulf %sub3A_19, %sub3A_19 : vector<2000x128xf32>
    %reduce_sum3A_20 = arith.constant dense<0.000000e+00> : vector<2000xf32>
    %reduce_sum3A_21 = vector.multi_reduction <add>, %integer_pow3A, %reduce_sum3A_20 [1] : vector<2000x128xf32> to vector<2000xf32>
    %broadcast_in_dim3A_22 = vector.shape_cast %reduce_sum3A_21 : vector<2000xf32> to vector<2000x1xf32>
    %div3A_23 = arith.constant 1.280000e+02 : f32
    %div3A_24 = vector.broadcast %div3A_23 : f32 to vector<2000x1xf32>
    %div3A_25 = arith.divf %broadcast_in_dim3A_22, %div3A_24 : vector<2000x1xf32>
    %sub3A_26 = vector.broadcast %div3A_18 : vector<2000x1xf32> to vector<2000x128xf32>
    %sub3A_27 = arith.subf %add3A_9, %sub3A_26 : vector<2000x128xf32>
    %add3A_28 = arith.constant 9.99999974E-6 : f32
    %add3A_29 = vector.broadcast %add3A_28 : f32 to vector<2000x1xf32>
    %add3A_30 = arith.addf %div3A_25, %add3A_29 : vector<2000x1xf32>
    %sqrt3A = math.sqrt %add3A_30 : vector<2000x1xf32>
    %div3A_31 = vector.broadcast %sqrt3A : vector<2000x1xf32> to vector<2000x128xf32>
    %div3A_32 = arith.divf %sub3A_27, %div3A_31 : vector<2000x128xf32>
    %mul3A = vector.broadcast %get3A_12 : vector<1x128xf32> to vector<2000x128xf32>
    %mul3A_33 = arith.mulf %div3A_32, %mul3A : vector<2000x128xf32>
    %add3A_34 = vector.broadcast %get3A_15 : vector<1x128xf32> to vector<2000x128xf32>
    %add3A_35 = arith.addf %mul3A_33, %add3A_34 : vector<2000x128xf32>
    %max3A = arith.constant 0.000000e+00 : f32
    %max3A_36 = vector.broadcast %max3A : f32 to vector<2000x128xf32>
    %max3A_37 = arith.maximumf %add3A_35, %max3A_36 : vector<2000x128xf32>
    %swap3A = arith.constant 0 : index
    %swap3A_38 = arith.constant 0 : index
    %swap3A_39 = vector.load %arg7[%swap3A, %swap3A_38] : memref<2000x128xf32, #tpu.memory_space<vmem>>, vector<2000x128xf32>
    tpu.vector_store %arg7[%swap3A, %swap3A_38], %max3A_37 {strides = array<i32>} : memref<2000x128xf32, #tpu.memory_space<vmem>>, vector<2000x128xf32>,
    %get3A_40 = arith.constant 0 : index
    %get3A_41 = arith.constant 0 : index
    %get3A_42 = vector.load %arg6[%get3A_40, %get3A_41] : memref<128x128xf32, #tpu.memory_space<vmem>>, vector<128x128xf32>
    %dot_general3A_43 = arith.constant dense<0.000000e+00> : vector<2000x128xf32>
    %dot_general3A_44 = tpu.matmul %max3A_37, %get3A_42, %dot_general3A_43 {dimension_numbers = #tpu.dot_dimension_numbers<[1], [0], [0], [1], [0, 0, 1, 1], [], []>, precision = #tpu.contract_precision<fp32>, transpose_lhs_hint = false} : vector<2000x128xf32>, vector<128x128xf32>, vector<2000x128xf32> -> vector<2000x128xf32>
    %swap3A_45 = arith.constant 0 : index
    %swap3A_46 = arith.constant 0 : index
    %swap3A_47 = vector.load %arg8[%swap3A_45, %swap3A_46] : memref<2000x128xf32, #tpu.memory_space<vmem>>, vector<2000x128xf32>
    tpu.vector_store %arg8[%swap3A_45, %swap3A_46], %dot_general3A_44 {strides = array<i32>} : memref<2000x128xf32, #tpu.memory_space<vmem>>, vector<2000x128xf32>,
    return
  }
  func.func @transform_0(%arg0: i32) -> (i32, i32) {
    %c0_i32 = arith.constant 0 : i32
    %c0_i32_0 = arith.constant 0 : i32
    return %arg0, %c0_i32 : i32, i32
  }
  func.func @transform_1(%arg0: i32) -> (i32, i32) {
    %c0_i32 = arith.constant 0 : i32
    %c0_i32_0 = arith.constant 0 : i32
    %c0_i32_1 = arith.constant 0 : i32
    return %c0_i32, %c0_i32_0 : i32, i32
  }
  func.func @transform_2(%arg0: i32) -> (i32, i32) {
    %c0_i32 = arith.constant 0 : i32
    %c0_i32_0 = arith.constant 0 : i32
    %c0_i32_1 = arith.constant 0 : i32
    return %c0_i32, %c0_i32_0 : i32, i32
  }
  func.func @transform_3(%arg0: i32) -> (i32, i32) {
    %c0_i32 = arith.constant 0 : i32
    %c0_i32_0 = arith.constant 0 : i32
    %c0_i32_1 = arith.constant 0 : i32
    return %c0_i32, %c0_i32_0 : i32, i32
  }
  func.func @transform_4(%arg0: i32) -> (i32, i32) {
    %c0_i32 = arith.constant 0 : i32
    %c0_i32_0 = arith.constant 0 : i32
    %c0_i32_1 = arith.constant 0 : i32
    return %c0_i32, %c0_i32_0 : i32, i32
  }
  func.func @transform_5(%arg0: i32) -> (i32, i32) {
    %c0_i32 = arith.constant 0 : i32
    %c0_i32_0 = arith.constant 0 : i32
    %c0_i32_1 = arith.constant 0 : i32
    return %c0_i32, %c0_i32_0 : i32, i32
  }
  func.func @transform_6(%arg0: i32) -> (i32, i32) {
    %c0_i32 = arith.constant 0 : i32
    %c0_i32_0 = arith.constant 0 : i32
    return %arg0, %c0_i32 : i32, i32
  }
  func.func @transform_7(%arg0: i32) -> (i32, i32) {
    %c0_i32 = arith.constant 0 : i32
    %c0_i32_0 = arith.constant 0 : i32
    return %arg0, %c0_i32 : i32, i32
  }
}

module attributes {stable_mosaic.version = 14 : i64} {
  func.func @_final_body(%arg0: i32, %arg1: memref<2000x128xf32, #tpu.memory_space<vmem>>, %arg2: memref<2000x128xf32, #tpu.memory_space<vmem>>, %arg3: memref<2000x128xf32, #tpu.memory_space<vmem>>, %arg4: memref<2000x128xf32, #tpu.memory_space<vmem>>, %arg5: memref<2000x16xf32, #tpu.memory_space<vmem>>, %arg6: memref<2000x16xf32, #tpu.memory_space<vmem>>, %arg7: memref<1x128xf32, #tpu.memory_space<vmem>>, %arg8: memref<1x128xf32, #tpu.memory_space<vmem>>, %arg9: memref<1x128xf32, #tpu.memory_space<vmem>>, %arg10: memref<1x1x2000xi32, #tpu.memory_space<vmem>>, %arg11: memref<128x64xf32, #tpu.memory_space<vmem>>, %arg12: memref<1x64xf32, #tpu.memory_space<vmem>>, %arg13: memref<64x12xf32, #tpu.memory_space<vmem>>, %arg14: memref<1x12xf32, #tpu.memory_space<vmem>>, %arg15: memref<64x12xf32, #tpu.memory_space<vmem>>, %arg16: memref<64x128xf32, #tpu.memory_space<vmem>>, %arg17: memref<64x8xf32, #tpu.memory_space<vmem>>) attributes {dimension_semantics = [#tpu.dimension_semantics<arbitrary>], iteration_bounds = array<i64: 5>, scalar_prefetch = 0 : i64, scratch_operands = 2 : i64, tpu.core_type = #tpu.core_type<tc>, window_params = [{transform_indices = @transform_0, window_bounds = array<i64: 2000, 128>}, {transform_indices = @transform_1, window_bounds = array<i64: 2000, 128>}, {transform_indices = @transform_2, window_bounds = array<i64: 2000, 128>}, {transform_indices = @transform_3, window_bounds = array<i64: 2000, 128>}, {transform_indices = @transform_4, window_bounds = array<i64: 2000, 16>}, {transform_indices = @transform_5, window_bounds = array<i64: 2000, 16>}, {pipeline_mode = #tpu.pipeline_mode<synchronous>, transform_indices = @transform_6, window_bounds = array<i64: 1, 128>}, {pipeline_mode = #tpu.pipeline_mode<synchronous>, transform_indices = @transform_7, window_bounds = array<i64: 1, 128>}, {pipeline_mode = #tpu.pipeline_mode<synchronous>, transform_indices = @transform_8, window_bounds = array<i64: 1, 128>}, {transform_indices = @transform_9, window_bounds = array<i64: 1, 1, 2000>}, {pipeline_mode = #tpu.pipeline_mode<synchronous>, transform_indices = @transform_10, window_bounds = array<i64: 128, 64>}, {pipeline_mode = #tpu.pipeline_mode<synchronous>, transform_indices = @transform_11, window_bounds = array<i64: 1, 64>}, {pipeline_mode = #tpu.pipeline_mode<synchronous>, transform_indices = @transform_12, window_bounds = array<i64: 64, 12>}, {pipeline_mode = #tpu.pipeline_mode<synchronous>, transform_indices = @transform_13, window_bounds = array<i64: 1, 12>}, {pipeline_mode = #tpu.pipeline_mode<synchronous>, transform_indices = @transform_14, window_bounds = array<i64: 64, 12>}]} {
    %get3A = arith.constant 0 : index
    %get3A_0 = arith.constant 0 : index
    %get3A_1 = vector.load %arg5[%get3A, %get3A_0] : memref<2000x16xf32, #tpu.memory_space<vmem>>, vector<2000x16xf32>
    %get3A_2 = arith.constant 0 : index
    %get3A_3 = arith.constant 0 : index
    %get3A_4 = vector.load %arg6[%get3A_2, %get3A_3] : memref<2000x16xf32, #tpu.memory_space<vmem>>, vector<2000x16xf32>
    %slice3A = vector.extract_strided_slice %get3A_1 {offsets = [0, 0], sizes = [2000, 1], strides = [1, 1]} : vector<2000x16xf32> to vector<2000x1xf32>
    %slice3A_5 = vector.extract_strided_slice %get3A_4 {offsets = [0, 0], sizes = [2000, 1], strides = [1, 1]} : vector<2000x16xf32> to vector<2000x1xf32>
    %add3A = arith.addf %slice3A, %slice3A_5 : vector<2000x1xf32>
    %add3A_6 = arith.constant 1.000000e+00 : f32
    %add3A_7 = vector.broadcast %add3A_6 : f32 to vector<2000x1xf32>
    %add3A_8 = arith.addf %add3A, %add3A_7 : vector<2000x1xf32>
    %sqrt3A = math.sqrt %add3A_8 : vector<2000x1xf32>
    %div3A = arith.constant 1.000000e+00 : f32
    %div3A_9 = vector.broadcast %div3A : f32 to vector<2000x1xf32>
    %div3A_10 = arith.divf %div3A_9, %sqrt3A : vector<2000x1xf32>
    %get3A_11 = arith.constant 0 : index
    %get3A_12 = arith.constant 0 : index
    %get3A_13 = vector.load %arg1[%get3A_11, %get3A_12] : memref<2000x128xf32, #tpu.memory_space<vmem>>, vector<2000x128xf32>
    %get3A_14 = arith.constant 0 : index
    %get3A_15 = arith.constant 0 : index
    %get3A_16 = vector.load %arg2[%get3A_14, %get3A_15] : memref<2000x128xf32, #tpu.memory_space<vmem>>, vector<2000x128xf32>
    %add3A_17 = arith.addf %get3A_13, %get3A_16 : vector<2000x128xf32>
    %get3A_18 = arith.constant 0 : index
    %get3A_19 = arith.constant 0 : index
    %get3A_20 = vector.load %arg3[%get3A_18, %get3A_19] : memref<2000x128xf32, #tpu.memory_space<vmem>>, vector<2000x128xf32>
    %add3A_21 = arith.addf %add3A_17, %get3A_20 : vector<2000x128xf32>
    %mul3A = vector.broadcast %div3A_10 : vector<2000x1xf32> to vector<2000x128xf32>
    %mul3A_22 = arith.mulf %mul3A, %add3A_21 : vector<2000x128xf32>
    %get3A_23 = arith.constant 0 : index
    %get3A_24 = arith.constant 0 : index
    %get3A_25 = vector.load %arg7[%get3A_23, %get3A_24] : memref<1x128xf32, #tpu.memory_space<vmem>>, vector<1x128xf32>
    %add3A_26 = vector.broadcast %get3A_25 : vector<1x128xf32> to vector<2000x128xf32>
    %add3A_27 = arith.addf %mul3A_22, %add3A_26 : vector<2000x128xf32>
    %get3A_28 = arith.constant 0 : index
    %get3A_29 = arith.constant 0 : index
    %get3A_30 = vector.load %arg8[%get3A_28, %get3A_29] : memref<1x128xf32, #tpu.memory_space<vmem>>, vector<1x128xf32>
    %get3A_31 = arith.constant 0 : index
    %get3A_32 = arith.constant 0 : index
    %get3A_33 = vector.load %arg9[%get3A_31, %get3A_32] : memref<1x128xf32, #tpu.memory_space<vmem>>, vector<1x128xf32>
    %reduce_sum3A = arith.constant dense<0.000000e+00> : vector<2000xf32>
    %reduce_sum3A_34 = vector.multi_reduction <add>, %add3A_27, %reduce_sum3A [1] : vector<2000x128xf32> to vector<2000xf32>
    %broadcast_in_dim3A = vector.shape_cast %reduce_sum3A_34 : vector<2000xf32> to vector<2000x1xf32>
    %div3A_35 = arith.constant 1.280000e+02 : f32
    %div3A_36 = vector.broadcast %div3A_35 : f32 to vector<2000x1xf32>
    %div3A_37 = arith.divf %broadcast_in_dim3A, %div3A_36 : vector<2000x1xf32>
    %sub3A = vector.broadcast %div3A_37 : vector<2000x1xf32> to vector<2000x128xf32>
    %sub3A_38 = arith.subf %add3A_27, %sub3A : vector<2000x128xf32>
    %integer_pow3A = arith.mulf %sub3A_38, %sub3A_38 : vector<2000x128xf32>
    %reduce_sum3A_39 = arith.constant dense<0.000000e+00> : vector<2000xf32>
    %reduce_sum3A_40 = vector.multi_reduction <add>, %integer_pow3A, %reduce_sum3A_39 [1] : vector<2000x128xf32> to vector<2000xf32>
    %broadcast_in_dim3A_41 = vector.shape_cast %reduce_sum3A_40 : vector<2000xf32> to vector<2000x1xf32>
    %div3A_42 = arith.constant 1.280000e+02 : f32
    %div3A_43 = vector.broadcast %div3A_42 : f32 to vector<2000x1xf32>
    %div3A_44 = arith.divf %broadcast_in_dim3A_41, %div3A_43 : vector<2000x1xf32>
    %sub3A_45 = vector.broadcast %div3A_37 : vector<2000x1xf32> to vector<2000x128xf32>
    %sub3A_46 = arith.subf %add3A_27, %sub3A_45 : vector<2000x128xf32>
    %add3A_47 = arith.constant 9.99999974E-6 : f32
    %add3A_48 = vector.broadcast %add3A_47 : f32 to vector<2000x1xf32>
    %add3A_49 = arith.addf %div3A_44, %add3A_48 : vector<2000x1xf32>
    %sqrt3A_50 = math.sqrt %add3A_49 : vector<2000x1xf32>
    %div3A_51 = vector.broadcast %sqrt3A_50 : vector<2000x1xf32> to vector<2000x128xf32>
    %div3A_52 = arith.divf %sub3A_46, %div3A_51 : vector<2000x128xf32>
    %mul3A_53 = vector.broadcast %get3A_30 : vector<1x128xf32> to vector<2000x128xf32>
    %mul3A_54 = arith.mulf %div3A_52, %mul3A_53 : vector<2000x128xf32>
    %add3A_55 = vector.broadcast %get3A_33 : vector<1x128xf32> to vector<2000x128xf32>
    %add3A_56 = arith.addf %mul3A_54, %add3A_55 : vector<2000x128xf32>
    %max3A = arith.constant 0.000000e+00 : f32
    %max3A_57 = vector.broadcast %max3A : f32 to vector<2000x128xf32>
    %max3A_58 = arith.maximumf %add3A_56, %max3A_57 : vector<2000x128xf32>
    %get3A_59 = arith.constant 0 : index
    %get3A_60 = arith.constant 0 : index
    %get3A_61 = vector.load %arg4[%get3A_59, %get3A_60] : memref<2000x128xf32, #tpu.memory_space<vmem>>, vector<2000x128xf32>
    %add3A_62 = arith.addf %max3A_58, %get3A_61 : vector<2000x128xf32>
    %get3A_63 = arith.constant 0 : index
    %get3A_64 = arith.constant 0 : index
    %get3A_65 = arith.constant 0 : index
    %get3A_66 = vector.load %arg10[%get3A_63, %get3A_64, %get3A_65] : memref<1x1x2000xi32, #tpu.memory_space<vmem>>, vector<1x1x2000xi32>
    %get3A_67 = vector.shape_cast %get3A_66 : vector<1x1x2000xi32> to vector<1x2000xi32>
    %iota3A = tpu.iota {dimensions = array<i32: 0>} : vector<64x2000xi32>
    %eq3A = vector.broadcast %get3A_67 : vector<1x2000xi32> to vector<64x2000xi32>
    %eq3A_68 = arith.cmpi eq, %eq3A, %iota3A : vector<64x2000xi32>
    %convert_element_type3A = arith.extui %eq3A_68 : vector<64x2000xi1> to vector<64x2000xi32>
    %convert_element_type3A_69 = arith.sitofp %convert_element_type3A : vector<64x2000xi32> to vector<64x2000xf32>
    %dot_general3A = arith.constant dense<0.000000e+00> : vector<64x128xf32>
    %dot_general3A_70 = tpu.matmul %convert_element_type3A_69, %add3A_62, %dot_general3A {dimension_numbers = #tpu.dot_dimension_numbers<[1], [0], [0], [1], [0, 0, 1, 1], [], []>, precision = #tpu.contract_precision<fp32>, transpose_lhs_hint = false} : vector<64x2000xf32>, vector<2000x128xf32>, vector<64x128xf32> -> vector<64x128xf32>
    %broadcast_in_dim3A_71 = arith.constant 1.000000e+00 : f32
    %broadcast_in_dim3A_72 = vector.broadcast %broadcast_in_dim3A_71 : f32 to vector<2000x8xf32>
    %dot_general3A_73 = arith.constant dense<0.000000e+00> : vector<64x8xf32>
    %dot_general3A_74 = tpu.matmul %convert_element_type3A_69, %broadcast_in_dim3A_72, %dot_general3A_73 {dimension_numbers = #tpu.dot_dimension_numbers<[1], [0], [0], [1], [0, 0, 1, 1], [], []>, precision = #tpu.contract_precision<fp32>, transpose_lhs_hint = false} : vector<64x2000xf32>, vector<2000x8xf32>, vector<64x8xf32> -> vector<64x8xf32>
    %eq3A_75 = arith.constant 0 : i32
    %eq3A_76 = arith.cmpi eq, %arg0, %eq3A_75 : i32
    %convert_element_type3A_77 = arith.extui %eq3A_76 : i1 to i32
    %cond3A = arith.constant 0 : i32
    %cond3A_78 = arith.cmpi ne, %convert_element_type3A_77, %cond3A : i32
    scf.if %cond3A_78 {
      %swap3A = arith.constant 0 : index
      %swap3A_88 = arith.constant 0 : index
      %swap3A_89 = vector.load %arg16[%swap3A, %swap3A_88] : memref<64x128xf32, #tpu.memory_space<vmem>>, vector<64x128xf32>
      tpu.vector_store %arg16[%swap3A, %swap3A_88], %dot_general3A_70 {strides = array<i32>} : memref<64x128xf32, #tpu.memory_space<vmem>>, vector<64x128xf32>,
      %swap3A_90 = arith.constant 0 : index
      %swap3A_91 = arith.constant 0 : index
      %swap3A_92 = vector.load %arg17[%swap3A_90, %swap3A_91] : memref<64x8xf32, #tpu.memory_space<vmem>>, vector<64x8xf32>
      tpu.vector_store %arg17[%swap3A_90, %swap3A_91], %dot_general3A_74 {strides = array<i32>} : memref<64x8xf32, #tpu.memory_space<vmem>>, vector<64x8xf32>,
    } else {
    }
    %gt3A = arith.constant 0 : i32
    %gt3A_79 = arith.cmpi sgt, %arg0, %gt3A : i32
    %convert_element_type3A_80 = arith.extui %gt3A_79 : i1 to i32
    %cond3A_81 = arith.constant 0 : i32
    %cond3A_82 = arith.cmpi ne, %convert_element_type3A_80, %cond3A_81 : i32
    scf.if %cond3A_82 {
      %get3A_88 = arith.constant 0 : index
      %get3A_89 = arith.constant 0 : index
      %get3A_90 = vector.load %arg16[%get3A_88, %get3A_89] : memref<64x128xf32, #tpu.memory_space<vmem>>, vector<64x128xf32>
      %add3A_91 = arith.addf %get3A_90, %dot_general3A_70 : vector<64x128xf32>
      %swap3A = arith.constant 0 : index
      %swap3A_92 = arith.constant 0 : index
      %swap3A_93 = vector.load %arg16[%swap3A, %swap3A_92] : memref<64x128xf32, #tpu.memory_space<vmem>>, vector<64x128xf32>
      tpu.vector_store %arg16[%swap3A, %swap3A_92], %add3A_91 {strides = array<i32>} : memref<64x128xf32, #tpu.memory_space<vmem>>, vector<64x128xf32>,
      %get3A_94 = arith.constant 0 : index
      %get3A_95 = arith.constant 0 : index
      %get3A_96 = vector.load %arg17[%get3A_94, %get3A_95] : memref<64x8xf32, #tpu.memory_space<vmem>>, vector<64x8xf32>
      %add3A_97 = arith.addf %get3A_96, %dot_general3A_74 : vector<64x8xf32>
      %swap3A_98 = arith.constant 0 : index
      %swap3A_99 = arith.constant 0 : index
      %swap3A_100 = vector.load %arg17[%swap3A_98, %swap3A_99] : memref<64x8xf32, #tpu.memory_space<vmem>>, vector<64x8xf32>
      tpu.vector_store %arg17[%swap3A_98, %swap3A_99], %add3A_97 {strides = array<i32>} : memref<64x8xf32, #tpu.memory_space<vmem>>, vector<64x8xf32>,
    } else {
    }
    %eq3A_83 = arith.constant 4 : i32
    %eq3A_84 = arith.cmpi eq, %arg0, %eq3A_83 : i32
    %convert_element_type3A_85 = arith.extui %eq3A_84 : i1 to i32
    %cond3A_86 = arith.constant 0 : i32
    %cond3A_87 = arith.cmpi ne, %convert_element_type3A_85, %cond3A_86 : i32
    scf.if %cond3A_87 {
      %get3A_88 = arith.constant 0 : index
      %get3A_89 = arith.constant 0 : index
      %get3A_90 = vector.load %arg16[%get3A_88, %get3A_89] : memref<64x128xf32, #tpu.memory_space<vmem>>, vector<64x128xf32>
      %get3A_91 = arith.constant 0 : index
      %get3A_92 = arith.constant 0 : index
      %get3A_93 = vector.load %arg17[%get3A_91, %get3A_92] : memref<64x8xf32, #tpu.memory_space<vmem>>, vector<64x1xf32>
      %max3A_94 = arith.constant 1.000000e+00 : f32
      %max3A_95 = vector.broadcast %max3A_94 : f32 to vector<64x1xf32>
      %max3A_96 = arith.maximumf %get3A_93, %max3A_95 : vector<64x1xf32>
      %div3A_97 = vector.broadcast %max3A_96 : vector<64x1xf32> to vector<64x128xf32>
      %div3A_98 = arith.divf %get3A_90, %div3A_97 : vector<64x128xf32>
      %get3A_99 = arith.constant 0 : index
      %get3A_100 = arith.constant 0 : index
      %get3A_101 = vector.load %arg11[%get3A_99, %get3A_100] : memref<128x64xf32, #tpu.memory_space<vmem>>, vector<128x64xf32>
      %dot_general3A_102 = arith.constant dense<0.000000e+00> : vector<64x64xf32>
      %dot_general3A_103 = tpu.matmul %div3A_98, %get3A_101, %dot_general3A_102 {dimension_numbers = #tpu.dot_dimension_numbers<[1], [0], [0], [1], [0, 0, 1, 1], [], []>, precision = #tpu.contract_precision<fp32>, transpose_lhs_hint = false} : vector<64x128xf32>, vector<128x64xf32>, vector<64x64xf32> -> vector<64x64xf32>
      %get3A_104 = arith.constant 0 : index
      %get3A_105 = arith.constant 0 : index
      %get3A_106 = vector.load %arg12[%get3A_104, %get3A_105] : memref<1x64xf32, #tpu.memory_space<vmem>>, vector<1x64xf32>
      %add3A_107 = vector.broadcast %get3A_106 : vector<1x64xf32> to vector<64x64xf32>
      %add3A_108 = arith.addf %dot_general3A_103, %add3A_107 : vector<64x64xf32>
      %max3A_109 = arith.constant 0.000000e+00 : f32
      %max3A_110 = vector.broadcast %max3A_109 : f32 to vector<64x64xf32>
      %max3A_111 = arith.maximumf %add3A_108, %max3A_110 : vector<64x64xf32>
      %get3A_112 = arith.constant 0 : index
      %get3A_113 = arith.constant 0 : index
      %get3A_114 = vector.load %arg13[%get3A_112, %get3A_113] : memref<64x12xf32, #tpu.memory_space<vmem>>, vector<64x12xf32>
      %dot_general3A_115 = arith.constant dense<0.000000e+00> : vector<64x12xf32>
      %dot_general3A_116 = tpu.matmul %max3A_111, %get3A_114, %dot_general3A_115 {dimension_numbers = #tpu.dot_dimension_numbers<[1], [0], [0], [1], [0, 0, 1, 1], [], []>, precision = #tpu.contract_precision<fp32>, transpose_lhs_hint = false} : vector<64x64xf32>, vector<64x12xf32>, vector<64x12xf32> -> vector<64x12xf32>
      %get3A_117 = arith.constant 0 : index
      %get3A_118 = arith.constant 0 : index
      %get3A_119 = vector.load %arg14[%get3A_117, %get3A_118] : memref<1x12xf32, #tpu.memory_space<vmem>>, vector<1x12xf32>
      %add3A_120 = vector.broadcast %get3A_119 : vector<1x12xf32> to vector<64x12xf32>
      %add3A_121 = arith.addf %dot_general3A_116, %add3A_120 : vector<64x12xf32>
      %swap3A = arith.constant 0 : index
      %swap3A_122 = arith.constant 0 : index
      %swap3A_123 = vector.load %arg15[%swap3A, %swap3A_122] : memref<64x12xf32, #tpu.memory_space<vmem>>, vector<64x12xf32>
      tpu.vector_store %arg15[%swap3A, %swap3A_122], %add3A_121 {strides = array<i32>} : memref<64x12xf32, #tpu.memory_space<vmem>>, vector<64x12xf32>,
    } else {
    }
    return
  }
  func.func @transform_0(%arg0: i32) -> (i32, i32) {
    %c0_i32 = arith.constant 0 : i32
    %c0_i32_0 = arith.constant 0 : i32
    return %arg0, %c0_i32 : i32, i32
  }
  func.func @transform_1(%arg0: i32) -> (i32, i32) {
    %c0_i32 = arith.constant 0 : i32
    %c0_i32_0 = arith.constant 0 : i32
    return %arg0, %c0_i32 : i32, i32
  }
  func.func @transform_2(%arg0: i32) -> (i32, i32) {
    %c0_i32 = arith.constant 0 : i32
    %c0_i32_0 = arith.constant 0 : i32
    return %arg0, %c0_i32 : i32, i32
  }
  func.func @transform_3(%arg0: i32) -> (i32, i32) {
    %c0_i32 = arith.constant 0 : i32
    %c0_i32_0 = arith.constant 0 : i32
    return %arg0, %c0_i32 : i32, i32
  }
  func.func @transform_4(%arg0: i32) -> (i32, i32) {
    %c0_i32 = arith.constant 0 : i32
    %c0_i32_0 = arith.constant 0 : i32
    return %arg0, %c0_i32 : i32, i32
  }
  func.func @transform_5(%arg0: i32) -> (i32, i32) {
    %c0_i32 = arith.constant 0 : i32
    %c0_i32_0 = arith.constant 0 : i32
    return %arg0, %c0_i32 : i32, i32
  }
  func.func @transform_6(%arg0: i32) -> (i32, i32) {
    %c0_i32 = arith.constant 0 : i32
    %c0_i32_0 = arith.constant 0 : i32
    %c0_i32_1 = arith.constant 0 : i32
    return %c0_i32, %c0_i32_0 : i32, i32
  }
  func.func @transform_7(%arg0: i32) -> (i32, i32) {
    %c0_i32 = arith.constant 0 : i32
    %c0_i32_0 = arith.constant 0 : i32
    %c0_i32_1 = arith.constant 0 : i32
    return %c0_i32, %c0_i32_0 : i32, i32
  }
  func.func @transform_8(%arg0: i32) -> (i32, i32) {
    %c0_i32 = arith.constant 0 : i32
    %c0_i32_0 = arith.constant 0 : i32
    %c0_i32_1 = arith.constant 0 : i32
    return %c0_i32, %c0_i32_0 : i32, i32
  }
  func.func @transform_9(%arg0: i32) -> (i32, i32, i32) {
    %c0_i32 = arith.constant 0 : i32
    %c0_i32_0 = arith.constant 0 : i32
    %c0_i32_1 = arith.constant 0 : i32
    return %arg0, %c0_i32, %c0_i32_0 : i32, i32, i32
  }
  func.func @transform_10(%arg0: i32) -> (i32, i32) {
    %c0_i32 = arith.constant 0 : i32
    %c0_i32_0 = arith.constant 0 : i32
    %c0_i32_1 = arith.constant 0 : i32
    return %c0_i32, %c0_i32_0 : i32, i32
  }
  func.func @transform_11(%arg0: i32) -> (i32, i32) {
    %c0_i32 = arith.constant 0 : i32
    %c0_i32_0 = arith.constant 0 : i32
    %c0_i32_1 = arith.constant 0 : i32
    return %c0_i32, %c0_i32_0 : i32, i32
  }
  func.func @transform_12(%arg0: i32) -> (i32, i32) {
    %c0_i32 = arith.constant 0 : i32
    %c0_i32_0 = arith.constant 0 : i32
    %c0_i32_1 = arith.constant 0 : i32
    return %c0_i32, %c0_i32_0 : i32, i32
  }
  func.func @transform_13(%arg0: i32) -> (i32, i32) {
    %c0_i32 = arith.constant 0 : i32
    %c0_i32_0 = arith.constant 0 : i32
    %c0_i32_1 = arith.constant 0 : i32
    return %c0_i32, %c0_i32_0 : i32, i32
  }
  func.func @transform_14(%arg0: i32) -> (i32, i32) {
    %c0_i32 = arith.constant 0 : i32
    %c0_i32_0 = arith.constant 0 : i32
    %c0_i32_1 = arith.constant 0 : i32
    return %c0_i32, %c0_i32_0 : i32, i32
  }
}

</mosaic_0001>

<sc_bundles>
// kernel: kernel.11.cloned.1.call-start
scs
__scs_entry_jumppad:
0x0: {  	(pc) =	sbr.rel $0x88, $3  }
0x1: {  	(tag) =	ssettag $0x0;
	lr =	simm.s32 $0x1  }
0x2: {  	[smem:$0x3F8A] =	sst lr;
	_ =	strace $0xD0000000  }
0x3: {  	_ = 	snop  }
0x4: {  	_ = 	snop  }
0x5: {  	_ = 	snop  }
0x6: {  	_ = 	snop  }
0x7: {  	_ = 	snop  }
__scs_overlays_trampoline_lowered:
0x8: {  	[smem:$0x3F99] =	sst s0  }
0x9: {  	[smem:$0x3F9A] =	sst s1  }
0xa: {  	[smem:$0x3F9B] =	sst s2  }
0xb: {  	[smem:$0x3F9C] =	sst s3  }
0xc: {  	[smem:$0x3F9D] =	sst s4  }
0xd: {  	[smem:$0x3F9E] =	sst s5  }
0xe: {  	[smem:$0x3F9F] =	sst s6  }
0xf: {  	[smem:$0x3FA0] =	sst s7  }
0x10: {  	[smem:$0x3FA1] =	sst s8  }
0x11: {  	[smem:$0x3FA2] =	sst s9;
	s0 =	simm.s32 @!p0 $0x0  }
0x12: {  	s1 =	sld [smem:$0x3F88];
	s0 =	simm.s32 @p0 $0x1  }
0x13: {  	[smem:$0x3FA3] =	sst s0;
	s0 =	simm.s32 @!p1 $0x0  }
0x14: {  	s2 =	sld [smem:$0x3F87];
	s0 =	simm.s32 @p1 $0x1  }
0x15: {  	[smem:$0x3FA4] =	sst s0;
	s0 =	simm.s32 @!p2 $0x0  }
0x16: {  	s3 =	sld [smem:$0x3FDB];
	s0 =	simm.s32 @p2 $0x1  }
0x17: {  	s4 =	simm.s32 $0x1BF5;
	[smem:$0x3FA6] =	sst s0  }
0x18: {  	s0 =	sld [smem:$0x3F89];
	_ =	swait.ge [sflag:s4], $0x0  }
0x19: {  	s7 =	sld [smem:$0x3F8A]  }
0x1a: {  	s8 =	sadd.s32 $0xFFFFE003, lr  }
0x1b: {  	s9 =	sadd.s32 $0xFFFFFEF7, lr;
	s5 =	simm.s32 $0xFFFFFFFF;
	p2 =	slt.u32 s8, $0xFFFFF086  }
0x1c: {  	p1 =	slt.u32 s9, $0xF7A;
	s5 =	simm.s32 @!p2 $0x0  }
0x1d: {  	s5 =	simm.s32 @p1 $0x1;
	p0 =	seq.s32 s7, s2  }
0x1e: {  	s7 =	smul.u32 @!p0 $0xF7A, s2;
	p2 =	seq.s32 @!p0 s5, $0x0  }
0x1f: {  	s9 =	smul.u32 $0xF7A, s1;
	s8 =	simm.s32 @!p0 $0x1BF5;
	p2 =	por !p2, p0  }
0x20: {  	[sflag:s8] =	ssyncset.s32 @!p0 $0xFFFFF086;
	s6 =	sadd.s32 @!p0 s3, s7;
	s7 =	simm.s32 @!p0 $0x108  }
0x21: {  	s3 =	sadd.s32 s3, s9;
	s6 =	sadd.s32 @!p0 $0x88, s6;
	s7 =	simm.s32 @p2 $0x1082  }
0x22: {  	[simem:s7], [sflag:s8] =	dma.local @!p0 [hbm:s6], $0xF7A  }
0x23: {  	s9 =	sor.u32 $0xD0000000, s2;
	s6 =	simm.s32 $0x108;
	_ =	swait.ge @!p0 [sflag:s8], $0x0  }
0x24: {  	s3 =	sadd.s32 $0x88, s3;
	s6 =	simm.s32 @!p1 $0x1082;
	[sflag:s4] =	ssyncset.s32 $0xFFFFF086  }
0x25: {  	[simem:s6], [sflag:s4] =	dma.local [hbm:s3], $0xF7A  }
0x26: {  	[smem:$0x3F8A] =	sst s1;
	(tag) =	ssettag s2;
	_ =	strace s9  }
0x27: {  	s1 =	sld [smem:$0x3F9A]  }
0x28: {  	s2 =	sld [smem:$0x3F9B]  }
0x29: {  	s4 =	sld [smem:$0x3F9D]  }
0x2a: {  	p0 =	seq.s32 s5, $0x0;
	s5 =	sld [smem:$0x3F9E]  }
0x2b: {  	s6 =	sld [smem:$0x3F9F]  }
0x2c: {  	s7 =	sld [smem:$0x3FA0]  }
0x2d: {  	s3 =	simm.s32 $0x108;
	s8 =	sld [smem:$0x3FA1]  }
0x2e: {  	s3 =	simm.s32 @!p0 $0x1082;
	s9 =	sld [smem:$0x3FA2]  }
0x2f: {  	lr =	sadd.s32 s0, s3;
	s0 =	sld [smem:$0x3F99]  }
0x30: {  	s3 =	sld [smem:$0x3F9C]  }
0x31: {  	[smem:$0x3FA5] =	sst s10  }
0x32: {  	s10 =	sld [smem:$0x3FA3];
	_ =	sdelay $0x3  }
0x33: {  	p0 =	seq.s32 s10, $0x1;
	s10 =	sld [smem:$0x3FA5];
	_ =	sdelay $0x3  }
0x34: {  	[smem:$0x3FA5] =	sst s10  }
0x35: {  	s10 =	sld [smem:$0x3FA4];
	_ =	sdelay $0x3  }
0x36: {  	p1 =	seq.s32 s10, $0x1;
	s10 =	sld [smem:$0x3FA5];
	_ =	sdelay $0x3  }
0x37: {  	[smem:$0x3FA5] =	sst s10  }
0x38: {  	s10 =	sld [smem:$0x3FA6]  }
0x39: {  	_ = 	snop;
	(pc) =	sbr.ind lr, $3  }
0x3a: {  	_ = 	snop  }
0x3b: {  	_ = 	snop  }
0x3c: {  	p2 =	seq.s32 s10, $0x1;
	s10 =	sld [smem:$0x3FA5]  }
0x3d: {  	_ =	shalt  }
0x3e: {  	_ =	shalt  }
0x3f: {  	_ =	shalt  }
0x40: {  	_ =	shalt  }
0x41: {  	_ =	shalt  }
0x42: {  	_ =	shalt  }
0x43: {  	_ =	shalt  }
0x44: {  	_ =	shalt  }
0x45: {  	_ =	shalt  }
0x46: {  	_ =	shalt  }
0x47: {  	_ =	shalt  }
0x48: {  	_ =	shalt  }
0x49: {  	_ =	shalt  }
0x4a: {  	_ =	shalt  }
0x4b: {  	_ =	shalt  }
0x4c: {  	_ =	shalt  }
0x4d: {  	_ =	shalt  }
0x4e: {  	_ =	shalt  }
0x4f: {  	_ =	shalt  }
0x50: {  	_ =	shalt  }
0x51: {  	_ =	shalt  }
0x52: {  	_ =	shalt  }
0x53: {  	_ =	shalt  }
0x54: {  	_ =	shalt  }
0x55: {  	_ =	shalt  }
0x56: {  	_ =	shalt  }
0x57: {  	_ =	shalt  }
0x58: {  	_ =	shalt  }
0x59: {  	_ =	shalt  }
0x5a: {  	_ =	shalt  }
0x5b: {  	_ =	shalt  }
0x5c: {  	_ =	shalt  }
0x5d: {  	_ =	shalt  }
0x5e: {  	_ =	shalt  }
0x5f: {  	_ =	shalt  }
0x60: {  	_ =	shalt  }
0x61: {  	_ =	shalt  }
0x62: {  	_ =	shalt  }
0x63: {  	_ =	shalt  }
0x64: {  	_ =	shalt  }
0x65: {  	_ =	shalt  }
0x66: {  	_ =	shalt  }
0x67: {  	_ =	shalt  }
0x68: {  	_ =	shalt  }
0x69: {  	_ =	shalt  }
0x6a: {  	_ =	shalt  }
0x6b: {  	_ =	shalt  }
0x6c: {  	_ =	shalt  }
0x6d: {  	_ =	shalt  }
0x6e: {  	_ =	shalt  }
0x6f: {  	_ =	shalt  }
0x70: {  	_ =	shalt  }
0x71: {  	_ =	shalt  }
0x72: {  	_ =	shalt  }
0x73: {  	_ =	shalt  }
0x74: {  	_ =	shalt  }
0x75: {  	_ =	shalt  }
0x76: {  	_ =	shalt  }
0x77: {  	_ =	shalt  }
0x78: {  	_ =	shalt  }
0x79: {  	_ =	shalt  }
0x7a: {  	_ =	shalt  }
0x7b: {  	_ =	shalt  }
0x7c: {  	_ =	shalt  }
0x7d: {  	_ =	shalt  }
0x7e: {  	_ =	shalt  }
0x7f: {  	_ =	shalt  }
0x80: {  	_ =	shalt  }
0x81: {  	_ =	shalt  }
0x82: {  	_ =	shalt  }
0x83: {  	_ =	shalt  }
0x84: {  	_ =	shalt  }
0x85: {  	_ =	shalt  }
0x86: {  	_ =	shalt  }
0x87: {  	_ =	shalt  }
.Lfunc_end0:
.L_simem_size_0:
called_computation_lowered:
.L_overlay_start_0:
0x88: {  	s2 =	sld [smem:$0x3FD9]  }
0x89: {  	s3 =	sld [smem:$0x3FFE];
	_ =	sdelay $0x1  }
0x8a: {  	s1 =	srdreg.scid  }
0x8b: {  	s0 =	sand.u32 $0x1, s1  }
0x8c: {  	s16 =	sshll.u32 s0, $0xA;
	s2 =	sadd.s32 s3, s2  }
0x8d: {  	s2 =	sadd.s32 s2, s16  }
0x8e: {  	[smem:$0x3FB1] =	sst s2  }
0x8f: {  	_ = 	snop  }
0x90: {  	(tm) =	ssettm $0x1  }
0x91: {  	s17 =	sld [smem:$0x3FFB];
	_ =	sdelay $0x3  }
0x92: {  	_ =	strace s17  }
0x93: {  	s2 =	sld [smem:$0x3FFC];
	_ =	sdelay $0x3  }
0x94: {  	_ =	strace s2  }
0x95: {  	s2 =	sld [smem:$0x3FFD];
	_ =	sdelay $0x3  }
0x96: {  	_ =	strace s2  }
0x97: {  	_ =	strace $0x8FFFFFFF  }
0x98: {  	s18 =	sld [smem:$0x3FDB];
	_ =	sdelay $0x1  }
0x99: {  	s19 =	simm.s32 $_scs_section_size  }
0x9a: {  	s4 =	simm.s32 $_size__tile_overlayer_lowered;
	s5 =	simm.s32 $_tile_overlayer_lowered  }
0x9b: {  	s22 =	simm.s32 $0x1BFF;
	s21 =	sshll.u32 s5, $0x1;
	s2 =	sadd.s32 s19, s18  }
0x9c: {  	s6 =	simm.s32 $0x0;
	s20 =	sshll.u32 s4, $0x1;
	s4 =	sadd.s32 s21, s2  }
0x9d: {  	[timem:s6], [sflag:s22] =	dma.local [hbm:s4], s20  }
0x9e: {  	_ =	swait.ge [sflag:s22], s20  }
0x9f: {  	s3 =	ssub.s32 $0x0, s20;
	[sflag:s22] =	ssyncset.done $0x0  }
0xa0: {  	[sflag:s22] =	ssyncadd.s32 s3;
	_ =	sdelay $0x1  }
0xa1: {  	s23 =	simm.s32 $0x1B8B  }
0xa2: {  	_ =	swait.ge [sflag:s23], $0x1  }
0xa3: {  	[sflag:s23] =	ssyncset.done $0x0  }
0xa4: {  	s25 =	simm.s32 $0x1B8E;
	s24 =	sld [smem:$0x3FFE];
	[sflag:s23] =	ssyncadd.s32 $0xFFFFFFFF  }
0xa5: {  	s26 =	simm.s32 $execute0_lowered;
	[smem:$0x3FD2] =	sst s25  }
0xa6: {  	s4 =	sshll.u32 s26, $0x1;
	_ =	strace $0x80000046;
	[dreg:$0x1] =	wrdreg $0xFFFFFFFF  }
0xa7: {  	s28 =	simm.s32 $_size_execute0_lowered;
	s2 =	sadd.s32 s2, s4;
	[dreg:$0x0] =	wrdreg $0x0  }
0xa8: {  	s4 =	sshll.u32 s28, $0x1;
	[dreg:$0x2] =	wrdreg s2  }
0xa9: {  	[dreg:$0x3] =	wrdreg s4  }
0xaa: {  	[dreg:$0x4] =	wrdreg $0xC0  }
0xab: {  	_ =	task [dreg:s6], $0x5FFFF  }
0xac: {  	[dreg:$0x1] =	wrdreg $0xFFFFFFFF  }
0xad: {  	[dreg:$0x0] =	wrdreg $0x60  }
0xae: {  	[dreg:$0x2] =	wrdreg s24  }
0xaf: {  	[dreg:$0x3] =	wrdreg $0x68000  }
0xb0: {  	[dreg:$0x4] =	wrdreg $0x9  }
0xb1: {  	_ =	task.clear_ibuf [dreg:s6], $0x5FFFF;
	_ =	strace $0x90000046  }
0xb2: {  	s29 =	simm.s32 $0x9;
	_ =	strace $0x80000048  }
0xb3: {  	_ =	swait.ge [sflag:s29], $0x1  }
0xb4: {  	[sflag:s29] =	ssyncadd.s32 $0xFFFFFFFF  }
0xb5: {  	_ =	strace $0x90000048  }
0xb6: {  	_ =	sfence  }
0xb7: {  	s30 =	sld [smem:$0x0];
	_ =	sdelay $0x2  }
0xb8: {  	s31 =	sshll.u32 s1, $0xD;
	s1 =	sshrl.u32 s1, $0x2  }
0xb9: {  	s3 =	sand.u32 $0x4000, s31;
	s1 =	sadd.s32 s1, s30  }
0xba: {  	s0 =	sor.u32 s3, s0;
	s1 =	sshll.u32 s1, $0x11  }
0xbb: {  	s0 =	sor.u32 s1, s0  }
0xbc: {  	s0 =	sadd.s32 $0x8F2B, s0  }
0xbd: {  	[sflag:s0] =	ssyncadd.remote.s32 $0x1  }
0xbe: {  	_ =	sfence.sel $0xFFFF  }
0xbf: {  	[dreg:$0x0] =	wrdreg $0xFFFFFFFF;
	(pc) =	sbr.abs _section_cstart, $3  }
0xc0: {  	[dreg:$0x1] =	wrdreg $0xFFFFFFFF  }
0xc1: {  	_ =	task.clear_ibuf [dreg:s6], $0x2FFFF;
	_ =	strace $0x9FFFFFFF  }
0xc2: {  	(tm) =	ssettm $0x7FFFFFFF  }
0xc3: {  	_ =	shalt  }
tec
execute0_lowered:
.L_overlay_start_1:
0x0: {  	(tag) =	ssettag $0x1  }
0x1: {  	s10 =	rddreg [dreg:$0x0]  }
0x2: {  	s2 =	rddreg [dreg:$0x1]  }
0x3: {  	s0 =	rddreg [dreg:$0x2]  }
0x4: {  	s3 =	simm.s32 $0x0;
	s4 =	srdreg.scid;
	s1 =	stileid.u32  }
0x5: {  	s12 =	simm.s32 $0x42600;
	[smem:$0x7FF] =	sst s3;
	s31 =	smul.u32 $0x50000, s1  }
0x6: {  	s8 =	sand.u32 $0x1, s4;
	s6 =	sshll.u32 s1, $0x1;
	s14 =	smul.u32 $0x2800, s1  }
0x7: {  	_ =	strace $0x80000047;
	s5 =	ssub.s32 $0x2, s8;
	s13 =	sor.u32 s8, s6  }
0x8: {  	p0 =	seq.s32 s8, $0x1;
	s7 =	sshrl.u32 s5, $0x1;
	s4 =	sshrl.u32 s31, $0x2  }
0x9: {  	s9 =	smul.u32 $0x2800, s13;
	s12 =	simm.s32 @!p0 $0x1A600;
	p0 =	seq.s32 s13, $0x1F  }
0xa: {  	s13 =	simm.s32 $0x2800;
	s11 =	ssub.s32 s5, s7;
	s4 =	sadd.s32 s4, s2  }
0xb: {  	s12 =	sadd.s32 s12, s10;
	s5 =	sadd.s32 $0x4000, s4;
	s6 =	sadd.s32 $0x8000, s4  }
0xc: {  	s7 =	sadd.s32 $0xC000, s4;
	s9 =	sshrl.u32 s9, $0x3;
	s8 =	sadd.s32 $0x10000, s4  }
0xd: {  	s11 =	smax.u32 s11, $0x1;
	s12 =	sadd.s32 s12, s14;
	s9 =	sadd.s32 s10, s9  }
0xe: {  	v0 =	vimm.f32 $0.0e+00;
	v1 =	vimm.f32 $1.000000000e+00;
	s14 =	simm.s32 $0x1;
	s10 =	sadd.s32 $0x1A380, s10;
	s9 =	sadd.s32 $0x10880, s9  }
.LBB2_1:
0xf: {  	s15 =	simm.s32 $0x200;
	s16 =	simm.s32 $0x0  }
.LBB2_2:
0x10: {  	p1 =	sne.s32 s15, $0xFE00;
	[tilespmem:s16+$0x2800] =	vst v0;
	s16 =	smov.u32 s15;
	s15 =	sadd.s32 $0x200, s15  }
.Ltmp0:
0x11: {  	(pc) =	sbr.rel @p1 .LBB2_2-.Ltmp0, $2  }
0x12: {  	_ =	sdelay $0x2  }
0x13: {  	s16 =	sshra.s32 s16, $0x2  }
0x14: {  	[tilespmem:s16+$0x2800] =	vst v0  }
0x15: {  	[spmem:s4] =	stream.linear.scatter [tilespmem:s13], [sflag:$0x1], $0x4000, $0x38;
	[tilespmem:$0x9000] =	vst v63  }
0x16: {  	_ =	swait.ge [sflag:s14], $0x4000  }
0x17: {  	[sflag:s14] =	ssyncset.done $0x0  }
0x18: {  	[sflag:s14] =	ssyncadd.s32 $0xFFFFC000  }
0x19: {  	[spmem:s5] =	stream.linear.scatter [tilespmem:s13], [sflag:$0x1], $0x4000, $0x38;
	[tilespmem:$0x9000] =	vst v63  }
0x1a: {  	_ =	swait.ge [sflag:s14], $0x4000  }
0x1b: {  	[sflag:s14] =	ssyncset.done $0x0  }
0x1c: {  	[sflag:s14] =	ssyncadd.s32 $0xFFFFC000  }
0x1d: {  	[spmem:s6] =	stream.linear.scatter [tilespmem:s13], [sflag:$0x1], $0x4000, $0x38;
	[tilespmem:$0x9000] =	vst v63  }
0x1e: {  	_ =	swait.ge [sflag:s14], $0x4000  }
0x1f: {  	[sflag:s14] =	ssyncset.done $0x0  }
0x20: {  	[sflag:s14] =	ssyncadd.s32 $0xFFFFC000  }
0x21: {  	[spmem:s7] =	stream.linear.scatter [tilespmem:s13], [sflag:$0x1], $0x4000, $0x38;
	[tilespmem:$0x9000] =	vst v63  }
0x22: {  	_ =	swait.ge [sflag:s14], $0x4000  }
0x23: {  	[sflag:s14] =	ssyncset.done $0x0  }
0x24: {  	[sflag:s14] =	ssyncadd.s32 $0xFFFFC000  }
0x25: {  	[spmem:s8] =	stream.linear.scatter [tilespmem:s13], [sflag:$0x1], $0x4000, $0x38;
	[tilespmem:$0x9000] =	vst v63  }
0x26: {  	_ =	swait.ge [sflag:s14], $0x4000  }
0x27: {  	[sflag:s14] =	ssyncset.done $0x0  }
0x28: {  	s15 =	simm.s32 @p0 $0x0;
	[sflag:s14] =	ssyncadd.s32 $0xFFFFC000  }
0x29: {  	[tilespmem:s15], [sflag:$0x1] =	stream.linear.gather @p0 [hbm4b:s10+s15], $0xA00, $0x38;
	[tilespmem:$0x9000] =	vst v63  }
0x2a: {  	s15 =	simm.s32 @p0 $0x1  }
0x2b: {  	_ =	swait.ge @p0 [sflag:s15], $0xA00  }
0x2c: {  	[sflag:s15] =	ssyncset.done @p0 $0x0  }
0x2d: {  	[sflag:s15] =	ssyncadd.s32 @p0 $0xFFFFF600;
	s15 =	simm.s32 @!p0 $0x0  }
0x2e: {  	[tilespmem:s15], [sflag:$0x1] =	stream.linear.gather @!p0 [hbm4b:s9+s15], $0x2800, $0x38;
	[tilespmem:$0x9000] =	vst v63  }
0x2f: {  	s15 =	simm.s32 @!p0 $0x1  }
0x30: {  	_ =	swait.ge @!p0 [sflag:s15], $0x2800  }
0x31: {  	s16 =	simm.s32 $0x0;
	[sflag:s15] =	ssyncset.done @!p0 $0x0  }
0x32: {  	s17 =	simm.s32 $0x200;
	[sflag:s15] =	ssyncadd.s32 @!p0 $0xFFFFD800;
	s15 =	simm.s32 @!p0 $0x50  }
0x33: {  	s18 =	simm.s32 $0x0;
	s15 =	simm.s32 @p0 $0x14;
	[bflag:$0x0] =	sbarrier.arrive $0xFFFF  }
.LBB2_4:
0x34: {  	p1 =	sne.s32 s17, $0xFE00;
	[tilespmem:s18+$0x2800] =	vst v1;
	s18 =	smov.u32 s17;
	s17 =	sadd.s32 $0x200, s17  }
.Ltmp1:
0x35: {  	(pc) =	sbr.rel @p1 .LBB2_4-.Ltmp1, $2  }
0x36: {  	_ =	sdelay $0x2  }
0x37: {  	s18 =	sshra.s32 s18, $0x2  }
0x38: {  	p1 =	sle.u32 s15, $0x0  }
0x39: {  	[tilespmem:s18+$0x2800] =	vst v1;
	s17 =	simm.s32 @!p1 $0x80;
	s19 =	simm.s32 @!p1 $0x2800;
	s18 =	simm.s32 @!p1 $0x1  }
0x3a: {  	[spmem:s2] =	stream.indirect.scatter.add.f32 @!p1 [tilespmem:s19], [sflag:$0x1], $0x10, s16, s17, $0xb8;
	[tilespmem:$0x9000] =	vst v63  }
0x3b: {  	_ =	swait.ge @!p1 [sflag:s18], $0x800  }
0x3c: {  	s17 =	simm.s32 $0x1;
	[sflag:s18] =	ssyncset.done @!p1 $0x0  }
.LBB2_6:
0x3d: {  	[sflag:s18] =	ssyncadd.s32 @!p1 $0xFFFFF800;
	s18 =	smov.u32 s17;
	s17 =	sadd.s32 $0x1, s17  }
0x3e: {  	s16 =	sadd.s32 $0x80, s16;
	p2 =	sne.s32 s17, $0x50  }
.Ltmp2:
0x3f: {  	p1 =	sge.u32 s18, s15;
	(pc) =	sbr.rel @p2 .LBB2_6-.Ltmp2, $4  }
0x40: {  	s19 =	simm.s32 @!p1 $0x80;
	s20 =	simm.s32 @!p1 $0x2800;
	s18 =	simm.s32 @!p1 $0x1  }
0x41: {  	[spmem:s2] =	stream.indirect.scatter.add.f32 @!p1 [tilespmem:s20], [sflag:$0x1], $0x10, s16, s19, $0xb8;
	[tilespmem:$0x9000] =	vst v63  }
0x42: {  	_ =	swait.ge @!p1 [sflag:s18], $0x800  }
0x43: {  	[sflag:s18] =	ssyncset.done @!p1 $0x0  }
0x44: {  	[sflag:s18] =	ssyncadd.s32 @!p1 $0xFFFFF800;
	s3 =	sadd.s32 $0x1, s3  }
0x45: {  	s15 =	sshll.u32 s1, $0x6;
	s16 =	sshrl.u32 s4, $0x3;
	p1 =	sne.s32 s3, s11  }
.Ltmp3:
0x46: {  	[bflag:$0x0] =	sbarrier.arrive $0xFFFF;
	s15 =	sor.u32 $0x1C01, s15;
	(pc) =	sbr.rel @p1 .LBB2_1-.Ltmp3, $4  }
0x47: {  	[hbm:s12], [sflag:s15] =	dma.local [spmem:s16], $0x2800  }
0x48: {  	_ =	swait.ge [sflag:s14], $0x2800  }
0x49: {  	[sflag:s14] =	ssyncset.done $0x0  }
0x4a: {  	[sflag:s14] =	ssyncadd.s32 $0xFFFFD800  }
0x4b: {  	_ =	sfence.sel $0x180000  }
0x4c: {  	[bflag:$0x0] =	sbarrier.arrive $0xFFFF  }
0x4d: {  	p0 =	sne.s32 s1, $0x0;
	_ =	strace $0x90000047  }
0x4e: {  	s0 =	sadd.s32 @!p0 $0x100000, s0;
	[bflag:$0x2] =	sbarrier.arrive $0xFFFF  }
0x4f: {  	[sflag:s0] =	ssyncadd.tile.s32 @!p0 $0x1;
	_ =	shalt  }
.Lfunc_end2:
_tile_overlayer_lowered:
.L_overlay_start_2:
0x50: {  	(tag) =	ssettag $0x2  }
0x51: {  	s0 =	rddreg [dreg:$0x0];
	s2 =	stileid.u32  }
0x52: {  	s1 =	rddreg [dreg:$0x1];
	p0 =	sne.s32 s2, $0x0  }
0x53: {  	s3 =	rddreg [dreg:$0x2];
	[bflag:$0x3] =	sbarrier.arrive $0xFFFF;
	s2 =	simm.s32 @!p0 $0x1C01  }
0x54: {  	[timem:s3], [sflag:s2] =	dma.local @!p0 [hbm:s0], s1  }
0x55: {  	s0 =	simm.s32 @!p0 $0x1  }
0x56: {  	_ =	swait.ge @!p0 [sflag:s0], s1  }
0x57: {  	s1 =	ssub.s32 @!p0 $0x0, s1;
	[sflag:s0] =	ssyncset.done @!p0 $0x0  }
0x58: {  	[sflag:s0] =	ssyncadd.s32 @!p0 s1  }
0x59: {  	[bflag:$0x3] =	sbarrier.arrive $0xFFFF  }
0x5a: {  	_ =	shalt  }

// kernel: kernel.14.cloned.1.call-start
scs
__scs_entry_jumppad:
0x0: {  	(pc) =	sbr.rel $0x88, $3  }
0x1: {  	(tag) =	ssettag $0x0;
	lr =	simm.s32 $0x1  }
0x2: {  	[smem:$0x3F8A] =	sst lr;
	_ =	strace $0xD0000000  }
0x3: {  	_ = 	snop  }
0x4: {  	_ = 	snop  }
0x5: {  	_ = 	snop  }
0x6: {  	_ = 	snop  }
0x7: {  	_ = 	snop  }
__scs_overlays_trampoline_lowered:
0x8: {  	[smem:$0x3F99] =	sst s0  }
0x9: {  	[smem:$0x3F9A] =	sst s1  }
0xa: {  	[smem:$0x3F9B] =	sst s2  }
0xb: {  	[smem:$0x3F9C] =	sst s3  }
0xc: {  	[smem:$0x3F9D] =	sst s4  }
0xd: {  	[smem:$0x3F9E] =	sst s5  }
0xe: {  	[smem:$0x3F9F] =	sst s6  }
0xf: {  	[smem:$0x3FA0] =	sst s7  }
0x10: {  	[smem:$0x3FA1] =	sst s8  }
0x11: {  	[smem:$0x3FA2] =	sst s9;
	s0 =	simm.s32 @!p0 $0x0  }
0x12: {  	s1 =	sld [smem:$0x3F88];
	s0 =	simm.s32 @p0 $0x1  }
0x13: {  	[smem:$0x3FA3] =	sst s0;
	s0 =	simm.s32 @!p1 $0x0  }
0x14: {  	s2 =	sld [smem:$0x3F87];
	s0 =	simm.s32 @p1 $0x1  }
0x15: {  	[smem:$0x3FA4] =	sst s0;
	s0 =	simm.s32 @!p2 $0x0  }
0x16: {  	s3 =	sld [smem:$0x3FDB];
	s0 =	simm.s32 @p2 $0x1  }
0x17: {  	s4 =	simm.s32 $0x1BF5;
	[smem:$0x3FA6] =	sst s0  }
0x18: {  	s0 =	sld [smem:$0x3F89];
	_ =	swait.ge [sflag:s4], $0x0  }
0x19: {  	s7 =	sld [smem:$0x3F8A]  }
0x1a: {  	s8 =	sadd.s32 $0xFFFFE003, lr  }
0x1b: {  	s9 =	sadd.s32 $0xFFFFFEF7, lr;
	s5 =	simm.s32 $0xFFFFFFFF;
	p2 =	slt.u32 s8, $0xFFFFF086  }
0x1c: {  	p1 =	slt.u32 s9, $0xF7A;
	s5 =	simm.s32 @!p2 $0x0  }
0x1d: {  	s5 =	simm.s32 @p1 $0x1;
	p0 =	seq.s32 s7, s2  }
0x1e: {  	s7 =	smul.u32 @!p0 $0xF7A, s2;
	p2 =	seq.s32 @!p0 s5, $0x0  }
0x1f: {  	s9 =	smul.u32 $0xF7A, s1;
	s8 =	simm.s32 @!p0 $0x1BF5;
	p2 =	por !p2, p0  }
0x20: {  	[sflag:s8] =	ssyncset.s32 @!p0 $0xFFFFF086;
	s6 =	sadd.s32 @!p0 s3, s7;
	s7 =	simm.s32 @!p0 $0x108  }
0x21: {  	s3 =	sadd.s32 s3, s9;
	s6 =	sadd.s32 @!p0 $0x88, s6;
	s7 =	simm.s32 @p2 $0x1082  }
0x22: {  	[simem:s7], [sflag:s8] =	dma.local @!p0 [hbm:s6], $0xF7A  }
0x23: {  	s9 =	sor.u32 $0xD0000000, s2;
	s6 =	simm.s32 $0x108;
	_ =	swait.ge @!p0 [sflag:s8], $0x0  }
0x24: {  	s3 =	sadd.s32 $0x88, s3;
	s6 =	simm.s32 @!p1 $0x1082;
	[sflag:s4] =	ssyncset.s32 $0xFFFFF086  }
0x25: {  	[simem:s6], [sflag:s4] =	dma.local [hbm:s3], $0xF7A  }
0x26: {  	[smem:$0x3F8A] =	sst s1;
	(tag) =	ssettag s2;
	_ =	strace s9  }
0x27: {  	s1 =	sld [smem:$0x3F9A]  }
0x28: {  	s2 =	sld [smem:$0x3F9B]  }
0x29: {  	s4 =	sld [smem:$0x3F9D]  }
0x2a: {  	p0 =	seq.s32 s5, $0x0;
	s5 =	sld [smem:$0x3F9E]  }
0x2b: {  	s6 =	sld [smem:$0x3F9F]  }
0x2c: {  	s7 =	sld [smem:$0x3FA0]  }
0x2d: {  	s3 =	simm.s32 $0x108;
	s8 =	sld [smem:$0x3FA1]  }
0x2e: {  	s3 =	simm.s32 @!p0 $0x1082;
	s9 =	sld [smem:$0x3FA2]  }
0x2f: {  	lr =	sadd.s32 s0, s3;
	s0 =	sld [smem:$0x3F99]  }
0x30: {  	s3 =	sld [smem:$0x3F9C]  }
0x31: {  	[smem:$0x3FA5] =	sst s10  }
0x32: {  	s10 =	sld [smem:$0x3FA3];
	_ =	sdelay $0x3  }
0x33: {  	p0 =	seq.s32 s10, $0x1;
	s10 =	sld [smem:$0x3FA5];
	_ =	sdelay $0x3  }
0x34: {  	[smem:$0x3FA5] =	sst s10  }
0x35: {  	s10 =	sld [smem:$0x3FA4];
	_ =	sdelay $0x3  }
0x36: {  	p1 =	seq.s32 s10, $0x1;
	s10 =	sld [smem:$0x3FA5];
	_ =	sdelay $0x3  }
0x37: {  	[smem:$0x3FA5] =	sst s10  }
0x38: {  	s10 =	sld [smem:$0x3FA6]  }
0x39: {  	_ = 	snop;
	(pc) =	sbr.ind lr, $3  }
0x3a: {  	_ = 	snop  }
0x3b: {  	_ = 	snop  }
0x3c: {  	p2 =	seq.s32 s10, $0x1;
	s10 =	sld [smem:$0x3FA5]  }
0x3d: {  	_ =	shalt  }
0x3e: {  	_ =	shalt  }
0x3f: {  	_ =	shalt  }
0x40: {  	_ =	shalt  }
0x41: {  	_ =	shalt  }
0x42: {  	_ =	shalt  }
0x43: {  	_ =	shalt  }
0x44: {  	_ =	shalt  }
0x45: {  	_ =	shalt  }
0x46: {  	_ =	shalt  }
0x47: {  	_ =	shalt  }
0x48: {  	_ =	shalt  }
0x49: {  	_ =	shalt  }
0x4a: {  	_ =	shalt  }
0x4b: {  	_ =	shalt  }
0x4c: {  	_ =	shalt  }
0x4d: {  	_ =	shalt  }
0x4e: {  	_ =	shalt  }
0x4f: {  	_ =	shalt  }
0x50: {  	_ =	shalt  }
0x51: {  	_ =	shalt  }
0x52: {  	_ =	shalt  }
0x53: {  	_ =	shalt  }
0x54: {  	_ =	shalt  }
0x55: {  	_ =	shalt  }
0x56: {  	_ =	shalt  }
0x57: {  	_ =	shalt  }
0x58: {  	_ =	shalt  }
0x59: {  	_ =	shalt  }
0x5a: {  	_ =	shalt  }
0x5b: {  	_ =	shalt  }
0x5c: {  	_ =	shalt  }
0x5d: {  	_ =	shalt  }
0x5e: {  	_ =	shalt  }
0x5f: {  	_ =	shalt  }
0x60: {  	_ =	shalt  }
0x61: {  	_ =	shalt  }
0x62: {  	_ =	shalt  }
0x63: {  	_ =	shalt  }
0x64: {  	_ =	shalt  }
0x65: {  	_ =	shalt  }
0x66: {  	_ =	shalt  }
0x67: {  	_ =	shalt  }
0x68: {  	_ =	shalt  }
0x69: {  	_ =	shalt  }
0x6a: {  	_ =	shalt  }
0x6b: {  	_ =	shalt  }
0x6c: {  	_ =	shalt  }
0x6d: {  	_ =	shalt  }
0x6e: {  	_ =	shalt  }
0x6f: {  	_ =	shalt  }
0x70: {  	_ =	shalt  }
0x71: {  	_ =	shalt  }
0x72: {  	_ =	shalt  }
0x73: {  	_ =	shalt  }
0x74: {  	_ =	shalt  }
0x75: {  	_ =	shalt  }
0x76: {  	_ =	shalt  }
0x77: {  	_ =	shalt  }
0x78: {  	_ =	shalt  }
0x79: {  	_ =	shalt  }
0x7a: {  	_ =	shalt  }
0x7b: {  	_ =	shalt  }
0x7c: {  	_ =	shalt  }
0x7d: {  	_ =	shalt  }
0x7e: {  	_ =	shalt  }
0x7f: {  	_ =	shalt  }
0x80: {  	_ =	shalt  }
0x81: {  	_ =	shalt  }
0x82: {  	_ =	shalt  }
0x83: {  	_ =	shalt  }
0x84: {  	_ =	shalt  }
0x85: {  	_ =	shalt  }
0x86: {  	_ =	shalt  }
0x87: {  	_ =	shalt  }
.Lfunc_end0:
.L_simem_size_0:
called_computation.1_lowered:
.L_overlay_start_0:
0x88: {  	s2 =	sld [smem:$0x3FD9]  }
0x89: {  	s3 =	sld [smem:$0x3FFE];
	_ =	sdelay $0x1  }
0x8a: {  	s1 =	srdreg.scid  }
0x8b: {  	s0 =	sand.u32 $0x1, s1  }
0x8c: {  	s16 =	sshll.u32 s0, $0xA;
	s2 =	sadd.s32 s3, s2  }
0x8d: {  	s2 =	sadd.s32 s2, s16  }
0x8e: {  	[smem:$0x3FB1] =	sst s2  }
0x8f: {  	_ = 	snop  }
0x90: {  	(tm) =	ssettm $0x1  }
0x91: {  	s17 =	sld [smem:$0x3FFB];
	_ =	sdelay $0x3  }
0x92: {  	_ =	strace s17  }
0x93: {  	s2 =	sld [smem:$0x3FFC];
	_ =	sdelay $0x3  }
0x94: {  	_ =	strace s2  }
0x95: {  	s2 =	sld [smem:$0x3FFD];
	_ =	sdelay $0x3  }
0x96: {  	_ =	strace s2  }
0x97: {  	_ =	strace $0x8FFFFFFF  }
0x98: {  	s18 =	sld [smem:$0x3FDB];
	_ =	sdelay $0x1  }
0x99: {  	s19 =	simm.s32 $_scs_section_size  }
0x9a: {  	s4 =	simm.s32 $_size__tile_overlayer_lowered;
	s5 =	simm.s32 $_tile_overlayer_lowered  }
0x9b: {  	s22 =	simm.s32 $0x1BFF;
	s21 =	sshll.u32 s5, $0x1;
	s2 =	sadd.s32 s19, s18  }
0x9c: {  	s6 =	simm.s32 $0x0;
	s20 =	sshll.u32 s4, $0x1;
	s4 =	sadd.s32 s21, s2  }
0x9d: {  	[timem:s6], [sflag:s22] =	dma.local [hbm:s4], s20  }
0x9e: {  	_ =	swait.ge [sflag:s22], s20  }
0x9f: {  	s3 =	ssub.s32 $0x0, s20;
	[sflag:s22] =	ssyncset.done $0x0  }
0xa0: {  	[sflag:s22] =	ssyncadd.s32 s3;
	_ =	sdelay $0x1  }
0xa1: {  	s23 =	simm.s32 $0x1B8B  }
0xa2: {  	_ =	swait.ge [sflag:s23], $0x1  }
0xa3: {  	[sflag:s23] =	ssyncset.done $0x0  }
0xa4: {  	s25 =	simm.s32 $0x1B8E;
	s24 =	sld [smem:$0x3FFE];
	[sflag:s23] =	ssyncadd.s32 $0xFFFFFFFF  }
0xa5: {  	s26 =	simm.s32 $execute0_lowered;
	[smem:$0x3FD2] =	sst s25  }
0xa6: {  	s4 =	sshll.u32 s26, $0x1;
	_ =	strace $0x80000049;
	[dreg:$0x1] =	wrdreg $0xFFFFFFFF  }
0xa7: {  	s28 =	simm.s32 $_size_execute0_lowered;
	s2 =	sadd.s32 s2, s4;
	[dreg:$0x0] =	wrdreg $0x0  }
0xa8: {  	s4 =	sshll.u32 s28, $0x1;
	[dreg:$0x2] =	wrdreg s2  }
0xa9: {  	[dreg:$0x3] =	wrdreg s4  }
0xaa: {  	[dreg:$0x4] =	wrdreg $0xC0  }
0xab: {  	_ =	task [dreg:s6], $0x5FFFF  }
0xac: {  	[dreg:$0x1] =	wrdreg $0xFFFFFFFF  }
0xad: {  	[dreg:$0x0] =	wrdreg $0x60  }
0xae: {  	[dreg:$0x2] =	wrdreg s24  }
0xaf: {  	[dreg:$0x3] =	wrdreg $0x84000  }
0xb0: {  	[dreg:$0x4] =	wrdreg $0x9  }
0xb1: {  	_ =	task.clear_ibuf [dreg:s6], $0x5FFFF;
	_ =	strace $0x90000049  }
0xb2: {  	s29 =	simm.s32 $0x9;
	_ =	strace $0x8000004B  }
0xb3: {  	_ =	swait.ge [sflag:s29], $0x1  }
0xb4: {  	[sflag:s29] =	ssyncadd.s32 $0xFFFFFFFF  }
0xb5: {  	_ =	strace $0x9000004B  }
0xb6: {  	_ =	sfence  }
0xb7: {  	s30 =	sld [smem:$0x0];
	_ =	sdelay $0x2  }
0xb8: {  	s31 =	sshll.u32 s1, $0xD;
	s1 =	sshrl.u32 s1, $0x2  }
0xb9: {  	s3 =	sand.u32 $0x4000, s31;
	s1 =	sadd.s32 s1, s30  }
0xba: {  	s0 =	sor.u32 s3, s0;
	s1 =	sshll.u32 s1, $0x11  }
0xbb: {  	s0 =	sor.u32 s1, s0  }
0xbc: {  	s0 =	sadd.s32 $0x8F2B, s0  }
0xbd: {  	[sflag:s0] =	ssyncadd.remote.s32 $0x1  }
0xbe: {  	_ =	sfence.sel $0xFFFF  }
0xbf: {  	[dreg:$0x0] =	wrdreg $0xFFFFFFFF;
	(pc) =	sbr.abs _section_cstart, $3  }
0xc0: {  	[dreg:$0x1] =	wrdreg $0xFFFFFFFF  }
0xc1: {  	_ =	task.clear_ibuf [dreg:s6], $0x2FFFF;
	_ =	strace $0x9FFFFFFF  }
0xc2: {  	(tm) =	ssettm $0x7FFFFFFF  }
0xc3: {  	_ =	shalt  }
tec
execute0_lowered:
.L_overlay_start_1:
0x0: {  	(tag) =	ssettag $0x1  }
0x1: {  	s0 =	rddreg [dreg:$0x0]  }
0x2: {  	s1 =	rddreg [dreg:$0x1];
	s3 =	simm.s32 $0x0  }
0x3: {  	s2 =	srdreg.scid;
	s12 =	stileid.u32;
	s28 =	simm.s32 $0x200  }
0x4: {  	s29 =	simm.s32 $0x280;
	s30 =	simm.s32 $0x80;
	s31 =	simm.s32 $0x6  }
0x5: {  	[smem:$0x7FF] =	sst s3;
	s2 =	sand.u32 $0x1, s2;
	s9 =	smul.u32 $0x50000, s12  }
0x6: {  	s4 =	sadd.s32 $0x6A600, s0;
	s5 =	sshll.u32 s12, $0x1;
	s6 =	ssub.s32 $0x2, s2  }
0x7: {  	s25 =	smul.u32 $0x2800, s12;
	s7 =	sshrl.u32 s6, $0x1;
	s9 =	sshrl.u32 s9, $0x2  }
0x8: {  	s8 =	sor.u32 s2, s5;
	s11 =	ssub.s32 s6, s7;
	s7 =	sadd.s32 s9, s1  }
0x9: {  	_ =	strace $0x8000004A;
	s10 =	smul.u32 $0x2800, s8;
	s13 =	sadd.s32 $0x4000, s7  }
0xa: {  	p0 =	seq.s32 s8, $0x1F;
	s14 =	sadd.s32 $0x8000, s7;
	[dreg:$0x6] =	wrdreg s13  }
0xb: {  	s6 =	simm.s32 $0x14;
	s15 =	sadd.s32 $0xC000, s7;
	[dreg:$0x7] =	wrdreg s14  }
0xc: {  	s6 =	simm.s32 @!p0 $0x50;
	s16 =	sadd.s32 $0x10000, s7;
	[dreg:$0x8] =	wrdreg s15  }
0xd: {  	s5 =	sadd.s32 $0x6C00, s0;
	[dreg:$0x9] =	wrdreg s16;
	s20 =	sadd.s32 $0xFFFFFFFF, s6  }
0xe: {  	s10 =	sshrl.u32 s10, $0x3;
	s22 =	sadd.s32 $0xFFFFFFFC, s6;
	[dreg:$0x3] =	wrdreg s20  }
0xf: {  	s10 =	sadd.s32 s5, s10;
	s26 =	sadd.s32 $0xFFFFFFFB, s6;
	[dreg:$0x4] =	wrdreg s22  }
0x10: {  	s12 =	smul.u32 $0x5000, s12;
	s17 =	sadd.s32 $0x9C80, s10;
	[dreg:$0x5] =	wrdreg s26  }
0x11: {  	s9 =	simm.s32 $0xB9800;
	s18 =	sadd.s32 $0x10, s10;
	[dreg:$0xa] =	wrdreg s17  }
0x12: {  	p0 =	seq.s32 s2, $0x1;
	s19 =	sadd.s32 $0x9C90, s10;
	[dreg:$0xb] =	wrdreg s18  }
0x13: {  	s2 =	smul.u32 $0x2800, s2;
	s21 =	sadd.s32 $0x20, s10;
	[dreg:$0xc] =	wrdreg s19  }
0x14: {  	s9 =	simm.s32 @!p0 $0x91800;
	s23 =	sadd.s32 $0x9CA0, s10;
	[dreg:$0xd] =	wrdreg s21  }
0x15: {  	s24 =	sadd.s32 $0x30, s10;
	s13 =	sadd.s32 $0x9CB0, s10;
	[dreg:$0xe] =	wrdreg s23  }
0x16: {  	s0 =	sadd.s32 s9, s0;
	s20 =	sadd.s32 $0xFFFFFFFE, s6;
	[dreg:$0xf] =	wrdreg s24  }
0x17: {  	s22 =	sadd.s32 $0xFFFFFFFD, s6;
	s26 =	simm.s32 $0xD;
	[dreg:$0x10] =	wrdreg s13  }
0x18: {  	s21 =	sadd.s32 s0, s25;
	s23 =	smax.u32 s11, $0x1;
	s24 =	sadd.s32 s2, s12  }
0x19: {  	v0 =	vimm.f32 $0.0e+00;
	s25 =	simm.s32 $0x400;
	s0 =	simm.s32 $0x5;
	s2 =	simm.s32 $0x0  }
.LBB2_1:
0x1a: {  	s8 =	simm.s32 $0x0;
	s9 =	simm.s32 $0x200  }
.LBB2_2:
0x1b: {  	p0 =	sne.s32 s9, $0xFE00;
	[tilespmem:s8+$0x470] =	vst v0  }
0x1c: {  	[tilespmem:s8+$0x400] =	vst v0  }
0x1d: {  	[tilespmem:s8+$0x410] =	vst v0  }
.Ltmp0:
0x1e: {  	[tilespmem:s8+$0x420] =	vst v0;
	(pc) =	sbr.rel @p0 .LBB2_2-.Ltmp0, $4  }
0x1f: {  	[tilespmem:s8+$0x430] =	vst v0  }
0x20: {  	[tilespmem:s8+$0x440] =	vst v0  }
0x21: {  	[tilespmem:s8+$0x450] =	vst v0  }
0x22: {  	[tilespmem:s8+$0x460] =	vst v0;
	s8 =	sshra.s32 s9, $0x2;
	s9 =	sadd.s32 $0x200, s9  }
0x23: {  	[tilespmem:s8+$0x470] =	vst v0  }
0x24: {  	[tilespmem:s8+$0x400] =	vst v0  }
0x25: {  	[tilespmem:s8+$0x410] =	vst v0  }
0x26: {  	[tilespmem:s8+$0x420] =	vst v0  }
0x27: {  	[tilespmem:s8+$0x430] =	vst v0  }
0x28: {  	[tilespmem:s8+$0x440] =	vst v0  }
0x29: {  	[tilespmem:s8+$0x450] =	vst v0  }
0x2a: {  	[tilespmem:s8+$0x460] =	vst v0  }
0x2b: {  	[spmem:s7] =	stream.linear.scatter [tilespmem:s25], [sflag:$0xD], $0x4000, $0x38;
	[tilespmem:$0x1C400] =	vst v63  }
0x2c: {  	_ =	swait.ge [sflag:s26], $0x4000  }
0x2d: {  	[sflag:s26] =	ssyncset.done $0x0  }
0x2e: {  	s15 =	rddreg [dreg:$0x6];
	[sflag:s26] =	ssyncadd.s32 $0xFFFFC000  }
0x2f: {  	[spmem:s15] =	stream.linear.scatter [tilespmem:s25], [sflag:$0xD], $0x4000, $0x38;
	[tilespmem:$0x1C400] =	vst v63  }
0x30: {  	_ =	swait.ge [sflag:s26], $0x4000  }
0x31: {  	[sflag:s26] =	ssyncset.done $0x0  }
0x32: {  	s16 =	rddreg [dreg:$0x7];
	[sflag:s26] =	ssyncadd.s32 $0xFFFFC000  }
0x33: {  	[spmem:s16] =	stream.linear.scatter [tilespmem:s25], [sflag:$0xD], $0x4000, $0x38;
	[tilespmem:$0x1C400] =	vst v63  }
0x34: {  	_ =	swait.ge [sflag:s26], $0x4000  }
0x35: {  	[sflag:s26] =	ssyncset.done $0x0  }
0x36: {  	s17 =	rddreg [dreg:$0x8];
	[sflag:s26] =	ssyncadd.s32 $0xFFFFC000  }
0x37: {  	[spmem:s17] =	stream.linear.scatter [tilespmem:s25], [sflag:$0xD], $0x4000, $0x38;
	[tilespmem:$0x1C400] =	vst v63  }
0x38: {  	_ =	swait.ge [sflag:s26], $0x4000  }
0x39: {  	[sflag:s26] =	ssyncset.done $0x0  }
0x3a: {  	s18 =	rddreg [dreg:$0x9];
	[sflag:s26] =	ssyncadd.s32 $0xFFFFC000  }
0x3b: {  	[spmem:s18] =	stream.linear.scatter [tilespmem:s25], [sflag:$0xD], $0x4000, $0x38;
	[tilespmem:$0x1C400] =	vst v63  }
0x3c: {  	_ =	swait.ge [sflag:s26], $0x4000  }
0x3d: {  	[sflag:s26] =	ssyncset.done $0x0  }
0x3e: {  	[sflag:s26] =	ssyncadd.s32 $0xFFFFC000  }
0x3f: {  	[bflag:$0x0] =	sbarrier.arrive $0xFFFF  }
0x40: {  	[tilespmem:s28], [sflag:$0x5] =	stream.linear.gather [hbm4b:s10+s3], $0x80, $0x38;
	[tilespmem:$0x1C400] =	vst v63  }
0x41: {  	s19 =	rddreg [dreg:$0xa]  }
0x42: {  	[tilespmem:s3], [sflag:$0x9] =	stream.linear.gather [hbm4b:s19+s3], $0x80, $0x38;
	[tilespmem:$0x1C400] =	vst v63  }
0x43: {  	s9 =	rddreg [dreg:$0xb]  }
0x44: {  	[tilespmem:s29], [sflag:$0x6] =	stream.linear.gather [hbm4b:s9+s3], $0x80, $0x38;
	[tilespmem:$0x1C400] =	vst v63  }
0x45: {  	s11 =	rddreg [dreg:$0xc]  }
0x46: {  	[tilespmem:s30], [sflag:$0xA] =	stream.linear.gather [hbm4b:s11+s3], $0x80, $0x38;
	[tilespmem:$0x1C400] =	vst v63  }
0x47: {  	s12 =	rddreg [dreg:$0xd];
	s9 =	simm.s32 $0x300  }
0x48: {  	[tilespmem:s9], [sflag:$0x7] =	stream.linear.gather [hbm4b:s12+s3], $0x80, $0x38;
	[tilespmem:$0x1C400] =	vst v63  }
0x49: {  	s14 =	simm.s32 $0x100;
	s13 =	rddreg [dreg:$0xe]  }
0x4a: {  	[tilespmem:s14], [sflag:$0xB] =	stream.linear.gather [hbm4b:s13+s3], $0x80, $0x38;
	[tilespmem:$0x1C400] =	vst v63  }
0x4b: {  	s15 =	rddreg [dreg:$0xf];
	s11 =	simm.s32 $0x380  }
0x4c: {  	[tilespmem:s11], [sflag:$0x8] =	stream.linear.gather [hbm4b:s15+s3], $0x80, $0x38;
	[tilespmem:$0x1C400] =	vst v63  }
0x4d: {  	s17 =	simm.s32 $0x180;
	s16 =	rddreg [dreg:$0x10]  }
0x4e: {  	[tilespmem:s17], [sflag:$0xC] =	stream.linear.gather [hbm4b:s16+s3], $0x80, $0x38;
	[tilespmem:$0x1C400] =	vst v63  }
0x4f: {  	_ =	swait.ge [sflag:s0], $0x80  }
0x50: {  	[sflag:s0] =	ssyncset.done $0x0  }
0x51: {  	[sflag:s0] =	ssyncadd.s32 $0xFFFFFF80  }
0x52: {  	[tilespmem:s25], [sflag:$0x1] =	stream.indirect.gather [hbm4b:s4+s30], $0x80, s28, s30, $0xb8;
	[tilespmem:$0x1C400] =	vst v63  }
0x53: {  	_ =	swait.ge [sflag:s31], $0x80  }
0x54: {  	p0 =	sle.u32 s6, $0x0;
	[sflag:s31] =	ssyncset.done $0x0  }
0x55: {  	s8 =	simm.s32 @!p0 $0x1;
	s18 =	simm.s32 $0x4400;
	[sflag:s31] =	ssyncadd.s32 $0xFFFFFF80  }
0x56: {  	[tilespmem:s18], [sflag:$0x2] =	stream.indirect.gather [hbm4b:s4+s30], $0x80, s29, s30, $0xb8;
	[tilespmem:$0x1C400] =	vst v63  }
0x57: {  	_ =	swait.ge @!p0 [sflag:s8], $0x4000  }
0x58: {  	[sflag:s8] =	ssyncset.done @!p0 $0x0  }
0x59: {  	s9 =	simm.s32 @!p0 $0x9;
	[sflag:s8] =	ssyncadd.s32 @!p0 $0xFFFFC000  }
0x5a: {  	p1 =	sle.u32 @!p0 s6, $0x4;
	p2 =	sle.u32 @!p0 s20, $0x0;
	_ =	swait.ge @!p0 [sflag:s9], $0x80  }
0x5b: {  	p1 =	por p1, p0;
	s12 =	simm.s32 @!p0 $0x400;
	[sflag:s9] =	ssyncset.done @!p0 $0x0  }
0x5c: {  	s13 =	simm.s32 @!p0 $0x0;
	s14 =	simm.s32 @!p0 $0x80;
	[sflag:s9] =	ssyncadd.s32 @!p0 $0xFFFFFF80  }
0x5d: {  	[spmem:s1] =	stream.indirect.scatter.add.f32 @!p0 [tilespmem:s12], [sflag:$0x3], $0x80, s13, s14, $0xb8;
	[tilespmem:$0x1C400] =	vst v63  }
0x5e: {  	s8 =	simm.s32 @!p0 $0x3;
	s9 =	simm.s32 @!p1 $0x200;
	s12 =	sadd.s32 @!p1 $0x200, s24  }
0x5f: {  	s9 =	sand.u32 @!p1 $0x200, s9;
	s13 =	simm.s32 @!p1 $0x0;
	s12 =	sand.u32 @!p1 $0x7FFFFC00, s12  }
0x60: {  	_ =	swait.ge @!p0 [sflag:s8], $0x4000;
	s9 =	sor.u32 @!p1 s9, s12;
	s12 =	simm.s32 @!p1 $0x200  }
0x61: {  	[sflag:s8] =	ssyncset.done @!p0 $0x0;
	s14 =	sshrl.u32 @!p1 s9, $0x3;
	s9 =	sadd.s32 @!p1 $0x4E400, s9  }
0x62: {  	[sflag:s8] =	ssyncadd.s32 @!p0 $0xFFFFC000;
	s8 =	sadd.s32 @!p1 s5, s14;
	s9 =	sshrl.u32 @!p1 s9, $0x3  }
0x63: {  	[tilespmem:s12], [sflag:$0x5] =	stream.linear.gather @!p1 [hbm4b:s8+s13], $0x80, $0x38;
	[tilespmem:$0x1C400] =	vst v63  }
0x64: {  	p0 =	por p2, p0;
	s8 =	sadd.s32 @!p1 s5, s9  }
0x65: {  	[tilespmem:s13], [sflag:$0x9] =	stream.linear.gather @!p1 [hbm4b:s8+s13], $0x80, $0x38;
	[tilespmem:$0x1C400] =	vst v63  }
0x66: {  	s8 =	simm.s32 @!p0 $0x7  }
0x67: {  	_ =	swait.ge @!p0 [sflag:s8], $0x80  }
0x68: {  	s9 =	simm.s32 @!p0 $0x400;
	s13 =	simm.s32 @!p0 $0x300;
	[sflag:s8] =	ssyncset.done @!p0 $0x0  }
0x69: {  	s19 =	rddreg [dreg:$0x3];
	[sflag:s8] =	ssyncadd.s32 @!p0 $0xFFFFFF80;
	s8 =	simm.s32 @!p0 $0x80  }
0x6a: {  	[tilespmem:s9], [sflag:$0x1] =	stream.indirect.gather @!p0 [hbm4b:s4+s8], $0x80, s13, s8, $0xb8;
	[tilespmem:$0x1C400] =	vst v63  }
0x6b: {  	p0 =	sle.u32 s19, $0x0  }
0x6c: {  	s8 =	simm.s32 @!p0 $0x2  }
0x6d: {  	p1 =	sle.u32 @!p0 s22, $0x0;
	p2 =	sle.u32 @!p0 s6, $0x5;
	_ =	swait.ge @!p0 [sflag:s8], $0x4000  }
0x6e: {  	s9 =	simm.s32 @!p0 $0xA;
	s12 =	simm.s32 @!p0 $0x4;
	[sflag:s8] =	ssyncset.done @!p0 $0x0  }
0x6f: {  	s14 =	simm.s32 @!p0 $0x4400;
	p2 =	por p2, p0;
	[sflag:s8] =	ssyncadd.s32 @!p0 $0xFFFFC000  }
0x70: {  	s13 =	sadd.s32 @!p2 $0x280, s24;
	s8 =	simm.s32 @!p2 $0x280;
	_ =	swait.ge @!p0 [sflag:s9], $0x80  }
0x71: {  	s13 =	sand.u32 @!p2 $0x7FFFFC00, s13;
	s8 =	sand.u32 @!p2 $0x280, s8;
	[sflag:s9] =	ssyncset.done @!p0 $0x0  }
0x72: {  	s8 =	sor.u32 @!p2 s8, s13;
	[sflag:s9] =	ssyncadd.s32 @!p0 $0xFFFFFF80;
	s9 =	simm.s32 @!p0 $0x80  }
0x73: {  	[spmem:s1] =	stream.indirect.scatter.add.f32 @!p0 [tilespmem:s14], [sflag:$0x4], $0x80, s9, s9, $0xb8;
	[tilespmem:$0x1C400] =	vst v63  }
0x74: {  	s13 =	sshrl.u32 @!p2 s8, $0x3;
	s8 =	sadd.s32 @!p2 $0x4E400, s8;
	_ =	swait.ge @!p0 [sflag:s12], $0x4000  }
0x75: {  	s9 =	simm.s32 @!p2 $0x280;
	s14 =	simm.s32 @!p2 $0x0;
	[sflag:s12] =	ssyncset.done @!p0 $0x0  }
0x76: {  	s8 =	sshrl.u32 @!p2 s8, $0x3;
	[sflag:s12] =	ssyncadd.s32 @!p0 $0xFFFFC000;
	s12 =	sadd.s32 @!p2 s5, s13  }
0x77: {  	[tilespmem:s9], [sflag:$0x6] =	stream.linear.gather @!p2 [hbm4b:s12+s14], $0x80, $0x38;
	[tilespmem:$0x1C400] =	vst v63  }
0x78: {  	p1 =	por p1, p0;
	s8 =	sadd.s32 @!p2 s5, s8;
	s9 =	simm.s32 @!p2 $0x80  }
0x79: {  	[tilespmem:s9], [sflag:$0xA] =	stream.linear.gather @!p2 [hbm4b:s8+s14], $0x80, $0x38;
	[tilespmem:$0x1C400] =	vst v63  }
0x7a: {  	s8 =	simm.s32 @!p1 $0x8  }
0x7b: {  	p0 =	sle.u32 s20, $0x0;
	_ =	swait.ge @!p1 [sflag:s8], $0x80  }
0x7c: {  	s12 =	simm.s32 @!p1 $0x4400;
	s13 =	simm.s32 @!p0 $0x1;
	[sflag:s8] =	ssyncset.done @!p1 $0x0  }
0x7d: {  	s9 =	simm.s32 @!p1 $0x380;
	[sflag:s8] =	ssyncadd.s32 @!p1 $0xFFFFFF80;
	s8 =	simm.s32 @!p1 $0x80  }
0x7e: {  	[tilespmem:s12], [sflag:$0x2] =	stream.indirect.gather @!p1 [hbm4b:s4+s8], $0x80, s9, s8, $0xb8;
	[tilespmem:$0x1C400] =	vst v63  }
0x7f: {  	_ =	swait.ge @!p0 [sflag:s13], $0x4000  }
0x80: {  	[sflag:s13] =	ssyncset.done @!p0 $0x0  }
0x81: {  	s8 =	simm.s32 @!p0 $0xB;
	[sflag:s13] =	ssyncadd.s32 @!p0 $0xFFFFC000  }
0x82: {  	s14 =	simm.s32 @!p0 $0x80;
	_ =	swait.ge @!p0 [sflag:s8], $0x80  }
0x83: {  	p1 =	sle.u32 @!p0 s6, $0x6;
	s12 =	simm.s32 @!p0 $0x400;
	[sflag:s8] =	ssyncset.done @!p0 $0x0  }
0x84: {  	p1 =	por p1, p0;
	s13 =	simm.s32 @!p0 $0x100;
	[sflag:s8] =	ssyncadd.s32 @!p0 $0xFFFFFF80  }
0x85: {  	[spmem:s1] =	stream.indirect.scatter.add.f32 @!p0 [tilespmem:s12], [sflag:$0x3], $0x80, s13, s14, $0xb8;
	[tilespmem:$0x1C400] =	vst v63  }
0x86: {  	s9 =	simm.s32 @!p0 $0x3;
	s8 =	simm.s32 @!p1 $0x300;
	s12 =	sadd.s32 @!p1 $0x300, s24  }
0x87: {  	s8 =	sand.u32 @!p1 $0x300, s8;
	_ =	swait.ge @!p0 [sflag:s9], $0x4000;
	s12 =	sand.u32 @!p1 $0x7FFFFC00, s12  }
0x88: {  	s13 =	rddreg [dreg:$0x4];
	[sflag:s9] =	ssyncset.done @!p0 $0x0;
	s8 =	sor.u32 @!p1 s8, s12  }
0x89: {  	s12 =	simm.s32 @!p1 $0x0;
	[sflag:s9] =	ssyncadd.s32 @!p0 $0xFFFFC000;
	s9 =	sshrl.u32 @!p1 s8, $0x3  }
0x8a: {  	s8 =	sadd.s32 @!p1 $0x4E400, s8;
	p2 =	sle.u32 @!p0 s13, $0x0;
	s13 =	simm.s32 @!p1 $0x300  }
0x8b: {  	s9 =	sadd.s32 @!p1 s5, s9;
	s8 =	sshrl.u32 @!p1 s8, $0x3;
	p0 =	por p2, p0  }
0x8c: {  	[tilespmem:s13], [sflag:$0x7] =	stream.linear.gather @!p1 [hbm4b:s9+s12], $0x80, $0x38;
	[tilespmem:$0x1C400] =	vst v63  }
0x8d: {  	s8 =	sadd.s32 @!p1 s5, s8;
	s9 =	simm.s32 @!p1 $0x100;
	s13 =	simm.s32 @!p0 $0x5  }
0x8e: {  	[tilespmem:s9], [sflag:$0xB] =	stream.linear.gather @!p1 [hbm4b:s8+s12], $0x80, $0x38;
	[tilespmem:$0x1C400] =	vst v63  }
0x8f: {  	s8 =	simm.s32 @!p0 $0x200;
	_ =	swait.ge @!p0 [sflag:s13], $0x80  }
0x90: {  	s9 =	simm.s32 @!p0 $0x400;
	p1 =	sle.u32 s22, $0x0;
	[sflag:s13] =	ssyncset.done @!p0 $0x0  }
0x91: {  	s12 =	simm.s32 @!p0 $0x80;
	[sflag:s13] =	ssyncadd.s32 @!p0 $0xFFFFFF80;
	s13 =	simm.s32 @!p1 $0x2  }
0x92: {  	[tilespmem:s9], [sflag:$0x1] =	stream.indirect.gather @!p0 [hbm4b:s4+s12], $0x80, s8, s12, $0xb8;
	[tilespmem:$0x1C400] =	vst v63  }
0x93: {  	_ =	swait.ge @!p1 [sflag:s13], $0x4000  }
0x94: {  	[sflag:s13] =	ssyncset.done @!p1 $0x0  }
0x95: {  	s9 =	simm.s32 @!p1 $0xC;
	[sflag:s13] =	ssyncadd.s32 @!p1 $0xFFFFC000  }
0x96: {  	s8 =	simm.s32 $0x580;
	p0 =	sle.u32 @!p1 s6, $0x7;
	_ =	swait.ge @!p1 [sflag:s9], $0x80  }
0x97: {  	s12 =	simm.s32 @!p1 $0x4400;
	p2 =	por p0, p1;
	[sflag:s9] =	ssyncset.done @!p1 $0x0  }
0x98: {  	s13 =	simm.s32 @!p1 $0x180;
	[sflag:s9] =	ssyncadd.s32 @!p1 $0xFFFFFF80;
	s9 =	simm.s32 @!p1 $0x80  }
0x99: {  	[spmem:s1] =	stream.indirect.scatter.add.f32 @!p1 [tilespmem:s12], [sflag:$0x4], $0x80, s13, s9, $0xb8;
	[tilespmem:$0x1C400] =	vst v63  }
0x9a: {  	s11 =	sand.u32 @!p2 $0x380, s11;
	s12 =	simm.s32 @!p1 $0x4;
	s13 =	sadd.s32 @!p2 $0x380, s24  }
0x9b: {  	s15 =	simm.s32 @!p2 $0x380;
	_ =	swait.ge @!p1 [sflag:s12], $0x4000;
	s13 =	sand.u32 @!p2 $0x7FFFFC00, s13  }
0x9c: {  	[sflag:s12] =	ssyncset.done @!p1 $0x0;
	s11 =	sor.u32 @!p2 s11, s13;
	s13 =	rddreg [dreg:$0x5]  }
0x9d: {  	[sflag:s12] =	ssyncadd.s32 @!p1 $0xFFFFC000;
	s12 =	sshrl.u32 @!p2 s11, $0x3;
	s11 =	sadd.s32 @!p2 $0x4E400, s11  }
0x9e: {  	s9 =	simm.s32 $0xB;
	p3 =	sle.u32 @!p1 s13, $0x0;
	s11 =	sshrl.u32 @!p2 s11, $0x3  }
0x9f: {  	s13 =	simm.s32 @!p2 $0x0;
	s12 =	sadd.s32 @!p2 s5, s12;
	s14 =	sadd.s32 @!p2 s5, s11  }
.LBB2_4:
0xa0: {  	[tilespmem:s15], [sflag:$0x8] =	stream.linear.gather @!p2 [hbm4b:s12+s13], $0x80, $0x38;
	[tilespmem:$0x1C400] =	vst v63  }
0xa1: {  	s12 =	smov.u32 s8;
	s11 =	simm.s32 @!p2 $0x180;
	p1 =	por p3, p1  }
0xa2: {  	[tilespmem:s11], [sflag:$0xC] =	stream.linear.gather @!p2 [hbm4b:s14+s13], $0x80, $0x38;
	[tilespmem:$0x1C400] =	vst v63  }
0xa3: {  	s15 =	simm.s32 @!p1 $0x80;
	s11 =	sadd.s32 $0xFFFFFFF9, s9;
	s13 =	simm.s32 @!p1 $0x6  }
0xa4: {  	s14 =	simm.s32 @!p1 $0x280;
	p0 =	sge.u32 s11, s6;
	_ =	swait.ge @!p1 [sflag:s13], $0x80  }
0xa5: {  	s16 =	simm.s32 @!p0 $0x1;
	s17 =	sadd.s32 @!p0 $0xFFFFFFFD, s9;
	[sflag:s13] =	ssyncset.done @!p1 $0x0  }
0xa6: {  	p2 =	sge.u32 @!p0 s17, s6;
	[sflag:s13] =	ssyncadd.s32 @!p1 $0xFFFFFF80;
	s13 =	simm.s32 @!p1 $0x4400  }
0xa7: {  	[tilespmem:s13], [sflag:$0x2] =	stream.indirect.gather @!p1 [hbm4b:s4+s15], $0x80, s14, s15, $0xb8;
	[tilespmem:$0x1C400] =	vst v63  }
0xa8: {  	s17 =	simm.s32 @!p0 $0x80;
	s13 =	simm.s32 @!p0 $0x3;
	_ =	swait.ge @!p0 [sflag:s16], $0x4000  }
0xa9: {  	p1 =	sge.u32 @!p0 s11, s20;
	p2 =	por p2, p0;
	[sflag:s16] =	ssyncset.done @!p0 $0x0  }
0xaa: {  	s14 =	simm.s32 @!p0 $0x9;
	s18 =	sadd.s32 @!p2 $0xFFFFFE80, s12;
	[sflag:s16] =	ssyncadd.s32 @!p0 $0xFFFFC000  }
0xab: {  	s15 =	simm.s32 @!p0 $0x400;
	s19 =	sadd.s32 @!p2 s24, s18;
	_ =	swait.ge @!p0 [sflag:s14], $0x80  }
0xac: {  	s18 =	sand.u32 @!p2 $0x200, s18;
	s16 =	simm.s32 @!p0 $0x0;
	[sflag:s14] =	ssyncset.done @!p0 $0x0  }
0xad: {  	[sflag:s14] =	ssyncadd.s32 @!p0 $0xFFFFFF80;
	s14 =	sand.u32 @!p2 $0x7FFFFC00, s19;
	s19 =	simm.s32 @!p2 $0x0  }
0xae: {  	[spmem:s1] =	stream.indirect.scatter.add.f32 @!p0 [tilespmem:s15], [sflag:$0x3], $0x80, s16, s17, $0xb8;
	[tilespmem:$0x1C400] =	vst v63  }
0xaf: {  	s14 =	sor.u32 @!p2 s18, s14;
	s15 =	simm.s32 @!p2 $0x200;
	_ =	swait.ge @!p0 [sflag:s13], $0x4000  }
0xb0: {  	s16 =	sshrl.u32 @!p2 s14, $0x3;
	s14 =	sadd.s32 @!p2 $0x4E400, s14;
	[sflag:s13] =	ssyncset.done @!p0 $0x0  }
0xb1: {  	s14 =	sshrl.u32 @!p2 s14, $0x3;
	[sflag:s13] =	ssyncadd.s32 @!p0 $0xFFFFC000;
	s13 =	sadd.s32 @!p2 s5, s16  }
0xb2: {  	[tilespmem:s15], [sflag:$0x5] =	stream.linear.gather @!p2 [hbm4b:s13+s19], $0x80, $0x38;
	[tilespmem:$0x1C400] =	vst v63  }
0xb3: {  	p1 =	por p1, p0;
	s13 =	sadd.s32 @!p2 s5, s14  }
0xb4: {  	[tilespmem:s19], [sflag:$0x9] =	stream.linear.gather @!p2 [hbm4b:s13+s19], $0x80, $0x38;
	[tilespmem:$0x1C400] =	vst v63  }
0xb5: {  	s13 =	simm.s32 @!p1 $0x7  }
0xb6: {  	_ =	swait.ge @!p1 [sflag:s13], $0x80  }
0xb7: {  	s16 =	simm.s32 @!p1 $0x300;
	s14 =	simm.s32 @!p1 $0x400;
	[sflag:s13] =	ssyncset.done @!p1 $0x0  }
0xb8: {  	s19 =	rddreg [dreg:$0x3];
	[sflag:s13] =	ssyncadd.s32 @!p1 $0xFFFFFF80;
	s13 =	simm.s32 @!p1 $0x80  }
0xb9: {  	[tilespmem:s14], [sflag:$0x1] =	stream.indirect.gather @!p1 [hbm4b:s4+s13], $0x80, s16, s13, $0xb8;
	[tilespmem:$0x1C400] =	vst v63  }
0xba: {  	p1 =	sge.u32 s11, s19  }
0xbb: {  	s13 =	simm.s32 @!p1 $0x2;
	s14 =	sadd.s32 @!p1 $0xFFFFFFFE, s9  }
0xbc: {  	p2 =	sge.u32 @!p1 s11, s22;
	s15 =	simm.s32 @!p1 $0xA;
	_ =	swait.ge @!p1 [sflag:s13], $0x4000  }
0xbd: {  	s18 =	simm.s32 @!p1 $0x4400;
	p3 =	sge.u32 @!p1 s14, s6;
	[sflag:s13] =	ssyncset.done @!p1 $0x0  }
0xbe: {  	s14 =	simm.s32 @!p1 $0x4;
	p3 =	por p3, p1;
	[sflag:s13] =	ssyncadd.s32 @!p1 $0xFFFFC000  }
0xbf: {  	s13 =	sadd.s32 @!p3 $0xFFFFFF00, s12;
	s16 =	simm.s32 @!p3 $0x280;
	_ =	swait.ge @!p1 [sflag:s15], $0x80  }
0xc0: {  	s17 =	sadd.s32 @!p3 s24, s13;
	s13 =	sand.u32 @!p3 $0x280, s13;
	[sflag:s15] =	ssyncset.done @!p1 $0x0  }
0xc1: {  	s17 =	sand.u32 @!p3 $0x7FFFFC00, s17;
	[sflag:s15] =	ssyncadd.s32 @!p1 $0xFFFFFF80;
	s15 =	simm.s32 @!p1 $0x80  }
0xc2: {  	[spmem:s1] =	stream.indirect.scatter.add.f32 @!p1 [tilespmem:s18], [sflag:$0x4], $0x80, s15, s15, $0xb8;
	[tilespmem:$0x1C400] =	vst v63  }
0xc3: {  	s13 =	sor.u32 @!p3 s13, s17;
	s17 =	simm.s32 @!p3 $0x0;
	_ =	swait.ge @!p1 [sflag:s14], $0x4000  }
0xc4: {  	s15 =	sshrl.u32 @!p3 s13, $0x3;
	s13 =	sadd.s32 @!p3 $0x4E400, s13;
	[sflag:s14] =	ssyncset.done @!p1 $0x0  }
0xc5: {  	s13 =	sshrl.u32 @!p3 s13, $0x3;
	[sflag:s14] =	ssyncadd.s32 @!p1 $0xFFFFC000;
	s14 =	sadd.s32 @!p3 s5, s15  }
0xc6: {  	[tilespmem:s16], [sflag:$0x6] =	stream.linear.gather @!p3 [hbm4b:s14+s17], $0x80, $0x38;
	[tilespmem:$0x1C400] =	vst v63  }
0xc7: {  	p2 =	por p2, p1;
	s13 =	sadd.s32 @!p3 s5, s13;
	s14 =	simm.s32 @!p3 $0x80  }
0xc8: {  	[tilespmem:s14], [sflag:$0xA] =	stream.linear.gather @!p3 [hbm4b:s13+s17], $0x80, $0x38;
	[tilespmem:$0x1C400] =	vst v63  }
0xc9: {  	s13 =	simm.s32 @!p2 $0x8  }
0xca: {  	p1 =	sge.u32 s11, s20;
	_ =	swait.ge @!p2 [sflag:s13], $0x80  }
0xcb: {  	s15 =	simm.s32 @!p2 $0x4400;
	s16 =	simm.s32 @!p1 $0x1;
	[sflag:s13] =	ssyncset.done @!p2 $0x0  }
0xcc: {  	s14 =	simm.s32 @!p2 $0x380;
	[sflag:s13] =	ssyncadd.s32 @!p2 $0xFFFFFF80;
	s13 =	simm.s32 @!p2 $0x80  }
0xcd: {  	[tilespmem:s15], [sflag:$0x2] =	stream.indirect.gather @!p2 [hbm4b:s4+s13], $0x80, s14, s13, $0xb8;
	[tilespmem:$0x1C400] =	vst v63  }
0xce: {  	_ =	swait.ge @!p1 [sflag:s16], $0x4000  }
0xcf: {  	s17 =	simm.s32 @!p1 $0x80;
	s13 =	sadd.s32 @!p1 $0xFFFFFFFF, s9;
	[sflag:s16] =	ssyncset.done @!p1 $0x0  }
0xd0: {  	p2 =	sge.u32 @!p1 s13, s6;
	s13 =	simm.s32 @!p1 $0xB;
	[sflag:s16] =	ssyncadd.s32 @!p1 $0xFFFFC000  }
0xd1: {  	s14 =	simm.s32 @!p1 $0x3;
	p2 =	por p2, p1;
	_ =	swait.ge @!p1 [sflag:s13], $0x80  }
0xd2: {  	s15 =	simm.s32 @!p1 $0x400;
	s18 =	sadd.s32 @!p2 $0xFFFFFF80, s12;
	[sflag:s13] =	ssyncset.done @!p1 $0x0  }
0xd3: {  	s16 =	simm.s32 @!p1 $0x100;
	[sflag:s13] =	ssyncadd.s32 @!p1 $0xFFFFFF80;
	s13 =	sadd.s32 @!p2 s24, s18  }
0xd4: {  	[spmem:s1] =	stream.indirect.scatter.add.f32 @!p1 [tilespmem:s15], [sflag:$0x3], $0x80, s16, s17, $0xb8;
	[tilespmem:$0x1C400] =	vst v63  }
0xd5: {  	s18 =	sand.u32 @!p2 $0x300, s18;
	s13 =	sand.u32 @!p2 $0x7FFFFC00, s13;
	_ =	swait.ge @!p1 [sflag:s14], $0x4000  }
0xd6: {  	s16 =	simm.s32 @!p2 $0x300;
	s13 =	sor.u32 @!p2 s18, s13;
	[sflag:s14] =	ssyncset.done @!p1 $0x0  }
0xd7: {  	s15 =	rddreg [dreg:$0x4];
	[sflag:s14] =	ssyncadd.s32 @!p1 $0xFFFFC000;
	s14 =	sshrl.u32 @!p2 s13, $0x3  }
0xd8: {  	s13 =	sadd.s32 @!p2 $0x4E400, s13;
	p3 =	sge.u32 @!p1 s11, s15;
	s15 =	simm.s32 @!p2 $0x0  }
0xd9: {  	s14 =	sadd.s32 @!p2 s5, s14;
	s13 =	sshrl.u32 @!p2 s13, $0x3;
	p3 =	por p3, p1  }
0xda: {  	[tilespmem:s16], [sflag:$0x7] =	stream.linear.gather @!p2 [hbm4b:s14+s15], $0x80, $0x38;
	[tilespmem:$0x1C400] =	vst v63  }
0xdb: {  	s13 =	sadd.s32 @!p2 s5, s13;
	s14 =	simm.s32 @!p2 $0x100;
	s16 =	simm.s32 @!p3 $0x5  }
0xdc: {  	[tilespmem:s14], [sflag:$0xB] =	stream.linear.gather @!p2 [hbm4b:s13+s15], $0x80, $0x38;
	[tilespmem:$0x1C400] =	vst v63  }
0xdd: {  	s8 =	sadd.s32 $0x200, s8;
	p1 =	sge.u32 s11, s22;
	_ =	swait.ge @!p3 [sflag:s16], $0x80  }
0xde: {  	s13 =	simm.s32 @!p3 $0x200;
	s14 =	simm.s32 @!p3 $0x400;
	[sflag:s16] =	ssyncset.done @!p3 $0x0  }
0xdf: {  	s15 =	simm.s32 @!p3 $0x80;
	[sflag:s16] =	ssyncadd.s32 @!p3 $0xFFFFFF80;
	s16 =	simm.s32 @!p1 $0x2  }
0xe0: {  	[tilespmem:s14], [sflag:$0x1] =	stream.indirect.gather @!p3 [hbm4b:s4+s15], $0x80, s13, s15, $0xb8;
	[tilespmem:$0x1C400] =	vst v63  }
0xe1: {  	p0 =	sne.s32 s8, $0x2B80;
	_ =	swait.ge @!p1 [sflag:s16], $0x4000  }
0xe2: {  	p2 =	sge.u32 @!p1 s9, s6;
	s9 =	sadd.s32 $0x4, s9;
	[sflag:s16] =	ssyncset.done @!p1 $0x0  }
0xe3: {  	p2 =	por p2, p1;
	s13 =	simm.s32 @!p1 $0xC;
	[sflag:s16] =	ssyncadd.s32 @!p1 $0xFFFFC000  }
0xe4: {  	s17 =	sadd.s32 @!p2 s12, s24;
	s12 =	sand.u32 @!p2 $0x380, s12;
	_ =	swait.ge @!p1 [sflag:s13], $0x80  }
0xe5: {  	s14 =	simm.s32 @!p1 $0x4400;
	s15 =	simm.s32 @!p1 $0x4;
	[sflag:s13] =	ssyncset.done @!p1 $0x0  }
0xe6: {  	s16 =	simm.s32 @!p1 $0x180;
	[sflag:s13] =	ssyncadd.s32 @!p1 $0xFFFFFF80;
	s13 =	simm.s32 @!p1 $0x80  }
0xe7: {  	[spmem:s1] =	stream.indirect.scatter.add.f32 @!p1 [tilespmem:s14], [sflag:$0x4], $0x80, s16, s13, $0xb8;
	[tilespmem:$0x1C400] =	vst v63  }
.Ltmp1:
0xe8: {  	s13 =	sand.u32 @!p2 $0x7FFFFC00, s17;
	_ =	swait.ge @!p1 [sflag:s15], $0x4000;
	(pc) =	sbr.rel @p0 .LBB2_4-.Ltmp1, $4  }
0xe9: {  	s12 =	sor.u32 @!p2 s12, s13;
	[sflag:s15] =	ssyncset.done @!p1 $0x0;
	s16 =	rddreg [dreg:$0x5]  }
0xea: {  	s13 =	sshrl.u32 @!p2 s12, $0x3;
	s14 =	sadd.s32 @!p2 $0x4E400, s12;
	[sflag:s15] =	ssyncadd.s32 @!p1 $0xFFFFC000  }
0xeb: {  	s12 =	sadd.s32 @!p2 s5, s13;
	s15 =	simm.s32 @!p2 $0x380;
	s14 =	sshrl.u32 @!p2 s14, $0x3  }
0xec: {  	s13 =	simm.s32 @!p2 $0x0;
	p3 =	sge.u32 @!p1 s11, s16;
	s14 =	sadd.s32 @!p2 s5, s14  }
0xed: {  	[tilespmem:s15], [sflag:$0x8] =	stream.linear.gather @!p2 [hbm4b:s12+s13], $0x80, $0x38;
	[tilespmem:$0x1C400] =	vst v63  }
0xee: {  	s8 =	simm.s32 @!p2 $0x180;
	p0 =	por p3, p1  }
0xef: {  	[tilespmem:s8], [sflag:$0xC] =	stream.linear.gather @!p2 [hbm4b:s14+s13], $0x80, $0x38;
	[tilespmem:$0x1C400] =	vst v63  }
0xf0: {  	s8 =	simm.s32 @!p0 $0x6  }
0xf1: {  	s18 =	stileid.u32;
	_ =	swait.ge @!p0 [sflag:s8], $0x80  }
0xf2: {  	s2 =	sadd.s32 $0x1, s2;
	s9 =	simm.s32 @!p0 $0x280;
	[sflag:s8] =	ssyncset.done @!p0 $0x0  }
0xf3: {  	s11 =	simm.s32 @!p0 $0x80;
	[sflag:s8] =	ssyncadd.s32 @!p0 $0xFFFFFF80;
	s8 =	simm.s32 @!p0 $0x4400  }
0xf4: {  	[tilespmem:s8], [sflag:$0x2] =	stream.indirect.gather @!p0 [hbm4b:s4+s11], $0x80, s9, s11, $0xb8;
	[tilespmem:$0x1C400] =	vst v63  }
0xf5: {  	s19 =	sshrl.u32 s7, $0x3;
	s8 =	sshll.u32 s18, $0x6;
	p0 =	sne.s32 s2, s23  }
.Ltmp2:
0xf6: {  	[bflag:$0x0] =	sbarrier.arrive $0xFFFF;
	s8 =	sor.u32 $0x1C0D, s8;
	(pc) =	sbr.rel @p0 .LBB2_1-.Ltmp2, $4  }
0xf7: {  	[hbm:s21], [sflag:s8] =	dma.local [spmem:s19], $0x2800  }
0xf8: {  	_ =	swait.ge [sflag:s26], $0x2800  }
0xf9: {  	[sflag:s26] =	ssyncset.done $0x0  }
0xfa: {  	[sflag:s26] =	ssyncadd.s32 $0xFFFFD800  }
0xfb: {  	_ =	sfence.sel $0x180000  }
0xfc: {  	[bflag:$0x0] =	sbarrier.arrive $0xFFFF  }
0xfd: {  	_ =	strace $0x9000004A  }
0xfe: {  	s0 =	stileid.u32;
	[bflag:$0x2] =	sbarrier.arrive $0xFFFF  }
0xff: {  	p0 =	sne.s32 s0, $0x0;
	s0 =	rddreg [dreg:$0x2]  }
0x100: {  	s0 =	sadd.s32 @!p0 $0x100000, s0  }
0x101: {  	[sflag:s0] =	ssyncadd.tile.s32 @!p0 $0x1;
	_ =	shalt  }
.Lfunc_end2:
_tile_overlayer_lowered:
.L_overlay_start_2:
0x102: {  	(tag) =	ssettag $0x2  }
0x103: {  	s0 =	rddreg [dreg:$0x0];
	s2 =	stileid.u32  }
0x104: {  	s1 =	rddreg [dreg:$0x1];
	p0 =	sne.s32 s2, $0x0  }
0x105: {  	s3 =	rddreg [dreg:$0x2];
	[bflag:$0x3] =	sbarrier.arrive $0xFFFF;
	s2 =	simm.s32 @!p0 $0x1C0D  }
0x106: {  	[timem:s3], [sflag:s2] =	dma.local @!p0 [hbm:s0], s1  }
0x107: {  	s0 =	simm.s32 @!p0 $0xD  }
0x108: {  	_ =	swait.ge @!p0 [sflag:s0], s1  }
0x109: {  	s1 =	ssub.s32 @!p0 $0x0, s1;
	[sflag:s0] =	ssyncset.done @!p0 $0x0  }
0x10a: {  	[sflag:s0] =	ssyncadd.s32 @!p0 s1  }
0x10b: {  	[bflag:$0x3] =	sbarrier.arrive $0xFFFF  }
0x10c: {  	_ =	shalt  }

// kernel: kernel.17.cloned.1.call-start
scs
__scs_entry_jumppad:
0x0: {  	(pc) =	sbr.rel $0x88, $3  }
0x1: {  	(tag) =	ssettag $0x0;
	lr =	simm.s32 $0x1  }
0x2: {  	[smem:$0x3F8A] =	sst lr;
	_ =	strace $0xD0000000  }
0x3: {  	_ = 	snop  }
0x4: {  	_ = 	snop  }
0x5: {  	_ = 	snop  }
0x6: {  	_ = 	snop  }
0x7: {  	_ = 	snop  }
__scs_overlays_trampoline_lowered:
0x8: {  	[smem:$0x3F99] =	sst s0  }
0x9: {  	[smem:$0x3F9A] =	sst s1  }
0xa: {  	[smem:$0x3F9B] =	sst s2  }
0xb: {  	[smem:$0x3F9C] =	sst s3  }
0xc: {  	[smem:$0x3F9D] =	sst s4  }
0xd: {  	[smem:$0x3F9E] =	sst s5  }
0xe: {  	[smem:$0x3F9F] =	sst s6  }
0xf: {  	[smem:$0x3FA0] =	sst s7  }
0x10: {  	[smem:$0x3FA1] =	sst s8  }
0x11: {  	[smem:$0x3FA2] =	sst s9;
	s0 =	simm.s32 @!p0 $0x0  }
0x12: {  	s1 =	sld [smem:$0x3F88];
	s0 =	simm.s32 @p0 $0x1  }
0x13: {  	[smem:$0x3FA3] =	sst s0;
	s0 =	simm.s32 @!p1 $0x0  }
0x14: {  	s2 =	sld [smem:$0x3F87];
	s0 =	simm.s32 @p1 $0x1  }
0x15: {  	[smem:$0x3FA4] =	sst s0;
	s0 =	simm.s32 @!p2 $0x0  }
0x16: {  	s3 =	sld [smem:$0x3FDB];
	s0 =	simm.s32 @p2 $0x1  }
0x17: {  	s4 =	simm.s32 $0x1BF5;
	[smem:$0x3FA6] =	sst s0  }
0x18: {  	s0 =	sld [smem:$0x3F89];
	_ =	swait.ge [sflag:s4], $0x0  }
0x19: {  	s7 =	sld [smem:$0x3F8A]  }
0x1a: {  	s8 =	sadd.s32 $0xFFFFE003, lr  }
0x1b: {  	s9 =	sadd.s32 $0xFFFFFEF7, lr;
	s5 =	simm.s32 $0xFFFFFFFF;
	p2 =	slt.u32 s8, $0xFFFFF086  }
0x1c: {  	p1 =	slt.u32 s9, $0xF7A;
	s5 =	simm.s32 @!p2 $0x0  }
0x1d: {  	s5 =	simm.s32 @p1 $0x1;
	p0 =	seq.s32 s7, s2  }
0x1e: {  	s7 =	smul.u32 @!p0 $0xF7A, s2;
	p2 =	seq.s32 @!p0 s5, $0x0  }
0x1f: {  	s9 =	smul.u32 $0xF7A, s1;
	s8 =	simm.s32 @!p0 $0x1BF5;
	p2 =	por !p2, p0  }
0x20: {  	[sflag:s8] =	ssyncset.s32 @!p0 $0xFFFFF086;
	s6 =	sadd.s32 @!p0 s3, s7;
	s7 =	simm.s32 @!p0 $0x108  }
0x21: {  	s3 =	sadd.s32 s3, s9;
	s6 =	sadd.s32 @!p0 $0x88, s6;
	s7 =	simm.s32 @p2 $0x1082  }
0x22: {  	[simem:s7], [sflag:s8] =	dma.local @!p0 [hbm:s6], $0xF7A  }
0x23: {  	s9 =	sor.u32 $0xD0000000, s2;
	s6 =	simm.s32 $0x108;
	_ =	swait.ge @!p0 [sflag:s8], $0x0  }
0x24: {  	s3 =	sadd.s32 $0x88, s3;
	s6 =	simm.s32 @!p1 $0x1082;
	[sflag:s4] =	ssyncset.s32 $0xFFFFF086  }
0x25: {  	[simem:s6], [sflag:s4] =	dma.local [hbm:s3], $0xF7A  }
0x26: {  	[smem:$0x3F8A] =	sst s1;
	(tag) =	ssettag s2;
	_ =	strace s9  }
0x27: {  	s1 =	sld [smem:$0x3F9A]  }
0x28: {  	s2 =	sld [smem:$0x3F9B]  }
0x29: {  	s4 =	sld [smem:$0x3F9D]  }
0x2a: {  	p0 =	seq.s32 s5, $0x0;
	s5 =	sld [smem:$0x3F9E]  }
0x2b: {  	s6 =	sld [smem:$0x3F9F]  }
0x2c: {  	s7 =	sld [smem:$0x3FA0]  }
0x2d: {  	s3 =	simm.s32 $0x108;
	s8 =	sld [smem:$0x3FA1]  }
0x2e: {  	s3 =	simm.s32 @!p0 $0x1082;
	s9 =	sld [smem:$0x3FA2]  }
0x2f: {  	lr =	sadd.s32 s0, s3;
	s0 =	sld [smem:$0x3F99]  }
0x30: {  	s3 =	sld [smem:$0x3F9C]  }
0x31: {  	[smem:$0x3FA5] =	sst s10  }
0x32: {  	s10 =	sld [smem:$0x3FA3];
	_ =	sdelay $0x3  }
0x33: {  	p0 =	seq.s32 s10, $0x1;
	s10 =	sld [smem:$0x3FA5];
	_ =	sdelay $0x3  }
0x34: {  	[smem:$0x3FA5] =	sst s10  }
0x35: {  	s10 =	sld [smem:$0x3FA4];
	_ =	sdelay $0x3  }
0x36: {  	p1 =	seq.s32 s10, $0x1;
	s10 =	sld [smem:$0x3FA5];
	_ =	sdelay $0x3  }
0x37: {  	[smem:$0x3FA5] =	sst s10  }
0x38: {  	s10 =	sld [smem:$0x3FA6]  }
0x39: {  	_ = 	snop;
	(pc) =	sbr.ind lr, $3  }
0x3a: {  	_ = 	snop  }
0x3b: {  	_ = 	snop  }
0x3c: {  	p2 =	seq.s32 s10, $0x1;
	s10 =	sld [smem:$0x3FA5]  }
0x3d: {  	_ =	shalt  }
0x3e: {  	_ =	shalt  }
0x3f: {  	_ =	shalt  }
0x40: {  	_ =	shalt  }
0x41: {  	_ =	shalt  }
0x42: {  	_ =	shalt  }
0x43: {  	_ =	shalt  }
0x44: {  	_ =	shalt  }
0x45: {  	_ =	shalt  }
0x46: {  	_ =	shalt  }
0x47: {  	_ =	shalt  }
0x48: {  	_ =	shalt  }
0x49: {  	_ =	shalt  }
0x4a: {  	_ =	shalt  }
0x4b: {  	_ =	shalt  }
0x4c: {  	_ =	shalt  }
0x4d: {  	_ =	shalt  }
0x4e: {  	_ =	shalt  }
0x4f: {  	_ =	shalt  }
0x50: {  	_ =	shalt  }
0x51: {  	_ =	shalt  }
0x52: {  	_ =	shalt  }
0x53: {  	_ =	shalt  }
0x54: {  	_ =	shalt  }
0x55: {  	_ =	shalt  }
0x56: {  	_ =	shalt  }
0x57: {  	_ =	shalt  }
0x58: {  	_ =	shalt  }
0x59: {  	_ =	shalt  }
0x5a: {  	_ =	shalt  }
0x5b: {  	_ =	shalt  }
0x5c: {  	_ =	shalt  }
0x5d: {  	_ =	shalt  }
0x5e: {  	_ =	shalt  }
0x5f: {  	_ =	shalt  }
0x60: {  	_ =	shalt  }
0x61: {  	_ =	shalt  }
0x62: {  	_ =	shalt  }
0x63: {  	_ =	shalt  }
0x64: {  	_ =	shalt  }
0x65: {  	_ =	shalt  }
0x66: {  	_ =	shalt  }
0x67: {  	_ =	shalt  }
0x68: {  	_ =	shalt  }
0x69: {  	_ =	shalt  }
0x6a: {  	_ =	shalt  }
0x6b: {  	_ =	shalt  }
0x6c: {  	_ =	shalt  }
0x6d: {  	_ =	shalt  }
0x6e: {  	_ =	shalt  }
0x6f: {  	_ =	shalt  }
0x70: {  	_ =	shalt  }
0x71: {  	_ =	shalt  }
0x72: {  	_ =	shalt  }
0x73: {  	_ =	shalt  }
0x74: {  	_ =	shalt  }
0x75: {  	_ =	shalt  }
0x76: {  	_ =	shalt  }
0x77: {  	_ =	shalt  }
0x78: {  	_ =	shalt  }
0x79: {  	_ =	shalt  }
0x7a: {  	_ =	shalt  }
0x7b: {  	_ =	shalt  }
0x7c: {  	_ =	shalt  }
0x7d: {  	_ =	shalt  }
0x7e: {  	_ =	shalt  }
0x7f: {  	_ =	shalt  }
0x80: {  	_ =	shalt  }
0x81: {  	_ =	shalt  }
0x82: {  	_ =	shalt  }
0x83: {  	_ =	shalt  }
0x84: {  	_ =	shalt  }
0x85: {  	_ =	shalt  }
0x86: {  	_ =	shalt  }
0x87: {  	_ =	shalt  }
.Lfunc_end0:
.L_simem_size_0:
called_computation.2_lowered:
.L_overlay_start_0:
0x88: {  	s2 =	sld [smem:$0x3FD9]  }
0x89: {  	s3 =	sld [smem:$0x3FFE];
	_ =	sdelay $0x1  }
0x8a: {  	s1 =	srdreg.scid  }
0x8b: {  	s0 =	sand.u32 $0x1, s1  }
0x8c: {  	s16 =	sshll.u32 s0, $0xA;
	s2 =	sadd.s32 s3, s2  }
0x8d: {  	s2 =	sadd.s32 s2, s16  }
0x8e: {  	[smem:$0x3FB1] =	sst s2  }
0x8f: {  	_ = 	snop  }
0x90: {  	(tm) =	ssettm $0x1  }
0x91: {  	s17 =	sld [smem:$0x3FFB];
	_ =	sdelay $0x3  }
0x92: {  	_ =	strace s17  }
0x93: {  	s2 =	sld [smem:$0x3FFC];
	_ =	sdelay $0x3  }
0x94: {  	_ =	strace s2  }
0x95: {  	s2 =	sld [smem:$0x3FFD];
	_ =	sdelay $0x3  }
0x96: {  	_ =	strace s2  }
0x97: {  	_ =	strace $0x8FFFFFFF  }
0x98: {  	s18 =	sld [smem:$0x3FDB];
	_ =	sdelay $0x1  }
0x99: {  	s19 =	simm.s32 $_scs_section_size  }
0x9a: {  	s4 =	simm.s32 $_size__tile_overlayer_lowered;
	s5 =	simm.s32 $_tile_overlayer_lowered  }
0x9b: {  	s22 =	simm.s32 $0x1BFF;
	s21 =	sshll.u32 s5, $0x1;
	s2 =	sadd.s32 s19, s18  }
0x9c: {  	s6 =	simm.s32 $0x0;
	s20 =	sshll.u32 s4, $0x1;
	s4 =	sadd.s32 s21, s2  }
0x9d: {  	[timem:s6], [sflag:s22] =	dma.local [hbm:s4], s20  }
0x9e: {  	_ =	swait.ge [sflag:s22], s20  }
0x9f: {  	s3 =	ssub.s32 $0x0, s20;
	[sflag:s22] =	ssyncset.done $0x0  }
0xa0: {  	[sflag:s22] =	ssyncadd.s32 s3;
	_ =	sdelay $0x1  }
0xa1: {  	s23 =	simm.s32 $0x1B8B  }
0xa2: {  	_ =	swait.ge [sflag:s23], $0x1  }
0xa3: {  	[sflag:s23] =	ssyncset.done $0x0  }
0xa4: {  	s25 =	simm.s32 $0x1B8E;
	s24 =	sld [smem:$0x3FFE];
	[sflag:s23] =	ssyncadd.s32 $0xFFFFFFFF  }
0xa5: {  	s26 =	simm.s32 $execute0_lowered;
	[smem:$0x3FD2] =	sst s25  }
0xa6: {  	s4 =	sshll.u32 s26, $0x1;
	_ =	strace $0x8000004C;
	[dreg:$0x1] =	wrdreg $0xFFFFFFFF  }
0xa7: {  	s28 =	simm.s32 $_size_execute0_lowered;
	s2 =	sadd.s32 s2, s4;
	[dreg:$0x0] =	wrdreg $0x0  }
0xa8: {  	s4 =	sshll.u32 s28, $0x1;
	[dreg:$0x2] =	wrdreg s2  }
0xa9: {  	[dreg:$0x3] =	wrdreg s4  }
0xaa: {  	[dreg:$0x4] =	wrdreg $0xC0  }
0xab: {  	_ =	task [dreg:s6], $0x5FFFF  }
0xac: {  	[dreg:$0x1] =	wrdreg $0xFFFFFFFF  }
0xad: {  	[dreg:$0x0] =	wrdreg $0x60  }
0xae: {  	[dreg:$0x2] =	wrdreg s24  }
0xaf: {  	[dreg:$0x3] =	wrdreg $0x84000  }
0xb0: {  	[dreg:$0x4] =	wrdreg $0x9  }
0xb1: {  	_ =	task.clear_ibuf [dreg:s6], $0x5FFFF;
	_ =	strace $0x9000004C  }
0xb2: {  	s29 =	simm.s32 $0x9;
	_ =	strace $0x8000004E  }
0xb3: {  	_ =	swait.ge [sflag:s29], $0x1  }
0xb4: {  	[sflag:s29] =	ssyncadd.s32 $0xFFFFFFFF  }
0xb5: {  	_ =	strace $0x9000004E  }
0xb6: {  	_ =	sfence  }
0xb7: {  	s30 =	sld [smem:$0x0];
	_ =	sdelay $0x2  }
0xb8: {  	s31 =	sshll.u32 s1, $0xD;
	s1 =	sshrl.u32 s1, $0x2  }
0xb9: {  	s3 =	sand.u32 $0x4000, s31;
	s1 =	sadd.s32 s1, s30  }
0xba: {  	s0 =	sor.u32 s3, s0;
	s1 =	sshll.u32 s1, $0x11  }
0xbb: {  	s0 =	sor.u32 s1, s0  }
0xbc: {  	s0 =	sadd.s32 $0x8F2B, s0  }
0xbd: {  	[sflag:s0] =	ssyncadd.remote.s32 $0x1  }
0xbe: {  	_ =	sfence.sel $0xFFFF  }
0xbf: {  	[dreg:$0x0] =	wrdreg $0xFFFFFFFF;
	(pc) =	sbr.abs _section_cstart, $3  }
0xc0: {  	[dreg:$0x1] =	wrdreg $0xFFFFFFFF  }
0xc1: {  	_ =	task.clear_ibuf [dreg:s6], $0x2FFFF;
	_ =	strace $0x9FFFFFFF  }
0xc2: {  	(tm) =	ssettm $0x7FFFFFFF  }
0xc3: {  	_ =	shalt  }
tec
execute0_lowered:
.L_overlay_start_1:
0x0: {  	(tag) =	ssettag $0x1  }
0x1: {  	s0 =	rddreg [dreg:$0x0]  }
0x2: {  	s1 =	rddreg [dreg:$0x1];
	s3 =	simm.s32 $0x0  }
0x3: {  	s2 =	srdreg.scid;
	s12 =	stileid.u32;
	s28 =	simm.s32 $0x200  }
0x4: {  	s29 =	simm.s32 $0x280;
	s30 =	simm.s32 $0x80;
	s31 =	simm.s32 $0x6  }
0x5: {  	[smem:$0x7FF] =	sst s3;
	s2 =	sand.u32 $0x1, s2;
	s9 =	smul.u32 $0x50000, s12  }
0x6: {  	s4 =	sadd.s32 $0x6A600, s0;
	s5 =	sshll.u32 s12, $0x1;
	s6 =	ssub.s32 $0x2, s2  }
0x7: {  	s25 =	smul.u32 $0x2800, s12;
	s7 =	sshrl.u32 s6, $0x1;
	s9 =	sshrl.u32 s9, $0x2  }
0x8: {  	s8 =	sor.u32 s2, s5;
	s11 =	ssub.s32 s6, s7;
	s7 =	sadd.s32 s9, s1  }
0x9: {  	_ =	strace $0x8000004D;
	s10 =	smul.u32 $0x2800, s8;
	s13 =	sadd.s32 $0x4000, s7  }
0xa: {  	p0 =	seq.s32 s8, $0x1F;
	s14 =	sadd.s32 $0x8000, s7;
	[dreg:$0x6] =	wrdreg s13  }
0xb: {  	s6 =	simm.s32 $0x14;
	s15 =	sadd.s32 $0xC000, s7;
	[dreg:$0x7] =	wrdreg s14  }
0xc: {  	s6 =	simm.s32 @!p0 $0x50;
	s16 =	sadd.s32 $0x10000, s7;
	[dreg:$0x8] =	wrdreg s15  }
0xd: {  	s5 =	sadd.s32 $0x6C00, s0;
	[dreg:$0x9] =	wrdreg s16;
	s20 =	sadd.s32 $0xFFFFFFFF, s6  }
0xe: {  	s10 =	sshrl.u32 s10, $0x3;
	s22 =	sadd.s32 $0xFFFFFFFC, s6;
	[dreg:$0x3] =	wrdreg s20  }
0xf: {  	s10 =	sadd.s32 s5, s10;
	s26 =	sadd.s32 $0xFFFFFFFB, s6;
	[dreg:$0x4] =	wrdreg s22  }
0x10: {  	s12 =	smul.u32 $0x5000, s12;
	s17 =	sadd.s32 $0x9C80, s10;
	[dreg:$0x5] =	wrdreg s26  }
0x11: {  	s9 =	simm.s32 $0xB9800;
	s18 =	sadd.s32 $0x10, s10;
	[dreg:$0xa] =	wrdreg s17  }
0x12: {  	p0 =	seq.s32 s2, $0x1;
	s19 =	sadd.s32 $0x9C90, s10;
	[dreg:$0xb] =	wrdreg s18  }
0x13: {  	s2 =	smul.u32 $0x2800, s2;
	s21 =	sadd.s32 $0x20, s10;
	[dreg:$0xc] =	wrdreg s19  }
0x14: {  	s9 =	simm.s32 @!p0 $0x91800;
	s23 =	sadd.s32 $0x9CA0, s10;
	[dreg:$0xd] =	wrdreg s21  }
0x15: {  	s24 =	sadd.s32 $0x30, s10;
	s13 =	sadd.s32 $0x9CB0, s10;
	[dreg:$0xe] =	wrdreg s23  }
0x16: {  	s0 =	sadd.s32 s9, s0;
	s20 =	sadd.s32 $0xFFFFFFFE, s6;
	[dreg:$0xf] =	wrdreg s24  }
0x17: {  	s22 =	sadd.s32 $0xFFFFFFFD, s6;
	s26 =	simm.s32 $0xD;
	[dreg:$0x10] =	wrdreg s13  }
0x18: {  	s21 =	sadd.s32 s0, s25;
	s23 =	smax.u32 s11, $0x1;
	s24 =	sadd.s32 s2, s12  }
0x19: {  	v0 =	vimm.f32 $0.0e+00;
	s25 =	simm.s32 $0x400;
	s0 =	simm.s32 $0x5;
	s2 =	simm.s32 $0x0  }
.LBB2_1:
0x1a: {  	s8 =	simm.s32 $0x0;
	s9 =	simm.s32 $0x200  }
.LBB2_2:
0x1b: {  	p0 =	sne.s32 s9, $0xFE00;
	[tilespmem:s8+$0x470] =	vst v0  }
0x1c: {  	[tilespmem:s8+$0x400] =	vst v0  }
0x1d: {  	[tilespmem:s8+$0x410] =	vst v0  }
.Ltmp0:
0x1e: {  	[tilespmem:s8+$0x420] =	vst v0;
	(pc) =	sbr.rel @p0 .LBB2_2-.Ltmp0, $4  }
0x1f: {  	[tilespmem:s8+$0x430] =	vst v0  }
0x20: {  	[tilespmem:s8+$0x440] =	vst v0  }
0x21: {  	[tilespmem:s8+$0x450] =	vst v0  }
0x22: {  	[tilespmem:s8+$0x460] =	vst v0;
	s8 =	sshra.s32 s9, $0x2;
	s9 =	sadd.s32 $0x200, s9  }
0x23: {  	[tilespmem:s8+$0x470] =	vst v0  }
0x24: {  	[tilespmem:s8+$0x400] =	vst v0  }
0x25: {  	[tilespmem:s8+$0x410] =	vst v0  }
0x26: {  	[tilespmem:s8+$0x420] =	vst v0  }
0x27: {  	[tilespmem:s8+$0x430] =	vst v0  }
0x28: {  	[tilespmem:s8+$0x440] =	vst v0  }
0x29: {  	[tilespmem:s8+$0x450] =	vst v0  }
0x2a: {  	[tilespmem:s8+$0x460] =	vst v0  }
0x2b: {  	[spmem:s7] =	stream.linear.scatter [tilespmem:s25], [sflag:$0xD], $0x4000, $0x38;
	[tilespmem:$0x1C400] =	vst v63  }
0x2c: {  	_ =	swait.ge [sflag:s26], $0x4000  }
0x2d: {  	[sflag:s26] =	ssyncset.done $0x0  }
0x2e: {  	s15 =	rddreg [dreg:$0x6];
	[sflag:s26] =	ssyncadd.s32 $0xFFFFC000  }
0x2f: {  	[spmem:s15] =	stream.linear.scatter [tilespmem:s25], [sflag:$0xD], $0x4000, $0x38;
	[tilespmem:$0x1C400] =	vst v63  }
0x30: {  	_ =	swait.ge [sflag:s26], $0x4000  }
0x31: {  	[sflag:s26] =	ssyncset.done $0x0  }
0x32: {  	s16 =	rddreg [dreg:$0x7];
	[sflag:s26] =	ssyncadd.s32 $0xFFFFC000  }
0x33: {  	[spmem:s16] =	stream.linear.scatter [tilespmem:s25], [sflag:$0xD], $0x4000, $0x38;
	[tilespmem:$0x1C400] =	vst v63  }
0x34: {  	_ =	swait.ge [sflag:s26], $0x4000  }
0x35: {  	[sflag:s26] =	ssyncset.done $0x0  }
0x36: {  	s17 =	rddreg [dreg:$0x8];
	[sflag:s26] =	ssyncadd.s32 $0xFFFFC000  }
0x37: {  	[spmem:s17] =	stream.linear.scatter [tilespmem:s25], [sflag:$0xD], $0x4000, $0x38;
	[tilespmem:$0x1C400] =	vst v63  }
0x38: {  	_ =	swait.ge [sflag:s26], $0x4000  }
0x39: {  	[sflag:s26] =	ssyncset.done $0x0  }
0x3a: {  	s18 =	rddreg [dreg:$0x9];
	[sflag:s26] =	ssyncadd.s32 $0xFFFFC000  }
0x3b: {  	[spmem:s18] =	stream.linear.scatter [tilespmem:s25], [sflag:$0xD], $0x4000, $0x38;
	[tilespmem:$0x1C400] =	vst v63  }
0x3c: {  	_ =	swait.ge [sflag:s26], $0x4000  }
0x3d: {  	[sflag:s26] =	ssyncset.done $0x0  }
0x3e: {  	[sflag:s26] =	ssyncadd.s32 $0xFFFFC000  }
0x3f: {  	[bflag:$0x0] =	sbarrier.arrive $0xFFFF  }
0x40: {  	[tilespmem:s28], [sflag:$0x5] =	stream.linear.gather [hbm4b:s10+s3], $0x80, $0x38;
	[tilespmem:$0x1C400] =	vst v63  }
0x41: {  	s19 =	rddreg [dreg:$0xa]  }
0x42: {  	[tilespmem:s3], [sflag:$0x9] =	stream.linear.gather [hbm4b:s19+s3], $0x80, $0x38;
	[tilespmem:$0x1C400] =	vst v63  }
0x43: {  	s9 =	rddreg [dreg:$0xb]  }
0x44: {  	[tilespmem:s29], [sflag:$0x6] =	stream.linear.gather [hbm4b:s9+s3], $0x80, $0x38;
	[tilespmem:$0x1C400] =	vst v63  }
0x45: {  	s11 =	rddreg [dreg:$0xc]  }
0x46: {  	[tilespmem:s30], [sflag:$0xA] =	stream.linear.gather [hbm4b:s11+s3], $0x80, $0x38;
	[tilespmem:$0x1C400] =	vst v63  }
0x47: {  	s12 =	rddreg [dreg:$0xd];
	s9 =	simm.s32 $0x300  }
0x48: {  	[tilespmem:s9], [sflag:$0x7] =	stream.linear.gather [hbm4b:s12+s3], $0x80, $0x38;
	[tilespmem:$0x1C400] =	vst v63  }
0x49: {  	s14 =	simm.s32 $0x100;
	s13 =	rddreg [dreg:$0xe]  }
0x4a: {  	[tilespmem:s14], [sflag:$0xB] =	stream.linear.gather [hbm4b:s13+s3], $0x80, $0x38;
	[tilespmem:$0x1C400] =	vst v63  }
0x4b: {  	s15 =	rddreg [dreg:$0xf];
	s11 =	simm.s32 $0x380  }
0x4c: {  	[tilespmem:s11], [sflag:$0x8] =	stream.linear.gather [hbm4b:s15+s3], $0x80, $0x38;
	[tilespmem:$0x1C400] =	vst v63  }
0x4d: {  	s17 =	simm.s32 $0x180;
	s16 =	rddreg [dreg:$0x10]  }
0x4e: {  	[tilespmem:s17], [sflag:$0xC] =	stream.linear.gather [hbm4b:s16+s3], $0x80, $0x38;
	[tilespmem:$0x1C400] =	vst v63  }
0x4f: {  	_ =	swait.ge [sflag:s0], $0x80  }
0x50: {  	[sflag:s0] =	ssyncset.done $0x0  }
0x51: {  	[sflag:s0] =	ssyncadd.s32 $0xFFFFFF80  }
0x52: {  	[tilespmem:s25], [sflag:$0x1] =	stream.indirect.gather [hbm4b:s4+s30], $0x80, s28, s30, $0xb8;
	[tilespmem:$0x1C400] =	vst v63  }
0x53: {  	_ =	swait.ge [sflag:s31], $0x80  }
0x54: {  	p0 =	sle.u32 s6, $0x0;
	[sflag:s31] =	ssyncset.done $0x0  }
0x55: {  	s8 =	simm.s32 @!p0 $0x1;
	s18 =	simm.s32 $0x4400;
	[sflag:s31] =	ssyncadd.s32 $0xFFFFFF80  }
0x56: {  	[tilespmem:s18], [sflag:$0x2] =	stream.indirect.gather [hbm4b:s4+s30], $0x80, s29, s30, $0xb8;
	[tilespmem:$0x1C400] =	vst v63  }
0x57: {  	_ =	swait.ge @!p0 [sflag:s8], $0x4000  }
0x58: {  	[sflag:s8] =	ssyncset.done @!p0 $0x0  }
0x59: {  	s9 =	simm.s32 @!p0 $0x9;
	[sflag:s8] =	ssyncadd.s32 @!p0 $0xFFFFC000  }
0x5a: {  	p1 =	sle.u32 @!p0 s6, $0x4;
	p2 =	sle.u32 @!p0 s20, $0x0;
	_ =	swait.ge @!p0 [sflag:s9], $0x80  }
0x5b: {  	p1 =	por p1, p0;
	s12 =	simm.s32 @!p0 $0x400;
	[sflag:s9] =	ssyncset.done @!p0 $0x0  }
0x5c: {  	s13 =	simm.s32 @!p0 $0x0;
	s14 =	simm.s32 @!p0 $0x80;
	[sflag:s9] =	ssyncadd.s32 @!p0 $0xFFFFFF80  }
0x5d: {  	[spmem:s1] =	stream.indirect.scatter.add.f32 @!p0 [tilespmem:s12], [sflag:$0x3], $0x80, s13, s14, $0xb8;
	[tilespmem:$0x1C400] =	vst v63  }
0x5e: {  	s8 =	simm.s32 @!p0 $0x3;
	s9 =	simm.s32 @!p1 $0x200;
	s12 =	sadd.s32 @!p1 $0x200, s24  }
0x5f: {  	s9 =	sand.u32 @!p1 $0x200, s9;
	s13 =	simm.s32 @!p1 $0x0;
	s12 =	sand.u32 @!p1 $0x7FFFFC00, s12  }
0x60: {  	_ =	swait.ge @!p0 [sflag:s8], $0x4000;
	s9 =	sor.u32 @!p1 s9, s12;
	s12 =	simm.s32 @!p1 $0x200  }
0x61: {  	[sflag:s8] =	ssyncset.done @!p0 $0x0;
	s14 =	sshrl.u32 @!p1 s9, $0x3;
	s9 =	sadd.s32 @!p1 $0x4E400, s9  }
0x62: {  	[sflag:s8] =	ssyncadd.s32 @!p0 $0xFFFFC000;
	s8 =	sadd.s32 @!p1 s5, s14;
	s9 =	sshrl.u32 @!p1 s9, $0x3  }
0x63: {  	[tilespmem:s12], [sflag:$0x5] =	stream.linear.gather @!p1 [hbm4b:s8+s13], $0x80, $0x38;
	[tilespmem:$0x1C400] =	vst v63  }
0x64: {  	p0 =	por p2, p0;
	s8 =	sadd.s32 @!p1 s5, s9  }
0x65: {  	[tilespmem:s13], [sflag:$0x9] =	stream.linear.gather @!p1 [hbm4b:s8+s13], $0x80, $0x38;
	[tilespmem:$0x1C400] =	vst v63  }
0x66: {  	s8 =	simm.s32 @!p0 $0x7  }
0x67: {  	_ =	swait.ge @!p0 [sflag:s8], $0x80  }
0x68: {  	s9 =	simm.s32 @!p0 $0x400;
	s13 =	simm.s32 @!p0 $0x300;
	[sflag:s8] =	ssyncset.done @!p0 $0x0  }
0x69: {  	s19 =	rddreg [dreg:$0x3];
	[sflag:s8] =	ssyncadd.s32 @!p0 $0xFFFFFF80;
	s8 =	simm.s32 @!p0 $0x80  }
0x6a: {  	[tilespmem:s9], [sflag:$0x1] =	stream.indirect.gather @!p0 [hbm4b:s4+s8], $0x80, s13, s8, $0xb8;
	[tilespmem:$0x1C400] =	vst v63  }
0x6b: {  	p0 =	sle.u32 s19, $0x0  }
0x6c: {  	s8 =	simm.s32 @!p0 $0x2  }
0x6d: {  	p1 =	sle.u32 @!p0 s22, $0x0;
	p2 =	sle.u32 @!p0 s6, $0x5;
	_ =	swait.ge @!p0 [sflag:s8], $0x4000  }
0x6e: {  	s9 =	simm.s32 @!p0 $0xA;
	s12 =	simm.s32 @!p0 $0x4;
	[sflag:s8] =	ssyncset.done @!p0 $0x0  }
0x6f: {  	s14 =	simm.s32 @!p0 $0x4400;
	p2 =	por p2, p0;
	[sflag:s8] =	ssyncadd.s32 @!p0 $0xFFFFC000  }
0x70: {  	s13 =	sadd.s32 @!p2 $0x280, s24;
	s8 =	simm.s32 @!p2 $0x280;
	_ =	swait.ge @!p0 [sflag:s9], $0x80  }
0x71: {  	s13 =	sand.u32 @!p2 $0x7FFFFC00, s13;
	s8 =	sand.u32 @!p2 $0x280, s8;
	[sflag:s9] =	ssyncset.done @!p0 $0x0  }
0x72: {  	s8 =	sor.u32 @!p2 s8, s13;
	[sflag:s9] =	ssyncadd.s32 @!p0 $0xFFFFFF80;
	s9 =	simm.s32 @!p0 $0x80  }
0x73: {  	[spmem:s1] =	stream.indirect.scatter.add.f32 @!p0 [tilespmem:s14], [sflag:$0x4], $0x80, s9, s9, $0xb8;
	[tilespmem:$0x1C400] =	vst v63  }
0x74: {  	s13 =	sshrl.u32 @!p2 s8, $0x3;
	s8 =	sadd.s32 @!p2 $0x4E400, s8;
	_ =	swait.ge @!p0 [sflag:s12], $0x4000  }
0x75: {  	s9 =	simm.s32 @!p2 $0x280;
	s14 =	simm.s32 @!p2 $0x0;
	[sflag:s12] =	ssyncset.done @!p0 $0x0  }
0x76: {  	s8 =	sshrl.u32 @!p2 s8, $0x3;
	[sflag:s12] =	ssyncadd.s32 @!p0 $0xFFFFC000;
	s12 =	sadd.s32 @!p2 s5, s13  }
0x77: {  	[tilespmem:s9], [sflag:$0x6] =	stream.linear.gather @!p2 [hbm4b:s12+s14], $0x80, $0x38;
	[tilespmem:$0x1C400] =	vst v63  }
0x78: {  	p1 =	por p1, p0;
	s8 =	sadd.s32 @!p2 s5, s8;
	s9 =	simm.s32 @!p2 $0x80  }
0x79: {  	[tilespmem:s9], [sflag:$0xA] =	stream.linear.gather @!p2 [hbm4b:s8+s14], $0x80, $0x38;
	[tilespmem:$0x1C400] =	vst v63  }
0x7a: {  	s8 =	simm.s32 @!p1 $0x8  }
0x7b: {  	p0 =	sle.u32 s20, $0x0;
	_ =	swait.ge @!p1 [sflag:s8], $0x80  }
0x7c: {  	s12 =	simm.s32 @!p1 $0x4400;
	s13 =	simm.s32 @!p0 $0x1;
	[sflag:s8] =	ssyncset.done @!p1 $0x0  }
0x7d: {  	s9 =	simm.s32 @!p1 $0x380;
	[sflag:s8] =	ssyncadd.s32 @!p1 $0xFFFFFF80;
	s8 =	simm.s32 @!p1 $0x80  }
0x7e: {  	[tilespmem:s12], [sflag:$0x2] =	stream.indirect.gather @!p1 [hbm4b:s4+s8], $0x80, s9, s8, $0xb8;
	[tilespmem:$0x1C400] =	vst v63  }
0x7f: {  	_ =	swait.ge @!p0 [sflag:s13], $0x4000  }
0x80: {  	[sflag:s13] =	ssyncset.done @!p0 $0x0  }
0x81: {  	s8 =	simm.s32 @!p0 $0xB;
	[sflag:s13] =	ssyncadd.s32 @!p0 $0xFFFFC000  }
0x82: {  	s14 =	simm.s32 @!p0 $0x80;
	_ =	swait.ge @!p0 [sflag:s8], $0x80  }
0x83: {  	p1 =	sle.u32 @!p0 s6, $0x6;
	s12 =	simm.s32 @!p0 $0x400;
	[sflag:s8] =	ssyncset.done @!p0 $0x0  }
0x84: {  	p1 =	por p1, p0;
	s13 =	simm.s32 @!p0 $0x100;
	[sflag:s8] =	ssyncadd.s32 @!p0 $0xFFFFFF80  }
0x85: {  	[spmem:s1] =	stream.indirect.scatter.add.f32 @!p0 [tilespmem:s12], [sflag:$0x3], $0x80, s13, s14, $0xb8;
	[tilespmem:$0x1C400] =	vst v63  }
0x86: {  	s9 =	simm.s32 @!p0 $0x3;
	s8 =	simm.s32 @!p1 $0x300;
	s12 =	sadd.s32 @!p1 $0x300, s24  }
0x87: {  	s8 =	sand.u32 @!p1 $0x300, s8;
	_ =	swait.ge @!p0 [sflag:s9], $0x4000;
	s12 =	sand.u32 @!p1 $0x7FFFFC00, s12  }
0x88: {  	s13 =	rddreg [dreg:$0x4];
	[sflag:s9] =	ssyncset.done @!p0 $0x0;
	s8 =	sor.u32 @!p1 s8, s12  }
0x89: {  	s12 =	simm.s32 @!p1 $0x0;
	[sflag:s9] =	ssyncadd.s32 @!p0 $0xFFFFC000;
	s9 =	sshrl.u32 @!p1 s8, $0x3  }
0x8a: {  	s8 =	sadd.s32 @!p1 $0x4E400, s8;
	p2 =	sle.u32 @!p0 s13, $0x0;
	s13 =	simm.s32 @!p1 $0x300  }
0x8b: {  	s9 =	sadd.s32 @!p1 s5, s9;
	s8 =	sshrl.u32 @!p1 s8, $0x3;
	p0 =	por p2, p0  }
0x8c: {  	[tilespmem:s13], [sflag:$0x7] =	stream.linear.gather @!p1 [hbm4b:s9+s12], $0x80, $0x38;
	[tilespmem:$0x1C400] =	vst v63  }
0x8d: {  	s8 =	sadd.s32 @!p1 s5, s8;
	s9 =	simm.s32 @!p1 $0x100;
	s13 =	simm.s32 @!p0 $0x5  }
0x8e: {  	[tilespmem:s9], [sflag:$0xB] =	stream.linear.gather @!p1 [hbm4b:s8+s12], $0x80, $0x38;
	[tilespmem:$0x1C400] =	vst v63  }
0x8f: {  	s8 =	simm.s32 @!p0 $0x200;
	_ =	swait.ge @!p0 [sflag:s13], $0x80  }
0x90: {  	s9 =	simm.s32 @!p0 $0x400;
	p1 =	sle.u32 s22, $0x0;
	[sflag:s13] =	ssyncset.done @!p0 $0x0  }
0x91: {  	s12 =	simm.s32 @!p0 $0x80;
	[sflag:s13] =	ssyncadd.s32 @!p0 $0xFFFFFF80;
	s13 =	simm.s32 @!p1 $0x2  }
0x92: {  	[tilespmem:s9], [sflag:$0x1] =	stream.indirect.gather @!p0 [hbm4b:s4+s12], $0x80, s8, s12, $0xb8;
	[tilespmem:$0x1C400] =	vst v63  }
0x93: {  	_ =	swait.ge @!p1 [sflag:s13], $0x4000  }
0x94: {  	[sflag:s13] =	ssyncset.done @!p1 $0x0  }
0x95: {  	s9 =	simm.s32 @!p1 $0xC;
	[sflag:s13] =	ssyncadd.s32 @!p1 $0xFFFFC000  }
0x96: {  	s8 =	simm.s32 $0x580;
	p0 =	sle.u32 @!p1 s6, $0x7;
	_ =	swait.ge @!p1 [sflag:s9], $0x80  }
0x97: {  	s12 =	simm.s32 @!p1 $0x4400;
	p2 =	por p0, p1;
	[sflag:s9] =	ssyncset.done @!p1 $0x0  }
0x98: {  	s13 =	simm.s32 @!p1 $0x180;
	[sflag:s9] =	ssyncadd.s32 @!p1 $0xFFFFFF80;
	s9 =	simm.s32 @!p1 $0x80  }
0x99: {  	[spmem:s1] =	stream.indirect.scatter.add.f32 @!p1 [tilespmem:s12], [sflag:$0x4], $0x80, s13, s9, $0xb8;
	[tilespmem:$0x1C400] =	vst v63  }
0x9a: {  	s11 =	sand.u32 @!p2 $0x380, s11;
	s12 =	simm.s32 @!p1 $0x4;
	s13 =	sadd.s32 @!p2 $0x380, s24  }
0x9b: {  	s15 =	simm.s32 @!p2 $0x380;
	_ =	swait.ge @!p1 [sflag:s12], $0x4000;
	s13 =	sand.u32 @!p2 $0x7FFFFC00, s13  }
0x9c: {  	[sflag:s12] =	ssyncset.done @!p1 $0x0;
	s11 =	sor.u32 @!p2 s11, s13;
	s13 =	rddreg [dreg:$0x5]  }
0x9d: {  	[sflag:s12] =	ssyncadd.s32 @!p1 $0xFFFFC000;
	s12 =	sshrl.u32 @!p2 s11, $0x3;
	s11 =	sadd.s32 @!p2 $0x4E400, s11  }
0x9e: {  	s9 =	simm.s32 $0xB;
	p3 =	sle.u32 @!p1 s13, $0x0;
	s11 =	sshrl.u32 @!p2 s11, $0x3  }
0x9f: {  	s13 =	simm.s32 @!p2 $0x0;
	s12 =	sadd.s32 @!p2 s5, s12;
	s14 =	sadd.s32 @!p2 s5, s11  }
.LBB2_4:
0xa0: {  	[tilespmem:s15], [sflag:$0x8] =	stream.linear.gather @!p2 [hbm4b:s12+s13], $0x80, $0x38;
	[tilespmem:$0x1C400] =	vst v63  }
0xa1: {  	s12 =	smov.u32 s8;
	s11 =	simm.s32 @!p2 $0x180;
	p1 =	por p3, p1  }
0xa2: {  	[tilespmem:s11], [sflag:$0xC] =	stream.linear.gather @!p2 [hbm4b:s14+s13], $0x80, $0x38;
	[tilespmem:$0x1C400] =	vst v63  }
0xa3: {  	s15 =	simm.s32 @!p1 $0x80;
	s11 =	sadd.s32 $0xFFFFFFF9, s9;
	s13 =	simm.s32 @!p1 $0x6  }
0xa4: {  	s14 =	simm.s32 @!p1 $0x280;
	p0 =	sge.u32 s11, s6;
	_ =	swait.ge @!p1 [sflag:s13], $0x80  }
0xa5: {  	s16 =	simm.s32 @!p0 $0x1;
	s17 =	sadd.s32 @!p0 $0xFFFFFFFD, s9;
	[sflag:s13] =	ssyncset.done @!p1 $0x0  }
0xa6: {  	p2 =	sge.u32 @!p0 s17, s6;
	[sflag:s13] =	ssyncadd.s32 @!p1 $0xFFFFFF80;
	s13 =	simm.s32 @!p1 $0x4400  }
0xa7: {  	[tilespmem:s13], [sflag:$0x2] =	stream.indirect.gather @!p1 [hbm4b:s4+s15], $0x80, s14, s15, $0xb8;
	[tilespmem:$0x1C400] =	vst v63  }
0xa8: {  	s17 =	simm.s32 @!p0 $0x80;
	s13 =	simm.s32 @!p0 $0x3;
	_ =	swait.ge @!p0 [sflag:s16], $0x4000  }
0xa9: {  	p1 =	sge.u32 @!p0 s11, s20;
	p2 =	por p2, p0;
	[sflag:s16] =	ssyncset.done @!p0 $0x0  }
0xaa: {  	s14 =	simm.s32 @!p0 $0x9;
	s18 =	sadd.s32 @!p2 $0xFFFFFE80, s12;
	[sflag:s16] =	ssyncadd.s32 @!p0 $0xFFFFC000  }
0xab: {  	s15 =	simm.s32 @!p0 $0x400;
	s19 =	sadd.s32 @!p2 s24, s18;
	_ =	swait.ge @!p0 [sflag:s14], $0x80  }
0xac: {  	s18 =	sand.u32 @!p2 $0x200, s18;
	s16 =	simm.s32 @!p0 $0x0;
	[sflag:s14] =	ssyncset.done @!p0 $0x0  }
0xad: {  	[sflag:s14] =	ssyncadd.s32 @!p0 $0xFFFFFF80;
	s14 =	sand.u32 @!p2 $0x7FFFFC00, s19;
	s19 =	simm.s32 @!p2 $0x0  }
0xae: {  	[spmem:s1] =	stream.indirect.scatter.add.f32 @!p0 [tilespmem:s15], [sflag:$0x3], $0x80, s16, s17, $0xb8;
	[tilespmem:$0x1C400] =	vst v63  }
0xaf: {  	s14 =	sor.u32 @!p2 s18, s14;
	s15 =	simm.s32 @!p2 $0x200;
	_ =	swait.ge @!p0 [sflag:s13], $0x4000  }
0xb0: {  	s16 =	sshrl.u32 @!p2 s14, $0x3;
	s14 =	sadd.s32 @!p2 $0x4E400, s14;
	[sflag:s13] =	ssyncset.done @!p0 $0x0  }
0xb1: {  	s14 =	sshrl.u32 @!p2 s14, $0x3;
	[sflag:s13] =	ssyncadd.s32 @!p0 $0xFFFFC000;
	s13 =	sadd.s32 @!p2 s5, s16  }
0xb2: {  	[tilespmem:s15], [sflag:$0x5] =	stream.linear.gather @!p2 [hbm4b:s13+s19], $0x80, $0x38;
	[tilespmem:$0x1C400] =	vst v63  }
0xb3: {  	p1 =	por p1, p0;
	s13 =	sadd.s32 @!p2 s5, s14  }
0xb4: {  	[tilespmem:s19], [sflag:$0x9] =	stream.linear.gather @!p2 [hbm4b:s13+s19], $0x80, $0x38;
	[tilespmem:$0x1C400] =	vst v63  }
0xb5: {  	s13 =	simm.s32 @!p1 $0x7  }
0xb6: {  	_ =	swait.ge @!p1 [sflag:s13], $0x80  }
0xb7: {  	s16 =	simm.s32 @!p1 $0x300;
	s14 =	simm.s32 @!p1 $0x400;
	[sflag:s13] =	ssyncset.done @!p1 $0x0  }
0xb8: {  	s19 =	rddreg [dreg:$0x3];
	[sflag:s13] =	ssyncadd.s32 @!p1 $0xFFFFFF80;
	s13 =	simm.s32 @!p1 $0x80  }
0xb9: {  	[tilespmem:s14], [sflag:$0x1] =	stream.indirect.gather @!p1 [hbm4b:s4+s13], $0x80, s16, s13, $0xb8;
	[tilespmem:$0x1C400] =	vst v63  }
0xba: {  	p1 =	sge.u32 s11, s19  }
0xbb: {  	s13 =	simm.s32 @!p1 $0x2;
	s14 =	sadd.s32 @!p1 $0xFFFFFFFE, s9  }
0xbc: {  	p2 =	sge.u32 @!p1 s11, s22;
	s15 =	simm.s32 @!p1 $0xA;
	_ =	swait.ge @!p1 [sflag:s13], $0x4000  }
0xbd: {  	s18 =	simm.s32 @!p1 $0x4400;
	p3 =	sge.u32 @!p1 s14, s6;
	[sflag:s13] =	ssyncset.done @!p1 $0x0  }
0xbe: {  	s14 =	simm.s32 @!p1 $0x4;
	p3 =	por p3, p1;
	[sflag:s13] =	ssyncadd.s32 @!p1 $0xFFFFC000  }
0xbf: {  	s13 =	sadd.s32 @!p3 $0xFFFFFF00, s12;
	s16 =	simm.s32 @!p3 $0x280;
	_ =	swait.ge @!p1 [sflag:s15], $0x80  }
0xc0: {  	s17 =	sadd.s32 @!p3 s24, s13;
	s13 =	sand.u32 @!p3 $0x280, s13;
	[sflag:s15] =	ssyncset.done @!p1 $0x0  }
0xc1: {  	s17 =	sand.u32 @!p3 $0x7FFFFC00, s17;
	[sflag:s15] =	ssyncadd.s32 @!p1 $0xFFFFFF80;
	s15 =	simm.s32 @!p1 $0x80  }
0xc2: {  	[spmem:s1] =	stream.indirect.scatter.add.f32 @!p1 [tilespmem:s18], [sflag:$0x4], $0x80, s15, s15, $0xb8;
	[tilespmem:$0x1C400] =	vst v63  }
0xc3: {  	s13 =	sor.u32 @!p3 s13, s17;
	s17 =	simm.s32 @!p3 $0x0;
	_ =	swait.ge @!p1 [sflag:s14], $0x4000  }
0xc4: {  	s15 =	sshrl.u32 @!p3 s13, $0x3;
	s13 =	sadd.s32 @!p3 $0x4E400, s13;
	[sflag:s14] =	ssyncset.done @!p1 $0x0  }
0xc5: {  	s13 =	sshrl.u32 @!p3 s13, $0x3;
	[sflag:s14] =	ssyncadd.s32 @!p1 $0xFFFFC000;
	s14 =	sadd.s32 @!p3 s5, s15  }
0xc6: {  	[tilespmem:s16], [sflag:$0x6] =	stream.linear.gather @!p3 [hbm4b:s14+s17], $0x80, $0x38;
	[tilespmem:$0x1C400] =	vst v63  }
0xc7: {  	p2 =	por p2, p1;
	s13 =	sadd.s32 @!p3 s5, s13;
	s14 =	simm.s32 @!p3 $0x80  }
0xc8: {  	[tilespmem:s14], [sflag:$0xA] =	stream.linear.gather @!p3 [hbm4b:s13+s17], $0x80, $0x38;
	[tilespmem:$0x1C400] =	vst v63  }
0xc9: {  	s13 =	simm.s32 @!p2 $0x8  }
0xca: {  	p1 =	sge.u32 s11, s20;
	_ =	swait.ge @!p2 [sflag:s13], $0x80  }
0xcb: {  	s15 =	simm.s32 @!p2 $0x4400;
	s16 =	simm.s32 @!p1 $0x1;
	[sflag:s13] =	ssyncset.done @!p2 $0x0  }
0xcc: {  	s14 =	simm.s32 @!p2 $0x380;
	[sflag:s13] =	ssyncadd.s32 @!p2 $0xFFFFFF80;
	s13 =	simm.s32 @!p2 $0x80  }
0xcd: {  	[tilespmem:s15], [sflag:$0x2] =	stream.indirect.gather @!p2 [hbm4b:s4+s13], $0x80, s14, s13, $0xb8;
	[tilespmem:$0x1C400] =	vst v63  }
0xce: {  	_ =	swait.ge @!p1 [sflag:s16], $0x4000  }
0xcf: {  	s17 =	simm.s32 @!p1 $0x80;
	s13 =	sadd.s32 @!p1 $0xFFFFFFFF, s9;
	[sflag:s16] =	ssyncset.done @!p1 $0x0  }
0xd0: {  	p2 =	sge.u32 @!p1 s13, s6;
	s13 =	simm.s32 @!p1 $0xB;
	[sflag:s16] =	ssyncadd.s32 @!p1 $0xFFFFC000  }
0xd1: {  	s14 =	simm.s32 @!p1 $0x3;
	p2 =	por p2, p1;
	_ =	swait.ge @!p1 [sflag:s13], $0x80  }
0xd2: {  	s15 =	simm.s32 @!p1 $0x400;
	s18 =	sadd.s32 @!p2 $0xFFFFFF80, s12;
	[sflag:s13] =	ssyncset.done @!p1 $0x0  }
0xd3: {  	s16 =	simm.s32 @!p1 $0x100;
	[sflag:s13] =	ssyncadd.s32 @!p1 $0xFFFFFF80;
	s13 =	sadd.s32 @!p2 s24, s18  }
0xd4: {  	[spmem:s1] =	stream.indirect.scatter.add.f32 @!p1 [tilespmem:s15], [sflag:$0x3], $0x80, s16, s17, $0xb8;
	[tilespmem:$0x1C400] =	vst v63  }
0xd5: {  	s18 =	sand.u32 @!p2 $0x300, s18;
	s13 =	sand.u32 @!p2 $0x7FFFFC00, s13;
	_ =	swait.ge @!p1 [sflag:s14], $0x4000  }
0xd6: {  	s16 =	simm.s32 @!p2 $0x300;
	s13 =	sor.u32 @!p2 s18, s13;
	[sflag:s14] =	ssyncset.done @!p1 $0x0  }
0xd7: {  	s15 =	rddreg [dreg:$0x4];
	[sflag:s14] =	ssyncadd.s32 @!p1 $0xFFFFC000;
	s14 =	sshrl.u32 @!p2 s13, $0x3  }
0xd8: {  	s13 =	sadd.s32 @!p2 $0x4E400, s13;
	p3 =	sge.u32 @!p1 s11, s15;
	s15 =	simm.s32 @!p2 $0x0  }
0xd9: {  	s14 =	sadd.s32 @!p2 s5, s14;
	s13 =	sshrl.u32 @!p2 s13, $0x3;
	p3 =	por p3, p1  }
0xda: {  	[tilespmem:s16], [sflag:$0x7] =	stream.linear.gather @!p2 [hbm4b:s14+s15], $0x80, $0x38;
	[tilespmem:$0x1C400] =	vst v63  }
0xdb: {  	s13 =	sadd.s32 @!p2 s5, s13;
	s14 =	simm.s32 @!p2 $0x100;
	s16 =	simm.s32 @!p3 $0x5  }
0xdc: {  	[tilespmem:s14], [sflag:$0xB] =	stream.linear.gather @!p2 [hbm4b:s13+s15], $0x80, $0x38;
	[tilespmem:$0x1C400] =	vst v63  }
0xdd: {  	s8 =	sadd.s32 $0x200, s8;
	p1 =	sge.u32 s11, s22;
	_ =	swait.ge @!p3 [sflag:s16], $0x80  }
0xde: {  	s13 =	simm.s32 @!p3 $0x200;
	s14 =	simm.s32 @!p3 $0x400;
	[sflag:s16] =	ssyncset.done @!p3 $0x0  }
0xdf: {  	s15 =	simm.s32 @!p3 $0x80;
	[sflag:s16] =	ssyncadd.s32 @!p3 $0xFFFFFF80;
	s16 =	simm.s32 @!p1 $0x2  }
0xe0: {  	[tilespmem:s14], [sflag:$0x1] =	stream.indirect.gather @!p3 [hbm4b:s4+s15], $0x80, s13, s15, $0xb8;
	[tilespmem:$0x1C400] =	vst v63  }
0xe1: {  	p0 =	sne.s32 s8, $0x2B80;
	_ =	swait.ge @!p1 [sflag:s16], $0x4000  }
0xe2: {  	p2 =	sge.u32 @!p1 s9, s6;
	s9 =	sadd.s32 $0x4, s9;
	[sflag:s16] =	ssyncset.done @!p1 $0x0  }
0xe3: {  	p2 =	por p2, p1;
	s13 =	simm.s32 @!p1 $0xC;
	[sflag:s16] =	ssyncadd.s32 @!p1 $0xFFFFC000  }
0xe4: {  	s17 =	sadd.s32 @!p2 s12, s24;
	s12 =	sand.u32 @!p2 $0x380, s12;
	_ =	swait.ge @!p1 [sflag:s13], $0x80  }
0xe5: {  	s14 =	simm.s32 @!p1 $0x4400;
	s15 =	simm.s32 @!p1 $0x4;
	[sflag:s13] =	ssyncset.done @!p1 $0x0  }
0xe6: {  	s16 =	simm.s32 @!p1 $0x180;
	[sflag:s13] =	ssyncadd.s32 @!p1 $0xFFFFFF80;
	s13 =	simm.s32 @!p1 $0x80  }
0xe7: {  	[spmem:s1] =	stream.indirect.scatter.add.f32 @!p1 [tilespmem:s14], [sflag:$0x4], $0x80, s16, s13, $0xb8;
	[tilespmem:$0x1C400] =	vst v63  }
.Ltmp1:
0xe8: {  	s13 =	sand.u32 @!p2 $0x7FFFFC00, s17;
	_ =	swait.ge @!p1 [sflag:s15], $0x4000;
	(pc) =	sbr.rel @p0 .LBB2_4-.Ltmp1, $4  }
0xe9: {  	s12 =	sor.u32 @!p2 s12, s13;
	[sflag:s15] =	ssyncset.done @!p1 $0x0;
	s16 =	rddreg [dreg:$0x5]  }
0xea: {  	s13 =	sshrl.u32 @!p2 s12, $0x3;
	s14 =	sadd.s32 @!p2 $0x4E400, s12;
	[sflag:s15] =	ssyncadd.s32 @!p1 $0xFFFFC000  }
0xeb: {  	s12 =	sadd.s32 @!p2 s5, s13;
	s15 =	simm.s32 @!p2 $0x380;
	s14 =	sshrl.u32 @!p2 s14, $0x3  }
0xec: {  	s13 =	simm.s32 @!p2 $0x0;
	p3 =	sge.u32 @!p1 s11, s16;
	s14 =	sadd.s32 @!p2 s5, s14  }
0xed: {  	[tilespmem:s15], [sflag:$0x8] =	stream.linear.gather @!p2 [hbm4b:s12+s13], $0x80, $0x38;
	[tilespmem:$0x1C400] =	vst v63  }
0xee: {  	s8 =	simm.s32 @!p2 $0x180;
	p0 =	por p3, p1  }
0xef: {  	[tilespmem:s8], [sflag:$0xC] =	stream.linear.gather @!p2 [hbm4b:s14+s13], $0x80, $0x38;
	[tilespmem:$0x1C400] =	vst v63  }
0xf0: {  	s8 =	simm.s32 @!p0 $0x6  }
0xf1: {  	s18 =	stileid.u32;
	_ =	swait.ge @!p0 [sflag:s8], $0x80  }
0xf2: {  	s2 =	sadd.s32 $0x1, s2;
	s9 =	simm.s32 @!p0 $0x280;
	[sflag:s8] =	ssyncset.done @!p0 $0x0  }
0xf3: {  	s11 =	simm.s32 @!p0 $0x80;
	[sflag:s8] =	ssyncadd.s32 @!p0 $0xFFFFFF80;
	s8 =	simm.s32 @!p0 $0x4400  }
0xf4: {  	[tilespmem:s8], [sflag:$0x2] =	stream.indirect.gather @!p0 [hbm4b:s4+s11], $0x80, s9, s11, $0xb8;
	[tilespmem:$0x1C400] =	vst v63  }
0xf5: {  	s19 =	sshrl.u32 s7, $0x3;
	s8 =	sshll.u32 s18, $0x6;
	p0 =	sne.s32 s2, s23  }
.Ltmp2:
0xf6: {  	[bflag:$0x0] =	sbarrier.arrive $0xFFFF;
	s8 =	sor.u32 $0x1C0D, s8;
	(pc) =	sbr.rel @p0 .LBB2_1-.Ltmp2, $4  }
0xf7: {  	[hbm:s21], [sflag:s8] =	dma.local [spmem:s19], $0x2800  }
0xf8: {  	_ =	swait.ge [sflag:s26], $0x2800  }
0xf9: {  	[sflag:s26] =	ssyncset.done $0x0  }
0xfa: {  	[sflag:s26] =	ssyncadd.s32 $0xFFFFD800  }
0xfb: {  	_ =	sfence.sel $0x180000  }
0xfc: {  	[bflag:$0x0] =	sbarrier.arrive $0xFFFF  }
0xfd: {  	_ =	strace $0x9000004D  }
0xfe: {  	s0 =	stileid.u32;
	[bflag:$0x2] =	sbarrier.arrive $0xFFFF  }
0xff: {  	p0 =	sne.s32 s0, $0x0;
	s0 =	rddreg [dreg:$0x2]  }
0x100: {  	s0 =	sadd.s32 @!p0 $0x100000, s0  }
0x101: {  	[sflag:s0] =	ssyncadd.tile.s32 @!p0 $0x1;
	_ =	shalt  }
.Lfunc_end2:
_tile_overlayer_lowered:
.L_overlay_start_2:
0x102: {  	(tag) =	ssettag $0x2  }
0x103: {  	s0 =	rddreg [dreg:$0x0];
	s2 =	stileid.u32  }
0x104: {  	s1 =	rddreg [dreg:$0x1];
	p0 =	sne.s32 s2, $0x0  }
0x105: {  	s3 =	rddreg [dreg:$0x2];
	[bflag:$0x3] =	sbarrier.arrive $0xFFFF;
	s2 =	simm.s32 @!p0 $0x1C0D  }
0x106: {  	[timem:s3], [sflag:s2] =	dma.local @!p0 [hbm:s0], s1  }
0x107: {  	s0 =	simm.s32 @!p0 $0xD  }
0x108: {  	_ =	swait.ge @!p0 [sflag:s0], s1  }
0x109: {  	s1 =	ssub.s32 @!p0 $0x0, s1;
	[sflag:s0] =	ssyncset.done @!p0 $0x0  }
0x10a: {  	[sflag:s0] =	ssyncadd.s32 @!p0 s1  }
0x10b: {  	[bflag:$0x3] =	sbarrier.arrive $0xFFFF  }
0x10c: {  	_ =	shalt  }

// kernel: kernel.20.cloned.1.call-start
scs
__scs_entry_jumppad:
0x0: {  	(pc) =	sbr.rel $0x88, $3  }
0x1: {  	(tag) =	ssettag $0x0;
	lr =	simm.s32 $0x1  }
0x2: {  	[smem:$0x3F8A] =	sst lr;
	_ =	strace $0xD0000000  }
0x3: {  	_ = 	snop  }
0x4: {  	_ = 	snop  }
0x5: {  	_ = 	snop  }
0x6: {  	_ = 	snop  }
0x7: {  	_ = 	snop  }
__scs_overlays_trampoline_lowered:
0x8: {  	[smem:$0x3F99] =	sst s0  }
0x9: {  	[smem:$0x3F9A] =	sst s1  }
0xa: {  	[smem:$0x3F9B] =	sst s2  }
0xb: {  	[smem:$0x3F9C] =	sst s3  }
0xc: {  	[smem:$0x3F9D] =	sst s4  }
0xd: {  	[smem:$0x3F9E] =	sst s5  }
0xe: {  	[smem:$0x3F9F] =	sst s6  }
0xf: {  	[smem:$0x3FA0] =	sst s7  }
0x10: {  	[smem:$0x3FA1] =	sst s8  }
0x11: {  	[smem:$0x3FA2] =	sst s9;
	s0 =	simm.s32 @!p0 $0x0  }
0x12: {  	s1 =	sld [smem:$0x3F88];
	s0 =	simm.s32 @p0 $0x1  }
0x13: {  	[smem:$0x3FA3] =	sst s0;
	s0 =	simm.s32 @!p1 $0x0  }
0x14: {  	s2 =	sld [smem:$0x3F87];
	s0 =	simm.s32 @p1 $0x1  }
0x15: {  	[smem:$0x3FA4] =	sst s0;
	s0 =	simm.s32 @!p2 $0x0  }
0x16: {  	s3 =	sld [smem:$0x3FDB];
	s0 =	simm.s32 @p2 $0x1  }
0x17: {  	s4 =	simm.s32 $0x1BF5;
	[smem:$0x3FA6] =	sst s0  }
0x18: {  	s0 =	sld [smem:$0x3F89];
	_ =	swait.ge [sflag:s4], $0x0  }
0x19: {  	s7 =	sld [smem:$0x3F8A]  }
0x1a: {  	s8 =	sadd.s32 $0xFFFFE003, lr  }
0x1b: {  	s9 =	sadd.s32 $0xFFFFFEF7, lr;
	s5 =	simm.s32 $0xFFFFFFFF;
	p2 =	slt.u32 s8, $0xFFFFF086  }
0x1c: {  	p1 =	slt.u32 s9, $0xF7A;
	s5 =	simm.s32 @!p2 $0x0  }
0x1d: {  	s5 =	simm.s32 @p1 $0x1;
	p0 =	seq.s32 s7, s2  }
0x1e: {  	s7 =	smul.u32 @!p0 $0xF7A, s2;
	p2 =	seq.s32 @!p0 s5, $0x0  }
0x1f: {  	s9 =	smul.u32 $0xF7A, s1;
	s8 =	simm.s32 @!p0 $0x1BF5;
	p2 =	por !p2, p0  }
0x20: {  	[sflag:s8] =	ssyncset.s32 @!p0 $0xFFFFF086;
	s6 =	sadd.s32 @!p0 s3, s7;
	s7 =	simm.s32 @!p0 $0x108  }
0x21: {  	s3 =	sadd.s32 s3, s9;
	s6 =	sadd.s32 @!p0 $0x88, s6;
	s7 =	simm.s32 @p2 $0x1082  }
0x22: {  	[simem:s7], [sflag:s8] =	dma.local @!p0 [hbm:s6], $0xF7A  }
0x23: {  	s9 =	sor.u32 $0xD0000000, s2;
	s6 =	simm.s32 $0x108;
	_ =	swait.ge @!p0 [sflag:s8], $0x0  }
0x24: {  	s3 =	sadd.s32 $0x88, s3;
	s6 =	simm.s32 @!p1 $0x1082;
	[sflag:s4] =	ssyncset.s32 $0xFFFFF086  }
0x25: {  	[simem:s6], [sflag:s4] =	dma.local [hbm:s3], $0xF7A  }
0x26: {  	[smem:$0x3F8A] =	sst s1;
	(tag) =	ssettag s2;
	_ =	strace s9  }
0x27: {  	s1 =	sld [smem:$0x3F9A]  }
0x28: {  	s2 =	sld [smem:$0x3F9B]  }
0x29: {  	s4 =	sld [smem:$0x3F9D]  }
0x2a: {  	p0 =	seq.s32 s5, $0x0;
	s5 =	sld [smem:$0x3F9E]  }
0x2b: {  	s6 =	sld [smem:$0x3F9F]  }
0x2c: {  	s7 =	sld [smem:$0x3FA0]  }
0x2d: {  	s3 =	simm.s32 $0x108;
	s8 =	sld [smem:$0x3FA1]  }
0x2e: {  	s3 =	simm.s32 @!p0 $0x1082;
	s9 =	sld [smem:$0x3FA2]  }
0x2f: {  	lr =	sadd.s32 s0, s3;
	s0 =	sld [smem:$0x3F99]  }
0x30: {  	s3 =	sld [smem:$0x3F9C]  }
0x31: {  	[smem:$0x3FA5] =	sst s10  }
0x32: {  	s10 =	sld [smem:$0x3FA3];
	_ =	sdelay $0x3  }
0x33: {  	p0 =	seq.s32 s10, $0x1;
	s10 =	sld [smem:$0x3FA5];
	_ =	sdelay $0x3  }
0x34: {  	[smem:$0x3FA5] =	sst s10  }
0x35: {  	s10 =	sld [smem:$0x3FA4];
	_ =	sdelay $0x3  }
0x36: {  	p1 =	seq.s32 s10, $0x1;
	s10 =	sld [smem:$0x3FA5];
	_ =	sdelay $0x3  }
0x37: {  	[smem:$0x3FA5] =	sst s10  }
0x38: {  	s10 =	sld [smem:$0x3FA6]  }
0x39: {  	_ = 	snop;
	(pc) =	sbr.ind lr, $3  }
0x3a: {  	_ = 	snop  }
0x3b: {  	_ = 	snop  }
0x3c: {  	p2 =	seq.s32 s10, $0x1;
	s10 =	sld [smem:$0x3FA5]  }
0x3d: {  	_ =	shalt  }
0x3e: {  	_ =	shalt  }
0x3f: {  	_ =	shalt  }
0x40: {  	_ =	shalt  }
0x41: {  	_ =	shalt  }
0x42: {  	_ =	shalt  }
0x43: {  	_ =	shalt  }
0x44: {  	_ =	shalt  }
0x45: {  	_ =	shalt  }
0x46: {  	_ =	shalt  }
0x47: {  	_ =	shalt  }
0x48: {  	_ =	shalt  }
0x49: {  	_ =	shalt  }
0x4a: {  	_ =	shalt  }
0x4b: {  	_ =	shalt  }
0x4c: {  	_ =	shalt  }
0x4d: {  	_ =	shalt  }
0x4e: {  	_ =	shalt  }
0x4f: {  	_ =	shalt  }
0x50: {  	_ =	shalt  }
0x51: {  	_ =	shalt  }
0x52: {  	_ =	shalt  }
0x53: {  	_ =	shalt  }
0x54: {  	_ =	shalt  }
0x55: {  	_ =	shalt  }
0x56: {  	_ =	shalt  }
0x57: {  	_ =	shalt  }
0x58: {  	_ =	shalt  }
0x59: {  	_ =	shalt  }
0x5a: {  	_ =	shalt  }
0x5b: {  	_ =	shalt  }
0x5c: {  	_ =	shalt  }
0x5d: {  	_ =	shalt  }
0x5e: {  	_ =	shalt  }
0x5f: {  	_ =	shalt  }
0x60: {  	_ =	shalt  }
0x61: {  	_ =	shalt  }
0x62: {  	_ =	shalt  }
0x63: {  	_ =	shalt  }
0x64: {  	_ =	shalt  }
0x65: {  	_ =	shalt  }
0x66: {  	_ =	shalt  }
0x67: {  	_ =	shalt  }
0x68: {  	_ =	shalt  }
0x69: {  	_ =	shalt  }
0x6a: {  	_ =	shalt  }
0x6b: {  	_ =	shalt  }
0x6c: {  	_ =	shalt  }
0x6d: {  	_ =	shalt  }
0x6e: {  	_ =	shalt  }
0x6f: {  	_ =	shalt  }
0x70: {  	_ =	shalt  }
0x71: {  	_ =	shalt  }
0x72: {  	_ =	shalt  }
0x73: {  	_ =	shalt  }
0x74: {  	_ =	shalt  }
0x75: {  	_ =	shalt  }
0x76: {  	_ =	shalt  }
0x77: {  	_ =	shalt  }
0x78: {  	_ =	shalt  }
0x79: {  	_ =	shalt  }
0x7a: {  	_ =	shalt  }
0x7b: {  	_ =	shalt  }
0x7c: {  	_ =	shalt  }
0x7d: {  	_ =	shalt  }
0x7e: {  	_ =	shalt  }
0x7f: {  	_ =	shalt  }
0x80: {  	_ =	shalt  }
0x81: {  	_ =	shalt  }
0x82: {  	_ =	shalt  }
0x83: {  	_ =	shalt  }
0x84: {  	_ =	shalt  }
0x85: {  	_ =	shalt  }
0x86: {  	_ =	shalt  }
0x87: {  	_ =	shalt  }
.Lfunc_end0:
.L_simem_size_0:
called_computation.3_lowered:
.L_overlay_start_0:
0x88: {  	s2 =	sld [smem:$0x3FD9]  }
0x89: {  	s3 =	sld [smem:$0x3FFE];
	_ =	sdelay $0x1  }
0x8a: {  	s1 =	srdreg.scid  }
0x8b: {  	s0 =	sand.u32 $0x1, s1  }
0x8c: {  	s16 =	sshll.u32 s0, $0xA;
	s2 =	sadd.s32 s3, s2  }
0x8d: {  	s2 =	sadd.s32 s2, s16  }
0x8e: {  	[smem:$0x3FB1] =	sst s2  }
0x8f: {  	_ = 	snop  }
0x90: {  	(tm) =	ssettm $0x1  }
0x91: {  	s17 =	sld [smem:$0x3FFB];
	_ =	sdelay $0x3  }
0x92: {  	_ =	strace s17  }
0x93: {  	s2 =	sld [smem:$0x3FFC];
	_ =	sdelay $0x3  }
0x94: {  	_ =	strace s2  }
0x95: {  	s2 =	sld [smem:$0x3FFD];
	_ =	sdelay $0x3  }
0x96: {  	_ =	strace s2  }
0x97: {  	_ =	strace $0x8FFFFFFF  }
0x98: {  	s18 =	sld [smem:$0x3FDB];
	_ =	sdelay $0x1  }
0x99: {  	s19 =	simm.s32 $_scs_section_size  }
0x9a: {  	s4 =	simm.s32 $_size__tile_overlayer_lowered;
	s5 =	simm.s32 $_tile_overlayer_lowered  }
0x9b: {  	s22 =	simm.s32 $0x1BFF;
	s21 =	sshll.u32 s5, $0x1;
	s2 =	sadd.s32 s19, s18  }
0x9c: {  	s6 =	simm.s32 $0x0;
	s20 =	sshll.u32 s4, $0x1;
	s4 =	sadd.s32 s21, s2  }
0x9d: {  	[timem:s6], [sflag:s22] =	dma.local [hbm:s4], s20  }
0x9e: {  	_ =	swait.ge [sflag:s22], s20  }
0x9f: {  	s3 =	ssub.s32 $0x0, s20;
	[sflag:s22] =	ssyncset.done $0x0  }
0xa0: {  	[sflag:s22] =	ssyncadd.s32 s3;
	_ =	sdelay $0x1  }
0xa1: {  	s23 =	simm.s32 $0x1B8B  }
0xa2: {  	_ =	swait.ge [sflag:s23], $0x1  }
0xa3: {  	[sflag:s23] =	ssyncset.done $0x0  }
0xa4: {  	s25 =	simm.s32 $0x1B8E;
	s24 =	sld [smem:$0x3FFE];
	[sflag:s23] =	ssyncadd.s32 $0xFFFFFFFF  }
0xa5: {  	s26 =	simm.s32 $execute0_lowered;
	[smem:$0x3FD2] =	sst s25  }
0xa6: {  	s4 =	sshll.u32 s26, $0x1;
	_ =	strace $0x8000004F;
	[dreg:$0x1] =	wrdreg $0xFFFFFFFF  }
0xa7: {  	s28 =	simm.s32 $_size_execute0_lowered;
	s2 =	sadd.s32 s2, s4;
	[dreg:$0x0] =	wrdreg $0x0  }
0xa8: {  	s4 =	sshll.u32 s28, $0x1;
	[dreg:$0x2] =	wrdreg s2  }
0xa9: {  	[dreg:$0x3] =	wrdreg s4  }
0xaa: {  	[dreg:$0x4] =	wrdreg $0xC0  }
0xab: {  	_ =	task [dreg:s6], $0x5FFFF  }
0xac: {  	[dreg:$0x1] =	wrdreg $0xFFFFFFFF  }
0xad: {  	[dreg:$0x0] =	wrdreg $0x60  }
0xae: {  	[dreg:$0x2] =	wrdreg s24  }
0xaf: {  	[dreg:$0x3] =	wrdreg $0x84000  }
0xb0: {  	[dreg:$0x4] =	wrdreg $0x9  }
0xb1: {  	_ =	task.clear_ibuf [dreg:s6], $0x5FFFF;
	_ =	strace $0x9000004F  }
0xb2: {  	s29 =	simm.s32 $0x9;
	_ =	strace $0x80000051  }
0xb3: {  	_ =	swait.ge [sflag:s29], $0x1  }
0xb4: {  	[sflag:s29] =	ssyncadd.s32 $0xFFFFFFFF  }
0xb5: {  	_ =	strace $0x90000051  }
0xb6: {  	_ =	sfence  }
0xb7: {  	s30 =	sld [smem:$0x0];
	_ =	sdelay $0x2  }
0xb8: {  	s31 =	sshll.u32 s1, $0xD;
	s1 =	sshrl.u32 s1, $0x2  }
0xb9: {  	s3 =	sand.u32 $0x4000, s31;
	s1 =	sadd.s32 s1, s30  }
0xba: {  	s0 =	sor.u32 s3, s0;
	s1 =	sshll.u32 s1, $0x11  }
0xbb: {  	s0 =	sor.u32 s1, s0  }
0xbc: {  	s0 =	sadd.s32 $0x8F2B, s0  }
0xbd: {  	[sflag:s0] =	ssyncadd.remote.s32 $0x1  }
0xbe: {  	_ =	sfence.sel $0xFFFF  }
0xbf: {  	[dreg:$0x0] =	wrdreg $0xFFFFFFFF;
	(pc) =	sbr.abs _section_cstart, $3  }
0xc0: {  	[dreg:$0x1] =	wrdreg $0xFFFFFFFF  }
0xc1: {  	_ =	task.clear_ibuf [dreg:s6], $0x2FFFF;
	_ =	strace $0x9FFFFFFF  }
0xc2: {  	(tm) =	ssettm $0x7FFFFFFF  }
0xc3: {  	_ =	shalt  }
tec
execute0_lowered:
.L_overlay_start_1:
0x0: {  	(tag) =	ssettag $0x1  }
0x1: {  	s0 =	rddreg [dreg:$0x0]  }
0x2: {  	s1 =	rddreg [dreg:$0x1];
	s3 =	simm.s32 $0x0  }
0x3: {  	s2 =	srdreg.scid;
	s12 =	stileid.u32;
	s28 =	simm.s32 $0x200  }
0x4: {  	s29 =	simm.s32 $0x280;
	s30 =	simm.s32 $0x80;
	s31 =	simm.s32 $0x6  }
0x5: {  	[smem:$0x7FF] =	sst s3;
	s2 =	sand.u32 $0x1, s2;
	s9 =	smul.u32 $0x50000, s12  }
0x6: {  	s4 =	sadd.s32 $0x6A600, s0;
	s5 =	sshll.u32 s12, $0x1;
	s6 =	ssub.s32 $0x2, s2  }
0x7: {  	s25 =	smul.u32 $0x2800, s12;
	s7 =	sshrl.u32 s6, $0x1;
	s9 =	sshrl.u32 s9, $0x2  }
0x8: {  	s8 =	sor.u32 s2, s5;
	s11 =	ssub.s32 s6, s7;
	s7 =	sadd.s32 s9, s1  }
0x9: {  	_ =	strace $0x80000050;
	s10 =	smul.u32 $0x2800, s8;
	s13 =	sadd.s32 $0x4000, s7  }
0xa: {  	p0 =	seq.s32 s8, $0x1F;
	s14 =	sadd.s32 $0x8000, s7;
	[dreg:$0x6] =	wrdreg s13  }
0xb: {  	s6 =	simm.s32 $0x14;
	s15 =	sadd.s32 $0xC000, s7;
	[dreg:$0x7] =	wrdreg s14  }
0xc: {  	s6 =	simm.s32 @!p0 $0x50;
	s16 =	sadd.s32 $0x10000, s7;
	[dreg:$0x8] =	wrdreg s15  }
0xd: {  	s5 =	sadd.s32 $0x6C00, s0;
	[dreg:$0x9] =	wrdreg s16;
	s20 =	sadd.s32 $0xFFFFFFFF, s6  }
0xe: {  	s10 =	sshrl.u32 s10, $0x3;
	s22 =	sadd.s32 $0xFFFFFFFC, s6;
	[dreg:$0x3] =	wrdreg s20  }
0xf: {  	s10 =	sadd.s32 s5, s10;
	s26 =	sadd.s32 $0xFFFFFFFB, s6;
	[dreg:$0x4] =	wrdreg s22  }
0x10: {  	s12 =	smul.u32 $0x5000, s12;
	s17 =	sadd.s32 $0x9C80, s10;
	[dreg:$0x5] =	wrdreg s26  }
0x11: {  	s9 =	simm.s32 $0xB9800;
	s18 =	sadd.s32 $0x10, s10;
	[dreg:$0xa] =	wrdreg s17  }
0x12: {  	p0 =	seq.s32 s2, $0x1;
	s19 =	sadd.s32 $0x9C90, s10;
	[dreg:$0xb] =	wrdreg s18  }
0x13: {  	s2 =	smul.u32 $0x2800, s2;
	s21 =	sadd.s32 $0x20, s10;
	[dreg:$0xc] =	wrdreg s19  }
0x14: {  	s9 =	simm.s32 @!p0 $0x91800;
	s23 =	sadd.s32 $0x9CA0, s10;
	[dreg:$0xd] =	wrdreg s21  }
0x15: {  	s24 =	sadd.s32 $0x30, s10;
	s13 =	sadd.s32 $0x9CB0, s10;
	[dreg:$0xe] =	wrdreg s23  }
0x16: {  	s0 =	sadd.s32 s9, s0;
	s20 =	sadd.s32 $0xFFFFFFFE, s6;
	[dreg:$0xf] =	wrdreg s24  }
0x17: {  	s22 =	sadd.s32 $0xFFFFFFFD, s6;
	s26 =	simm.s32 $0xD;
	[dreg:$0x10] =	wrdreg s13  }
0x18: {  	s21 =	sadd.s32 s0, s25;
	s23 =	smax.u32 s11, $0x1;
	s24 =	sadd.s32 s2, s12  }
0x19: {  	v0 =	vimm.f32 $0.0e+00;
	s25 =	simm.s32 $0x400;
	s0 =	simm.s32 $0x5;
	s2 =	simm.s32 $0x0  }
.LBB2_1:
0x1a: {  	s8 =	simm.s32 $0x0;
	s9 =	simm.s32 $0x200  }
.LBB2_2:
0x1b: {  	p0 =	sne.s32 s9, $0xFE00;
	[tilespmem:s8+$0x470] =	vst v0  }
0x1c: {  	[tilespmem:s8+$0x400] =	vst v0  }
0x1d: {  	[tilespmem:s8+$0x410] =	vst v0  }
.Ltmp0:
0x1e: {  	[tilespmem:s8+$0x420] =	vst v0;
	(pc) =	sbr.rel @p0 .LBB2_2-.Ltmp0, $4  }
0x1f: {  	[tilespmem:s8+$0x430] =	vst v0  }
0x20: {  	[tilespmem:s8+$0x440] =	vst v0  }
0x21: {  	[tilespmem:s8+$0x450] =	vst v0  }
0x22: {  	[tilespmem:s8+$0x460] =	vst v0;
	s8 =	sshra.s32 s9, $0x2;
	s9 =	sadd.s32 $0x200, s9  }
0x23: {  	[tilespmem:s8+$0x470] =	vst v0  }
0x24: {  	[tilespmem:s8+$0x400] =	vst v0  }
0x25: {  	[tilespmem:s8+$0x410] =	vst v0  }
0x26: {  	[tilespmem:s8+$0x420] =	vst v0  }
0x27: {  	[tilespmem:s8+$0x430] =	vst v0  }
0x28: {  	[tilespmem:s8+$0x440] =	vst v0  }
0x29: {  	[tilespmem:s8+$0x450] =	vst v0  }
0x2a: {  	[tilespmem:s8+$0x460] =	vst v0  }
0x2b: {  	[spmem:s7] =	stream.linear.scatter [tilespmem:s25], [sflag:$0xD], $0x4000, $0x38;
	[tilespmem:$0x1C400] =	vst v63  }
0x2c: {  	_ =	swait.ge [sflag:s26], $0x4000  }
0x2d: {  	[sflag:s26] =	ssyncset.done $0x0  }
0x2e: {  	s15 =	rddreg [dreg:$0x6];
	[sflag:s26] =	ssyncadd.s32 $0xFFFFC000  }
0x2f: {  	[spmem:s15] =	stream.linear.scatter [tilespmem:s25], [sflag:$0xD], $0x4000, $0x38;
	[tilespmem:$0x1C400] =	vst v63  }
0x30: {  	_ =	swait.ge [sflag:s26], $0x4000  }
0x31: {  	[sflag:s26] =	ssyncset.done $0x0  }
0x32: {  	s16 =	rddreg [dreg:$0x7];
	[sflag:s26] =	ssyncadd.s32 $0xFFFFC000  }
0x33: {  	[spmem:s16] =	stream.linear.scatter [tilespmem:s25], [sflag:$0xD], $0x4000, $0x38;
	[tilespmem:$0x1C400] =	vst v63  }
0x34: {  	_ =	swait.ge [sflag:s26], $0x4000  }
0x35: {  	[sflag:s26] =	ssyncset.done $0x0  }
0x36: {  	s17 =	rddreg [dreg:$0x8];
	[sflag:s26] =	ssyncadd.s32 $0xFFFFC000  }
0x37: {  	[spmem:s17] =	stream.linear.scatter [tilespmem:s25], [sflag:$0xD], $0x4000, $0x38;
	[tilespmem:$0x1C400] =	vst v63  }
0x38: {  	_ =	swait.ge [sflag:s26], $0x4000  }
0x39: {  	[sflag:s26] =	ssyncset.done $0x0  }
0x3a: {  	s18 =	rddreg [dreg:$0x9];
	[sflag:s26] =	ssyncadd.s32 $0xFFFFC000  }
0x3b: {  	[spmem:s18] =	stream.linear.scatter [tilespmem:s25], [sflag:$0xD], $0x4000, $0x38;
	[tilespmem:$0x1C400] =	vst v63  }
0x3c: {  	_ =	swait.ge [sflag:s26], $0x4000  }
0x3d: {  	[sflag:s26] =	ssyncset.done $0x0  }
0x3e: {  	[sflag:s26] =	ssyncadd.s32 $0xFFFFC000  }
0x3f: {  	[bflag:$0x0] =	sbarrier.arrive $0xFFFF  }
0x40: {  	[tilespmem:s28], [sflag:$0x5] =	stream.linear.gather [hbm4b:s10+s3], $0x80, $0x38;
	[tilespmem:$0x1C400] =	vst v63  }
0x41: {  	s19 =	rddreg [dreg:$0xa]  }
0x42: {  	[tilespmem:s3], [sflag:$0x9] =	stream.linear.gather [hbm4b:s19+s3], $0x80, $0x38;
	[tilespmem:$0x1C400] =	vst v63  }
0x43: {  	s9 =	rddreg [dreg:$0xb]  }
0x44: {  	[tilespmem:s29], [sflag:$0x6] =	stream.linear.gather [hbm4b:s9+s3], $0x80, $0x38;
	[tilespmem:$0x1C400] =	vst v63  }
0x45: {  	s11 =	rddreg [dreg:$0xc]  }
0x46: {  	[tilespmem:s30], [sflag:$0xA] =	stream.linear.gather [hbm4b:s11+s3], $0x80, $0x38;
	[tilespmem:$0x1C400] =	vst v63  }
0x47: {  	s12 =	rddreg [dreg:$0xd];
	s9 =	simm.s32 $0x300  }
0x48: {  	[tilespmem:s9], [sflag:$0x7] =	stream.linear.gather [hbm4b:s12+s3], $0x80, $0x38;
	[tilespmem:$0x1C400] =	vst v63  }
0x49: {  	s14 =	simm.s32 $0x100;
	s13 =	rddreg [dreg:$0xe]  }
0x4a: {  	[tilespmem:s14], [sflag:$0xB] =	stream.linear.gather [hbm4b:s13+s3], $0x80, $0x38;
	[tilespmem:$0x1C400] =	vst v63  }
0x4b: {  	s15 =	rddreg [dreg:$0xf];
	s11 =	simm.s32 $0x380  }
0x4c: {  	[tilespmem:s11], [sflag:$0x8] =	stream.linear.gather [hbm4b:s15+s3], $0x80, $0x38;
	[tilespmem:$0x1C400] =	vst v63  }
0x4d: {  	s17 =	simm.s32 $0x180;
	s16 =	rddreg [dreg:$0x10]  }
0x4e: {  	[tilespmem:s17], [sflag:$0xC] =	stream.linear.gather [hbm4b:s16+s3], $0x80, $0x38;
	[tilespmem:$0x1C400] =	vst v63  }
0x4f: {  	_ =	swait.ge [sflag:s0], $0x80  }
0x50: {  	[sflag:s0] =	ssyncset.done $0x0  }
0x51: {  	[sflag:s0] =	ssyncadd.s32 $0xFFFFFF80  }
0x52: {  	[tilespmem:s25], [sflag:$0x1] =	stream.indirect.gather [hbm4b:s4+s30], $0x80, s28, s30, $0xb8;
	[tilespmem:$0x1C400] =	vst v63  }
0x53: {  	_ =	swait.ge [sflag:s31], $0x80  }
0x54: {  	p0 =	sle.u32 s6, $0x0;
	[sflag:s31] =	ssyncset.done $0x0  }
0x55: {  	s8 =	simm.s32 @!p0 $0x1;
	s18 =	simm.s32 $0x4400;
	[sflag:s31] =	ssyncadd.s32 $0xFFFFFF80  }
0x56: {  	[tilespmem:s18], [sflag:$0x2] =	stream.indirect.gather [hbm4b:s4+s30], $0x80, s29, s30, $0xb8;
	[tilespmem:$0x1C400] =	vst v63  }
0x57: {  	_ =	swait.ge @!p0 [sflag:s8], $0x4000  }
0x58: {  	[sflag:s8] =	ssyncset.done @!p0 $0x0  }
0x59: {  	s9 =	simm.s32 @!p0 $0x9;
	[sflag:s8] =	ssyncadd.s32 @!p0 $0xFFFFC000  }
0x5a: {  	p1 =	sle.u32 @!p0 s6, $0x4;
	p2 =	sle.u32 @!p0 s20, $0x0;
	_ =	swait.ge @!p0 [sflag:s9], $0x80  }
0x5b: {  	p1 =	por p1, p0;
	s12 =	simm.s32 @!p0 $0x400;
	[sflag:s9] =	ssyncset.done @!p0 $0x0  }
0x5c: {  	s13 =	simm.s32 @!p0 $0x0;
	s14 =	simm.s32 @!p0 $0x80;
	[sflag:s9] =	ssyncadd.s32 @!p0 $0xFFFFFF80  }
0x5d: {  	[spmem:s1] =	stream.indirect.scatter.add.f32 @!p0 [tilespmem:s12], [sflag:$0x3], $0x80, s13, s14, $0xb8;
	[tilespmem:$0x1C400] =	vst v63  }
0x5e: {  	s8 =	simm.s32 @!p0 $0x3;
	s9 =	simm.s32 @!p1 $0x200;
	s12 =	sadd.s32 @!p1 $0x200, s24  }
0x5f: {  	s9 =	sand.u32 @!p1 $0x200, s9;
	s13 =	simm.s32 @!p1 $0x0;
	s12 =	sand.u32 @!p1 $0x7FFFFC00, s12  }
0x60: {  	_ =	swait.ge @!p0 [sflag:s8], $0x4000;
	s9 =	sor.u32 @!p1 s9, s12;
	s12 =	simm.s32 @!p1 $0x200  }
0x61: {  	[sflag:s8] =	ssyncset.done @!p0 $0x0;
	s14 =	sshrl.u32 @!p1 s9, $0x3;
	s9 =	sadd.s32 @!p1 $0x4E400, s9  }
0x62: {  	[sflag:s8] =	ssyncadd.s32 @!p0 $0xFFFFC000;
	s8 =	sadd.s32 @!p1 s5, s14;
	s9 =	sshrl.u32 @!p1 s9, $0x3  }
0x63: {  	[tilespmem:s12], [sflag:$0x5] =	stream.linear.gather @!p1 [hbm4b:s8+s13], $0x80, $0x38;
	[tilespmem:$0x1C400] =	vst v63  }
0x64: {  	p0 =	por p2, p0;
	s8 =	sadd.s32 @!p1 s5, s9  }
0x65: {  	[tilespmem:s13], [sflag:$0x9] =	stream.linear.gather @!p1 [hbm4b:s8+s13], $0x80, $0x38;
	[tilespmem:$0x1C400] =	vst v63  }
0x66: {  	s8 =	simm.s32 @!p0 $0x7  }
0x67: {  	_ =	swait.ge @!p0 [sflag:s8], $0x80  }
0x68: {  	s9 =	simm.s32 @!p0 $0x400;
	s13 =	simm.s32 @!p0 $0x300;
	[sflag:s8] =	ssyncset.done @!p0 $0x0  }
0x69: {  	s19 =	rddreg [dreg:$0x3];
	[sflag:s8] =	ssyncadd.s32 @!p0 $0xFFFFFF80;
	s8 =	simm.s32 @!p0 $0x80  }
0x6a: {  	[tilespmem:s9], [sflag:$0x1] =	stream.indirect.gather @!p0 [hbm4b:s4+s8], $0x80, s13, s8, $0xb8;
	[tilespmem:$0x1C400] =	vst v63  }
0x6b: {  	p0 =	sle.u32 s19, $0x0  }
0x6c: {  	s8 =	simm.s32 @!p0 $0x2  }
0x6d: {  	p1 =	sle.u32 @!p0 s22, $0x0;
	p2 =	sle.u32 @!p0 s6, $0x5;
	_ =	swait.ge @!p0 [sflag:s8], $0x4000  }
0x6e: {  	s9 =	simm.s32 @!p0 $0xA;
	s12 =	simm.s32 @!p0 $0x4;
	[sflag:s8] =	ssyncset.done @!p0 $0x0  }
0x6f: {  	s14 =	simm.s32 @!p0 $0x4400;
	p2 =	por p2, p0;
	[sflag:s8] =	ssyncadd.s32 @!p0 $0xFFFFC000  }
0x70: {  	s13 =	sadd.s32 @!p2 $0x280, s24;
	s8 =	simm.s32 @!p2 $0x280;
	_ =	swait.ge @!p0 [sflag:s9], $0x80  }
0x71: {  	s13 =	sand.u32 @!p2 $0x7FFFFC00, s13;
	s8 =	sand.u32 @!p2 $0x280, s8;
	[sflag:s9] =	ssyncset.done @!p0 $0x0  }
0x72: {  	s8 =	sor.u32 @!p2 s8, s13;
	[sflag:s9] =	ssyncadd.s32 @!p0 $0xFFFFFF80;
	s9 =	simm.s32 @!p0 $0x80  }
0x73: {  	[spmem:s1] =	stream.indirect.scatter.add.f32 @!p0 [tilespmem:s14], [sflag:$0x4], $0x80, s9, s9, $0xb8;
	[tilespmem:$0x1C400] =	vst v63  }
0x74: {  	s13 =	sshrl.u32 @!p2 s8, $0x3;
	s8 =	sadd.s32 @!p2 $0x4E400, s8;
	_ =	swait.ge @!p0 [sflag:s12], $0x4000  }
0x75: {  	s9 =	simm.s32 @!p2 $0x280;
	s14 =	simm.s32 @!p2 $0x0;
	[sflag:s12] =	ssyncset.done @!p0 $0x0  }
0x76: {  	s8 =	sshrl.u32 @!p2 s8, $0x3;
	[sflag:s12] =	ssyncadd.s32 @!p0 $0xFFFFC000;
	s12 =	sadd.s32 @!p2 s5, s13  }
0x77: {  	[tilespmem:s9], [sflag:$0x6] =	stream.linear.gather @!p2 [hbm4b:s12+s14], $0x80, $0x38;
	[tilespmem:$0x1C400] =	vst v63  }
0x78: {  	p1 =	por p1, p0;
	s8 =	sadd.s32 @!p2 s5, s8;
	s9 =	simm.s32 @!p2 $0x80  }
0x79: {  	[tilespmem:s9], [sflag:$0xA] =	stream.linear.gather @!p2 [hbm4b:s8+s14], $0x80, $0x38;
	[tilespmem:$0x1C400] =	vst v63  }
0x7a: {  	s8 =	simm.s32 @!p1 $0x8  }
0x7b: {  	p0 =	sle.u32 s20, $0x0;
	_ =	swait.ge @!p1 [sflag:s8], $0x80  }
0x7c: {  	s12 =	simm.s32 @!p1 $0x4400;
	s13 =	simm.s32 @!p0 $0x1;
	[sflag:s8] =	ssyncset.done @!p1 $0x0  }
0x7d: {  	s9 =	simm.s32 @!p1 $0x380;
	[sflag:s8] =	ssyncadd.s32 @!p1 $0xFFFFFF80;
	s8 =	simm.s32 @!p1 $0x80  }
0x7e: {  	[tilespmem:s12], [sflag:$0x2] =	stream.indirect.gather @!p1 [hbm4b:s4+s8], $0x80, s9, s8, $0xb8;
	[tilespmem:$0x1C400] =	vst v63  }
0x7f: {  	_ =	swait.ge @!p0 [sflag:s13], $0x4000  }
0x80: {  	[sflag:s13] =	ssyncset.done @!p0 $0x0  }
0x81: {  	s8 =	simm.s32 @!p0 $0xB;
	[sflag:s13] =	ssyncadd.s32 @!p0 $0xFFFFC000  }
0x82: {  	s14 =	simm.s32 @!p0 $0x80;
	_ =	swait.ge @!p0 [sflag:s8], $0x80  }
0x83: {  	p1 =	sle.u32 @!p0 s6, $0x6;
	s12 =	simm.s32 @!p0 $0x400;
	[sflag:s8] =	ssyncset.done @!p0 $0x0  }
0x84: {  	p1 =	por p1, p0;
	s13 =	simm.s32 @!p0 $0x100;
	[sflag:s8] =	ssyncadd.s32 @!p0 $0xFFFFFF80  }
0x85: {  	[spmem:s1] =	stream.indirect.scatter.add.f32 @!p0 [tilespmem:s12], [sflag:$0x3], $0x80, s13, s14, $0xb8;
	[tilespmem:$0x1C400] =	vst v63  }
0x86: {  	s9 =	simm.s32 @!p0 $0x3;
	s8 =	simm.s32 @!p1 $0x300;
	s12 =	sadd.s32 @!p1 $0x300, s24  }
0x87: {  	s8 =	sand.u32 @!p1 $0x300, s8;
	_ =	swait.ge @!p0 [sflag:s9], $0x4000;
	s12 =	sand.u32 @!p1 $0x7FFFFC00, s12  }
0x88: {  	s13 =	rddreg [dreg:$0x4];
	[sflag:s9] =	ssyncset.done @!p0 $0x0;
	s8 =	sor.u32 @!p1 s8, s12  }
0x89: {  	s12 =	simm.s32 @!p1 $0x0;
	[sflag:s9] =	ssyncadd.s32 @!p0 $0xFFFFC000;
	s9 =	sshrl.u32 @!p1 s8, $0x3  }
0x8a: {  	s8 =	sadd.s32 @!p1 $0x4E400, s8;
	p2 =	sle.u32 @!p0 s13, $0x0;
	s13 =	simm.s32 @!p1 $0x300  }
0x8b: {  	s9 =	sadd.s32 @!p1 s5, s9;
	s8 =	sshrl.u32 @!p1 s8, $0x3;
	p0 =	por p2, p0  }
0x8c: {  	[tilespmem:s13], [sflag:$0x7] =	stream.linear.gather @!p1 [hbm4b:s9+s12], $0x80, $0x38;
	[tilespmem:$0x1C400] =	vst v63  }
0x8d: {  	s8 =	sadd.s32 @!p1 s5, s8;
	s9 =	simm.s32 @!p1 $0x100;
	s13 =	simm.s32 @!p0 $0x5  }
0x8e: {  	[tilespmem:s9], [sflag:$0xB] =	stream.linear.gather @!p1 [hbm4b:s8+s12], $0x80, $0x38;
	[tilespmem:$0x1C400] =	vst v63  }
0x8f: {  	s8 =	simm.s32 @!p0 $0x200;
	_ =	swait.ge @!p0 [sflag:s13], $0x80  }
0x90: {  	s9 =	simm.s32 @!p0 $0x400;
	p1 =	sle.u32 s22, $0x0;
	[sflag:s13] =	ssyncset.done @!p0 $0x0  }
0x91: {  	s12 =	simm.s32 @!p0 $0x80;
	[sflag:s13] =	ssyncadd.s32 @!p0 $0xFFFFFF80;
	s13 =	simm.s32 @!p1 $0x2  }
0x92: {  	[tilespmem:s9], [sflag:$0x1] =	stream.indirect.gather @!p0 [hbm4b:s4+s12], $0x80, s8, s12, $0xb8;
	[tilespmem:$0x1C400] =	vst v63  }
0x93: {  	_ =	swait.ge @!p1 [sflag:s13], $0x4000  }
0x94: {  	[sflag:s13] =	ssyncset.done @!p1 $0x0  }
0x95: {  	s9 =	simm.s32 @!p1 $0xC;
	[sflag:s13] =	ssyncadd.s32 @!p1 $0xFFFFC000  }
0x96: {  	s8 =	simm.s32 $0x580;
	p0 =	sle.u32 @!p1 s6, $0x7;
	_ =	swait.ge @!p1 [sflag:s9], $0x80  }
0x97: {  	s12 =	simm.s32 @!p1 $0x4400;
	p2 =	por p0, p1;
	[sflag:s9] =	ssyncset.done @!p1 $0x0  }
0x98: {  	s13 =	simm.s32 @!p1 $0x180;
	[sflag:s9] =	ssyncadd.s32 @!p1 $0xFFFFFF80;
	s9 =	simm.s32 @!p1 $0x80  }
0x99: {  	[spmem:s1] =	stream.indirect.scatter.add.f32 @!p1 [tilespmem:s12], [sflag:$0x4], $0x80, s13, s9, $0xb8;
	[tilespmem:$0x1C400] =	vst v63  }
0x9a: {  	s11 =	sand.u32 @!p2 $0x380, s11;
	s12 =	simm.s32 @!p1 $0x4;
	s13 =	sadd.s32 @!p2 $0x380, s24  }
0x9b: {  	s15 =	simm.s32 @!p2 $0x380;
	_ =	swait.ge @!p1 [sflag:s12], $0x4000;
	s13 =	sand.u32 @!p2 $0x7FFFFC00, s13  }
0x9c: {  	[sflag:s12] =	ssyncset.done @!p1 $0x0;
	s11 =	sor.u32 @!p2 s11, s13;
	s13 =	rddreg [dreg:$0x5]  }
0x9d: {  	[sflag:s12] =	ssyncadd.s32 @!p1 $0xFFFFC000;
	s12 =	sshrl.u32 @!p2 s11, $0x3;
	s11 =	sadd.s32 @!p2 $0x4E400, s11  }
0x9e: {  	s9 =	simm.s32 $0xB;
	p3 =	sle.u32 @!p1 s13, $0x0;
	s11 =	sshrl.u32 @!p2 s11, $0x3  }
0x9f: {  	s13 =	simm.s32 @!p2 $0x0;
	s12 =	sadd.s32 @!p2 s5, s12;
	s14 =	sadd.s32 @!p2 s5, s11  }
.LBB2_4:
0xa0: {  	[tilespmem:s15], [sflag:$0x8] =	stream.linear.gather @!p2 [hbm4b:s12+s13], $0x80, $0x38;
	[tilespmem:$0x1C400] =	vst v63  }
0xa1: {  	s12 =	smov.u32 s8;
	s11 =	simm.s32 @!p2 $0x180;
	p1 =	por p3, p1  }
0xa2: {  	[tilespmem:s11], [sflag:$0xC] =	stream.linear.gather @!p2 [hbm4b:s14+s13], $0x80, $0x38;
	[tilespmem:$0x1C400] =	vst v63  }
0xa3: {  	s15 =	simm.s32 @!p1 $0x80;
	s11 =	sadd.s32 $0xFFFFFFF9, s9;
	s13 =	simm.s32 @!p1 $0x6  }
0xa4: {  	s14 =	simm.s32 @!p1 $0x280;
	p0 =	sge.u32 s11, s6;
	_ =	swait.ge @!p1 [sflag:s13], $0x80  }
0xa5: {  	s16 =	simm.s32 @!p0 $0x1;
	s17 =	sadd.s32 @!p0 $0xFFFFFFFD, s9;
	[sflag:s13] =	ssyncset.done @!p1 $0x0  }
0xa6: {  	p2 =	sge.u32 @!p0 s17, s6;
	[sflag:s13] =	ssyncadd.s32 @!p1 $0xFFFFFF80;
	s13 =	simm.s32 @!p1 $0x4400  }
0xa7: {  	[tilespmem:s13], [sflag:$0x2] =	stream.indirect.gather @!p1 [hbm4b:s4+s15], $0x80, s14, s15, $0xb8;
	[tilespmem:$0x1C400] =	vst v63  }
0xa8: {  	s17 =	simm.s32 @!p0 $0x80;
	s13 =	simm.s32 @!p0 $0x3;
	_ =	swait.ge @!p0 [sflag:s16], $0x4000  }
0xa9: {  	p1 =	sge.u32 @!p0 s11, s20;
	p2 =	por p2, p0;
	[sflag:s16] =	ssyncset.done @!p0 $0x0  }
0xaa: {  	s14 =	simm.s32 @!p0 $0x9;
	s18 =	sadd.s32 @!p2 $0xFFFFFE80, s12;
	[sflag:s16] =	ssyncadd.s32 @!p0 $0xFFFFC000  }
0xab: {  	s15 =	simm.s32 @!p0 $0x400;
	s19 =	sadd.s32 @!p2 s24, s18;
	_ =	swait.ge @!p0 [sflag:s14], $0x80  }
0xac: {  	s18 =	sand.u32 @!p2 $0x200, s18;
	s16 =	simm.s32 @!p0 $0x0;
	[sflag:s14] =	ssyncset.done @!p0 $0x0  }
0xad: {  	[sflag:s14] =	ssyncadd.s32 @!p0 $0xFFFFFF80;
	s14 =	sand.u32 @!p2 $0x7FFFFC00, s19;
	s19 =	simm.s32 @!p2 $0x0  }
0xae: {  	[spmem:s1] =	stream.indirect.scatter.add.f32 @!p0 [tilespmem:s15], [sflag:$0x3], $0x80, s16, s17, $0xb8;
	[tilespmem:$0x1C400] =	vst v63  }
0xaf: {  	s14 =	sor.u32 @!p2 s18, s14;
	s15 =	simm.s32 @!p2 $0x200;
	_ =	swait.ge @!p0 [sflag:s13], $0x4000  }
0xb0: {  	s16 =	sshrl.u32 @!p2 s14, $0x3;
	s14 =	sadd.s32 @!p2 $0x4E400, s14;
	[sflag:s13] =	ssyncset.done @!p0 $0x0  }
0xb1: {  	s14 =	sshrl.u32 @!p2 s14, $0x3;
	[sflag:s13] =	ssyncadd.s32 @!p0 $0xFFFFC000;
	s13 =	sadd.s32 @!p2 s5, s16  }
0xb2: {  	[tilespmem:s15], [sflag:$0x5] =	stream.linear.gather @!p2 [hbm4b:s13+s19], $0x80, $0x38;
	[tilespmem:$0x1C400] =	vst v63  }
0xb3: {  	p1 =	por p1, p0;
	s13 =	sadd.s32 @!p2 s5, s14  }
0xb4: {  	[tilespmem:s19], [sflag:$0x9] =	stream.linear.gather @!p2 [hbm4b:s13+s19], $0x80, $0x38;
	[tilespmem:$0x1C400] =	vst v63  }
0xb5: {  	s13 =	simm.s32 @!p1 $0x7  }
0xb6: {  	_ =	swait.ge @!p1 [sflag:s13], $0x80  }
0xb7: {  	s16 =	simm.s32 @!p1 $0x300;
	s14 =	simm.s32 @!p1 $0x400;
	[sflag:s13] =	ssyncset.done @!p1 $0x0  }
0xb8: {  	s19 =	rddreg [dreg:$0x3];
	[sflag:s13] =	ssyncadd.s32 @!p1 $0xFFFFFF80;
	s13 =	simm.s32 @!p1 $0x80  }
0xb9: {  	[tilespmem:s14], [sflag:$0x1] =	stream.indirect.gather @!p1 [hbm4b:s4+s13], $0x80, s16, s13, $0xb8;
	[tilespmem:$0x1C400] =	vst v63  }
0xba: {  	p1 =	sge.u32 s11, s19  }
0xbb: {  	s13 =	simm.s32 @!p1 $0x2;
	s14 =	sadd.s32 @!p1 $0xFFFFFFFE, s9  }
0xbc: {  	p2 =	sge.u32 @!p1 s11, s22;
	s15 =	simm.s32 @!p1 $0xA;
	_ =	swait.ge @!p1 [sflag:s13], $0x4000  }
0xbd: {  	s18 =	simm.s32 @!p1 $0x4400;
	p3 =	sge.u32 @!p1 s14, s6;
	[sflag:s13] =	ssyncset.done @!p1 $0x0  }
0xbe: {  	s14 =	simm.s32 @!p1 $0x4;
	p3 =	por p3, p1;
	[sflag:s13] =	ssyncadd.s32 @!p1 $0xFFFFC000  }
0xbf: {  	s13 =	sadd.s32 @!p3 $0xFFFFFF00, s12;
	s16 =	simm.s32 @!p3 $0x280;
	_ =	swait.ge @!p1 [sflag:s15], $0x80  }
0xc0: {  	s17 =	sadd.s32 @!p3 s24, s13;
	s13 =	sand.u32 @!p3 $0x280, s13;
	[sflag:s15] =	ssyncset.done @!p1 $0x0  }
0xc1: {  	s17 =	sand.u32 @!p3 $0x7FFFFC00, s17;
	[sflag:s15] =	ssyncadd.s32 @!p1 $0xFFFFFF80;
	s15 =	simm.s32 @!p1 $0x80  }
0xc2: {  	[spmem:s1] =	stream.indirect.scatter.add.f32 @!p1 [tilespmem:s18], [sflag:$0x4], $0x80, s15, s15, $0xb8;
	[tilespmem:$0x1C400] =	vst v63  }
0xc3: {  	s13 =	sor.u32 @!p3 s13, s17;
	s17 =	simm.s32 @!p3 $0x0;
	_ =	swait.ge @!p1 [sflag:s14], $0x4000  }
0xc4: {  	s15 =	sshrl.u32 @!p3 s13, $0x3;
	s13 =	sadd.s32 @!p3 $0x4E400, s13;
	[sflag:s14] =	ssyncset.done @!p1 $0x0  }
0xc5: {  	s13 =	sshrl.u32 @!p3 s13, $0x3;
	[sflag:s14] =	ssyncadd.s32 @!p1 $0xFFFFC000;
	s14 =	sadd.s32 @!p3 s5, s15  }
0xc6: {  	[tilespmem:s16], [sflag:$0x6] =	stream.linear.gather @!p3 [hbm4b:s14+s17], $0x80, $0x38;
	[tilespmem:$0x1C400] =	vst v63  }
0xc7: {  	p2 =	por p2, p1;
	s13 =	sadd.s32 @!p3 s5, s13;
	s14 =	simm.s32 @!p3 $0x80  }
0xc8: {  	[tilespmem:s14], [sflag:$0xA] =	stream.linear.gather @!p3 [hbm4b:s13+s17], $0x80, $0x38;
	[tilespmem:$0x1C400] =	vst v63  }
0xc9: {  	s13 =	simm.s32 @!p2 $0x8  }
0xca: {  	p1 =	sge.u32 s11, s20;
	_ =	swait.ge @!p2 [sflag:s13], $0x80  }
0xcb: {  	s15 =	simm.s32 @!p2 $0x4400;
	s16 =	simm.s32 @!p1 $0x1;
	[sflag:s13] =	ssyncset.done @!p2 $0x0  }
0xcc: {  	s14 =	simm.s32 @!p2 $0x380;
	[sflag:s13] =	ssyncadd.s32 @!p2 $0xFFFFFF80;
	s13 =	simm.s32 @!p2 $0x80  }
0xcd: {  	[tilespmem:s15], [sflag:$0x2] =	stream.indirect.gather @!p2 [hbm4b:s4+s13], $0x80, s14, s13, $0xb8;
	[tilespmem:$0x1C400] =	vst v63  }
0xce: {  	_ =	swait.ge @!p1 [sflag:s16], $0x4000  }
0xcf: {  	s17 =	simm.s32 @!p1 $0x80;
	s13 =	sadd.s32 @!p1 $0xFFFFFFFF, s9;
	[sflag:s16] =	ssyncset.done @!p1 $0x0  }
0xd0: {  	p2 =	sge.u32 @!p1 s13, s6;
	s13 =	simm.s32 @!p1 $0xB;
	[sflag:s16] =	ssyncadd.s32 @!p1 $0xFFFFC000  }
0xd1: {  	s14 =	simm.s32 @!p1 $0x3;
	p2 =	por p2, p1;
	_ =	swait.ge @!p1 [sflag:s13], $0x80  }
0xd2: {  	s15 =	simm.s32 @!p1 $0x400;
	s18 =	sadd.s32 @!p2 $0xFFFFFF80, s12;
	[sflag:s13] =	ssyncset.done @!p1 $0x0  }
0xd3: {  	s16 =	simm.s32 @!p1 $0x100;
	[sflag:s13] =	ssyncadd.s32 @!p1 $0xFFFFFF80;
	s13 =	sadd.s32 @!p2 s24, s18  }
0xd4: {  	[spmem:s1] =	stream.indirect.scatter.add.f32 @!p1 [tilespmem:s15], [sflag:$0x3], $0x80, s16, s17, $0xb8;
	[tilespmem:$0x1C400] =	vst v63  }
0xd5: {  	s18 =	sand.u32 @!p2 $0x300, s18;
	s13 =	sand.u32 @!p2 $0x7FFFFC00, s13;
	_ =	swait.ge @!p1 [sflag:s14], $0x4000  }
0xd6: {  	s16 =	simm.s32 @!p2 $0x300;
	s13 =	sor.u32 @!p2 s18, s13;
	[sflag:s14] =	ssyncset.done @!p1 $0x0  }
0xd7: {  	s15 =	rddreg [dreg:$0x4];
	[sflag:s14] =	ssyncadd.s32 @!p1 $0xFFFFC000;
	s14 =	sshrl.u32 @!p2 s13, $0x3  }
0xd8: {  	s13 =	sadd.s32 @!p2 $0x4E400, s13;
	p3 =	sge.u32 @!p1 s11, s15;
	s15 =	simm.s32 @!p2 $0x0  }
0xd9: {  	s14 =	sadd.s32 @!p2 s5, s14;
	s13 =	sshrl.u32 @!p2 s13, $0x3;
	p3 =	por p3, p1  }
0xda: {  	[tilespmem:s16], [sflag:$0x7] =	stream.linear.gather @!p2 [hbm4b:s14+s15], $0x80, $0x38;
	[tilespmem:$0x1C400] =	vst v63  }
0xdb: {  	s13 =	sadd.s32 @!p2 s5, s13;
	s14 =	simm.s32 @!p2 $0x100;
	s16 =	simm.s32 @!p3 $0x5  }
0xdc: {  	[tilespmem:s14], [sflag:$0xB] =	stream.linear.gather @!p2 [hbm4b:s13+s15], $0x80, $0x38;
	[tilespmem:$0x1C400] =	vst v63  }
0xdd: {  	s8 =	sadd.s32 $0x200, s8;
	p1 =	sge.u32 s11, s22;
	_ =	swait.ge @!p3 [sflag:s16], $0x80  }
0xde: {  	s13 =	simm.s32 @!p3 $0x200;
	s14 =	simm.s32 @!p3 $0x400;
	[sflag:s16] =	ssyncset.done @!p3 $0x0  }
0xdf: {  	s15 =	simm.s32 @!p3 $0x80;
	[sflag:s16] =	ssyncadd.s32 @!p3 $0xFFFFFF80;
	s16 =	simm.s32 @!p1 $0x2  }
0xe0: {  	[tilespmem:s14], [sflag:$0x1] =	stream.indirect.gather @!p3 [hbm4b:s4+s15], $0x80, s13, s15, $0xb8;
	[tilespmem:$0x1C400] =	vst v63  }
0xe1: {  	p0 =	sne.s32 s8, $0x2B80;
	_ =	swait.ge @!p1 [sflag:s16], $0x4000  }
0xe2: {  	p2 =	sge.u32 @!p1 s9, s6;
	s9 =	sadd.s32 $0x4, s9;
	[sflag:s16] =	ssyncset.done @!p1 $0x0  }
0xe3: {  	p2 =	por p2, p1;
	s13 =	simm.s32 @!p1 $0xC;
	[sflag:s16] =	ssyncadd.s32 @!p1 $0xFFFFC000  }
0xe4: {  	s17 =	sadd.s32 @!p2 s12, s24;
	s12 =	sand.u32 @!p2 $0x380, s12;
	_ =	swait.ge @!p1 [sflag:s13], $0x80  }
0xe5: {  	s14 =	simm.s32 @!p1 $0x4400;
	s15 =	simm.s32 @!p1 $0x4;
	[sflag:s13] =	ssyncset.done @!p1 $0x0  }
0xe6: {  	s16 =	simm.s32 @!p1 $0x180;
	[sflag:s13] =	ssyncadd.s32 @!p1 $0xFFFFFF80;
	s13 =	simm.s32 @!p1 $0x80  }
0xe7: {  	[spmem:s1] =	stream.indirect.scatter.add.f32 @!p1 [tilespmem:s14], [sflag:$0x4], $0x80, s16, s13, $0xb8;
	[tilespmem:$0x1C400] =	vst v63  }
.Ltmp1:
0xe8: {  	s13 =	sand.u32 @!p2 $0x7FFFFC00, s17;
	_ =	swait.ge @!p1 [sflag:s15], $0x4000;
	(pc) =	sbr.rel @p0 .LBB2_4-.Ltmp1, $4  }
0xe9: {  	s12 =	sor.u32 @!p2 s12, s13;
	[sflag:s15] =	ssyncset.done @!p1 $0x0;
	s16 =	rddreg [dreg:$0x5]  }
0xea: {  	s13 =	sshrl.u32 @!p2 s12, $0x3;
	s14 =	sadd.s32 @!p2 $0x4E400, s12;
	[sflag:s15] =	ssyncadd.s32 @!p1 $0xFFFFC000  }
0xeb: {  	s12 =	sadd.s32 @!p2 s5, s13;
	s15 =	simm.s32 @!p2 $0x380;
	s14 =	sshrl.u32 @!p2 s14, $0x3  }
0xec: {  	s13 =	simm.s32 @!p2 $0x0;
	p3 =	sge.u32 @!p1 s11, s16;
	s14 =	sadd.s32 @!p2 s5, s14  }
0xed: {  	[tilespmem:s15], [sflag:$0x8] =	stream.linear.gather @!p2 [hbm4b:s12+s13], $0x80, $0x38;
	[tilespmem:$0x1C400] =	vst v63  }
0xee: {  	s8 =	simm.s32 @!p2 $0x180;
	p0 =	por p3, p1  }
0xef: {  	[tilespmem:s8], [sflag:$0xC] =	stream.linear.gather @!p2 [hbm4b:s14+s13], $0x80, $0x38;
	[tilespmem:$0x1C400] =	vst v63  }
0xf0: {  	s8 =	simm.s32 @!p0 $0x6  }
0xf1: {  	s18 =	stileid.u32;
	_ =	swait.ge @!p0 [sflag:s8], $0x80  }
0xf2: {  	s2 =	sadd.s32 $0x1, s2;
	s9 =	simm.s32 @!p0 $0x280;
	[sflag:s8] =	ssyncset.done @!p0 $0x0  }
0xf3: {  	s11 =	simm.s32 @!p0 $0x80;
	[sflag:s8] =	ssyncadd.s32 @!p0 $0xFFFFFF80;
	s8 =	simm.s32 @!p0 $0x4400  }
0xf4: {  	[tilespmem:s8], [sflag:$0x2] =	stream.indirect.gather @!p0 [hbm4b:s4+s11], $0x80, s9, s11, $0xb8;
	[tilespmem:$0x1C400] =	vst v63  }
0xf5: {  	s19 =	sshrl.u32 s7, $0x3;
	s8 =	sshll.u32 s18, $0x6;
	p0 =	sne.s32 s2, s23  }
.Ltmp2:
0xf6: {  	[bflag:$0x0] =	sbarrier.arrive $0xFFFF;
	s8 =	sor.u32 $0x1C0D, s8;
	(pc) =	sbr.rel @p0 .LBB2_1-.Ltmp2, $4  }
0xf7: {  	[hbm:s21], [sflag:s8] =	dma.local [spmem:s19], $0x2800  }
0xf8: {  	_ =	swait.ge [sflag:s26], $0x2800  }
0xf9: {  	[sflag:s26] =	ssyncset.done $0x0  }
0xfa: {  	[sflag:s26] =	ssyncadd.s32 $0xFFFFD800  }
0xfb: {  	_ =	sfence.sel $0x180000  }
0xfc: {  	[bflag:$0x0] =	sbarrier.arrive $0xFFFF  }
0xfd: {  	_ =	strace $0x90000050  }
0xfe: {  	s0 =	stileid.u32;
	[bflag:$0x2] =	sbarrier.arrive $0xFFFF  }
0xff: {  	p0 =	sne.s32 s0, $0x0;
	s0 =	rddreg [dreg:$0x2]  }
0x100: {  	s0 =	sadd.s32 @!p0 $0x100000, s0  }
0x101: {  	[sflag:s0] =	ssyncadd.tile.s32 @!p0 $0x1;
	_ =	shalt  }
.Lfunc_end2:
_tile_overlayer_lowered:
.L_overlay_start_2:
0x102: {  	(tag) =	ssettag $0x2  }
0x103: {  	s0 =	rddreg [dreg:$0x0];
	s2 =	stileid.u32  }
0x104: {  	s1 =	rddreg [dreg:$0x1];
	p0 =	sne.s32 s2, $0x0  }
0x105: {  	s3 =	rddreg [dreg:$0x2];
	[bflag:$0x3] =	sbarrier.arrive $0xFFFF;
	s2 =	simm.s32 @!p0 $0x1C0D  }
0x106: {  	[timem:s3], [sflag:s2] =	dma.local @!p0 [hbm:s0], s1  }
0x107: {  	s0 =	simm.s32 @!p0 $0xD  }
0x108: {  	_ =	swait.ge @!p0 [sflag:s0], s1  }
0x109: {  	s1 =	ssub.s32 @!p0 $0x0, s1;
	[sflag:s0] =	ssyncset.done @!p0 $0x0  }
0x10a: {  	[sflag:s0] =	ssyncadd.s32 @!p0 s1  }
0x10b: {  	[bflag:$0x3] =	sbarrier.arrive $0xFFFF  }
0x10c: {  	_ =	shalt  }

</sc_bundles>
